<compile_context>
chip_gen: v7x
topology: tpu7x:2x2x1
jax: 0.10.2.dev20260603
libtpu: 0.0.44.dev20260713+nightly
codegen_flags: <defaults>
</compile_context>

<pallas_src>
import functools
import math

import jax
import jax.numpy as jnp
from jax import lax
from jax.experimental import pallas as pl
from jax.experimental.pallas import tpu as pltpu
from jax.experimental.pallas import tpu_sc as plsc

F32 = jnp.float32
I32 = jnp.int32

N = 50000
E = 800001
G = 512
EB = 4096
E_PAD = ((E + EB - 1) // EB) * EB
N_GRID = 50
NB = N // N_GRID

GW = 32
G_PER_W = E_PAD // GW
G_CHUNK = 128
G_STEPS = G_PER_W // G_CHUNK

NQ = 12544
QACC = 12672
ZSTRIP = QACC // 16
OSTRIP = NQ // 16
S_PER_T = E_PAD // 16
S_CHUNK = 64
S_STEPS = S_PER_T // S_CHUNK

N_PP = 50176
P_PER_W = N_PP // GW
P_CHUNK = 112
P_STEPS = P_PER_W // P_CHUNK
ACC_G = 640

_SC_MESH = dict(core_axis_name="c", subcore_axis_name="s",
                num_cores=2, num_subcores=16)


def _row(v):
    return v.reshape(1, -1)



def _stats_body(pe_ref, out_ref):
    i = pl.program_id(0)
    blk = pe_ref[...]
    s1 = jnp.pad(jnp.sum(blk, axis=0), (0, 12))[None, :]
    s2 = jnp.pad(jnp.sum(blk * blk, axis=0), (0, 12))[None, :]
    contrib = jnp.concatenate([s1, s2, jnp.zeros((6, 32), F32)], axis=0)

    @pl.when(i == 0)
    def _():
        out_ref[...] = contrib

    @pl.when(i > 0)
    def _():
        out_ref[...] = out_ref[...] + contrib


def _pe_stats(pe):
    return pl.pallas_call(
        _stats_body,
        grid=(N_GRID,),
        in_specs=[pl.BlockSpec((NB, 20), lambda i: (i, 0))],
        out_specs=pl.BlockSpec((8, 32), lambda i: (0, 0)),
        out_shape=jax.ShapeDtypeStruct((8, 32), F32),
        compiler_params=pltpu.CompilerParams(
            dimension_semantics=("arbitrary",)),
    )(pe)


def _prep_body(stats_ref, t_ref, pe_ref, h_ref, cx_ref, x_ref,
               nodeW_ref, nodeb_ref, peW_ref, peb_ref, ctxW_ref, ctxb_ref,
               bnw_ref, bnb_ref, wte1_ref, wte2_ref,
               hc_ref, tp_ref, tq_ref, s1_ref, s2_ref):
    stats = stats_ref[...]
    mean = stats[0:1, 0:20] * (1.0 / N)
    var = stats[1:2, 0:20] * (1.0 / N) - mean * mean
    inv = lax.rsqrt(var + 1e-5)
    hpe = (pe_ref[...] - mean) * inv * bnw_ref[...] + bnb_ref[...]
    k4 = lax.broadcasted_iota(I32, (1, 4), 1).astype(F32)
    freqs = jnp.exp(-(math.log(10000.0) / 4.0) * k4)
    args = t_ref[...] * freqs
    temb = jnp.concatenate([jnp.cos(args), jnp.sin(args)], axis=1)
    hn = h_ref[...] @ nodeW_ref[...] + nodeb_ref[...]
    hp = hpe @ peW_ref[...] + peb_ref[...]
    cx = cx_ref[...] @ ctxW_ref[...] + ctxb_ref[...]
    hc_ref[...] = jnp.concatenate([hn, hp, temb, cx], axis=1)
    xb = x_ref[...]
    u = jnp.sum(xb * xb, axis=1, keepdims=True)
    one = jnp.ones((NB, 1), F32)
    zpad = jnp.zeros((NB, 11), F32)
    tp_ref[...] = jnp.concatenate([u, one, xb, zpad], axis=1)
    tq_ref[...] = jnp.concatenate([one, u, -2.0 * xb, zpad], axis=1)
    s1_ref[...] = temb @ wte1_ref[...]
    s2_ref[...] = temb @ wte2_ref[...]


def _prep(stats, t2, pe, h, context, x, prm, wte1, wte2):
    full = lambda a: pl.BlockSpec(a.shape, lambda i: (0,) * a.ndim)
    blk = lambda w: pl.BlockSpec((NB, w), lambda i: (i, 0))
    return pl.pallas_call(
        _prep_body,
        grid=(N_GRID,),
        in_specs=[full(stats), blk(1), blk(20), blk(64), blk(64), blk(3),
                  full(prm['node_W']), full(_row(prm['node_b'])),
                  full(prm['pe_W']), full(_row(prm['pe_b'])),
                  full(prm['ctx_W']), full(_row(prm['ctx_b'])),
                  full(_row(prm['bn_w'])), full(_row(prm['bn_b'])),
                  full(wte1), full(wte2)],
        out_specs=[pl.BlockSpec((NB, 64), lambda i: (i, 0)),
                   pl.BlockSpec((NB, 16), lambda i: (i, 0)),
                   pl.BlockSpec((NB, 16), lambda i: (i, 0)),
                   pl.BlockSpec((NB, 64), lambda i: (i, 0)),
                   pl.BlockSpec((NB, 64), lambda i: (i, 0))],
        out_shape=[jax.ShapeDtypeStruct((N, 64), F32),
                   jax.ShapeDtypeStruct((N, 16), F32),
                   jax.ShapeDtypeStruct((N, 16), F32),
                   jax.ShapeDtypeStruct((N, 64), F32),
                   jax.ShapeDtypeStruct((N, 64), F32)],
        compiler_params=pltpu.CompilerParams(
            dimension_semantics=("parallel",)),
    )(stats, t2, pe, h, context, x,
      prm['node_W'], _row(prm['node_b']), prm['pe_W'], _row(prm['pe_b']),
      prm['ctx_W'], _row(prm['ctx_b']), _row(prm['bn_w']), _row(prm['bn_b']),
      wte1, wte2)


def _pq_body(hc_ref, tp_ref, tq_ref, inW_ref, inb_ref, wa_ref, wb_ref,
             h1_ref, P_ref, Q_ref):
    h1 = hc_ref[...] @ inW_ref[...] + inb_ref[...]
    h1_ref[...] = h1
    zpad = jnp.zeros((NB, 48), F32)
    P_ref[...] = jnp.concatenate([h1 @ wa_ref[...], tp_ref[...], zpad], axis=1)
    Q_ref[...] = jnp.concatenate([h1 @ wb_ref[...], tq_ref[...], zpad], axis=1)


def _pq(hc, tailP, tailQ, inW, inb, Wa, Wb):
    full = lambda a: pl.BlockSpec(a.shape, lambda i: (0,) * a.ndim)
    return pl.pallas_call(
        _pq_body,
        grid=(N_GRID,),
        in_specs=[pl.BlockSpec((NB, 64), lambda i: (i, 0)),
                  pl.BlockSpec((NB, 16), lambda i: (i, 0)),
                  pl.BlockSpec((NB, 16), lambda i: (i, 0)),
                  full(inW), full(inb), full(Wa), full(Wb)],
        out_specs=[pl.BlockSpec((NB, 64), lambda i: (i, 0)),
                   pl.BlockSpec((NB, 128), lambda i: (i, 0)),
                   pl.BlockSpec((NB, 128), lambda i: (i, 0))],
        out_shape=[jax.ShapeDtypeStruct((N, 64), F32),
                   jax.ShapeDtypeStruct((N, 128), F32),
                   jax.ShapeDtypeStruct((N, 128), F32)],
        compiler_params=pltpu.CompilerParams(
            dimension_semantics=("parallel",)),
    )(hc, tailP, tailQ, inW, inb, Wa, Wb)


def _edge_body(Pr_ref, Qc_ref, ea_ref, s_ref, rows_ref, M_ref, ball_ref,
               wc_ref, e2W_ref, e2b_ref, m_ref, idx0_ref, idx1_ref,
               idx2_ref, idx3_ref):
    i = pl.program_id(0)
    Pr = Pr_ref[...]
    Qc = Qc_ref[...]
    radial = jnp.sum(Pr[:, 64:80] * Qc[:, 64:80], axis=1, keepdims=True)
    sblk = s_ref[...]
    te = jnp.reshape(
        jnp.broadcast_to(sblk[:, None, :], (EB // 16, 16, 64)), (EB, 64))
    pre = (Pr[:, 0:64] + Qc[:, 0:64] + radial * wc_ref[...]
           + ea_ref[...] @ M_ref[...] + te + ball_ref[...])
    m1 = jax.nn.silu(pre)
    m2 = jax.nn.silu(m1 @ e2W_ref[...] + e2b_ref[...])
    eid = i * EB + lax.broadcasted_iota(I32, (EB, 1), 0)
    m_ref[...] = jnp.concatenate(
        [jnp.where(eid < E, m2, 0.0), jnp.zeros((EB, 64), F32)], axis=1)
    r = rows_ref[...]
    g = NQ + (lax.broadcasted_iota(I32, (EB // 128, 128), 1) & 63)
    for q, ref in enumerate((idx0_ref, idx1_ref, idx2_ref, idx3_ref)):
        ok = (r >= q * NQ) & (r < (q + 1) * NQ)
        ref[...] = jnp.where(ok, r - q * NQ, g)


def _edge_mlp(Pr, Qc, ea_pad, s_pad, rows_2d, M_edge, b_all, wc, e2W, e2b):
    full = lambda a: pl.BlockSpec(a.shape, lambda i: (0,) * a.ndim)
    n_blk = E_PAD // EB
    i2 = pl.BlockSpec((EB // 128, 128), lambda i: (i, 0))
    return pl.pallas_call(
        _edge_body,
        grid=(n_blk,),
        in_specs=[pl.BlockSpec((EB, 128), lambda i: (i, 0)),
                  pl.BlockSpec((EB, 128), lambda i: (i, 0)),
                  pl.BlockSpec((EB, 4), lambda i: (i, 0)),
                  pl.BlockSpec((EB // 16, 64), lambda i: (i, 0)),
                  i2, full(M_edge), full(b_all), full(wc), full(e2W),
                  full(e2b)],
        out_specs=[pl.BlockSpec((EB, 128), lambda i: (i, 0)), i2, i2, i2,
                   i2],
        out_shape=[jax.ShapeDtypeStruct((E_PAD, 128), F32),
                   jax.ShapeDtypeStruct((E_PAD // 128, 128), I32),
                   jax.ShapeDtypeStruct((E_PAD // 128, 128), I32),
                   jax.ShapeDtypeStruct((E_PAD // 128, 128), I32),
                   jax.ShapeDtypeStruct((E_PAD // 128, 128), I32)],
        compiler_params=pltpu.CompilerParams(
            dimension_semantics=("parallel",)),
    )(Pr, Qc, ea_pad, s_pad, rows_2d, M_edge, b_all, wc, e2W, e2b)


def _upd_body(h1_ref, agg_ref, n1a_ref, n1b_ref, n1bias_ref, n2W_ref,
              n2b_ref, outW_ref, outb_ref, hc_ref):
    h1 = h1_ref[...]
    t1 = jax.nn.silu(h1 @ n1a_ref[...] + agg_ref[:, 0:64] @ n1b_ref[...]
                     + n1bias_ref[...])
    h1n = h1 + t1 @ n2W_ref[...] + n2b_ref[...]
    hc_ref[...] = h1n @ outW_ref[...] + outb_ref[...]


def _node_update(h1, agg, n1a, n1b, n1bias, n2W, n2b, outW, outb):
    full = lambda a: pl.BlockSpec(a.shape, lambda i: (0,) * a.ndim)
    blk = pl.BlockSpec((NB, 64), lambda i: (i, 0))
    blk128 = pl.BlockSpec((NB, 128), lambda i: (i, 0))
    return pl.pallas_call(
        _upd_body,
        grid=(N_GRID,),
        in_specs=[blk, blk128, full(n1a), full(n1b), full(n1bias),
                  full(n2W), full(n2b), full(outW), full(outb)],
        out_specs=blk,
        out_shape=jax.ShapeDtypeStruct((N, 64), F32),
        compiler_params=pltpu.CompilerParams(
            dimension_semantics=("parallel",)),
    )(h1, agg, n1a, n1b, n1bias, n2W, n2b, outW, outb)


def _head_body(pp_ref, m1W_ref, m1b_ref, m2W_ref, m2b_ref, m3W_ref, m3b_ref,
               out_ref):
    z0 = pp_ref[0:G, 0:64] + pp_ref[G:2 * G, 0:64]
    z1 = jnp.maximum(z0 @ m1W_ref[...] + m1b_ref[...], 0.0)
    z2 = jnp.maximum(z1 @ m2W_ref[...] + m2b_ref[...], 0.0)
    out_ref[...] = z2 @ m3W_ref[...] + m3b_ref[...]


def _head(pooled2, m1W, m1b, m2W, m2b, m3W, m3b):
    full = lambda a: pl.BlockSpec(a.shape, lambda i: (0,) * a.ndim)
    return pl.pallas_call(
        _head_body,
        grid=(1,),
        in_specs=[full(pooled2), full(m1W), full(m1b), full(m2W), full(m2b),
                  full(m3W), full(m3b)],
        out_specs=pl.BlockSpec((G, 1), lambda i: (0, 0)),
        out_shape=jax.ShapeDtypeStruct((G, 1), F32),
    )(pooled2, m1W, m1b, m2W, m2b, m3W, m3b)



def _sc_gather(P, Q, rows_pad, cols_pad):
    @functools.partial(
        pl.kernel,
        out_type=(jax.ShapeDtypeStruct((E_PAD, 128), F32),
                  jax.ShapeDtypeStruct((E_PAD, 128), F32)),
        mesh=plsc.VectorSubcoreMesh(**_SC_MESH),
        scratch_types=[pltpu.VMEM((G_PER_W,), I32),
                       pltpu.VMEM((3, G_CHUNK, 128), F32),
                       pltpu.SemaphoreType.DMA,
                       pltpu.SemaphoreType.DMA],
    )
    def k(P_hbm, Q_hbm, rows_hbm, cols_hbm, Pr_out, Qc_out, idx_all, bufs,
          sem_g, sem_w):
        wid = lax.axis_index("s") * 2 + lax.axis_index("c")
        base = wid * G_PER_W
        n = G_STEPS

        for tab, src, out in ((P_hbm, rows_hbm, Pr_out),
                              (Q_hbm, cols_hbm, Qc_out)):
            pltpu.sync_copy(src.at[pl.ds(base, G_PER_W)], idx_all)

            def gstart(j):
                pltpu.async_copy(
                    tab.at[idx_all.at[pl.ds(j * G_CHUNK, G_CHUNK)]],
                    bufs.at[j % 3], sem_g)

            def gwait(j):
                pltpu.make_async_copy(
                    tab.at[idx_all.at[pl.ds(0, G_CHUNK)]],
                    bufs.at[j % 3], sem_g).wait()

            def wstart(j):
                pltpu.async_copy(bufs.at[j % 3],
                                 out.at[pl.ds(base + j * G_CHUNK, G_CHUNK)],
                                 sem_w)

            def wwait(j):
                pltpu.make_async_copy(
                    bufs.at[j % 3], out.at[pl.ds(base, G_CHUNK)],
                    sem_w).wait()

            gstart(0)

            def body(j, carry):
                gwait(j)
                wstart(j)

                @pl.when(j >= 2)
                def _():
                    wwait(j - 2)

                @pl.when(j + 1 < n)
                def _():
                    gstart(j + 1)

                return carry

            lax.fori_loop(0, n, body, 0)
            wwait(n - 2)
            wwait(n - 1)

    return k(P, Q, rows_pad, cols_pad)


def _sc_scatter(m_pad, idx_flat, zeros_strip):
    @functools.partial(
        pl.kernel,
        out_type=jax.ShapeDtypeStruct((N_PP, 128), F32),
        mesh=plsc.VectorSubcoreMesh(**_SC_MESH),
        scratch_types=[pltpu.VMEM((2, S_CHUNK), I32),
                       pltpu.VMEM((2, S_CHUNK, 128), F32),
                       pltpu.VMEM_SHARED((QACC, 128), F32),
                       pltpu.SemaphoreType.DMA,
                       pltpu.SemaphoreType.DMA],
    )
    def k(m_hbm, idxf_hbm, z_hbm, agg_out, idx_v, mbuf, acc, sem_c, sem_s):
        c = lax.axis_index("c")
        s = lax.axis_index("s")
        n = S_STEPS
        for p in range(2):
            q = 2 * c + p
            pltpu.sync_copy(z_hbm, acc.at[pl.ds(s * ZSTRIP, ZSTRIP)])
            plsc.subcore_barrier()

            def cstart(j):
                off = s * S_PER_T + j * S_CHUNK
                pltpu.async_copy(
                    idxf_hbm.at[pl.ds(q * E_PAD + off, S_CHUNK)],
                    idx_v.at[j % 2], sem_c)
                pltpu.async_copy(m_hbm.at[pl.ds(off, S_CHUNK)],
                                 mbuf.at[j % 2], sem_c)

            def cwait(j):
                pltpu.make_async_copy(
                    idxf_hbm.at[pl.ds(0, S_CHUNK)], idx_v.at[j % 2],
                    sem_c).wait()
                pltpu.make_async_copy(
                    m_hbm.at[pl.ds(0, S_CHUNK)], mbuf.at[j % 2],
                    sem_c).wait()

            def sstart(j):
                pltpu.async_copy(mbuf.at[j % 2], acc.at[idx_v.at[j % 2]],
                                 sem_s, add=True)

            def swait(j):
                pltpu.make_async_copy(mbuf.at[j % 2],
                                      acc.at[idx_v.at[j % 2]], sem_s).wait()

            cstart(0)

            def body(j, carry):
                @pl.when(j >= 1)
                def _():
                    swait(j - 1)

                @pl.when(j + 1 < n)
                def _():
                    cstart(j + 1)

                cwait(j)
                sstart(j)
                return carry

            lax.fori_loop(0, n, body, 0)
            swait(n - 1)
            plsc.subcore_barrier()
            pltpu.sync_copy(acc.at[pl.ds(s * OSTRIP, OSTRIP)],
                            agg_out.at[pl.ds(q * NQ + s * OSTRIP, OSTRIP)])
            plsc.subcore_barrier()

    return k(m_pad, idx_flat, zeros_strip)


def _sc_pool(hc_pad, batch_pad, zeros_strip):
    @functools.partial(
        pl.kernel,
        out_type=jax.ShapeDtypeStruct((2 * G, 128), F32),
        mesh=plsc.VectorSubcoreMesh(**_SC_MESH),
        scratch_types=[pltpu.VMEM((P_CHUNK,), I32),
                       pltpu.VMEM((P_CHUNK, 128), F32),
                       pltpu.VMEM_SHARED((ACC_G, 128), F32)],
    )
    def k(hc_hbm, b_hbm, z_hbm, out_hbm, idx_v, buf, acc):
        c = lax.axis_index("c")
        s = lax.axis_index("s")
        wid = s * 2 + c
        pltpu.sync_copy(z_hbm.at[pl.ds(0, ACC_G // 16)],
                        acc.at[pl.ds(s * (ACC_G // 16), ACC_G // 16)])
        plsc.subcore_barrier()

        def body(j, carry):
            off = wid * P_PER_W + j * P_CHUNK
            pltpu.sync_copy(b_hbm.at[pl.ds(off, P_CHUNK)], idx_v)
            pltpu.sync_copy(hc_hbm.at[pl.ds(off, P_CHUNK)], buf)
            pltpu.sync_copy(buf, acc.at[idx_v], add=True)
            return carry

        lax.fori_loop(0, P_STEPS, body, 0)
        plsc.subcore_barrier()
        pltpu.sync_copy(acc.at[pl.ds(s * 32, 32)],
                        out_hbm.at[pl.ds(c * G + s * 32, 32)])

    return k(hc_pad, batch_pad, zeros_strip)



def kernel(h, pe, x, t, context, edges, edge_index, edge_attr, batch, params):
    prm = params
    rows = edges[0]
    cols = edges[1]
    pad_e = E_PAD - E
    rows_pad = jnp.concatenate([rows, jnp.zeros((pad_e,), I32)])
    cols_pad = jnp.concatenate([cols, jnp.zeros((pad_e,), I32)])
    ea_pad = jnp.concatenate([edge_attr, jnp.zeros((pad_e, 4), F32)], axis=0)
    rows_2d = rows_pad.reshape(E_PAD // 128, 128)
    zeros_strip = jnp.zeros((ZSTRIP, 128), F32)

    convs = prm['convs']
    wte = [c['e1_W'][185:193] for c in convs]

    stats = _pe_stats(pe)
    hc, tailP, tailQ, s1, s2 = _prep(
        stats, t.reshape(N, 1), pe, h, context, x, prm, wte[0], wte[1])

    s_list = [s1, s2]
    for li, c in enumerate(convs):
        Wa = c['e1_W'][0:64]
        Wb = c['e1_W'][64:128]
        wc = c['e1_W'][128:129]
        Wd_ea = c['e1_W'][129:185]
        M_edge = prm['edge_W'] @ Wd_ea
        b_all = _row(c['e1_b'] + prm['edge_b'] @ Wd_ea)
        s = s_list[li]
        s_pad = jnp.concatenate(
            [s, s[0:1], jnp.zeros((E_PAD // 16 - N - 1, 64), F32)], axis=0)

        h1, P, Q = _pq(hc, tailP, tailQ, c['in_W'], _row(c['in_b']), Wa, Wb)
        Pr, Qc = _sc_gather(P, Q, rows_pad, cols_pad)
        m, idx0, idx1, idx2, idx3 = _edge_mlp(
            Pr, Qc, ea_pad, s_pad, rows_2d, M_edge, b_all, wc,
            c['e2_W'], _row(c['e2_b']))
        idx_flat = jnp.concatenate([idx0.reshape(-1), idx1.reshape(-1),
                                    idx2.reshape(-1), idx3.reshape(-1)])
        agg = _sc_scatter(m, idx_flat, zeros_strip)
        hc = _node_update(h1, agg, c['n1_W'][0:64], c['n1_W'][64:128],
                          _row(c['n1_b']), c['n2_W'], _row(c['n2_b']),
                          c['out_W'], _row(c['out_b']))

    hc_pad = jnp.concatenate(
        [jnp.concatenate([hc, jnp.zeros((N, 64), F32)], axis=1),
         jnp.zeros((N_PP - N, 128), F32)], axis=0)
    batch_pad = jnp.concatenate([batch, jnp.zeros((N_PP - N,), I32)])
    pooled2 = _sc_pool(hc_pad, batch_pad, zeros_strip)
    return _head(pooled2, prm['m1_W'], _row(prm['m1_b']),
                 prm['m2_W'], _row(prm['m2_b']),
                 prm['m3_W'], _row(prm['m3_b']))

# --- scband reference (transcript-rebuilt; emitter-appended) ---
"""Pipeline reference for scband-graph-model-6347961663560 (READ-ONLY COPY).

The authoritative reference and input builder live on the scoring server;
editing this copy changes nothing except your own understanding.
"""

import jax, jax.numpy as jnp
import numpy as np
import math


def timestep_embedding(t, dim, max_period=10000):
    half = dim // 2
    freqs = jnp.exp(-math.log(max_period) * jnp.arange(half, dtype=jnp.float32) / half)
    args = t[:, None].astype(jnp.float32) * freqs[None]
    return jnp.concatenate([jnp.cos(args), jnp.sin(args)], axis=-1)


def _lin(x, W, b):
    return x @ W + b


def _fwd(h, pe, x, t, context, edge_attr, params, edges, batch, num_graphs=512):
    p = params
    # BatchNorm1d(20), training-mode batch statistics, affine weight=1 bias=0 at init
    mean = jnp.mean(pe, axis=0)
    var = jnp.var(pe, axis=0)
    h_pe = (pe - mean) / jnp.sqrt(var + 1e-5) * p['bn_w'] + p['bn_b']
    time_emb = timestep_embedding(t, 8)
    ctx = _lin(context, p['ctx_W'], p['ctx_b'])
    hc = jnp.concatenate([_lin(h, p['node_W'], p['node_b']), _lin(h_pe, p['pe_W'], p['pe_b']), time_emb, ctx], axis=1)
    ea = _lin(edge_attr, p['edge_W'], p['edge_b'])
    N = h.shape[0]
    E = edge_attr.shape[0]
    rep = E // N
    rem = E % N
    te = jnp.repeat(time_emb, rep, axis=0)
    te = jnp.concatenate([te, time_emb[:rem]], axis=0)
    ea = jnp.concatenate([ea, te], axis=-1)
    rows, cols = edges[0], edges[1]
    for c in p['convs']:
        # EGNN (E_GCL style): embed-in, edge MLP on [h_i,h_j,||x_i-x_j||^2,edge_attr], sum-aggregate, node MLP residual, embed-out
        h1 = _lin(hc, c['in_W'], c['in_b'])
        d = x[rows] - x[cols]
        radial = jnp.sum(d * d, axis=1, keepdims=True)
        m = jax.nn.silu(_lin(jnp.concatenate([h1[rows], h1[cols], radial, ea], axis=1), c['e1_W'], c['e1_b']))
        m = jax.nn.silu(_lin(m, c['e2_W'], c['e2_b']))
        agg = jax.ops.segment_sum(m, rows, num_segments=N)
        upd = _lin(jax.nn.silu(_lin(jnp.concatenate([h1, agg], axis=1), c['n1_W'], c['n1_b'])), c['n2_W'], c['n2_b'])
        h1 = h1 + upd
        hc = _lin(h1, c['out_W'], c['out_b'])
    pooled = jax.ops.segment_sum(hc, batch, num_segments=num_graphs)
    z = jax.nn.relu(_lin(pooled, p['m1_W'], p['m1_b']))
    z = jax.nn.relu(_lin(z, p['m2_W'], p['m2_b']))
    return _lin(z, p['m3_W'], p['m3_b'])


def setup_inputs(seed: int = 0) -> dict:
    key = jax.random.key(seed)
    it = iter(jax.random.split(key, 80))
    def nk():
        return next(it)
    def W(shape, s=0.05):
        return jax.random.normal(nk(), shape, dtype=jnp.float32) * s
    N = 50000
    E = 800001
    G = 512
    inp = {}
    inp['h'] = jax.random.normal(nk(), (N, 64), dtype=jnp.float32)
    inp['pe'] = jax.random.normal(nk(), (N, 20), dtype=jnp.float32)
    inp['x'] = jax.random.normal(nk(), (N, 3), dtype=jnp.float32)
    inp['t'] = jax.random.uniform(nk(), (N,), dtype=jnp.float32) * 1000.0
    inp['context'] = jax.random.normal(nk(), (N, 64), dtype=jnp.float32)
    inp['edges'] = jax.random.randint(nk(), (2, E), 0, N, dtype=jnp.int32)
    inp['edge_index'] = jax.random.randint(nk(), (2, E), 0, N, dtype=jnp.int32)
    inp['edge_attr'] = jax.random.normal(nk(), (E, 4), dtype=jnp.float32)
    inp['batch'] = jnp.sort(jax.random.randint(nk(), (N,), 0, G, dtype=jnp.int32))
    convs = []
    for _ in range(2):
        convs.append({'in_W': W((64, 64)), 'in_b': jnp.zeros(64, jnp.float32), 'e1_W': W((193, 64)), 'e1_b': jnp.zeros(64, jnp.float32), 'e2_W': W((64, 64)), 'e2_b': jnp.zeros(64, jnp.float32), 'n1_W': W((128, 64)), 'n1_b': jnp.zeros(64, jnp.float32), 'n2_W': W((64, 64)), 'n2_b': jnp.zeros(64, jnp.float32), 'out_W': W((64, 64)), 'out_b': jnp.zeros(64, jnp.float32)})
    inp['params'] = {'node_W': W((64, 32)), 'node_b': jnp.zeros(32, jnp.float32), 'ctx_W': W((64, 16)), 'ctx_b': jnp.zeros(16, jnp.float32), 'pe_W': W((20, 8)), 'pe_b': jnp.zeros(8, jnp.float32), 'bn_w': jnp.ones(20, jnp.float32), 'bn_b': jnp.zeros(20, jnp.float32), 'edge_W': W((4, 56)), 'edge_b': jnp.zeros(56, jnp.float32), 'convs': convs, 'm1_W': W((64, 32)), 'm1_b': jnp.zeros(32, jnp.float32), 'm2_W': W((32, 16)), 'm2_b': jnp.zeros(16, jnp.float32), 'm3_W': W((16, 1)), 'm3_b': jnp.zeros(1, jnp.float32)}
    return inp


def reference(h, pe, x, t, context, edges, edge_index, edge_attr, batch, params):
    return _fwd(h, pe, x, t, context, edge_attr, params, edges, batch, num_graphs=512)

if __name__ == "__main__":
    import jax
    _d = setup_inputs()
    print(jax.jit(kernel)(*tuple(_d.values())))

</pallas_src>

<mosaic_0001>
#map = affine_map<(d0, d1) -> (0, 0)>
#map1 = affine_map<(d0, d1) -> (0)>
module attributes {stable_mosaic.version = 14 : i64} {
  func.func @k(%arg0: i32, %arg1: i32, %arg2: memref<50000x128xf32, #tpu.memory_space<hbm>>, %arg3: memref<50000x128xf32, #tpu.memory_space<hbm>>, %arg4: memref<802816xi32, #tpu.memory_space<hbm>>, %arg5: memref<802816xi32, #tpu.memory_space<hbm>>, %arg6: memref<802816x128xf32, #tpu.memory_space<hbm>>, %arg7: memref<802816x128xf32, #tpu.memory_space<hbm>>, %arg8: memref<25088xi32, #tpu.memory_space<vmem>>, %arg9: memref<3x128x128xf32, #tpu.memory_space<vmem>>, %arg10: memref<!tpu.dma_semaphore, #tpu.memory_space<semaphore_mem>>, %arg11: memref<!tpu.dma_semaphore, #tpu.memory_space<semaphore_mem>>) attributes {dimension_semantics = [#tpu.dimension_semantics<core_parallel>, #tpu.dimension_semantics<subcore_parallel>], iteration_bounds = array<i64: 2, 16>, scalar_prefetch = 0 : i64, scratch_operands = 4 : i64, tpu.core_type = #tpu.core_type<sc_vector_subcore>, window_params = [{transform_indices = #map}, {transform_indices = #map}, {transform_indices = #map1}, {transform_indices = #map1}, {transform_indices = #map}, {transform_indices = #map}]} {
    %mul3A = arith.constant 2 : i32
    %mul3A_0 = arith.muli %arg1, %mul3A : i32
    %add3A = arith.addi %mul3A_0, %arg0 : i32
    %mul3A_1 = arith.constant 25088 : i32
    %mul3A_2 = arith.muli %add3A, %mul3A_1 : i32
    "tpu.region"() ({
      %run_scoped3A = tpu.sem_alloc : memref<!tpu.dma_semaphore, #tpu.memory_space<semaphore_mem>>
      %dma_start3A_84 = tpu.memref_slice %arg4[%mul3A_2] : memref<802816xi32, #tpu.memory_space<hbm>> -> memref<25088xi32, #tpu.memory_space<hbm>>
      %dma_start3A_85 = tpu.memref_slice %arg4[%mul3A_2] : memref<802816xi32, #tpu.memory_space<hbm>> -> memref<25088xi32, #tpu.memory_space<hbm>>
      tpu.enqueue_dma source(%dma_start3A_85 : memref<25088xi32, #tpu.memory_space<hbm>>) target(%arg8 : memref<25088xi32, #tpu.memory_space<vmem>>) target_semaphore(%run_scoped3A : memref<!tpu.dma_semaphore, #tpu.memory_space<semaphore_mem>>)
      %dma_wait3A_86 = tpu.memref_slice %arg4[%mul3A_2] : memref<802816xi32, #tpu.memory_space<hbm>> -> memref<25088xi32, #tpu.memory_space<hbm>>
      %dma_wait3A_87 = tpu.memref_slice %arg4[%mul3A_2] : memref<802816xi32, #tpu.memory_space<hbm>> -> memref<25088xi32, #tpu.memory_space<hbm>>
      tpu.wait_dma2 semaphore(%run_scoped3A : memref<!tpu.dma_semaphore, #tpu.memory_space<semaphore_mem>>) src(%dma_wait3A_87 : memref<25088xi32, #tpu.memory_space<hbm>>) dst(%arg8 : memref<25088xi32, #tpu.memory_space<vmem>>)
      tpu.yield
    }) : () -> ()
    %dma_start3A = arith.constant 0 : i32
    %dma_start3A_3 = arith.constant 0 : i32
    %dma_start3A_4 = arith.constant 0 : i32
    %dma_start3A_5 = tpu.memref_slice %arg9[%dma_start3A, %dma_start3A_3, %dma_start3A_4] : memref<3x128x128xf32, #tpu.memory_space<vmem>> -> memref<1x128x128xf32, #tpu.memory_space<vmem>>
    %dma_start3A_6 = tpu.memref_squeeze %dma_start3A_5 : memref<1x128x128xf32, #tpu.memory_space<vmem>> -> memref<128x128xf32, #tpu.memory_space<vmem>>
    %dma_start3A_7 = arith.constant 0 : i32
    %dma_start3A_8 = tpu.memref_slice %arg8[%dma_start3A_7] : memref<25088xi32, #tpu.memory_space<vmem>> -> memref<128xi32, #tpu.memory_space<vmem>>
    %dma_start3A_9 = arith.constant 0 : i32
    %dma_start3A_10 = arith.constant 0 : i32
    %dma_start3A_11 = tpu.memref_slice %arg2[%dma_start3A_9, %dma_start3A_10] : memref<50000x128xf32, #tpu.memory_space<hbm>> -> memref<50000x128xf32, #tpu.memory_space<hbm>>
    tpu.enqueue_indirect_dma source(%dma_start3A_11 : memref<50000x128xf32, #tpu.memory_space<hbm>>) target(%dma_start3A_6 : memref<128x128xf32, #tpu.memory_space<vmem>>) offsets(%dma_start3A_8 : memref<128xi32, #tpu.memory_space<vmem>>) semaphore(%arg10 : memref<!tpu.dma_semaphore, #tpu.memory_space<semaphore_mem>>)
    %scan3A = arith.constant 0 : i32
    %scan3A_12 = arith.constant 0 : i32
    %scan3A_13 = arith.constant 196 : i32
    %scan3A_14 = arith.addi %scan3A_12, %scan3A_13 : i32
    %scan3A_15 = arith.constant 1 : i32
    scf.for %scan3A_84 = %scan3A_12 to %scan3A_14 step %scan3A_15  : i32 {
      %jit3A = arith.constant 3 : i32
      %eq3A = arith.constant 0 : i32
      %eq3A_85 = arith.cmpi eq, %jit3A, %eq3A : i32
      %jit3A_86 = arith.constant 1 : i32
      %select_n3A = arith.select %eq3A_85, %jit3A_86, %jit3A : i32
      %rem3A = arith.remsi %scan3A_84, %select_n3A : i32
      %ne3A = arith.constant 0 : i32
      %ne3A_87 = arith.cmpi ne, %rem3A, %ne3A : i32
      %lt3A = arith.constant 0 : i32
      %lt3A_88 = arith.cmpi slt, %rem3A, %lt3A : i32
      %lt3A_89 = arith.constant 0 : i32
      %lt3A_90 = arith.cmpi slt, %select_n3A, %lt3A_89 : i32
      %ne3A_91 = arith.xori %lt3A_88, %lt3A_90 : i1
      %and3A = arith.andi %ne3A_91, %ne3A_87 : i1
      %add3A_92 = arith.addi %rem3A, %select_n3A : i32
      %select_n3A_93 = arith.select %and3A, %add3A_92, %rem3A : i32
      %dma_wait3A_94 = arith.constant 0 : i32
      %dma_wait3A_95 = arith.constant 0 : i32
      %dma_wait3A_96 = tpu.memref_slice %arg9[%select_n3A_93, %dma_wait3A_94, %dma_wait3A_95] : memref<3x128x128xf32, #tpu.memory_space<vmem>> -> memref<1x128x128xf32, #tpu.memory_space<vmem>>
      %dma_wait3A_97 = tpu.memref_squeeze %dma_wait3A_96 : memref<1x128x128xf32, #tpu.memory_space<vmem>> -> memref<128x128xf32, #tpu.memory_space<vmem>>
      %dma_wait3A_98 = arith.constant 0 : i32
      %dma_wait3A_99 = tpu.memref_slice %arg8[%dma_wait3A_98] : memref<25088xi32, #tpu.memory_space<vmem>> -> memref<128xi32, #tpu.memory_space<vmem>>
      %dma_wait3A_100 = arith.constant 0 : i32
      %dma_wait3A_101 = arith.constant 0 : i32
      %dma_wait3A_102 = tpu.memref_slice %arg2[%dma_wait3A_100, %dma_wait3A_101] : memref<50000x128xf32, #tpu.memory_space<hbm>> -> memref<50000x128xf32, #tpu.memory_space<hbm>>
      tpu.wait_indirect_dma semaphore(%arg10 : memref<!tpu.dma_semaphore, #tpu.memory_space<semaphore_mem>>) src(%dma_wait3A_102 : memref<50000x128xf32, #tpu.memory_space<hbm>>) dst(%dma_wait3A_97 : memref<128x128xf32, #tpu.memory_space<vmem>>)
      %jit3A_103 = arith.constant 3 : i32
      %eq3A_104 = arith.constant 0 : i32
      %eq3A_105 = arith.cmpi eq, %jit3A_103, %eq3A_104 : i32
      %jit3A_106 = arith.constant 1 : i32
      %select_n3A_107 = arith.select %eq3A_105, %jit3A_106, %jit3A_103 : i32
      %rem3A_108 = arith.remsi %scan3A_84, %select_n3A_107 : i32
      %ne3A_109 = arith.constant 0 : i32
      %ne3A_110 = arith.cmpi ne, %rem3A_108, %ne3A_109 : i32
      %lt3A_111 = arith.constant 0 : i32
      %lt3A_112 = arith.cmpi slt, %rem3A_108, %lt3A_111 : i32
      %lt3A_113 = arith.constant 0 : i32
      %lt3A_114 = arith.cmpi slt, %select_n3A_107, %lt3A_113 : i32
      %ne3A_115 = arith.xori %lt3A_112, %lt3A_114 : i1
      %and3A_116 = arith.andi %ne3A_115, %ne3A_110 : i1
      %add3A_117 = arith.addi %rem3A_108, %select_n3A_107 : i32
      %select_n3A_118 = arith.select %and3A_116, %add3A_117, %rem3A_108 : i32
      %mul3A_119 = arith.constant 128 : i32
      %mul3A_120 = arith.muli %scan3A_84, %mul3A_119 : i32
      %add3A_121 = arith.addi %mul3A_2, %mul3A_120 : i32
      %dma_start3A_122 = arith.constant 0 : i32
      %dma_start3A_123 = arith.constant 0 : i32
      %dma_start3A_124 = tpu.memref_slice %arg9[%select_n3A_118, %dma_start3A_122, %dma_start3A_123] : memref<3x128x128xf32, #tpu.memory_space<vmem>> -> memref<1x128x128xf32, #tpu.memory_space<vmem>>
      %dma_start3A_125 = tpu.memref_squeeze %dma_start3A_124 : memref<1x128x128xf32, #tpu.memory_space<vmem>> -> memref<128x128xf32, #tpu.memory_space<vmem>>
      %dma_start3A_126 = arith.constant 0 : i32
      %dma_start3A_127 = tpu.memref_slice %arg6[%add3A_121, %dma_start3A_126] : memref<802816x128xf32, #tpu.memory_space<hbm>> -> memref<128x128xf32, #tpu.memory_space<hbm>>
      %dma_start3A_128 = arith.constant 0 : i32
      %dma_start3A_129 = tpu.memref_slice %arg6[%add3A_121, %dma_start3A_128] : memref<802816x128xf32, #tpu.memory_space<hbm>> -> memref<128x128xf32, #tpu.memory_space<hbm>>
      %dma_start3A_130 = arith.constant 0 : i32
      %dma_start3A_131 = arith.constant 0 : i32
      %dma_start3A_132 = tpu.memref_slice %arg9[%select_n3A_118, %dma_start3A_130, %dma_start3A_131] : memref<3x128x128xf32, #tpu.memory_space<vmem>> -> memref<1x128x128xf32, #tpu.memory_space<vmem>>
      %dma_start3A_133 = tpu.memref_squeeze %dma_start3A_132 : memref<1x128x128xf32, #tpu.memory_space<vmem>> -> memref<128x128xf32, #tpu.memory_space<vmem>>
      tpu.enqueue_dma source(%dma_start3A_133 : memref<128x128xf32, #tpu.memory_space<vmem>>) target(%dma_start3A_129 : memref<128x128xf32, #tpu.memory_space<hbm>>) target_semaphore(%arg11 : memref<!tpu.dma_semaphore, #tpu.memory_space<semaphore_mem>>)
      %ge3A = arith.constant 2 : i32
      %ge3A_134 = arith.cmpi sge, %scan3A_84, %ge3A : i32
      %convert_element_type3A = arith.extui %ge3A_134 : i1 to i32
      %cond3A = arith.constant 0 : i32
      %cond3A_135 = arith.cmpi ne, %convert_element_type3A, %cond3A : i32
      scf.if %cond3A_135 {
        %sub3A = arith.constant 2 : i32
        %sub3A_143 = arith.subi %scan3A_84, %sub3A : i32
        %jit3A_144 = arith.constant 3 : i32
        %eq3A_145 = arith.constant 0 : i32
        %eq3A_146 = arith.cmpi eq, %jit3A_144, %eq3A_145 : i32
        %jit3A_147 = arith.constant 1 : i32
        %select_n3A_148 = arith.select %eq3A_146, %jit3A_147, %jit3A_144 : i32
        %rem3A_149 = arith.remsi %sub3A_143, %select_n3A_148 : i32
        %ne3A_150 = arith.constant 0 : i32
        %ne3A_151 = arith.cmpi ne, %rem3A_149, %ne3A_150 : i32
        %lt3A_152 = arith.constant 0 : i32
        %lt3A_153 = arith.cmpi slt, %rem3A_149, %lt3A_152 : i32
        %lt3A_154 = arith.constant 0 : i32
        %lt3A_155 = arith.cmpi slt, %select_n3A_148, %lt3A_154 : i32
        %ne3A_156 = arith.xori %lt3A_153, %lt3A_155 : i1
        %and3A_157 = arith.andi %ne3A_156, %ne3A_151 : i1
        %add3A_158 = arith.addi %rem3A_149, %select_n3A_148 : i32
        %select_n3A_159 = arith.select %and3A_157, %add3A_158, %rem3A_149 : i32
        %dma_wait3A_160 = arith.constant 0 : i32
        %dma_wait3A_161 = arith.constant 0 : i32
        %dma_wait3A_162 = tpu.memref_slice %arg9[%select_n3A_159, %dma_wait3A_160, %dma_wait3A_161] : memref<3x128x128xf32, #tpu.memory_space<vmem>> -> memref<1x128x128xf32, #tpu.memory_space<vmem>>
        %dma_wait3A_163 = tpu.memref_squeeze %dma_wait3A_162 : memref<1x128x128xf32, #tpu.memory_space<vmem>> -> memref<128x128xf32, #tpu.memory_space<vmem>>
        %dma_wait3A_164 = arith.constant 0 : i32
        %dma_wait3A_165 = tpu.memref_slice %arg6[%mul3A_2, %dma_wait3A_164] : memref<802816x128xf32, #tpu.memory_space<hbm>> -> memref<128x128xf32, #tpu.memory_space<hbm>>
        %dma_wait3A_166 = arith.constant 0 : i32
        %dma_wait3A_167 = tpu.memref_slice %arg6[%mul3A_2, %dma_wait3A_166] : memref<802816x128xf32, #tpu.memory_space<hbm>> -> memref<128x128xf32, #tpu.memory_space<hbm>>
        %dma_wait3A_168 = arith.constant 0 : i32
        %dma_wait3A_169 = arith.constant 0 : i32
        %dma_wait3A_170 = tpu.memref_slice %arg9[%select_n3A_159, %dma_wait3A_168, %dma_wait3A_169] : memref<3x128x128xf32, #tpu.memory_space<vmem>> -> memref<1x128x128xf32, #tpu.memory_space<vmem>>
        %dma_wait3A_171 = tpu.memref_squeeze %dma_wait3A_170 : memref<1x128x128xf32, #tpu.memory_space<vmem>> -> memref<128x128xf32, #tpu.memory_space<vmem>>
        tpu.wait_dma2 semaphore(%arg11 : memref<!tpu.dma_semaphore, #tpu.memory_space<semaphore_mem>>) src(%dma_wait3A_171 : memref<128x128xf32, #tpu.memory_space<vmem>>) dst(%dma_wait3A_167 : memref<128x128xf32, #tpu.memory_space<hbm>>)
      } else {
      }
      %add3A_136 = arith.constant 1 : i32
      %add3A_137 = arith.addi %scan3A_84, %add3A_136 : i32
      %lt3A_138 = arith.constant 196 : i32
      %lt3A_139 = arith.cmpi slt, %add3A_137, %lt3A_138 : i32
      %convert_element_type3A_140 = arith.extui %lt3A_139 : i1 to i32
      %cond3A_141 = arith.constant 0 : i32
      %cond3A_142 = arith.cmpi ne, %convert_element_type3A_140, %cond3A_141 : i32
      scf.if %cond3A_142 {
        %add3A_143 = arith.constant 1 : i32
        %add3A_144 = arith.addi %scan3A_84, %add3A_143 : i32
        %mul3A_145 = arith.constant 128 : i32
        %mul3A_146 = arith.muli %add3A_144, %mul3A_145 : i32
        %jit3A_147 = arith.constant 3 : i32
        %eq3A_148 = arith.constant 0 : i32
        %eq3A_149 = arith.cmpi eq, %jit3A_147, %eq3A_148 : i32
        %jit3A_150 = arith.constant 1 : i32
        %select_n3A_151 = arith.select %eq3A_149, %jit3A_150, %jit3A_147 : i32
        %rem3A_152 = arith.remsi %add3A_144, %select_n3A_151 : i32
        %ne3A_153 = arith.constant 0 : i32
        %ne3A_154 = arith.cmpi ne, %rem3A_152, %ne3A_153 : i32
        %lt3A_155 = arith.constant 0 : i32
        %lt3A_156 = arith.cmpi slt, %rem3A_152, %lt3A_155 : i32
        %lt3A_157 = arith.constant 0 : i32
        %lt3A_158 = arith.cmpi slt, %select_n3A_151, %lt3A_157 : i32
        %ne3A_159 = arith.xori %lt3A_156, %lt3A_158 : i1
        %and3A_160 = arith.andi %ne3A_159, %ne3A_154 : i1
        %add3A_161 = arith.addi %rem3A_152, %select_n3A_151 : i32
        %select_n3A_162 = arith.select %and3A_160, %add3A_161, %rem3A_152 : i32
        %dma_start3A_163 = arith.constant 0 : i32
        %dma_start3A_164 = arith.constant 0 : i32
        %dma_start3A_165 = tpu.memref_slice %arg9[%select_n3A_162, %dma_start3A_163, %dma_start3A_164] : memref<3x128x128xf32, #tpu.memory_space<vmem>> -> memref<1x128x128xf32, #tpu.memory_space<vmem>>
        %dma_start3A_166 = tpu.memref_squeeze %dma_start3A_165 : memref<1x128x128xf32, #tpu.memory_space<vmem>> -> memref<128x128xf32, #tpu.memory_space<vmem>>
        %dma_start3A_167 = tpu.memref_slice %arg8[%mul3A_146] : memref<25088xi32, #tpu.memory_space<vmem>> -> memref<128xi32, #tpu.memory_space<vmem>>
        %dma_start3A_168 = arith.constant 0 : i32
        %dma_start3A_169 = arith.constant 0 : i32
        %dma_start3A_170 = tpu.memref_slice %arg2[%dma_start3A_168, %dma_start3A_169] : memref<50000x128xf32, #tpu.memory_space<hbm>> -> memref<50000x128xf32, #tpu.memory_space<hbm>>
        tpu.enqueue_indirect_dma source(%dma_start3A_170 : memref<50000x128xf32, #tpu.memory_space<hbm>>) target(%dma_start3A_166 : memref<128x128xf32, #tpu.memory_space<vmem>>) offsets(%dma_start3A_167 : memref<128xi32, #tpu.memory_space<vmem>>) semaphore(%arg10 : memref<!tpu.dma_semaphore, #tpu.memory_space<semaphore_mem>>)
      } else {
      }
    }
    %scan3A_16 = arith.constant 196 : i32
    %dma_wait3A = arith.constant 2 : i32
    %dma_wait3A_17 = arith.constant 0 : i32
    %dma_wait3A_18 = arith.constant 0 : i32
    %dma_wait3A_19 = tpu.memref_slice %arg9[%dma_wait3A, %dma_wait3A_17, %dma_wait3A_18] : memref<3x128x128xf32, #tpu.memory_space<vmem>> -> memref<1x128x128xf32, #tpu.memory_space<vmem>>
    %dma_wait3A_20 = tpu.memref_squeeze %dma_wait3A_19 : memref<1x128x128xf32, #tpu.memory_space<vmem>> -> memref<128x128xf32, #tpu.memory_space<vmem>>
    %dma_wait3A_21 = arith.constant 0 : i32
    %dma_wait3A_22 = tpu.memref_slice %arg6[%mul3A_2, %dma_wait3A_21] : memref<802816x128xf32, #tpu.memory_space<hbm>> -> memref<128x128xf32, #tpu.memory_space<hbm>>
    %dma_wait3A_23 = arith.constant 0 : i32
    %dma_wait3A_24 = tpu.memref_slice %arg6[%mul3A_2, %dma_wait3A_23] : memref<802816x128xf32, #tpu.memory_space<hbm>> -> memref<128x128xf32, #tpu.memory_space<hbm>>
    %dma_wait3A_25 = arith.constant 0 : i32
    %dma_wait3A_26 = arith.constant 0 : i32
    %dma_wait3A_27 = tpu.memref_slice %arg9[%dma_wait3A, %dma_wait3A_25, %dma_wait3A_26] : memref<3x128x128xf32, #tpu.memory_space<vmem>> -> memref<1x128x128xf32, #tpu.memory_space<vmem>>
    %dma_wait3A_28 = tpu.memref_squeeze %dma_wait3A_27 : memref<1x128x128xf32, #tpu.memory_space<vmem>> -> memref<128x128xf32, #tpu.memory_space<vmem>>
    tpu.wait_dma2 semaphore(%arg11 : memref<!tpu.dma_semaphore, #tpu.memory_space<semaphore_mem>>) src(%dma_wait3A_28 : memref<128x128xf32, #tpu.memory_space<vmem>>) dst(%dma_wait3A_24 : memref<128x128xf32, #tpu.memory_space<hbm>>)
    %dma_wait3A_29 = arith.constant 0 : i32
    %dma_wait3A_30 = arith.constant 0 : i32
    %dma_wait3A_31 = arith.constant 0 : i32
    %dma_wait3A_32 = tpu.memref_slice %arg9[%dma_wait3A_29, %dma_wait3A_30, %dma_wait3A_31] : memref<3x128x128xf32, #tpu.memory_space<vmem>> -> memref<1x128x128xf32, #tpu.memory_space<vmem>>
    %dma_wait3A_33 = tpu.memref_squeeze %dma_wait3A_32 : memref<1x128x128xf32, #tpu.memory_space<vmem>> -> memref<128x128xf32, #tpu.memory_space<vmem>>
    %dma_wait3A_34 = arith.constant 0 : i32
    %dma_wait3A_35 = tpu.memref_slice %arg6[%mul3A_2, %dma_wait3A_34] : memref<802816x128xf32, #tpu.memory_space<hbm>> -> memref<128x128xf32, #tpu.memory_space<hbm>>
    %dma_wait3A_36 = arith.constant 0 : i32
    %dma_wait3A_37 = tpu.memref_slice %arg6[%mul3A_2, %dma_wait3A_36] : memref<802816x128xf32, #tpu.memory_space<hbm>> -> memref<128x128xf32, #tpu.memory_space<hbm>>
    %dma_wait3A_38 = arith.constant 0 : i32
    %dma_wait3A_39 = arith.constant 0 : i32
    %dma_wait3A_40 = tpu.memref_slice %arg9[%dma_wait3A_29, %dma_wait3A_38, %dma_wait3A_39] : memref<3x128x128xf32, #tpu.memory_space<vmem>> -> memref<1x128x128xf32, #tpu.memory_space<vmem>>
    %dma_wait3A_41 = tpu.memref_squeeze %dma_wait3A_40 : memref<1x128x128xf32, #tpu.memory_space<vmem>> -> memref<128x128xf32, #tpu.memory_space<vmem>>
    tpu.wait_dma2 semaphore(%arg11 : memref<!tpu.dma_semaphore, #tpu.memory_space<semaphore_mem>>) src(%dma_wait3A_41 : memref<128x128xf32, #tpu.memory_space<vmem>>) dst(%dma_wait3A_37 : memref<128x128xf32, #tpu.memory_space<hbm>>)
    "tpu.region"() ({
      %run_scoped3A = tpu.sem_alloc : memref<!tpu.dma_semaphore, #tpu.memory_space<semaphore_mem>>
      %dma_start3A_84 = tpu.memref_slice %arg5[%mul3A_2] : memref<802816xi32, #tpu.memory_space<hbm>> -> memref<25088xi32, #tpu.memory_space<hbm>>
      %dma_start3A_85 = tpu.memref_slice %arg5[%mul3A_2] : memref<802816xi32, #tpu.memory_space<hbm>> -> memref<25088xi32, #tpu.memory_space<hbm>>
      tpu.enqueue_dma source(%dma_start3A_85 : memref<25088xi32, #tpu.memory_space<hbm>>) target(%arg8 : memref<25088xi32, #tpu.memory_space<vmem>>) target_semaphore(%run_scoped3A : memref<!tpu.dma_semaphore, #tpu.memory_space<semaphore_mem>>)
      %dma_wait3A_86 = tpu.memref_slice %arg5[%mul3A_2] : memref<802816xi32, #tpu.memory_space<hbm>> -> memref<25088xi32, #tpu.memory_space<hbm>>
      %dma_wait3A_87 = tpu.memref_slice %arg5[%mul3A_2] : memref<802816xi32, #tpu.memory_space<hbm>> -> memref<25088xi32, #tpu.memory_space<hbm>>
      tpu.wait_dma2 semaphore(%run_scoped3A : memref<!tpu.dma_semaphore, #tpu.memory_space<semaphore_mem>>) src(%dma_wait3A_87 : memref<25088xi32, #tpu.memory_space<hbm>>) dst(%arg8 : memref<25088xi32, #tpu.memory_space<vmem>>)
      tpu.yield
    }) : () -> ()
    %dma_start3A_42 = arith.constant 0 : i32
    %dma_start3A_43 = arith.constant 0 : i32
    %dma_start3A_44 = arith.constant 0 : i32
    %dma_start3A_45 = tpu.memref_slice %arg9[%dma_start3A_42, %dma_start3A_43, %dma_start3A_44] : memref<3x128x128xf32, #tpu.memory_space<vmem>> -> memref<1x128x128xf32, #tpu.memory_space<vmem>>
    %dma_start3A_46 = tpu.memref_squeeze %dma_start3A_45 : memref<1x128x128xf32, #tpu.memory_space<vmem>> -> memref<128x128xf32, #tpu.memory_space<vmem>>
    %dma_start3A_47 = arith.constant 0 : i32
    %dma_start3A_48 = tpu.memref_slice %arg8[%dma_start3A_47] : memref<25088xi32, #tpu.memory_space<vmem>> -> memref<128xi32, #tpu.memory_space<vmem>>
    %dma_start3A_49 = arith.constant 0 : i32
    %dma_start3A_50 = arith.constant 0 : i32
    %dma_start3A_51 = tpu.memref_slice %arg3[%dma_start3A_49, %dma_start3A_50] : memref<50000x128xf32, #tpu.memory_space<hbm>> -> memref<50000x128xf32, #tpu.memory_space<hbm>>
    tpu.enqueue_indirect_dma source(%dma_start3A_51 : memref<50000x128xf32, #tpu.memory_space<hbm>>) target(%dma_start3A_46 : memref<128x128xf32, #tpu.memory_space<vmem>>) offsets(%dma_start3A_48 : memref<128xi32, #tpu.memory_space<vmem>>) semaphore(%arg10 : memref<!tpu.dma_semaphore, #tpu.memory_space<semaphore_mem>>)
    %scan3A_52 = arith.constant 0 : i32
    %scan3A_53 = arith.constant 0 : i32
    %scan3A_54 = arith.constant 196 : i32
    %scan3A_55 = arith.addi %scan3A_53, %scan3A_54 : i32
    %scan3A_56 = arith.constant 1 : i32
    scf.for %scan3A_84 = %scan3A_53 to %scan3A_55 step %scan3A_56  : i32 {
      %jit3A = arith.constant 3 : i32
      %eq3A = arith.constant 0 : i32
      %eq3A_85 = arith.cmpi eq, %jit3A, %eq3A : i32
      %jit3A_86 = arith.constant 1 : i32
      %select_n3A = arith.select %eq3A_85, %jit3A_86, %jit3A : i32
      %rem3A = arith.remsi %scan3A_84, %select_n3A : i32
      %ne3A = arith.constant 0 : i32
      %ne3A_87 = arith.cmpi ne, %rem3A, %ne3A : i32
      %lt3A = arith.constant 0 : i32
      %lt3A_88 = arith.cmpi slt, %rem3A, %lt3A : i32
      %lt3A_89 = arith.constant 0 : i32
      %lt3A_90 = arith.cmpi slt, %select_n3A, %lt3A_89 : i32
      %ne3A_91 = arith.xori %lt3A_88, %lt3A_90 : i1
      %and3A = arith.andi %ne3A_91, %ne3A_87 : i1
      %add3A_92 = arith.addi %rem3A, %select_n3A : i32
      %select_n3A_93 = arith.select %and3A, %add3A_92, %rem3A : i32
      %dma_wait3A_94 = arith.constant 0 : i32
      %dma_wait3A_95 = arith.constant 0 : i32
      %dma_wait3A_96 = tpu.memref_slice %arg9[%select_n3A_93, %dma_wait3A_94, %dma_wait3A_95] : memref<3x128x128xf32, #tpu.memory_space<vmem>> -> memref<1x128x128xf32, #tpu.memory_space<vmem>>
      %dma_wait3A_97 = tpu.memref_squeeze %dma_wait3A_96 : memref<1x128x128xf32, #tpu.memory_space<vmem>> -> memref<128x128xf32, #tpu.memory_space<vmem>>
      %dma_wait3A_98 = arith.constant 0 : i32
      %dma_wait3A_99 = tpu.memref_slice %arg8[%dma_wait3A_98] : memref<25088xi32, #tpu.memory_space<vmem>> -> memref<128xi32, #tpu.memory_space<vmem>>
      %dma_wait3A_100 = arith.constant 0 : i32
      %dma_wait3A_101 = arith.constant 0 : i32
      %dma_wait3A_102 = tpu.memref_slice %arg3[%dma_wait3A_100, %dma_wait3A_101] : memref<50000x128xf32, #tpu.memory_space<hbm>> -> memref<50000x128xf32, #tpu.memory_space<hbm>>
      tpu.wait_indirect_dma semaphore(%arg10 : memref<!tpu.dma_semaphore, #tpu.memory_space<semaphore_mem>>) src(%dma_wait3A_102 : memref<50000x128xf32, #tpu.memory_space<hbm>>) dst(%dma_wait3A_97 : memref<128x128xf32, #tpu.memory_space<vmem>>)
      %jit3A_103 = arith.constant 3 : i32
      %eq3A_104 = arith.constant 0 : i32
      %eq3A_105 = arith.cmpi eq, %jit3A_103, %eq3A_104 : i32
      %jit3A_106 = arith.constant 1 : i32
      %select_n3A_107 = arith.select %eq3A_105, %jit3A_106, %jit3A_103 : i32
      %rem3A_108 = arith.remsi %scan3A_84, %select_n3A_107 : i32
      %ne3A_109 = arith.constant 0 : i32
      %ne3A_110 = arith.cmpi ne, %rem3A_108, %ne3A_109 : i32
      %lt3A_111 = arith.constant 0 : i32
      %lt3A_112 = arith.cmpi slt, %rem3A_108, %lt3A_111 : i32
      %lt3A_113 = arith.constant 0 : i32
      %lt3A_114 = arith.cmpi slt, %select_n3A_107, %lt3A_113 : i32
      %ne3A_115 = arith.xori %lt3A_112, %lt3A_114 : i1
      %and3A_116 = arith.andi %ne3A_115, %ne3A_110 : i1
      %add3A_117 = arith.addi %rem3A_108, %select_n3A_107 : i32
      %select_n3A_118 = arith.select %and3A_116, %add3A_117, %rem3A_108 : i32
      %mul3A_119 = arith.constant 128 : i32
      %mul3A_120 = arith.muli %scan3A_84, %mul3A_119 : i32
      %add3A_121 = arith.addi %mul3A_2, %mul3A_120 : i32
      %dma_start3A_122 = arith.constant 0 : i32
      %dma_start3A_123 = arith.constant 0 : i32
      %dma_start3A_124 = tpu.memref_slice %arg9[%select_n3A_118, %dma_start3A_122, %dma_start3A_123] : memref<3x128x128xf32, #tpu.memory_space<vmem>> -> memref<1x128x128xf32, #tpu.memory_space<vmem>>
      %dma_start3A_125 = tpu.memref_squeeze %dma_start3A_124 : memref<1x128x128xf32, #tpu.memory_space<vmem>> -> memref<128x128xf32, #tpu.memory_space<vmem>>
      %dma_start3A_126 = arith.constant 0 : i32
      %dma_start3A_127 = tpu.memref_slice %arg7[%add3A_121, %dma_start3A_126] : memref<802816x128xf32, #tpu.memory_space<hbm>> -> memref<128x128xf32, #tpu.memory_space<hbm>>
      %dma_start3A_128 = arith.constant 0 : i32
      %dma_start3A_129 = tpu.memref_slice %arg7[%add3A_121, %dma_start3A_128] : memref<802816x128xf32, #tpu.memory_space<hbm>> -> memref<128x128xf32, #tpu.memory_space<hbm>>
      %dma_start3A_130 = arith.constant 0 : i32
      %dma_start3A_131 = arith.constant 0 : i32
      %dma_start3A_132 = tpu.memref_slice %arg9[%select_n3A_118, %dma_start3A_130, %dma_start3A_131] : memref<3x128x128xf32, #tpu.memory_space<vmem>> -> memref<1x128x128xf32, #tpu.memory_space<vmem>>
      %dma_start3A_133 = tpu.memref_squeeze %dma_start3A_132 : memref<1x128x128xf32, #tpu.memory_space<vmem>> -> memref<128x128xf32, #tpu.memory_space<vmem>>
      tpu.enqueue_dma source(%dma_start3A_133 : memref<128x128xf32, #tpu.memory_space<vmem>>) target(%dma_start3A_129 : memref<128x128xf32, #tpu.memory_space<hbm>>) target_semaphore(%arg11 : memref<!tpu.dma_semaphore, #tpu.memory_space<semaphore_mem>>)
      %ge3A = arith.constant 2 : i32
      %ge3A_134 = arith.cmpi sge, %scan3A_84, %ge3A : i32
      %convert_element_type3A = arith.extui %ge3A_134 : i1 to i32
      %cond3A = arith.constant 0 : i32
      %cond3A_135 = arith.cmpi ne, %convert_element_type3A, %cond3A : i32
      scf.if %cond3A_135 {
        %sub3A = arith.constant 2 : i32
        %sub3A_143 = arith.subi %scan3A_84, %sub3A : i32
        %jit3A_144 = arith.constant 3 : i32
        %eq3A_145 = arith.constant 0 : i32
        %eq3A_146 = arith.cmpi eq, %jit3A_144, %eq3A_145 : i32
        %jit3A_147 = arith.constant 1 : i32
        %select_n3A_148 = arith.select %eq3A_146, %jit3A_147, %jit3A_144 : i32
        %rem3A_149 = arith.remsi %sub3A_143, %select_n3A_148 : i32
        %ne3A_150 = arith.constant 0 : i32
        %ne3A_151 = arith.cmpi ne, %rem3A_149, %ne3A_150 : i32
        %lt3A_152 = arith.constant 0 : i32
        %lt3A_153 = arith.cmpi slt, %rem3A_149, %lt3A_152 : i32
        %lt3A_154 = arith.constant 0 : i32
        %lt3A_155 = arith.cmpi slt, %select_n3A_148, %lt3A_154 : i32
        %ne3A_156 = arith.xori %lt3A_153, %lt3A_155 : i1
        %and3A_157 = arith.andi %ne3A_156, %ne3A_151 : i1
        %add3A_158 = arith.addi %rem3A_149, %select_n3A_148 : i32
        %select_n3A_159 = arith.select %and3A_157, %add3A_158, %rem3A_149 : i32
        %dma_wait3A_160 = arith.constant 0 : i32
        %dma_wait3A_161 = arith.constant 0 : i32
        %dma_wait3A_162 = tpu.memref_slice %arg9[%select_n3A_159, %dma_wait3A_160, %dma_wait3A_161] : memref<3x128x128xf32, #tpu.memory_space<vmem>> -> memref<1x128x128xf32, #tpu.memory_space<vmem>>
        %dma_wait3A_163 = tpu.memref_squeeze %dma_wait3A_162 : memref<1x128x128xf32, #tpu.memory_space<vmem>> -> memref<128x128xf32, #tpu.memory_space<vmem>>
        %dma_wait3A_164 = arith.constant 0 : i32
        %dma_wait3A_165 = tpu.memref_slice %arg7[%mul3A_2, %dma_wait3A_164] : memref<802816x128xf32, #tpu.memory_space<hbm>> -> memref<128x128xf32, #tpu.memory_space<hbm>>
        %dma_wait3A_166 = arith.constant 0 : i32
        %dma_wait3A_167 = tpu.memref_slice %arg7[%mul3A_2, %dma_wait3A_166] : memref<802816x128xf32, #tpu.memory_space<hbm>> -> memref<128x128xf32, #tpu.memory_space<hbm>>
        %dma_wait3A_168 = arith.constant 0 : i32
        %dma_wait3A_169 = arith.constant 0 : i32
        %dma_wait3A_170 = tpu.memref_slice %arg9[%select_n3A_159, %dma_wait3A_168, %dma_wait3A_169] : memref<3x128x128xf32, #tpu.memory_space<vmem>> -> memref<1x128x128xf32, #tpu.memory_space<vmem>>
        %dma_wait3A_171 = tpu.memref_squeeze %dma_wait3A_170 : memref<1x128x128xf32, #tpu.memory_space<vmem>> -> memref<128x128xf32, #tpu.memory_space<vmem>>
        tpu.wait_dma2 semaphore(%arg11 : memref<!tpu.dma_semaphore, #tpu.memory_space<semaphore_mem>>) src(%dma_wait3A_171 : memref<128x128xf32, #tpu.memory_space<vmem>>) dst(%dma_wait3A_167 : memref<128x128xf32, #tpu.memory_space<hbm>>)
      } else {
      }
      %add3A_136 = arith.constant 1 : i32
      %add3A_137 = arith.addi %scan3A_84, %add3A_136 : i32
      %lt3A_138 = arith.constant 196 : i32
      %lt3A_139 = arith.cmpi slt, %add3A_137, %lt3A_138 : i32
      %convert_element_type3A_140 = arith.extui %lt3A_139 : i1 to i32
      %cond3A_141 = arith.constant 0 : i32
      %cond3A_142 = arith.cmpi ne, %convert_element_type3A_140, %cond3A_141 : i32
      scf.if %cond3A_142 {
        %add3A_143 = arith.constant 1 : i32
        %add3A_144 = arith.addi %scan3A_84, %add3A_143 : i32
        %mul3A_145 = arith.constant 128 : i32
        %mul3A_146 = arith.muli %add3A_144, %mul3A_145 : i32
        %jit3A_147 = arith.constant 3 : i32
        %eq3A_148 = arith.constant 0 : i32
        %eq3A_149 = arith.cmpi eq, %jit3A_147, %eq3A_148 : i32
        %jit3A_150 = arith.constant 1 : i32
        %select_n3A_151 = arith.select %eq3A_149, %jit3A_150, %jit3A_147 : i32
        %rem3A_152 = arith.remsi %add3A_144, %select_n3A_151 : i32
        %ne3A_153 = arith.constant 0 : i32
        %ne3A_154 = arith.cmpi ne, %rem3A_152, %ne3A_153 : i32
        %lt3A_155 = arith.constant 0 : i32
        %lt3A_156 = arith.cmpi slt, %rem3A_152, %lt3A_155 : i32
        %lt3A_157 = arith.constant 0 : i32
        %lt3A_158 = arith.cmpi slt, %select_n3A_151, %lt3A_157 : i32
        %ne3A_159 = arith.xori %lt3A_156, %lt3A_158 : i1
        %and3A_160 = arith.andi %ne3A_159, %ne3A_154 : i1
        %add3A_161 = arith.addi %rem3A_152, %select_n3A_151 : i32
        %select_n3A_162 = arith.select %and3A_160, %add3A_161, %rem3A_152 : i32
        %dma_start3A_163 = arith.constant 0 : i32
        %dma_start3A_164 = arith.constant 0 : i32
        %dma_start3A_165 = tpu.memref_slice %arg9[%select_n3A_162, %dma_start3A_163, %dma_start3A_164] : memref<3x128x128xf32, #tpu.memory_space<vmem>> -> memref<1x128x128xf32, #tpu.memory_space<vmem>>
        %dma_start3A_166 = tpu.memref_squeeze %dma_start3A_165 : memref<1x128x128xf32, #tpu.memory_space<vmem>> -> memref<128x128xf32, #tpu.memory_space<vmem>>
        %dma_start3A_167 = tpu.memref_slice %arg8[%mul3A_146] : memref<25088xi32, #tpu.memory_space<vmem>> -> memref<128xi32, #tpu.memory_space<vmem>>
        %dma_start3A_168 = arith.constant 0 : i32
        %dma_start3A_169 = arith.constant 0 : i32
        %dma_start3A_170 = tpu.memref_slice %arg3[%dma_start3A_168, %dma_start3A_169] : memref<50000x128xf32, #tpu.memory_space<hbm>> -> memref<50000x128xf32, #tpu.memory_space<hbm>>
        tpu.enqueue_indirect_dma source(%dma_start3A_170 : memref<50000x128xf32, #tpu.memory_space<hbm>>) target(%dma_start3A_166 : memref<128x128xf32, #tpu.memory_space<vmem>>) offsets(%dma_start3A_167 : memref<128xi32, #tpu.memory_space<vmem>>) semaphore(%arg10 : memref<!tpu.dma_semaphore, #tpu.memory_space<semaphore_mem>>)
      } else {
      }
    }
    %scan3A_57 = arith.constant 196 : i32
    %dma_wait3A_58 = arith.constant 2 : i32
    %dma_wait3A_59 = arith.constant 0 : i32
    %dma_wait3A_60 = arith.constant 0 : i32
    %dma_wait3A_61 = tpu.memref_slice %arg9[%dma_wait3A_58, %dma_wait3A_59, %dma_wait3A_60] : memref<3x128x128xf32, #tpu.memory_space<vmem>> -> memref<1x128x128xf32, #tpu.memory_space<vmem>>
    %dma_wait3A_62 = tpu.memref_squeeze %dma_wait3A_61 : memref<1x128x128xf32, #tpu.memory_space<vmem>> -> memref<128x128xf32, #tpu.memory_space<vmem>>
    %dma_wait3A_63 = arith.constant 0 : i32
    %dma_wait3A_64 = tpu.memref_slice %arg7[%mul3A_2, %dma_wait3A_63] : memref<802816x128xf32, #tpu.memory_space<hbm>> -> memref<128x128xf32, #tpu.memory_space<hbm>>
    %dma_wait3A_65 = arith.constant 0 : i32
    %dma_wait3A_66 = tpu.memref_slice %arg7[%mul3A_2, %dma_wait3A_65] : memref<802816x128xf32, #tpu.memory_space<hbm>> -> memref<128x128xf32, #tpu.memory_space<hbm>>
    %dma_wait3A_67 = arith.constant 0 : i32
    %dma_wait3A_68 = arith.constant 0 : i32
    %dma_wait3A_69 = tpu.memref_slice %arg9[%dma_wait3A_58, %dma_wait3A_67, %dma_wait3A_68] : memref<3x128x128xf32, #tpu.memory_space<vmem>> -> memref<1x128x128xf32, #tpu.memory_space<vmem>>
    %dma_wait3A_70 = tpu.memref_squeeze %dma_wait3A_69 : memref<1x128x128xf32, #tpu.memory_space<vmem>> -> memref<128x128xf32, #tpu.memory_space<vmem>>
    tpu.wait_dma2 semaphore(%arg11 : memref<!tpu.dma_semaphore, #tpu.memory_space<semaphore_mem>>) src(%dma_wait3A_70 : memref<128x128xf32, #tpu.memory_space<vmem>>) dst(%dma_wait3A_66 : memref<128x128xf32, #tpu.memory_space<hbm>>)
    %dma_wait3A_71 = arith.constant 0 : i32
    %dma_wait3A_72 = arith.constant 0 : i32
    %dma_wait3A_73 = arith.constant 0 : i32
    %dma_wait3A_74 = tpu.memref_slice %arg9[%dma_wait3A_71, %dma_wait3A_72, %dma_wait3A_73] : memref<3x128x128xf32, #tpu.memory_space<vmem>> -> memref<1x128x128xf32, #tpu.memory_space<vmem>>
    %dma_wait3A_75 = tpu.memref_squeeze %dma_wait3A_74 : memref<1x128x128xf32, #tpu.memory_space<vmem>> -> memref<128x128xf32, #tpu.memory_space<vmem>>
    %dma_wait3A_76 = arith.constant 0 : i32
    %dma_wait3A_77 = tpu.memref_slice %arg7[%mul3A_2, %dma_wait3A_76] : memref<802816x128xf32, #tpu.memory_space<hbm>> -> memref<128x128xf32, #tpu.memory_space<hbm>>
    %dma_wait3A_78 = arith.constant 0 : i32
    %dma_wait3A_79 = tpu.memref_slice %arg7[%mul3A_2, %dma_wait3A_78] : memref<802816x128xf32, #tpu.memory_space<hbm>> -> memref<128x128xf32, #tpu.memory_space<hbm>>
    %dma_wait3A_80 = arith.constant 0 : i32
    %dma_wait3A_81 = arith.constant 0 : i32
    %dma_wait3A_82 = tpu.memref_slice %arg9[%dma_wait3A_71, %dma_wait3A_80, %dma_wait3A_81] : memref<3x128x128xf32, #tpu.memory_space<vmem>> -> memref<1x128x128xf32, #tpu.memory_space<vmem>>
    %dma_wait3A_83 = tpu.memref_squeeze %dma_wait3A_82 : memref<1x128x128xf32, #tpu.memory_space<vmem>> -> memref<128x128xf32, #tpu.memory_space<vmem>>
    tpu.wait_dma2 semaphore(%arg11 : memref<!tpu.dma_semaphore, #tpu.memory_space<semaphore_mem>>) src(%dma_wait3A_83 : memref<128x128xf32, #tpu.memory_space<vmem>>) dst(%dma_wait3A_79 : memref<128x128xf32, #tpu.memory_space<hbm>>)
    return
  }
}

#map = affine_map<(d0, d1) -> (0, 0)>
#map1 = affine_map<(d0, d1) -> (0)>
module attributes {stable_mosaic.version = 14 : i64} {
  func.func @k(%arg0: i32, %arg1: i32, %arg2: memref<802816x128xf32, #tpu.memory_space<hbm>>, %arg3: memref<3211264xi32, #tpu.memory_space<hbm>>, %arg4: memref<792x128xf32, #tpu.memory_space<hbm>>, %arg5: memref<50176x128xf32, #tpu.memory_space<hbm>>, %arg6: memref<2x64xi32, #tpu.memory_space<vmem>>, %arg7: memref<2x64x128xf32, #tpu.memory_space<vmem>>, %arg8: memref<12672x128xf32, #tpu.memory_space<vmem_shared>>, %arg9: memref<!tpu.dma_semaphore, #tpu.memory_space<semaphore_mem>>, %arg10: memref<!tpu.dma_semaphore, #tpu.memory_space<semaphore_mem>>) attributes {dimension_semantics = [#tpu.dimension_semantics<core_parallel>, #tpu.dimension_semantics<subcore_parallel>], iteration_bounds = array<i64: 2, 16>, scalar_prefetch = 0 : i64, scratch_operands = 5 : i64, tpu.core_type = #tpu.core_type<sc_vector_subcore>, window_params = [{transform_indices = #map}, {transform_indices = #map1}, {transform_indices = #map}, {transform_indices = #map}]} {
    %mul3A = arith.constant 2 : i32
    %mul3A_0 = arith.muli %mul3A, %arg0 : i32
    %add3A = arith.constant 0 : i32
    %add3A_1 = arith.addi %mul3A_0, %add3A : i32
    %mul3A_2 = arith.constant 792 : i32
    %mul3A_3 = arith.muli %arg1, %mul3A_2 : i32
    "tpu.region"() ({
      %run_scoped3A = tpu.sem_alloc : memref<!tpu.dma_semaphore, #tpu.memory_space<semaphore_mem>>
      %dma_start3A_120 = arith.constant 0 : i32
      %dma_start3A_121 = tpu.memref_slice %arg8[%mul3A_3, %dma_start3A_120] : memref<12672x128xf32, #tpu.memory_space<vmem_shared>> -> memref<792x128xf32, #tpu.memory_space<vmem_shared>>
      tpu.enqueue_dma source(%arg4 : memref<792x128xf32, #tpu.memory_space<hbm>>) target(%dma_start3A_121 : memref<792x128xf32, #tpu.memory_space<vmem_shared>>) target_semaphore(%run_scoped3A : memref<!tpu.dma_semaphore, #tpu.memory_space<semaphore_mem>>)
      %dma_wait3A_122 = arith.constant 0 : i32
      %dma_wait3A_123 = tpu.memref_slice %arg8[%mul3A_3, %dma_wait3A_122] : memref<12672x128xf32, #tpu.memory_space<vmem_shared>> -> memref<792x128xf32, #tpu.memory_space<vmem_shared>>
      tpu.wait_dma2 semaphore(%run_scoped3A : memref<!tpu.dma_semaphore, #tpu.memory_space<semaphore_mem>>) src(%arg4 : memref<792x128xf32, #tpu.memory_space<hbm>>) dst(%dma_wait3A_123 : memref<792x128xf32, #tpu.memory_space<vmem_shared>>)
      tpu.yield
    }) : () -> ()
    %barrier3A = arith.constant 0 : index
    tpu.barrier barrier_id(%barrier3A)
    %mul3A_4 = arith.constant 50176 : i32
    %mul3A_5 = arith.muli %arg1, %mul3A_4 : i32
    %add3A_6 = arith.constant 0 : i32
    %add3A_7 = arith.addi %mul3A_5, %add3A_6 : i32
    %mul3A_8 = arith.constant 802816 : i32
    %mul3A_9 = arith.muli %add3A_1, %mul3A_8 : i32
    %add3A_10 = arith.addi %mul3A_9, %add3A_7 : i32
    %dma_start3A = arith.constant 0 : i32
    %dma_start3A_11 = arith.constant 0 : i32
    %dma_start3A_12 = tpu.memref_slice %arg6[%dma_start3A, %dma_start3A_11] : memref<2x64xi32, #tpu.memory_space<vmem>> -> memref<1x64xi32, #tpu.memory_space<vmem>>
    %dma_start3A_13 = tpu.memref_squeeze %dma_start3A_12 : memref<1x64xi32, #tpu.memory_space<vmem>> -> memref<64xi32, #tpu.memory_space<vmem>>
    %dma_start3A_14 = tpu.memref_slice %arg3[%add3A_10] : memref<3211264xi32, #tpu.memory_space<hbm>> -> memref<64xi32, #tpu.memory_space<hbm>>
    %dma_start3A_15 = arith.constant 0 : i32
    %dma_start3A_16 = tpu.memref_slice %arg6[%dma_start3A, %dma_start3A_15] : memref<2x64xi32, #tpu.memory_space<vmem>> -> memref<1x64xi32, #tpu.memory_space<vmem>>
    %dma_start3A_17 = tpu.memref_squeeze %dma_start3A_16 : memref<1x64xi32, #tpu.memory_space<vmem>> -> memref<64xi32, #tpu.memory_space<vmem>>
    %dma_start3A_18 = tpu.memref_slice %arg3[%add3A_10] : memref<3211264xi32, #tpu.memory_space<hbm>> -> memref<64xi32, #tpu.memory_space<hbm>>
    tpu.enqueue_dma source(%dma_start3A_18 : memref<64xi32, #tpu.memory_space<hbm>>) target(%dma_start3A_17 : memref<64xi32, #tpu.memory_space<vmem>>) target_semaphore(%arg9 : memref<!tpu.dma_semaphore, #tpu.memory_space<semaphore_mem>>)
    %dma_start3A_19 = arith.constant 0 : i32
    %dma_start3A_20 = arith.constant 0 : i32
    %dma_start3A_21 = arith.constant 0 : i32
    %dma_start3A_22 = tpu.memref_slice %arg7[%dma_start3A_19, %dma_start3A_20, %dma_start3A_21] : memref<2x64x128xf32, #tpu.memory_space<vmem>> -> memref<1x64x128xf32, #tpu.memory_space<vmem>>
    %dma_start3A_23 = tpu.memref_squeeze %dma_start3A_22 : memref<1x64x128xf32, #tpu.memory_space<vmem>> -> memref<64x128xf32, #tpu.memory_space<vmem>>
    %dma_start3A_24 = arith.constant 0 : i32
    %dma_start3A_25 = tpu.memref_slice %arg2[%add3A_7, %dma_start3A_24] : memref<802816x128xf32, #tpu.memory_space<hbm>> -> memref<64x128xf32, #tpu.memory_space<hbm>>
    %dma_start3A_26 = arith.constant 0 : i32
    %dma_start3A_27 = arith.constant 0 : i32
    %dma_start3A_28 = tpu.memref_slice %arg7[%dma_start3A_19, %dma_start3A_26, %dma_start3A_27] : memref<2x64x128xf32, #tpu.memory_space<vmem>> -> memref<1x64x128xf32, #tpu.memory_space<vmem>>
    %dma_start3A_29 = tpu.memref_squeeze %dma_start3A_28 : memref<1x64x128xf32, #tpu.memory_space<vmem>> -> memref<64x128xf32, #tpu.memory_space<vmem>>
    %dma_start3A_30 = arith.constant 0 : i32
    %dma_start3A_31 = tpu.memref_slice %arg2[%add3A_7, %dma_start3A_30] : memref<802816x128xf32, #tpu.memory_space<hbm>> -> memref<64x128xf32, #tpu.memory_space<hbm>>
    tpu.enqueue_dma source(%dma_start3A_31 : memref<64x128xf32, #tpu.memory_space<hbm>>) target(%dma_start3A_29 : memref<64x128xf32, #tpu.memory_space<vmem>>) target_semaphore(%arg9 : memref<!tpu.dma_semaphore, #tpu.memory_space<semaphore_mem>>)
    %scan3A = arith.constant 0 : i32
    %scan3A_32 = arith.constant 0 : i32
    %scan3A_33 = arith.constant 784 : i32
    %scan3A_34 = arith.addi %scan3A_32, %scan3A_33 : i32
    %scan3A_35 = arith.constant 1 : i32
    scf.for %scan3A_120 = %scan3A_32 to %scan3A_34 step %scan3A_35  : i32 {
      %ge3A = arith.constant 1 : i32
      %ge3A_121 = arith.cmpi sge, %scan3A_120, %ge3A : i32
      %convert_element_type3A = arith.extui %ge3A_121 : i1 to i32
      %cond3A = arith.constant 0 : i32
      %cond3A_122 = arith.cmpi ne, %convert_element_type3A, %cond3A : i32
      scf.if %cond3A_122 {
        %sub3A = arith.constant 1 : i32
        %sub3A_221 = arith.subi %scan3A_120, %sub3A : i32
        %jit3A_222 = arith.constant 2 : i32
        %eq3A_223 = arith.constant 0 : i32
        %eq3A_224 = arith.cmpi eq, %jit3A_222, %eq3A_223 : i32
        %jit3A_225 = arith.constant 1 : i32
        %select_n3A_226 = arith.select %eq3A_224, %jit3A_225, %jit3A_222 : i32
        %rem3A_227 = arith.remsi %sub3A_221, %select_n3A_226 : i32
        %ne3A_228 = arith.constant 0 : i32
        %ne3A_229 = arith.cmpi ne, %rem3A_227, %ne3A_228 : i32
        %lt3A_230 = arith.constant 0 : i32
        %lt3A_231 = arith.cmpi slt, %rem3A_227, %lt3A_230 : i32
        %lt3A_232 = arith.constant 0 : i32
        %lt3A_233 = arith.cmpi slt, %select_n3A_226, %lt3A_232 : i32
        %ne3A_234 = arith.xori %lt3A_231, %lt3A_233 : i1
        %and3A_235 = arith.andi %ne3A_234, %ne3A_229 : i1
        %add3A_236 = arith.addi %rem3A_227, %select_n3A_226 : i32
        %select_n3A_237 = arith.select %and3A_235, %add3A_236, %rem3A_227 : i32
        %jit3A_238 = arith.constant 2 : i32
        %eq3A_239 = arith.constant 0 : i32
        %eq3A_240 = arith.cmpi eq, %jit3A_238, %eq3A_239 : i32
        %jit3A_241 = arith.constant 1 : i32
        %select_n3A_242 = arith.select %eq3A_240, %jit3A_241, %jit3A_238 : i32
        %rem3A_243 = arith.remsi %sub3A_221, %select_n3A_242 : i32
        %ne3A_244 = arith.constant 0 : i32
        %ne3A_245 = arith.cmpi ne, %rem3A_243, %ne3A_244 : i32
        %lt3A_246 = arith.constant 0 : i32
        %lt3A_247 = arith.cmpi slt, %rem3A_243, %lt3A_246 : i32
        %lt3A_248 = arith.constant 0 : i32
        %lt3A_249 = arith.cmpi slt, %select_n3A_242, %lt3A_248 : i32
        %ne3A_250 = arith.xori %lt3A_247, %lt3A_249 : i1
        %and3A_251 = arith.andi %ne3A_250, %ne3A_245 : i1
        %add3A_252 = arith.addi %rem3A_243, %select_n3A_242 : i32
        %select_n3A_253 = arith.select %and3A_251, %add3A_252, %rem3A_243 : i32
        %dma_wait3A_254 = arith.constant 0 : i32
        %dma_wait3A_255 = arith.constant 0 : i32
        %dma_wait3A_256 = tpu.memref_slice %arg7[%select_n3A_237, %dma_wait3A_254, %dma_wait3A_255] : memref<2x64x128xf32, #tpu.memory_space<vmem>> -> memref<1x64x128xf32, #tpu.memory_space<vmem>>
        %dma_wait3A_257 = tpu.memref_squeeze %dma_wait3A_256 : memref<1x64x128xf32, #tpu.memory_space<vmem>> -> memref<64x128xf32, #tpu.memory_space<vmem>>
        %dma_wait3A_258 = arith.constant 0 : i32
        %dma_wait3A_259 = tpu.memref_slice %arg6[%select_n3A_253, %dma_wait3A_258] : memref<2x64xi32, #tpu.memory_space<vmem>> -> memref<1x64xi32, #tpu.memory_space<vmem>>
        %dma_wait3A_260 = tpu.memref_squeeze %dma_wait3A_259 : memref<1x64xi32, #tpu.memory_space<vmem>> -> memref<64xi32, #tpu.memory_space<vmem>>
        %dma_wait3A_261 = arith.constant 0 : i32
        %dma_wait3A_262 = arith.constant 0 : i32
        %dma_wait3A_263 = tpu.memref_slice %arg8[%dma_wait3A_261, %dma_wait3A_262] : memref<12672x128xf32, #tpu.memory_space<vmem_shared>> -> memref<12672x128xf32, #tpu.memory_space<vmem_shared>>
        tpu.wait_indirect_dma semaphore(%arg10 : memref<!tpu.dma_semaphore, #tpu.memory_space<semaphore_mem>>) src(%dma_wait3A_257 : memref<64x128xf32, #tpu.memory_space<vmem>>) dst(%dma_wait3A_263 : memref<12672x128xf32, #tpu.memory_space<vmem_shared>>)
      } else {
      }
      %add3A_123 = arith.constant 1 : i32
      %add3A_124 = arith.addi %scan3A_120, %add3A_123 : i32
      %lt3A = arith.constant 784 : i32
      %lt3A_125 = arith.cmpi slt, %add3A_124, %lt3A : i32
      %convert_element_type3A_126 = arith.extui %lt3A_125 : i1 to i32
      %cond3A_127 = arith.constant 0 : i32
      %cond3A_128 = arith.cmpi ne, %convert_element_type3A_126, %cond3A_127 : i32
      scf.if %cond3A_128 {
        %add3A_221 = arith.constant 1 : i32
        %add3A_222 = arith.addi %scan3A_120, %add3A_221 : i32
        %mul3A_223 = arith.constant 50176 : i32
        %mul3A_224 = arith.muli %arg1, %mul3A_223 : i32
        %mul3A_225 = arith.constant 64 : i32
        %mul3A_226 = arith.muli %add3A_222, %mul3A_225 : i32
        %add3A_227 = arith.addi %mul3A_224, %mul3A_226 : i32
        %mul3A_228 = arith.constant 802816 : i32
        %mul3A_229 = arith.muli %add3A_1, %mul3A_228 : i32
        %add3A_230 = arith.addi %mul3A_229, %add3A_227 : i32
        %jit3A_231 = arith.constant 2 : i32
        %eq3A_232 = arith.constant 0 : i32
        %eq3A_233 = arith.cmpi eq, %jit3A_231, %eq3A_232 : i32
        %jit3A_234 = arith.constant 1 : i32
        %select_n3A_235 = arith.select %eq3A_233, %jit3A_234, %jit3A_231 : i32
        %rem3A_236 = arith.remsi %add3A_222, %select_n3A_235 : i32
        %ne3A_237 = arith.constant 0 : i32
        %ne3A_238 = arith.cmpi ne, %rem3A_236, %ne3A_237 : i32
        %lt3A_239 = arith.constant 0 : i32
        %lt3A_240 = arith.cmpi slt, %rem3A_236, %lt3A_239 : i32
        %lt3A_241 = arith.constant 0 : i32
        %lt3A_242 = arith.cmpi slt, %select_n3A_235, %lt3A_241 : i32
        %ne3A_243 = arith.xori %lt3A_240, %lt3A_242 : i1
        %and3A_244 = arith.andi %ne3A_243, %ne3A_238 : i1
        %add3A_245 = arith.addi %rem3A_236, %select_n3A_235 : i32
        %select_n3A_246 = arith.select %and3A_244, %add3A_245, %rem3A_236 : i32
        %dma_start3A_247 = arith.constant 0 : i32
        %dma_start3A_248 = tpu.memref_slice %arg6[%select_n3A_246, %dma_start3A_247] : memref<2x64xi32, #tpu.memory_space<vmem>> -> memref<1x64xi32, #tpu.memory_space<vmem>>
        %dma_start3A_249 = tpu.memref_squeeze %dma_start3A_248 : memref<1x64xi32, #tpu.memory_space<vmem>> -> memref<64xi32, #tpu.memory_space<vmem>>
        %dma_start3A_250 = tpu.memref_slice %arg3[%add3A_230] : memref<3211264xi32, #tpu.memory_space<hbm>> -> memref<64xi32, #tpu.memory_space<hbm>>
        %dma_start3A_251 = arith.constant 0 : i32
        %dma_start3A_252 = tpu.memref_slice %arg6[%select_n3A_246, %dma_start3A_251] : memref<2x64xi32, #tpu.memory_space<vmem>> -> memref<1x64xi32, #tpu.memory_space<vmem>>
        %dma_start3A_253 = tpu.memref_squeeze %dma_start3A_252 : memref<1x64xi32, #tpu.memory_space<vmem>> -> memref<64xi32, #tpu.memory_space<vmem>>
        %dma_start3A_254 = tpu.memref_slice %arg3[%add3A_230] : memref<3211264xi32, #tpu.memory_space<hbm>> -> memref<64xi32, #tpu.memory_space<hbm>>
        tpu.enqueue_dma source(%dma_start3A_254 : memref<64xi32, #tpu.memory_space<hbm>>) target(%dma_start3A_253 : memref<64xi32, #tpu.memory_space<vmem>>) target_semaphore(%arg9 : memref<!tpu.dma_semaphore, #tpu.memory_space<semaphore_mem>>)
        %jit3A_255 = arith.constant 2 : i32
        %eq3A_256 = arith.constant 0 : i32
        %eq3A_257 = arith.cmpi eq, %jit3A_255, %eq3A_256 : i32
        %jit3A_258 = arith.constant 1 : i32
        %select_n3A_259 = arith.select %eq3A_257, %jit3A_258, %jit3A_255 : i32
        %rem3A_260 = arith.remsi %add3A_222, %select_n3A_259 : i32
        %ne3A_261 = arith.constant 0 : i32
        %ne3A_262 = arith.cmpi ne, %rem3A_260, %ne3A_261 : i32
        %lt3A_263 = arith.constant 0 : i32
        %lt3A_264 = arith.cmpi slt, %rem3A_260, %lt3A_263 : i32
        %lt3A_265 = arith.constant 0 : i32
        %lt3A_266 = arith.cmpi slt, %select_n3A_259, %lt3A_265 : i32
        %ne3A_267 = arith.xori %lt3A_264, %lt3A_266 : i1
        %and3A_268 = arith.andi %ne3A_267, %ne3A_262 : i1
        %add3A_269 = arith.addi %rem3A_260, %select_n3A_259 : i32
        %select_n3A_270 = arith.select %and3A_268, %add3A_269, %rem3A_260 : i32
        %dma_start3A_271 = arith.constant 0 : i32
        %dma_start3A_272 = arith.constant 0 : i32
        %dma_start3A_273 = tpu.memref_slice %arg7[%select_n3A_270, %dma_start3A_271, %dma_start3A_272] : memref<2x64x128xf32, #tpu.memory_space<vmem>> -> memref<1x64x128xf32, #tpu.memory_space<vmem>>
        %dma_start3A_274 = tpu.memref_squeeze %dma_start3A_273 : memref<1x64x128xf32, #tpu.memory_space<vmem>> -> memref<64x128xf32, #tpu.memory_space<vmem>>
        %dma_start3A_275 = arith.constant 0 : i32
        %dma_start3A_276 = tpu.memref_slice %arg2[%add3A_227, %dma_start3A_275] : memref<802816x128xf32, #tpu.memory_space<hbm>> -> memref<64x128xf32, #tpu.memory_space<hbm>>
        %dma_start3A_277 = arith.constant 0 : i32
        %dma_start3A_278 = arith.constant 0 : i32
        %dma_start3A_279 = tpu.memref_slice %arg7[%select_n3A_270, %dma_start3A_277, %dma_start3A_278] : memref<2x64x128xf32, #tpu.memory_space<vmem>> -> memref<1x64x128xf32, #tpu.memory_space<vmem>>
        %dma_start3A_280 = tpu.memref_squeeze %dma_start3A_279 : memref<1x64x128xf32, #tpu.memory_space<vmem>> -> memref<64x128xf32, #tpu.memory_space<vmem>>
        %dma_start3A_281 = arith.constant 0 : i32
        %dma_start3A_282 = tpu.memref_slice %arg2[%add3A_227, %dma_start3A_281] : memref<802816x128xf32, #tpu.memory_space<hbm>> -> memref<64x128xf32, #tpu.memory_space<hbm>>
        tpu.enqueue_dma source(%dma_start3A_282 : memref<64x128xf32, #tpu.memory_space<hbm>>) target(%dma_start3A_280 : memref<64x128xf32, #tpu.memory_space<vmem>>) target_semaphore(%arg9 : memref<!tpu.dma_semaphore, #tpu.memory_space<semaphore_mem>>)
      } else {
      }
      %jit3A = arith.constant 2 : i32
      %eq3A = arith.constant 0 : i32
      %eq3A_129 = arith.cmpi eq, %jit3A, %eq3A : i32
      %jit3A_130 = arith.constant 1 : i32
      %select_n3A = arith.select %eq3A_129, %jit3A_130, %jit3A : i32
      %rem3A = arith.remsi %scan3A_120, %select_n3A : i32
      %ne3A = arith.constant 0 : i32
      %ne3A_131 = arith.cmpi ne, %rem3A, %ne3A : i32
      %lt3A_132 = arith.constant 0 : i32
      %lt3A_133 = arith.cmpi slt, %rem3A, %lt3A_132 : i32
      %lt3A_134 = arith.constant 0 : i32
      %lt3A_135 = arith.cmpi slt, %select_n3A, %lt3A_134 : i32
      %ne3A_136 = arith.xori %lt3A_133, %lt3A_135 : i1
      %and3A = arith.andi %ne3A_136, %ne3A_131 : i1
      %add3A_137 = arith.addi %rem3A, %select_n3A : i32
      %select_n3A_138 = arith.select %and3A, %add3A_137, %rem3A : i32
      %dma_wait3A_139 = arith.constant 0 : i32
      %dma_wait3A_140 = tpu.memref_slice %arg6[%select_n3A_138, %dma_wait3A_139] : memref<2x64xi32, #tpu.memory_space<vmem>> -> memref<1x64xi32, #tpu.memory_space<vmem>>
      %dma_wait3A_141 = tpu.memref_squeeze %dma_wait3A_140 : memref<1x64xi32, #tpu.memory_space<vmem>> -> memref<64xi32, #tpu.memory_space<vmem>>
      %dma_wait3A_142 = arith.constant 0 : i32
      %dma_wait3A_143 = tpu.memref_slice %arg3[%dma_wait3A_142] : memref<3211264xi32, #tpu.memory_space<hbm>> -> memref<64xi32, #tpu.memory_space<hbm>>
      %dma_wait3A_144 = arith.constant 0 : i32
      %dma_wait3A_145 = tpu.memref_slice %arg6[%select_n3A_138, %dma_wait3A_144] : memref<2x64xi32, #tpu.memory_space<vmem>> -> memref<1x64xi32, #tpu.memory_space<vmem>>
      %dma_wait3A_146 = tpu.memref_squeeze %dma_wait3A_145 : memref<1x64xi32, #tpu.memory_space<vmem>> -> memref<64xi32, #tpu.memory_space<vmem>>
      %dma_wait3A_147 = arith.constant 0 : i32
      %dma_wait3A_148 = tpu.memref_slice %arg3[%dma_wait3A_147] : memref<3211264xi32, #tpu.memory_space<hbm>> -> memref<64xi32, #tpu.memory_space<hbm>>
      tpu.wait_dma2 semaphore(%arg9 : memref<!tpu.dma_semaphore, #tpu.memory_space<semaphore_mem>>) src(%dma_wait3A_148 : memref<64xi32, #tpu.memory_space<hbm>>) dst(%dma_wait3A_146 : memref<64xi32, #tpu.memory_space<vmem>>)
      %jit3A_149 = arith.constant 2 : i32
      %eq3A_150 = arith.constant 0 : i32
      %eq3A_151 = arith.cmpi eq, %jit3A_149, %eq3A_150 : i32
      %jit3A_152 = arith.constant 1 : i32
      %select_n3A_153 = arith.select %eq3A_151, %jit3A_152, %jit3A_149 : i32
      %rem3A_154 = arith.remsi %scan3A_120, %select_n3A_153 : i32
      %ne3A_155 = arith.constant 0 : i32
      %ne3A_156 = arith.cmpi ne, %rem3A_154, %ne3A_155 : i32
      %lt3A_157 = arith.constant 0 : i32
      %lt3A_158 = arith.cmpi slt, %rem3A_154, %lt3A_157 : i32
      %lt3A_159 = arith.constant 0 : i32
      %lt3A_160 = arith.cmpi slt, %select_n3A_153, %lt3A_159 : i32
      %ne3A_161 = arith.xori %lt3A_158, %lt3A_160 : i1
      %and3A_162 = arith.andi %ne3A_161, %ne3A_156 : i1
      %add3A_163 = arith.addi %rem3A_154, %select_n3A_153 : i32
      %select_n3A_164 = arith.select %and3A_162, %add3A_163, %rem3A_154 : i32
      %dma_wait3A_165 = arith.constant 0 : i32
      %dma_wait3A_166 = arith.constant 0 : i32
      %dma_wait3A_167 = tpu.memref_slice %arg7[%select_n3A_164, %dma_wait3A_165, %dma_wait3A_166] : memref<2x64x128xf32, #tpu.memory_space<vmem>> -> memref<1x64x128xf32, #tpu.memory_space<vmem>>
      %dma_wait3A_168 = tpu.memref_squeeze %dma_wait3A_167 : memref<1x64x128xf32, #tpu.memory_space<vmem>> -> memref<64x128xf32, #tpu.memory_space<vmem>>
      %dma_wait3A_169 = arith.constant 0 : i32
      %dma_wait3A_170 = arith.constant 0 : i32
      %dma_wait3A_171 = tpu.memref_slice %arg2[%dma_wait3A_169, %dma_wait3A_170] : memref<802816x128xf32, #tpu.memory_space<hbm>> -> memref<64x128xf32, #tpu.memory_space<hbm>>
      %dma_wait3A_172 = arith.constant 0 : i32
      %dma_wait3A_173 = arith.constant 0 : i32
      %dma_wait3A_174 = tpu.memref_slice %arg7[%select_n3A_164, %dma_wait3A_172, %dma_wait3A_173] : memref<2x64x128xf32, #tpu.memory_space<vmem>> -> memref<1x64x128xf32, #tpu.memory_space<vmem>>
      %dma_wait3A_175 = tpu.memref_squeeze %dma_wait3A_174 : memref<1x64x128xf32, #tpu.memory_space<vmem>> -> memref<64x128xf32, #tpu.memory_space<vmem>>
      %dma_wait3A_176 = arith.constant 0 : i32
      %dma_wait3A_177 = arith.constant 0 : i32
      %dma_wait3A_178 = tpu.memref_slice %arg2[%dma_wait3A_176, %dma_wait3A_177] : memref<802816x128xf32, #tpu.memory_space<hbm>> -> memref<64x128xf32, #tpu.memory_space<hbm>>
      tpu.wait_dma2 semaphore(%arg9 : memref<!tpu.dma_semaphore, #tpu.memory_space<semaphore_mem>>) src(%dma_wait3A_178 : memref<64x128xf32, #tpu.memory_space<hbm>>) dst(%dma_wait3A_175 : memref<64x128xf32, #tpu.memory_space<vmem>>)
      %jit3A_179 = arith.constant 2 : i32
      %eq3A_180 = arith.constant 0 : i32
      %eq3A_181 = arith.cmpi eq, %jit3A_179, %eq3A_180 : i32
      %jit3A_182 = arith.constant 1 : i32
      %select_n3A_183 = arith.select %eq3A_181, %jit3A_182, %jit3A_179 : i32
      %rem3A_184 = arith.remsi %scan3A_120, %select_n3A_183 : i32
      %ne3A_185 = arith.constant 0 : i32
      %ne3A_186 = arith.cmpi ne, %rem3A_184, %ne3A_185 : i32
      %lt3A_187 = arith.constant 0 : i32
      %lt3A_188 = arith.cmpi slt, %rem3A_184, %lt3A_187 : i32
      %lt3A_189 = arith.constant 0 : i32
      %lt3A_190 = arith.cmpi slt, %select_n3A_183, %lt3A_189 : i32
      %ne3A_191 = arith.xori %lt3A_188, %lt3A_190 : i1
      %and3A_192 = arith.andi %ne3A_191, %ne3A_186 : i1
      %add3A_193 = arith.addi %rem3A_184, %select_n3A_183 : i32
      %select_n3A_194 = arith.select %and3A_192, %add3A_193, %rem3A_184 : i32
      %jit3A_195 = arith.constant 2 : i32
      %eq3A_196 = arith.constant 0 : i32
      %eq3A_197 = arith.cmpi eq, %jit3A_195, %eq3A_196 : i32
      %jit3A_198 = arith.constant 1 : i32
      %select_n3A_199 = arith.select %eq3A_197, %jit3A_198, %jit3A_195 : i32
      %rem3A_200 = arith.remsi %scan3A_120, %select_n3A_199 : i32
      %ne3A_201 = arith.constant 0 : i32
      %ne3A_202 = arith.cmpi ne, %rem3A_200, %ne3A_201 : i32
      %lt3A_203 = arith.constant 0 : i32
      %lt3A_204 = arith.cmpi slt, %rem3A_200, %lt3A_203 : i32
      %lt3A_205 = arith.constant 0 : i32
      %lt3A_206 = arith.cmpi slt, %select_n3A_199, %lt3A_205 : i32
      %ne3A_207 = arith.xori %lt3A_204, %lt3A_206 : i1
      %and3A_208 = arith.andi %ne3A_207, %ne3A_202 : i1
      %add3A_209 = arith.addi %rem3A_200, %select_n3A_199 : i32
      %select_n3A_210 = arith.select %and3A_208, %add3A_209, %rem3A_200 : i32
      %dma_start3A_211 = arith.constant 0 : i32
      %dma_start3A_212 = arith.constant 0 : i32
      %dma_start3A_213 = tpu.memref_slice %arg7[%select_n3A_194, %dma_start3A_211, %dma_start3A_212] : memref<2x64x128xf32, #tpu.memory_space<vmem>> -> memref<1x64x128xf32, #tpu.memory_space<vmem>>
      %dma_start3A_214 = tpu.memref_squeeze %dma_start3A_213 : memref<1x64x128xf32, #tpu.memory_space<vmem>> -> memref<64x128xf32, #tpu.memory_space<vmem>>
      %dma_start3A_215 = arith.constant 0 : i32
      %dma_start3A_216 = tpu.memref_slice %arg6[%select_n3A_210, %dma_start3A_215] : memref<2x64xi32, #tpu.memory_space<vmem>> -> memref<1x64xi32, #tpu.memory_space<vmem>>
      %dma_start3A_217 = tpu.memref_squeeze %dma_start3A_216 : memref<1x64xi32, #tpu.memory_space<vmem>> -> memref<64xi32, #tpu.memory_space<vmem>>
      %dma_start3A_218 = arith.constant 0 : i32
      %dma_start3A_219 = arith.constant 0 : i32
      %dma_start3A_220 = tpu.memref_slice %arg8[%dma_start3A_218, %dma_start3A_219] : memref<12672x128xf32, #tpu.memory_space<vmem_shared>> -> memref<12672x128xf32, #tpu.memory_space<vmem_shared>>
      tpu.enqueue_indirect_dma source(%dma_start3A_214 : memref<64x128xf32, #tpu.memory_space<vmem>>) target(%dma_start3A_220 : memref<12672x128xf32, #tpu.memory_space<vmem_shared>>) offsets(%dma_start3A_217 : memref<64xi32, #tpu.memory_space<vmem>>) semaphore(%arg10 : memref<!tpu.dma_semaphore, #tpu.memory_space<semaphore_mem>>) {add = true}
    }
    %scan3A_36 = arith.constant 784 : i32
    %dma_wait3A = arith.constant 1 : i32
    %dma_wait3A_37 = arith.constant 1 : i32
    %dma_wait3A_38 = arith.constant 0 : i32
    %dma_wait3A_39 = arith.constant 0 : i32
    %dma_wait3A_40 = tpu.memref_slice %arg7[%dma_wait3A, %dma_wait3A_38, %dma_wait3A_39] : memref<2x64x128xf32, #tpu.memory_space<vmem>> -> memref<1x64x128xf32, #tpu.memory_space<vmem>>
    %dma_wait3A_41 = tpu.memref_squeeze %dma_wait3A_40 : memref<1x64x128xf32, #tpu.memory_space<vmem>> -> memref<64x128xf32, #tpu.memory_space<vmem>>
    %dma_wait3A_42 = arith.constant 0 : i32
    %dma_wait3A_43 = tpu.memref_slice %arg6[%dma_wait3A_37, %dma_wait3A_42] : memref<2x64xi32, #tpu.memory_space<vmem>> -> memref<1x64xi32, #tpu.memory_space<vmem>>
    %dma_wait3A_44 = tpu.memref_squeeze %dma_wait3A_43 : memref<1x64xi32, #tpu.memory_space<vmem>> -> memref<64xi32, #tpu.memory_space<vmem>>
    %dma_wait3A_45 = arith.constant 0 : i32
    %dma_wait3A_46 = arith.constant 0 : i32
    %dma_wait3A_47 = tpu.memref_slice %arg8[%dma_wait3A_45, %dma_wait3A_46] : memref<12672x128xf32, #tpu.memory_space<vmem_shared>> -> memref<12672x128xf32, #tpu.memory_space<vmem_shared>>
    tpu.wait_indirect_dma semaphore(%arg10 : memref<!tpu.dma_semaphore, #tpu.memory_space<semaphore_mem>>) src(%dma_wait3A_41 : memref<64x128xf32, #tpu.memory_space<vmem>>) dst(%dma_wait3A_47 : memref<12672x128xf32, #tpu.memory_space<vmem_shared>>)
    %barrier3A_48 = arith.constant 0 : index
    tpu.barrier barrier_id(%barrier3A_48)
    %mul3A_49 = arith.constant 784 : i32
    %mul3A_50 = arith.muli %arg1, %mul3A_49 : i32
    %mul3A_51 = arith.constant 12544 : i32
    %mul3A_52 = arith.muli %add3A_1, %mul3A_51 : i32
    %mul3A_53 = arith.constant 784 : i32
    %mul3A_54 = arith.muli %arg1, %mul3A_53 : i32
    %add3A_55 = arith.addi %mul3A_52, %mul3A_54 : i32
    "tpu.region"() ({
      %run_scoped3A = tpu.sem_alloc : memref<!tpu.dma_semaphore, #tpu.memory_space<semaphore_mem>>
      %dma_start3A_120 = arith.constant 0 : i32
      %dma_start3A_121 = tpu.memref_slice %arg5[%add3A_55, %dma_start3A_120] : memref<50176x128xf32, #tpu.memory_space<hbm>> -> memref<784x128xf32, #tpu.memory_space<hbm>>
      %dma_start3A_122 = arith.constant 0 : i32
      %dma_start3A_123 = tpu.memref_slice %arg8[%mul3A_50, %dma_start3A_122] : memref<12672x128xf32, #tpu.memory_space<vmem_shared>> -> memref<784x128xf32, #tpu.memory_space<vmem_shared>>
      tpu.enqueue_dma source(%dma_start3A_123 : memref<784x128xf32, #tpu.memory_space<vmem_shared>>) target(%dma_start3A_121 : memref<784x128xf32, #tpu.memory_space<hbm>>) target_semaphore(%run_scoped3A : memref<!tpu.dma_semaphore, #tpu.memory_space<semaphore_mem>>)
      %dma_wait3A_124 = arith.constant 0 : i32
      %dma_wait3A_125 = tpu.memref_slice %arg5[%add3A_55, %dma_wait3A_124] : memref<50176x128xf32, #tpu.memory_space<hbm>> -> memref<784x128xf32, #tpu.memory_space<hbm>>
      %dma_wait3A_126 = arith.constant 0 : i32
      %dma_wait3A_127 = tpu.memref_slice %arg8[%mul3A_50, %dma_wait3A_126] : memref<12672x128xf32, #tpu.memory_space<vmem_shared>> -> memref<784x128xf32, #tpu.memory_space<vmem_shared>>
      tpu.wait_dma2 semaphore(%run_scoped3A : memref<!tpu.dma_semaphore, #tpu.memory_space<semaphore_mem>>) src(%dma_wait3A_127 : memref<784x128xf32, #tpu.memory_space<vmem_shared>>) dst(%dma_wait3A_125 : memref<784x128xf32, #tpu.memory_space<hbm>>)
      tpu.yield
    }) : () -> ()
    %barrier3A_56 = arith.constant 0 : index
    tpu.barrier barrier_id(%barrier3A_56)
    %mul3A_57 = arith.constant 2 : i32
    %mul3A_58 = arith.muli %mul3A_57, %arg0 : i32
    %add3A_59 = arith.constant 1 : i32
    %add3A_60 = arith.addi %mul3A_58, %add3A_59 : i32
    %mul3A_61 = arith.constant 792 : i32
    %mul3A_62 = arith.muli %arg1, %mul3A_61 : i32
    "tpu.region"() ({
      %run_scoped3A = tpu.sem_alloc : memref<!tpu.dma_semaphore, #tpu.memory_space<semaphore_mem>>
      %dma_start3A_120 = arith.constant 0 : i32
      %dma_start3A_121 = tpu.memref_slice %arg8[%mul3A_62, %dma_start3A_120] : memref<12672x128xf32, #tpu.memory_space<vmem_shared>> -> memref<792x128xf32, #tpu.memory_space<vmem_shared>>
      tpu.enqueue_dma source(%arg4 : memref<792x128xf32, #tpu.memory_space<hbm>>) target(%dma_start3A_121 : memref<792x128xf32, #tpu.memory_space<vmem_shared>>) target_semaphore(%run_scoped3A : memref<!tpu.dma_semaphore, #tpu.memory_space<semaphore_mem>>)
      %dma_wait3A_122 = arith.constant 0 : i32
      %dma_wait3A_123 = tpu.memref_slice %arg8[%mul3A_62, %dma_wait3A_122] : memref<12672x128xf32, #tpu.memory_space<vmem_shared>> -> memref<792x128xf32, #tpu.memory_space<vmem_shared>>
      tpu.wait_dma2 semaphore(%run_scoped3A : memref<!tpu.dma_semaphore, #tpu.memory_space<semaphore_mem>>) src(%arg4 : memref<792x128xf32, #tpu.memory_space<hbm>>) dst(%dma_wait3A_123 : memref<792x128xf32, #tpu.memory_space<vmem_shared>>)
      tpu.yield
    }) : () -> ()
    %barrier3A_63 = arith.constant 0 : index
    tpu.barrier barrier_id(%barrier3A_63)
    %mul3A_64 = arith.constant 50176 : i32
    %mul3A_65 = arith.muli %arg1, %mul3A_64 : i32
    %add3A_66 = arith.constant 0 : i32
    %add3A_67 = arith.addi %mul3A_65, %add3A_66 : i32
    %mul3A_68 = arith.constant 802816 : i32
    %mul3A_69 = arith.muli %add3A_60, %mul3A_68 : i32
    %add3A_70 = arith.addi %mul3A_69, %add3A_67 : i32
    %dma_start3A_71 = arith.constant 0 : i32
    %dma_start3A_72 = arith.constant 0 : i32
    %dma_start3A_73 = tpu.memref_slice %arg6[%dma_start3A_71, %dma_start3A_72] : memref<2x64xi32, #tpu.memory_space<vmem>> -> memref<1x64xi32, #tpu.memory_space<vmem>>
    %dma_start3A_74 = tpu.memref_squeeze %dma_start3A_73 : memref<1x64xi32, #tpu.memory_space<vmem>> -> memref<64xi32, #tpu.memory_space<vmem>>
    %dma_start3A_75 = tpu.memref_slice %arg3[%add3A_70] : memref<3211264xi32, #tpu.memory_space<hbm>> -> memref<64xi32, #tpu.memory_space<hbm>>
    %dma_start3A_76 = arith.constant 0 : i32
    %dma_start3A_77 = tpu.memref_slice %arg6[%dma_start3A_71, %dma_start3A_76] : memref<2x64xi32, #tpu.memory_space<vmem>> -> memref<1x64xi32, #tpu.memory_space<vmem>>
    %dma_start3A_78 = tpu.memref_squeeze %dma_start3A_77 : memref<1x64xi32, #tpu.memory_space<vmem>> -> memref<64xi32, #tpu.memory_space<vmem>>
    %dma_start3A_79 = tpu.memref_slice %arg3[%add3A_70] : memref<3211264xi32, #tpu.memory_space<hbm>> -> memref<64xi32, #tpu.memory_space<hbm>>
    tpu.enqueue_dma source(%dma_start3A_79 : memref<64xi32, #tpu.memory_space<hbm>>) target(%dma_start3A_78 : memref<64xi32, #tpu.memory_space<vmem>>) target_semaphore(%arg9 : memref<!tpu.dma_semaphore, #tpu.memory_space<semaphore_mem>>)
    %dma_start3A_80 = arith.constant 0 : i32
    %dma_start3A_81 = arith.constant 0 : i32
    %dma_start3A_82 = arith.constant 0 : i32
    %dma_start3A_83 = tpu.memref_slice %arg7[%dma_start3A_80, %dma_start3A_81, %dma_start3A_82] : memref<2x64x128xf32, #tpu.memory_space<vmem>> -> memref<1x64x128xf32, #tpu.memory_space<vmem>>
    %dma_start3A_84 = tpu.memref_squeeze %dma_start3A_83 : memref<1x64x128xf32, #tpu.memory_space<vmem>> -> memref<64x128xf32, #tpu.memory_space<vmem>>
    %dma_start3A_85 = arith.constant 0 : i32
    %dma_start3A_86 = tpu.memref_slice %arg2[%add3A_67, %dma_start3A_85] : memref<802816x128xf32, #tpu.memory_space<hbm>> -> memref<64x128xf32, #tpu.memory_space<hbm>>
    %dma_start3A_87 = arith.constant 0 : i32
    %dma_start3A_88 = arith.constant 0 : i32
    %dma_start3A_89 = tpu.memref_slice %arg7[%dma_start3A_80, %dma_start3A_87, %dma_start3A_88] : memref<2x64x128xf32, #tpu.memory_space<vmem>> -> memref<1x64x128xf32, #tpu.memory_space<vmem>>
    %dma_start3A_90 = tpu.memref_squeeze %dma_start3A_89 : memref<1x64x128xf32, #tpu.memory_space<vmem>> -> memref<64x128xf32, #tpu.memory_space<vmem>>
    %dma_start3A_91 = arith.constant 0 : i32
    %dma_start3A_92 = tpu.memref_slice %arg2[%add3A_67, %dma_start3A_91] : memref<802816x128xf32, #tpu.memory_space<hbm>> -> memref<64x128xf32, #tpu.memory_space<hbm>>
    tpu.enqueue_dma source(%dma_start3A_92 : memref<64x128xf32, #tpu.memory_space<hbm>>) target(%dma_start3A_90 : memref<64x128xf32, #tpu.memory_space<vmem>>) target_semaphore(%arg9 : memref<!tpu.dma_semaphore, #tpu.memory_space<semaphore_mem>>)
    %scan3A_93 = arith.constant 0 : i32
    %scan3A_94 = arith.constant 0 : i32
    %scan3A_95 = arith.constant 784 : i32
    %scan3A_96 = arith.addi %scan3A_94, %scan3A_95 : i32
    %scan3A_97 = arith.constant 1 : i32
    scf.for %scan3A_120 = %scan3A_94 to %scan3A_96 step %scan3A_97  : i32 {
      %ge3A = arith.constant 1 : i32
      %ge3A_121 = arith.cmpi sge, %scan3A_120, %ge3A : i32
      %convert_element_type3A = arith.extui %ge3A_121 : i1 to i32
      %cond3A = arith.constant 0 : i32
      %cond3A_122 = arith.cmpi ne, %convert_element_type3A, %cond3A : i32
      scf.if %cond3A_122 {
        %sub3A = arith.constant 1 : i32
        %sub3A_221 = arith.subi %scan3A_120, %sub3A : i32
        %jit3A_222 = arith.constant 2 : i32
        %eq3A_223 = arith.constant 0 : i32
        %eq3A_224 = arith.cmpi eq, %jit3A_222, %eq3A_223 : i32
        %jit3A_225 = arith.constant 1 : i32
        %select_n3A_226 = arith.select %eq3A_224, %jit3A_225, %jit3A_222 : i32
        %rem3A_227 = arith.remsi %sub3A_221, %select_n3A_226 : i32
        %ne3A_228 = arith.constant 0 : i32
        %ne3A_229 = arith.cmpi ne, %rem3A_227, %ne3A_228 : i32
        %lt3A_230 = arith.constant 0 : i32
        %lt3A_231 = arith.cmpi slt, %rem3A_227, %lt3A_230 : i32
        %lt3A_232 = arith.constant 0 : i32
        %lt3A_233 = arith.cmpi slt, %select_n3A_226, %lt3A_232 : i32
        %ne3A_234 = arith.xori %lt3A_231, %lt3A_233 : i1
        %and3A_235 = arith.andi %ne3A_234, %ne3A_229 : i1
        %add3A_236 = arith.addi %rem3A_227, %select_n3A_226 : i32
        %select_n3A_237 = arith.select %and3A_235, %add3A_236, %rem3A_227 : i32
        %jit3A_238 = arith.constant 2 : i32
        %eq3A_239 = arith.constant 0 : i32
        %eq3A_240 = arith.cmpi eq, %jit3A_238, %eq3A_239 : i32
        %jit3A_241 = arith.constant 1 : i32
        %select_n3A_242 = arith.select %eq3A_240, %jit3A_241, %jit3A_238 : i32
        %rem3A_243 = arith.remsi %sub3A_221, %select_n3A_242 : i32
        %ne3A_244 = arith.constant 0 : i32
        %ne3A_245 = arith.cmpi ne, %rem3A_243, %ne3A_244 : i32
        %lt3A_246 = arith.constant 0 : i32
        %lt3A_247 = arith.cmpi slt, %rem3A_243, %lt3A_246 : i32
        %lt3A_248 = arith.constant 0 : i32
        %lt3A_249 = arith.cmpi slt, %select_n3A_242, %lt3A_248 : i32
        %ne3A_250 = arith.xori %lt3A_247, %lt3A_249 : i1
        %and3A_251 = arith.andi %ne3A_250, %ne3A_245 : i1
        %add3A_252 = arith.addi %rem3A_243, %select_n3A_242 : i32
        %select_n3A_253 = arith.select %and3A_251, %add3A_252, %rem3A_243 : i32
        %dma_wait3A_254 = arith.constant 0 : i32
        %dma_wait3A_255 = arith.constant 0 : i32
        %dma_wait3A_256 = tpu.memref_slice %arg7[%select_n3A_237, %dma_wait3A_254, %dma_wait3A_255] : memref<2x64x128xf32, #tpu.memory_space<vmem>> -> memref<1x64x128xf32, #tpu.memory_space<vmem>>
        %dma_wait3A_257 = tpu.memref_squeeze %dma_wait3A_256 : memref<1x64x128xf32, #tpu.memory_space<vmem>> -> memref<64x128xf32, #tpu.memory_space<vmem>>
        %dma_wait3A_258 = arith.constant 0 : i32
        %dma_wait3A_259 = tpu.memref_slice %arg6[%select_n3A_253, %dma_wait3A_258] : memref<2x64xi32, #tpu.memory_space<vmem>> -> memref<1x64xi32, #tpu.memory_space<vmem>>
        %dma_wait3A_260 = tpu.memref_squeeze %dma_wait3A_259 : memref<1x64xi32, #tpu.memory_space<vmem>> -> memref<64xi32, #tpu.memory_space<vmem>>
        %dma_wait3A_261 = arith.constant 0 : i32
        %dma_wait3A_262 = arith.constant 0 : i32
        %dma_wait3A_263 = tpu.memref_slice %arg8[%dma_wait3A_261, %dma_wait3A_262] : memref<12672x128xf32, #tpu.memory_space<vmem_shared>> -> memref<12672x128xf32, #tpu.memory_space<vmem_shared>>
        tpu.wait_indirect_dma semaphore(%arg10 : memref<!tpu.dma_semaphore, #tpu.memory_space<semaphore_mem>>) src(%dma_wait3A_257 : memref<64x128xf32, #tpu.memory_space<vmem>>) dst(%dma_wait3A_263 : memref<12672x128xf32, #tpu.memory_space<vmem_shared>>)
      } else {
      }
      %add3A_123 = arith.constant 1 : i32
      %add3A_124 = arith.addi %scan3A_120, %add3A_123 : i32
      %lt3A = arith.constant 784 : i32
      %lt3A_125 = arith.cmpi slt, %add3A_124, %lt3A : i32
      %convert_element_type3A_126 = arith.extui %lt3A_125 : i1 to i32
      %cond3A_127 = arith.constant 0 : i32
      %cond3A_128 = arith.cmpi ne, %convert_element_type3A_126, %cond3A_127 : i32
      scf.if %cond3A_128 {
        %add3A_221 = arith.constant 1 : i32
        %add3A_222 = arith.addi %scan3A_120, %add3A_221 : i32
        %mul3A_223 = arith.constant 50176 : i32
        %mul3A_224 = arith.muli %arg1, %mul3A_223 : i32
        %mul3A_225 = arith.constant 64 : i32
        %mul3A_226 = arith.muli %add3A_222, %mul3A_225 : i32
        %add3A_227 = arith.addi %mul3A_224, %mul3A_226 : i32
        %mul3A_228 = arith.constant 802816 : i32
        %mul3A_229 = arith.muli %add3A_60, %mul3A_228 : i32
        %add3A_230 = arith.addi %mul3A_229, %add3A_227 : i32
        %jit3A_231 = arith.constant 2 : i32
        %eq3A_232 = arith.constant 0 : i32
        %eq3A_233 = arith.cmpi eq, %jit3A_231, %eq3A_232 : i32
        %jit3A_234 = arith.constant 1 : i32
        %select_n3A_235 = arith.select %eq3A_233, %jit3A_234, %jit3A_231 : i32
        %rem3A_236 = arith.remsi %add3A_222, %select_n3A_235 : i32
        %ne3A_237 = arith.constant 0 : i32
        %ne3A_238 = arith.cmpi ne, %rem3A_236, %ne3A_237 : i32
        %lt3A_239 = arith.constant 0 : i32
        %lt3A_240 = arith.cmpi slt, %rem3A_236, %lt3A_239 : i32
        %lt3A_241 = arith.constant 0 : i32
        %lt3A_242 = arith.cmpi slt, %select_n3A_235, %lt3A_241 : i32
        %ne3A_243 = arith.xori %lt3A_240, %lt3A_242 : i1
        %and3A_244 = arith.andi %ne3A_243, %ne3A_238 : i1
        %add3A_245 = arith.addi %rem3A_236, %select_n3A_235 : i32
        %select_n3A_246 = arith.select %and3A_244, %add3A_245, %rem3A_236 : i32
        %dma_start3A_247 = arith.constant 0 : i32
        %dma_start3A_248 = tpu.memref_slice %arg6[%select_n3A_246, %dma_start3A_247] : memref<2x64xi32, #tpu.memory_space<vmem>> -> memref<1x64xi32, #tpu.memory_space<vmem>>
        %dma_start3A_249 = tpu.memref_squeeze %dma_start3A_248 : memref<1x64xi32, #tpu.memory_space<vmem>> -> memref<64xi32, #tpu.memory_space<vmem>>
        %dma_start3A_250 = tpu.memref_slice %arg3[%add3A_230] : memref<3211264xi32, #tpu.memory_space<hbm>> -> memref<64xi32, #tpu.memory_space<hbm>>
        %dma_start3A_251 = arith.constant 0 : i32
        %dma_start3A_252 = tpu.memref_slice %arg6[%select_n3A_246, %dma_start3A_251] : memref<2x64xi32, #tpu.memory_space<vmem>> -> memref<1x64xi32, #tpu.memory_space<vmem>>
        %dma_start3A_253 = tpu.memref_squeeze %dma_start3A_252 : memref<1x64xi32, #tpu.memory_space<vmem>> -> memref<64xi32, #tpu.memory_space<vmem>>
        %dma_start3A_254 = tpu.memref_slice %arg3[%add3A_230] : memref<3211264xi32, #tpu.memory_space<hbm>> -> memref<64xi32, #tpu.memory_space<hbm>>
        tpu.enqueue_dma source(%dma_start3A_254 : memref<64xi32, #tpu.memory_space<hbm>>) target(%dma_start3A_253 : memref<64xi32, #tpu.memory_space<vmem>>) target_semaphore(%arg9 : memref<!tpu.dma_semaphore, #tpu.memory_space<semaphore_mem>>)
        %jit3A_255 = arith.constant 2 : i32
        %eq3A_256 = arith.constant 0 : i32
        %eq3A_257 = arith.cmpi eq, %jit3A_255, %eq3A_256 : i32
        %jit3A_258 = arith.constant 1 : i32
        %select_n3A_259 = arith.select %eq3A_257, %jit3A_258, %jit3A_255 : i32
        %rem3A_260 = arith.remsi %add3A_222, %select_n3A_259 : i32
        %ne3A_261 = arith.constant 0 : i32
        %ne3A_262 = arith.cmpi ne, %rem3A_260, %ne3A_261 : i32
        %lt3A_263 = arith.constant 0 : i32
        %lt3A_264 = arith.cmpi slt, %rem3A_260, %lt3A_263 : i32
        %lt3A_265 = arith.constant 0 : i32
        %lt3A_266 = arith.cmpi slt, %select_n3A_259, %lt3A_265 : i32
        %ne3A_267 = arith.xori %lt3A_264, %lt3A_266 : i1
        %and3A_268 = arith.andi %ne3A_267, %ne3A_262 : i1
        %add3A_269 = arith.addi %rem3A_260, %select_n3A_259 : i32
        %select_n3A_270 = arith.select %and3A_268, %add3A_269, %rem3A_260 : i32
        %dma_start3A_271 = arith.constant 0 : i32
        %dma_start3A_272 = arith.constant 0 : i32
        %dma_start3A_273 = tpu.memref_slice %arg7[%select_n3A_270, %dma_start3A_271, %dma_start3A_272] : memref<2x64x128xf32, #tpu.memory_space<vmem>> -> memref<1x64x128xf32, #tpu.memory_space<vmem>>
        %dma_start3A_274 = tpu.memref_squeeze %dma_start3A_273 : memref<1x64x128xf32, #tpu.memory_space<vmem>> -> memref<64x128xf32, #tpu.memory_space<vmem>>
        %dma_start3A_275 = arith.constant 0 : i32
        %dma_start3A_276 = tpu.memref_slice %arg2[%add3A_227, %dma_start3A_275] : memref<802816x128xf32, #tpu.memory_space<hbm>> -> memref<64x128xf32, #tpu.memory_space<hbm>>
        %dma_start3A_277 = arith.constant 0 : i32
        %dma_start3A_278 = arith.constant 0 : i32
        %dma_start3A_279 = tpu.memref_slice %arg7[%select_n3A_270, %dma_start3A_277, %dma_start3A_278] : memref<2x64x128xf32, #tpu.memory_space<vmem>> -> memref<1x64x128xf32, #tpu.memory_space<vmem>>
        %dma_start3A_280 = tpu.memref_squeeze %dma_start3A_279 : memref<1x64x128xf32, #tpu.memory_space<vmem>> -> memref<64x128xf32, #tpu.memory_space<vmem>>
        %dma_start3A_281 = arith.constant 0 : i32
        %dma_start3A_282 = tpu.memref_slice %arg2[%add3A_227, %dma_start3A_281] : memref<802816x128xf32, #tpu.memory_space<hbm>> -> memref<64x128xf32, #tpu.memory_space<hbm>>
        tpu.enqueue_dma source(%dma_start3A_282 : memref<64x128xf32, #tpu.memory_space<hbm>>) target(%dma_start3A_280 : memref<64x128xf32, #tpu.memory_space<vmem>>) target_semaphore(%arg9 : memref<!tpu.dma_semaphore, #tpu.memory_space<semaphore_mem>>)
      } else {
      }
      %jit3A = arith.constant 2 : i32
      %eq3A = arith.constant 0 : i32
      %eq3A_129 = arith.cmpi eq, %jit3A, %eq3A : i32
      %jit3A_130 = arith.constant 1 : i32
      %select_n3A = arith.select %eq3A_129, %jit3A_130, %jit3A : i32
      %rem3A = arith.remsi %scan3A_120, %select_n3A : i32
      %ne3A = arith.constant 0 : i32
      %ne3A_131 = arith.cmpi ne, %rem3A, %ne3A : i32
      %lt3A_132 = arith.constant 0 : i32
      %lt3A_133 = arith.cmpi slt, %rem3A, %lt3A_132 : i32
      %lt3A_134 = arith.constant 0 : i32
      %lt3A_135 = arith.cmpi slt, %select_n3A, %lt3A_134 : i32
      %ne3A_136 = arith.xori %lt3A_133, %lt3A_135 : i1
      %and3A = arith.andi %ne3A_136, %ne3A_131 : i1
      %add3A_137 = arith.addi %rem3A, %select_n3A : i32
      %select_n3A_138 = arith.select %and3A, %add3A_137, %rem3A : i32
      %dma_wait3A_139 = arith.constant 0 : i32
      %dma_wait3A_140 = tpu.memref_slice %arg6[%select_n3A_138, %dma_wait3A_139] : memref<2x64xi32, #tpu.memory_space<vmem>> -> memref<1x64xi32, #tpu.memory_space<vmem>>
      %dma_wait3A_141 = tpu.memref_squeeze %dma_wait3A_140 : memref<1x64xi32, #tpu.memory_space<vmem>> -> memref<64xi32, #tpu.memory_space<vmem>>
      %dma_wait3A_142 = arith.constant 0 : i32
      %dma_wait3A_143 = tpu.memref_slice %arg3[%dma_wait3A_142] : memref<3211264xi32, #tpu.memory_space<hbm>> -> memref<64xi32, #tpu.memory_space<hbm>>
      %dma_wait3A_144 = arith.constant 0 : i32
      %dma_wait3A_145 = tpu.memref_slice %arg6[%select_n3A_138, %dma_wait3A_144] : memref<2x64xi32, #tpu.memory_space<vmem>> -> memref<1x64xi32, #tpu.memory_space<vmem>>
      %dma_wait3A_146 = tpu.memref_squeeze %dma_wait3A_145 : memref<1x64xi32, #tpu.memory_space<vmem>> -> memref<64xi32, #tpu.memory_space<vmem>>
      %dma_wait3A_147 = arith.constant 0 : i32
      %dma_wait3A_148 = tpu.memref_slice %arg3[%dma_wait3A_147] : memref<3211264xi32, #tpu.memory_space<hbm>> -> memref<64xi32, #tpu.memory_space<hbm>>
      tpu.wait_dma2 semaphore(%arg9 : memref<!tpu.dma_semaphore, #tpu.memory_space<semaphore_mem>>) src(%dma_wait3A_148 : memref<64xi32, #tpu.memory_space<hbm>>) dst(%dma_wait3A_146 : memref<64xi32, #tpu.memory_space<vmem>>)
      %jit3A_149 = arith.constant 2 : i32
      %eq3A_150 = arith.constant 0 : i32
      %eq3A_151 = arith.cmpi eq, %jit3A_149, %eq3A_150 : i32
      %jit3A_152 = arith.constant 1 : i32
      %select_n3A_153 = arith.select %eq3A_151, %jit3A_152, %jit3A_149 : i32
      %rem3A_154 = arith.remsi %scan3A_120, %select_n3A_153 : i32
      %ne3A_155 = arith.constant 0 : i32
      %ne3A_156 = arith.cmpi ne, %rem3A_154, %ne3A_155 : i32
      %lt3A_157 = arith.constant 0 : i32
      %lt3A_158 = arith.cmpi slt, %rem3A_154, %lt3A_157 : i32
      %lt3A_159 = arith.constant 0 : i32
      %lt3A_160 = arith.cmpi slt, %select_n3A_153, %lt3A_159 : i32
      %ne3A_161 = arith.xori %lt3A_158, %lt3A_160 : i1
      %and3A_162 = arith.andi %ne3A_161, %ne3A_156 : i1
      %add3A_163 = arith.addi %rem3A_154, %select_n3A_153 : i32
      %select_n3A_164 = arith.select %and3A_162, %add3A_163, %rem3A_154 : i32
      %dma_wait3A_165 = arith.constant 0 : i32
      %dma_wait3A_166 = arith.constant 0 : i32
      %dma_wait3A_167 = tpu.memref_slice %arg7[%select_n3A_164, %dma_wait3A_165, %dma_wait3A_166] : memref<2x64x128xf32, #tpu.memory_space<vmem>> -> memref<1x64x128xf32, #tpu.memory_space<vmem>>
      %dma_wait3A_168 = tpu.memref_squeeze %dma_wait3A_167 : memref<1x64x128xf32, #tpu.memory_space<vmem>> -> memref<64x128xf32, #tpu.memory_space<vmem>>
      %dma_wait3A_169 = arith.constant 0 : i32
      %dma_wait3A_170 = arith.constant 0 : i32
      %dma_wait3A_171 = tpu.memref_slice %arg2[%dma_wait3A_169, %dma_wait3A_170] : memref<802816x128xf32, #tpu.memory_space<hbm>> -> memref<64x128xf32, #tpu.memory_space<hbm>>
      %dma_wait3A_172 = arith.constant 0 : i32
      %dma_wait3A_173 = arith.constant 0 : i32
      %dma_wait3A_174 = tpu.memref_slice %arg7[%select_n3A_164, %dma_wait3A_172, %dma_wait3A_173] : memref<2x64x128xf32, #tpu.memory_space<vmem>> -> memref<1x64x128xf32, #tpu.memory_space<vmem>>
      %dma_wait3A_175 = tpu.memref_squeeze %dma_wait3A_174 : memref<1x64x128xf32, #tpu.memory_space<vmem>> -> memref<64x128xf32, #tpu.memory_space<vmem>>
      %dma_wait3A_176 = arith.constant 0 : i32
      %dma_wait3A_177 = arith.constant 0 : i32
      %dma_wait3A_178 = tpu.memref_slice %arg2[%dma_wait3A_176, %dma_wait3A_177] : memref<802816x128xf32, #tpu.memory_space<hbm>> -> memref<64x128xf32, #tpu.memory_space<hbm>>
      tpu.wait_dma2 semaphore(%arg9 : memref<!tpu.dma_semaphore, #tpu.memory_space<semaphore_mem>>) src(%dma_wait3A_178 : memref<64x128xf32, #tpu.memory_space<hbm>>) dst(%dma_wait3A_175 : memref<64x128xf32, #tpu.memory_space<vmem>>)
      %jit3A_179 = arith.constant 2 : i32
      %eq3A_180 = arith.constant 0 : i32
      %eq3A_181 = arith.cmpi eq, %jit3A_179, %eq3A_180 : i32
      %jit3A_182 = arith.constant 1 : i32
      %select_n3A_183 = arith.select %eq3A_181, %jit3A_182, %jit3A_179 : i32
      %rem3A_184 = arith.remsi %scan3A_120, %select_n3A_183 : i32
      %ne3A_185 = arith.constant 0 : i32
      %ne3A_186 = arith.cmpi ne, %rem3A_184, %ne3A_185 : i32
      %lt3A_187 = arith.constant 0 : i32
      %lt3A_188 = arith.cmpi slt, %rem3A_184, %lt3A_187 : i32
      %lt3A_189 = arith.constant 0 : i32
      %lt3A_190 = arith.cmpi slt, %select_n3A_183, %lt3A_189 : i32
      %ne3A_191 = arith.xori %lt3A_188, %lt3A_190 : i1
      %and3A_192 = arith.andi %ne3A_191, %ne3A_186 : i1
      %add3A_193 = arith.addi %rem3A_184, %select_n3A_183 : i32
      %select_n3A_194 = arith.select %and3A_192, %add3A_193, %rem3A_184 : i32
      %jit3A_195 = arith.constant 2 : i32
      %eq3A_196 = arith.constant 0 : i32
      %eq3A_197 = arith.cmpi eq, %jit3A_195, %eq3A_196 : i32
      %jit3A_198 = arith.constant 1 : i32
      %select_n3A_199 = arith.select %eq3A_197, %jit3A_198, %jit3A_195 : i32
      %rem3A_200 = arith.remsi %scan3A_120, %select_n3A_199 : i32
      %ne3A_201 = arith.constant 0 : i32
      %ne3A_202 = arith.cmpi ne, %rem3A_200, %ne3A_201 : i32
      %lt3A_203 = arith.constant 0 : i32
      %lt3A_204 = arith.cmpi slt, %rem3A_200, %lt3A_203 : i32
      %lt3A_205 = arith.constant 0 : i32
      %lt3A_206 = arith.cmpi slt, %select_n3A_199, %lt3A_205 : i32
      %ne3A_207 = arith.xori %lt3A_204, %lt3A_206 : i1
      %and3A_208 = arith.andi %ne3A_207, %ne3A_202 : i1
      %add3A_209 = arith.addi %rem3A_200, %select_n3A_199 : i32
      %select_n3A_210 = arith.select %and3A_208, %add3A_209, %rem3A_200 : i32
      %dma_start3A_211 = arith.constant 0 : i32
      %dma_start3A_212 = arith.constant 0 : i32
      %dma_start3A_213 = tpu.memref_slice %arg7[%select_n3A_194, %dma_start3A_211, %dma_start3A_212] : memref<2x64x128xf32, #tpu.memory_space<vmem>> -> memref<1x64x128xf32, #tpu.memory_space<vmem>>
      %dma_start3A_214 = tpu.memref_squeeze %dma_start3A_213 : memref<1x64x128xf32, #tpu.memory_space<vmem>> -> memref<64x128xf32, #tpu.memory_space<vmem>>
      %dma_start3A_215 = arith.constant 0 : i32
      %dma_start3A_216 = tpu.memref_slice %arg6[%select_n3A_210, %dma_start3A_215] : memref<2x64xi32, #tpu.memory_space<vmem>> -> memref<1x64xi32, #tpu.memory_space<vmem>>
      %dma_start3A_217 = tpu.memref_squeeze %dma_start3A_216 : memref<1x64xi32, #tpu.memory_space<vmem>> -> memref<64xi32, #tpu.memory_space<vmem>>
      %dma_start3A_218 = arith.constant 0 : i32
      %dma_start3A_219 = arith.constant 0 : i32
      %dma_start3A_220 = tpu.memref_slice %arg8[%dma_start3A_218, %dma_start3A_219] : memref<12672x128xf32, #tpu.memory_space<vmem_shared>> -> memref<12672x128xf32, #tpu.memory_space<vmem_shared>>
      tpu.enqueue_indirect_dma source(%dma_start3A_214 : memref<64x128xf32, #tpu.memory_space<vmem>>) target(%dma_start3A_220 : memref<12672x128xf32, #tpu.memory_space<vmem_shared>>) offsets(%dma_start3A_217 : memref<64xi32, #tpu.memory_space<vmem>>) semaphore(%arg10 : memref<!tpu.dma_semaphore, #tpu.memory_space<semaphore_mem>>) {add = true}
    }
    %scan3A_98 = arith.constant 784 : i32
    %dma_wait3A_99 = arith.constant 1 : i32
    %dma_wait3A_100 = arith.constant 1 : i32
    %dma_wait3A_101 = arith.constant 0 : i32
    %dma_wait3A_102 = arith.constant 0 : i32
    %dma_wait3A_103 = tpu.memref_slice %arg7[%dma_wait3A_99, %dma_wait3A_101, %dma_wait3A_102] : memref<2x64x128xf32, #tpu.memory_space<vmem>> -> memref<1x64x128xf32, #tpu.memory_space<vmem>>
    %dma_wait3A_104 = tpu.memref_squeeze %dma_wait3A_103 : memref<1x64x128xf32, #tpu.memory_space<vmem>> -> memref<64x128xf32, #tpu.memory_space<vmem>>
    %dma_wait3A_105 = arith.constant 0 : i32
    %dma_wait3A_106 = tpu.memref_slice %arg6[%dma_wait3A_100, %dma_wait3A_105] : memref<2x64xi32, #tpu.memory_space<vmem>> -> memref<1x64xi32, #tpu.memory_space<vmem>>
    %dma_wait3A_107 = tpu.memref_squeeze %dma_wait3A_106 : memref<1x64xi32, #tpu.memory_space<vmem>> -> memref<64xi32, #tpu.memory_space<vmem>>
    %dma_wait3A_108 = arith.constant 0 : i32
    %dma_wait3A_109 = arith.constant 0 : i32
    %dma_wait3A_110 = tpu.memref_slice %arg8[%dma_wait3A_108, %dma_wait3A_109] : memref<12672x128xf32, #tpu.memory_space<vmem_shared>> -> memref<12672x128xf32, #tpu.memory_space<vmem_shared>>
    tpu.wait_indirect_dma semaphore(%arg10 : memref<!tpu.dma_semaphore, #tpu.memory_space<semaphore_mem>>) src(%dma_wait3A_104 : memref<64x128xf32, #tpu.memory_space<vmem>>) dst(%dma_wait3A_110 : memref<12672x128xf32, #tpu.memory_space<vmem_shared>>)
    %barrier3A_111 = arith.constant 0 : index
    tpu.barrier barrier_id(%barrier3A_111)
    %mul3A_112 = arith.constant 784 : i32
    %mul3A_113 = arith.muli %arg1, %mul3A_112 : i32
    %mul3A_114 = arith.constant 12544 : i32
    %mul3A_115 = arith.muli %add3A_60, %mul3A_114 : i32
    %mul3A_116 = arith.constant 784 : i32
    %mul3A_117 = arith.muli %arg1, %mul3A_116 : i32
    %add3A_118 = arith.addi %mul3A_115, %mul3A_117 : i32
    "tpu.region"() ({
      %run_scoped3A = tpu.sem_alloc : memref<!tpu.dma_semaphore, #tpu.memory_space<semaphore_mem>>
      %dma_start3A_120 = arith.constant 0 : i32
      %dma_start3A_121 = tpu.memref_slice %arg5[%add3A_118, %dma_start3A_120] : memref<50176x128xf32, #tpu.memory_space<hbm>> -> memref<784x128xf32, #tpu.memory_space<hbm>>
      %dma_start3A_122 = arith.constant 0 : i32
      %dma_start3A_123 = tpu.memref_slice %arg8[%mul3A_113, %dma_start3A_122] : memref<12672x128xf32, #tpu.memory_space<vmem_shared>> -> memref<784x128xf32, #tpu.memory_space<vmem_shared>>
      tpu.enqueue_dma source(%dma_start3A_123 : memref<784x128xf32, #tpu.memory_space<vmem_shared>>) target(%dma_start3A_121 : memref<784x128xf32, #tpu.memory_space<hbm>>) target_semaphore(%run_scoped3A : memref<!tpu.dma_semaphore, #tpu.memory_space<semaphore_mem>>)
      %dma_wait3A_124 = arith.constant 0 : i32
      %dma_wait3A_125 = tpu.memref_slice %arg5[%add3A_118, %dma_wait3A_124] : memref<50176x128xf32, #tpu.memory_space<hbm>> -> memref<784x128xf32, #tpu.memory_space<hbm>>
      %dma_wait3A_126 = arith.constant 0 : i32
      %dma_wait3A_127 = tpu.memref_slice %arg8[%mul3A_113, %dma_wait3A_126] : memref<12672x128xf32, #tpu.memory_space<vmem_shared>> -> memref<784x128xf32, #tpu.memory_space<vmem_shared>>
      tpu.wait_dma2 semaphore(%run_scoped3A : memref<!tpu.dma_semaphore, #tpu.memory_space<semaphore_mem>>) src(%dma_wait3A_127 : memref<784x128xf32, #tpu.memory_space<vmem_shared>>) dst(%dma_wait3A_125 : memref<784x128xf32, #tpu.memory_space<hbm>>)
      tpu.yield
    }) : () -> ()
    %barrier3A_119 = arith.constant 0 : index
    tpu.barrier barrier_id(%barrier3A_119)
    return
  }
}

#map = affine_map<(d0, d1) -> (0, 0)>
#map1 = affine_map<(d0, d1) -> (0)>
module attributes {stable_mosaic.version = 14 : i64} {
  func.func @k(%arg0: i32, %arg1: i32, %arg2: memref<50000x128xf32, #tpu.memory_space<hbm>>, %arg3: memref<50000x128xf32, #tpu.memory_space<hbm>>, %arg4: memref<802816xi32, #tpu.memory_space<hbm>>, %arg5: memref<802816xi32, #tpu.memory_space<hbm>>, %arg6: memref<802816x128xf32, #tpu.memory_space<hbm>>, %arg7: memref<802816x128xf32, #tpu.memory_space<hbm>>, %arg8: memref<25088xi32, #tpu.memory_space<vmem>>, %arg9: memref<3x128x128xf32, #tpu.memory_space<vmem>>, %arg10: memref<!tpu.dma_semaphore, #tpu.memory_space<semaphore_mem>>, %arg11: memref<!tpu.dma_semaphore, #tpu.memory_space<semaphore_mem>>) attributes {dimension_semantics = [#tpu.dimension_semantics<core_parallel>, #tpu.dimension_semantics<subcore_parallel>], iteration_bounds = array<i64: 2, 16>, scalar_prefetch = 0 : i64, scratch_operands = 4 : i64, tpu.core_type = #tpu.core_type<sc_vector_subcore>, window_params = [{transform_indices = #map}, {transform_indices = #map}, {transform_indices = #map1}, {transform_indices = #map1}, {transform_indices = #map}, {transform_indices = #map}]} {
    %mul3A = arith.constant 2 : i32
    %mul3A_0 = arith.muli %arg1, %mul3A : i32
    %add3A = arith.addi %mul3A_0, %arg0 : i32
    %mul3A_1 = arith.constant 25088 : i32
    %mul3A_2 = arith.muli %add3A, %mul3A_1 : i32
    "tpu.region"() ({
      %run_scoped3A = tpu.sem_alloc : memref<!tpu.dma_semaphore, #tpu.memory_space<semaphore_mem>>
      %dma_start3A_84 = tpu.memref_slice %arg4[%mul3A_2] : memref<802816xi32, #tpu.memory_space<hbm>> -> memref<25088xi32, #tpu.memory_space<hbm>>
      %dma_start3A_85 = tpu.memref_slice %arg4[%mul3A_2] : memref<802816xi32, #tpu.memory_space<hbm>> -> memref<25088xi32, #tpu.memory_space<hbm>>
      tpu.enqueue_dma source(%dma_start3A_85 : memref<25088xi32, #tpu.memory_space<hbm>>) target(%arg8 : memref<25088xi32, #tpu.memory_space<vmem>>) target_semaphore(%run_scoped3A : memref<!tpu.dma_semaphore, #tpu.memory_space<semaphore_mem>>)
      %dma_wait3A_86 = tpu.memref_slice %arg4[%mul3A_2] : memref<802816xi32, #tpu.memory_space<hbm>> -> memref<25088xi32, #tpu.memory_space<hbm>>
      %dma_wait3A_87 = tpu.memref_slice %arg4[%mul3A_2] : memref<802816xi32, #tpu.memory_space<hbm>> -> memref<25088xi32, #tpu.memory_space<hbm>>
      tpu.wait_dma2 semaphore(%run_scoped3A : memref<!tpu.dma_semaphore, #tpu.memory_space<semaphore_mem>>) src(%dma_wait3A_87 : memref<25088xi32, #tpu.memory_space<hbm>>) dst(%arg8 : memref<25088xi32, #tpu.memory_space<vmem>>)
      tpu.yield
    }) : () -> ()
    %dma_start3A = arith.constant 0 : i32
    %dma_start3A_3 = arith.constant 0 : i32
    %dma_start3A_4 = arith.constant 0 : i32
    %dma_start3A_5 = tpu.memref_slice %arg9[%dma_start3A, %dma_start3A_3, %dma_start3A_4] : memref<3x128x128xf32, #tpu.memory_space<vmem>> -> memref<1x128x128xf32, #tpu.memory_space<vmem>>
    %dma_start3A_6 = tpu.memref_squeeze %dma_start3A_5 : memref<1x128x128xf32, #tpu.memory_space<vmem>> -> memref<128x128xf32, #tpu.memory_space<vmem>>
    %dma_start3A_7 = arith.constant 0 : i32
    %dma_start3A_8 = tpu.memref_slice %arg8[%dma_start3A_7] : memref<25088xi32, #tpu.memory_space<vmem>> -> memref<128xi32, #tpu.memory_space<vmem>>
    %dma_start3A_9 = arith.constant 0 : i32
    %dma_start3A_10 = arith.constant 0 : i32
    %dma_start3A_11 = tpu.memref_slice %arg2[%dma_start3A_9, %dma_start3A_10] : memref<50000x128xf32, #tpu.memory_space<hbm>> -> memref<50000x128xf32, #tpu.memory_space<hbm>>
    tpu.enqueue_indirect_dma source(%dma_start3A_11 : memref<50000x128xf32, #tpu.memory_space<hbm>>) target(%dma_start3A_6 : memref<128x128xf32, #tpu.memory_space<vmem>>) offsets(%dma_start3A_8 : memref<128xi32, #tpu.memory_space<vmem>>) semaphore(%arg10 : memref<!tpu.dma_semaphore, #tpu.memory_space<semaphore_mem>>)
    %scan3A = arith.constant 0 : i32
    %scan3A_12 = arith.constant 0 : i32
    %scan3A_13 = arith.constant 196 : i32
    %scan3A_14 = arith.addi %scan3A_12, %scan3A_13 : i32
    %scan3A_15 = arith.constant 1 : i32
    scf.for %scan3A_84 = %scan3A_12 to %scan3A_14 step %scan3A_15  : i32 {
      %jit3A = arith.constant 3 : i32
      %eq3A = arith.constant 0 : i32
      %eq3A_85 = arith.cmpi eq, %jit3A, %eq3A : i32
      %jit3A_86 = arith.constant 1 : i32
      %select_n3A = arith.select %eq3A_85, %jit3A_86, %jit3A : i32
      %rem3A = arith.remsi %scan3A_84, %select_n3A : i32
      %ne3A = arith.constant 0 : i32
      %ne3A_87 = arith.cmpi ne, %rem3A, %ne3A : i32
      %lt3A = arith.constant 0 : i32
      %lt3A_88 = arith.cmpi slt, %rem3A, %lt3A : i32
      %lt3A_89 = arith.constant 0 : i32
      %lt3A_90 = arith.cmpi slt, %select_n3A, %lt3A_89 : i32
      %ne3A_91 = arith.xori %lt3A_88, %lt3A_90 : i1
      %and3A = arith.andi %ne3A_91, %ne3A_87 : i1
      %add3A_92 = arith.addi %rem3A, %select_n3A : i32
      %select_n3A_93 = arith.select %and3A, %add3A_92, %rem3A : i32
      %dma_wait3A_94 = arith.constant 0 : i32
      %dma_wait3A_95 = arith.constant 0 : i32
      %dma_wait3A_96 = tpu.memref_slice %arg9[%select_n3A_93, %dma_wait3A_94, %dma_wait3A_95] : memref<3x128x128xf32, #tpu.memory_space<vmem>> -> memref<1x128x128xf32, #tpu.memory_space<vmem>>
      %dma_wait3A_97 = tpu.memref_squeeze %dma_wait3A_96 : memref<1x128x128xf32, #tpu.memory_space<vmem>> -> memref<128x128xf32, #tpu.memory_space<vmem>>
      %dma_wait3A_98 = arith.constant 0 : i32
      %dma_wait3A_99 = tpu.memref_slice %arg8[%dma_wait3A_98] : memref<25088xi32, #tpu.memory_space<vmem>> -> memref<128xi32, #tpu.memory_space<vmem>>
      %dma_wait3A_100 = arith.constant 0 : i32
      %dma_wait3A_101 = arith.constant 0 : i32
      %dma_wait3A_102 = tpu.memref_slice %arg2[%dma_wait3A_100, %dma_wait3A_101] : memref<50000x128xf32, #tpu.memory_space<hbm>> -> memref<50000x128xf32, #tpu.memory_space<hbm>>
      tpu.wait_indirect_dma semaphore(%arg10 : memref<!tpu.dma_semaphore, #tpu.memory_space<semaphore_mem>>) src(%dma_wait3A_102 : memref<50000x128xf32, #tpu.memory_space<hbm>>) dst(%dma_wait3A_97 : memref<128x128xf32, #tpu.memory_space<vmem>>)
      %jit3A_103 = arith.constant 3 : i32
      %eq3A_104 = arith.constant 0 : i32
      %eq3A_105 = arith.cmpi eq, %jit3A_103, %eq3A_104 : i32
      %jit3A_106 = arith.constant 1 : i32
      %select_n3A_107 = arith.select %eq3A_105, %jit3A_106, %jit3A_103 : i32
      %rem3A_108 = arith.remsi %scan3A_84, %select_n3A_107 : i32
      %ne3A_109 = arith.constant 0 : i32
      %ne3A_110 = arith.cmpi ne, %rem3A_108, %ne3A_109 : i32
      %lt3A_111 = arith.constant 0 : i32
      %lt3A_112 = arith.cmpi slt, %rem3A_108, %lt3A_111 : i32
      %lt3A_113 = arith.constant 0 : i32
      %lt3A_114 = arith.cmpi slt, %select_n3A_107, %lt3A_113 : i32
      %ne3A_115 = arith.xori %lt3A_112, %lt3A_114 : i1
      %and3A_116 = arith.andi %ne3A_115, %ne3A_110 : i1
      %add3A_117 = arith.addi %rem3A_108, %select_n3A_107 : i32
      %select_n3A_118 = arith.select %and3A_116, %add3A_117, %rem3A_108 : i32
      %mul3A_119 = arith.constant 128 : i32
      %mul3A_120 = arith.muli %scan3A_84, %mul3A_119 : i32
      %add3A_121 = arith.addi %mul3A_2, %mul3A_120 : i32
      %dma_start3A_122 = arith.constant 0 : i32
      %dma_start3A_123 = arith.constant 0 : i32
      %dma_start3A_124 = tpu.memref_slice %arg9[%select_n3A_118, %dma_start3A_122, %dma_start3A_123] : memref<3x128x128xf32, #tpu.memory_space<vmem>> -> memref<1x128x128xf32, #tpu.memory_space<vmem>>
      %dma_start3A_125 = tpu.memref_squeeze %dma_start3A_124 : memref<1x128x128xf32, #tpu.memory_space<vmem>> -> memref<128x128xf32, #tpu.memory_space<vmem>>
      %dma_start3A_126 = arith.constant 0 : i32
      %dma_start3A_127 = tpu.memref_slice %arg6[%add3A_121, %dma_start3A_126] : memref<802816x128xf32, #tpu.memory_space<hbm>> -> memref<128x128xf32, #tpu.memory_space<hbm>>
      %dma_start3A_128 = arith.constant 0 : i32
      %dma_start3A_129 = tpu.memref_slice %arg6[%add3A_121, %dma_start3A_128] : memref<802816x128xf32, #tpu.memory_space<hbm>> -> memref<128x128xf32, #tpu.memory_space<hbm>>
      %dma_start3A_130 = arith.constant 0 : i32
      %dma_start3A_131 = arith.constant 0 : i32
      %dma_start3A_132 = tpu.memref_slice %arg9[%select_n3A_118, %dma_start3A_130, %dma_start3A_131] : memref<3x128x128xf32, #tpu.memory_space<vmem>> -> memref<1x128x128xf32, #tpu.memory_space<vmem>>
      %dma_start3A_133 = tpu.memref_squeeze %dma_start3A_132 : memref<1x128x128xf32, #tpu.memory_space<vmem>> -> memref<128x128xf32, #tpu.memory_space<vmem>>
      tpu.enqueue_dma source(%dma_start3A_133 : memref<128x128xf32, #tpu.memory_space<vmem>>) target(%dma_start3A_129 : memref<128x128xf32, #tpu.memory_space<hbm>>) target_semaphore(%arg11 : memref<!tpu.dma_semaphore, #tpu.memory_space<semaphore_mem>>)
      %ge3A = arith.constant 2 : i32
      %ge3A_134 = arith.cmpi sge, %scan3A_84, %ge3A : i32
      %convert_element_type3A = arith.extui %ge3A_134 : i1 to i32
      %cond3A = arith.constant 0 : i32
      %cond3A_135 = arith.cmpi ne, %convert_element_type3A, %cond3A : i32
      scf.if %cond3A_135 {
        %sub3A = arith.constant 2 : i32
        %sub3A_143 = arith.subi %scan3A_84, %sub3A : i32
        %jit3A_144 = arith.constant 3 : i32
        %eq3A_145 = arith.constant 0 : i32
        %eq3A_146 = arith.cmpi eq, %jit3A_144, %eq3A_145 : i32
        %jit3A_147 = arith.constant 1 : i32
        %select_n3A_148 = arith.select %eq3A_146, %jit3A_147, %jit3A_144 : i32
        %rem3A_149 = arith.remsi %sub3A_143, %select_n3A_148 : i32
        %ne3A_150 = arith.constant 0 : i32
        %ne3A_151 = arith.cmpi ne, %rem3A_149, %ne3A_150 : i32
        %lt3A_152 = arith.constant 0 : i32
        %lt3A_153 = arith.cmpi slt, %rem3A_149, %lt3A_152 : i32
        %lt3A_154 = arith.constant 0 : i32
        %lt3A_155 = arith.cmpi slt, %select_n3A_148, %lt3A_154 : i32
        %ne3A_156 = arith.xori %lt3A_153, %lt3A_155 : i1
        %and3A_157 = arith.andi %ne3A_156, %ne3A_151 : i1
        %add3A_158 = arith.addi %rem3A_149, %select_n3A_148 : i32
        %select_n3A_159 = arith.select %and3A_157, %add3A_158, %rem3A_149 : i32
        %dma_wait3A_160 = arith.constant 0 : i32
        %dma_wait3A_161 = arith.constant 0 : i32
        %dma_wait3A_162 = tpu.memref_slice %arg9[%select_n3A_159, %dma_wait3A_160, %dma_wait3A_161] : memref<3x128x128xf32, #tpu.memory_space<vmem>> -> memref<1x128x128xf32, #tpu.memory_space<vmem>>
        %dma_wait3A_163 = tpu.memref_squeeze %dma_wait3A_162 : memref<1x128x128xf32, #tpu.memory_space<vmem>> -> memref<128x128xf32, #tpu.memory_space<vmem>>
        %dma_wait3A_164 = arith.constant 0 : i32
        %dma_wait3A_165 = tpu.memref_slice %arg6[%mul3A_2, %dma_wait3A_164] : memref<802816x128xf32, #tpu.memory_space<hbm>> -> memref<128x128xf32, #tpu.memory_space<hbm>>
        %dma_wait3A_166 = arith.constant 0 : i32
        %dma_wait3A_167 = tpu.memref_slice %arg6[%mul3A_2, %dma_wait3A_166] : memref<802816x128xf32, #tpu.memory_space<hbm>> -> memref<128x128xf32, #tpu.memory_space<hbm>>
        %dma_wait3A_168 = arith.constant 0 : i32
        %dma_wait3A_169 = arith.constant 0 : i32
        %dma_wait3A_170 = tpu.memref_slice %arg9[%select_n3A_159, %dma_wait3A_168, %dma_wait3A_169] : memref<3x128x128xf32, #tpu.memory_space<vmem>> -> memref<1x128x128xf32, #tpu.memory_space<vmem>>
        %dma_wait3A_171 = tpu.memref_squeeze %dma_wait3A_170 : memref<1x128x128xf32, #tpu.memory_space<vmem>> -> memref<128x128xf32, #tpu.memory_space<vmem>>
        tpu.wait_dma2 semaphore(%arg11 : memref<!tpu.dma_semaphore, #tpu.memory_space<semaphore_mem>>) src(%dma_wait3A_171 : memref<128x128xf32, #tpu.memory_space<vmem>>) dst(%dma_wait3A_167 : memref<128x128xf32, #tpu.memory_space<hbm>>)
      } else {
      }
      %add3A_136 = arith.constant 1 : i32
      %add3A_137 = arith.addi %scan3A_84, %add3A_136 : i32
      %lt3A_138 = arith.constant 196 : i32
      %lt3A_139 = arith.cmpi slt, %add3A_137, %lt3A_138 : i32
      %convert_element_type3A_140 = arith.extui %lt3A_139 : i1 to i32
      %cond3A_141 = arith.constant 0 : i32
      %cond3A_142 = arith.cmpi ne, %convert_element_type3A_140, %cond3A_141 : i32
      scf.if %cond3A_142 {
        %add3A_143 = arith.constant 1 : i32
        %add3A_144 = arith.addi %scan3A_84, %add3A_143 : i32
        %mul3A_145 = arith.constant 128 : i32
        %mul3A_146 = arith.muli %add3A_144, %mul3A_145 : i32
        %jit3A_147 = arith.constant 3 : i32
        %eq3A_148 = arith.constant 0 : i32
        %eq3A_149 = arith.cmpi eq, %jit3A_147, %eq3A_148 : i32
        %jit3A_150 = arith.constant 1 : i32
        %select_n3A_151 = arith.select %eq3A_149, %jit3A_150, %jit3A_147 : i32
        %rem3A_152 = arith.remsi %add3A_144, %select_n3A_151 : i32
        %ne3A_153 = arith.constant 0 : i32
        %ne3A_154 = arith.cmpi ne, %rem3A_152, %ne3A_153 : i32
        %lt3A_155 = arith.constant 0 : i32
        %lt3A_156 = arith.cmpi slt, %rem3A_152, %lt3A_155 : i32
        %lt3A_157 = arith.constant 0 : i32
        %lt3A_158 = arith.cmpi slt, %select_n3A_151, %lt3A_157 : i32
        %ne3A_159 = arith.xori %lt3A_156, %lt3A_158 : i1
        %and3A_160 = arith.andi %ne3A_159, %ne3A_154 : i1
        %add3A_161 = arith.addi %rem3A_152, %select_n3A_151 : i32
        %select_n3A_162 = arith.select %and3A_160, %add3A_161, %rem3A_152 : i32
        %dma_start3A_163 = arith.constant 0 : i32
        %dma_start3A_164 = arith.constant 0 : i32
        %dma_start3A_165 = tpu.memref_slice %arg9[%select_n3A_162, %dma_start3A_163, %dma_start3A_164] : memref<3x128x128xf32, #tpu.memory_space<vmem>> -> memref<1x128x128xf32, #tpu.memory_space<vmem>>
        %dma_start3A_166 = tpu.memref_squeeze %dma_start3A_165 : memref<1x128x128xf32, #tpu.memory_space<vmem>> -> memref<128x128xf32, #tpu.memory_space<vmem>>
        %dma_start3A_167 = tpu.memref_slice %arg8[%mul3A_146] : memref<25088xi32, #tpu.memory_space<vmem>> -> memref<128xi32, #tpu.memory_space<vmem>>
        %dma_start3A_168 = arith.constant 0 : i32
        %dma_start3A_169 = arith.constant 0 : i32
        %dma_start3A_170 = tpu.memref_slice %arg2[%dma_start3A_168, %dma_start3A_169] : memref<50000x128xf32, #tpu.memory_space<hbm>> -> memref<50000x128xf32, #tpu.memory_space<hbm>>
        tpu.enqueue_indirect_dma source(%dma_start3A_170 : memref<50000x128xf32, #tpu.memory_space<hbm>>) target(%dma_start3A_166 : memref<128x128xf32, #tpu.memory_space<vmem>>) offsets(%dma_start3A_167 : memref<128xi32, #tpu.memory_space<vmem>>) semaphore(%arg10 : memref<!tpu.dma_semaphore, #tpu.memory_space<semaphore_mem>>)
      } else {
      }
    }
    %scan3A_16 = arith.constant 196 : i32
    %dma_wait3A = arith.constant 2 : i32
    %dma_wait3A_17 = arith.constant 0 : i32
    %dma_wait3A_18 = arith.constant 0 : i32
    %dma_wait3A_19 = tpu.memref_slice %arg9[%dma_wait3A, %dma_wait3A_17, %dma_wait3A_18] : memref<3x128x128xf32, #tpu.memory_space<vmem>> -> memref<1x128x128xf32, #tpu.memory_space<vmem>>
    %dma_wait3A_20 = tpu.memref_squeeze %dma_wait3A_19 : memref<1x128x128xf32, #tpu.memory_space<vmem>> -> memref<128x128xf32, #tpu.memory_space<vmem>>
    %dma_wait3A_21 = arith.constant 0 : i32
    %dma_wait3A_22 = tpu.memref_slice %arg6[%mul3A_2, %dma_wait3A_21] : memref<802816x128xf32, #tpu.memory_space<hbm>> -> memref<128x128xf32, #tpu.memory_space<hbm>>
    %dma_wait3A_23 = arith.constant 0 : i32
    %dma_wait3A_24 = tpu.memref_slice %arg6[%mul3A_2, %dma_wait3A_23] : memref<802816x128xf32, #tpu.memory_space<hbm>> -> memref<128x128xf32, #tpu.memory_space<hbm>>
    %dma_wait3A_25 = arith.constant 0 : i32
    %dma_wait3A_26 = arith.constant 0 : i32
    %dma_wait3A_27 = tpu.memref_slice %arg9[%dma_wait3A, %dma_wait3A_25, %dma_wait3A_26] : memref<3x128x128xf32, #tpu.memory_space<vmem>> -> memref<1x128x128xf32, #tpu.memory_space<vmem>>
    %dma_wait3A_28 = tpu.memref_squeeze %dma_wait3A_27 : memref<1x128x128xf32, #tpu.memory_space<vmem>> -> memref<128x128xf32, #tpu.memory_space<vmem>>
    tpu.wait_dma2 semaphore(%arg11 : memref<!tpu.dma_semaphore, #tpu.memory_space<semaphore_mem>>) src(%dma_wait3A_28 : memref<128x128xf32, #tpu.memory_space<vmem>>) dst(%dma_wait3A_24 : memref<128x128xf32, #tpu.memory_space<hbm>>)
    %dma_wait3A_29 = arith.constant 0 : i32
    %dma_wait3A_30 = arith.constant 0 : i32
    %dma_wait3A_31 = arith.constant 0 : i32
    %dma_wait3A_32 = tpu.memref_slice %arg9[%dma_wait3A_29, %dma_wait3A_30, %dma_wait3A_31] : memref<3x128x128xf32, #tpu.memory_space<vmem>> -> memref<1x128x128xf32, #tpu.memory_space<vmem>>
    %dma_wait3A_33 = tpu.memref_squeeze %dma_wait3A_32 : memref<1x128x128xf32, #tpu.memory_space<vmem>> -> memref<128x128xf32, #tpu.memory_space<vmem>>
    %dma_wait3A_34 = arith.constant 0 : i32
    %dma_wait3A_35 = tpu.memref_slice %arg6[%mul3A_2, %dma_wait3A_34] : memref<802816x128xf32, #tpu.memory_space<hbm>> -> memref<128x128xf32, #tpu.memory_space<hbm>>
    %dma_wait3A_36 = arith.constant 0 : i32
    %dma_wait3A_37 = tpu.memref_slice %arg6[%mul3A_2, %dma_wait3A_36] : memref<802816x128xf32, #tpu.memory_space<hbm>> -> memref<128x128xf32, #tpu.memory_space<hbm>>
    %dma_wait3A_38 = arith.constant 0 : i32
    %dma_wait3A_39 = arith.constant 0 : i32
    %dma_wait3A_40 = tpu.memref_slice %arg9[%dma_wait3A_29, %dma_wait3A_38, %dma_wait3A_39] : memref<3x128x128xf32, #tpu.memory_space<vmem>> -> memref<1x128x128xf32, #tpu.memory_space<vmem>>
    %dma_wait3A_41 = tpu.memref_squeeze %dma_wait3A_40 : memref<1x128x128xf32, #tpu.memory_space<vmem>> -> memref<128x128xf32, #tpu.memory_space<vmem>>
    tpu.wait_dma2 semaphore(%arg11 : memref<!tpu.dma_semaphore, #tpu.memory_space<semaphore_mem>>) src(%dma_wait3A_41 : memref<128x128xf32, #tpu.memory_space<vmem>>) dst(%dma_wait3A_37 : memref<128x128xf32, #tpu.memory_space<hbm>>)
    "tpu.region"() ({
      %run_scoped3A = tpu.sem_alloc : memref<!tpu.dma_semaphore, #tpu.memory_space<semaphore_mem>>
      %dma_start3A_84 = tpu.memref_slice %arg5[%mul3A_2] : memref<802816xi32, #tpu.memory_space<hbm>> -> memref<25088xi32, #tpu.memory_space<hbm>>
      %dma_start3A_85 = tpu.memref_slice %arg5[%mul3A_2] : memref<802816xi32, #tpu.memory_space<hbm>> -> memref<25088xi32, #tpu.memory_space<hbm>>
      tpu.enqueue_dma source(%dma_start3A_85 : memref<25088xi32, #tpu.memory_space<hbm>>) target(%arg8 : memref<25088xi32, #tpu.memory_space<vmem>>) target_semaphore(%run_scoped3A : memref<!tpu.dma_semaphore, #tpu.memory_space<semaphore_mem>>)
      %dma_wait3A_86 = tpu.memref_slice %arg5[%mul3A_2] : memref<802816xi32, #tpu.memory_space<hbm>> -> memref<25088xi32, #tpu.memory_space<hbm>>
      %dma_wait3A_87 = tpu.memref_slice %arg5[%mul3A_2] : memref<802816xi32, #tpu.memory_space<hbm>> -> memref<25088xi32, #tpu.memory_space<hbm>>
      tpu.wait_dma2 semaphore(%run_scoped3A : memref<!tpu.dma_semaphore, #tpu.memory_space<semaphore_mem>>) src(%dma_wait3A_87 : memref<25088xi32, #tpu.memory_space<hbm>>) dst(%arg8 : memref<25088xi32, #tpu.memory_space<vmem>>)
      tpu.yield
    }) : () -> ()
    %dma_start3A_42 = arith.constant 0 : i32
    %dma_start3A_43 = arith.constant 0 : i32
    %dma_start3A_44 = arith.constant 0 : i32
    %dma_start3A_45 = tpu.memref_slice %arg9[%dma_start3A_42, %dma_start3A_43, %dma_start3A_44] : memref<3x128x128xf32, #tpu.memory_space<vmem>> -> memref<1x128x128xf32, #tpu.memory_space<vmem>>
    %dma_start3A_46 = tpu.memref_squeeze %dma_start3A_45 : memref<1x128x128xf32, #tpu.memory_space<vmem>> -> memref<128x128xf32, #tpu.memory_space<vmem>>
    %dma_start3A_47 = arith.constant 0 : i32
    %dma_start3A_48 = tpu.memref_slice %arg8[%dma_start3A_47] : memref<25088xi32, #tpu.memory_space<vmem>> -> memref<128xi32, #tpu.memory_space<vmem>>
    %dma_start3A_49 = arith.constant 0 : i32
    %dma_start3A_50 = arith.constant 0 : i32
    %dma_start3A_51 = tpu.memref_slice %arg3[%dma_start3A_49, %dma_start3A_50] : memref<50000x128xf32, #tpu.memory_space<hbm>> -> memref<50000x128xf32, #tpu.memory_space<hbm>>
    tpu.enqueue_indirect_dma source(%dma_start3A_51 : memref<50000x128xf32, #tpu.memory_space<hbm>>) target(%dma_start3A_46 : memref<128x128xf32, #tpu.memory_space<vmem>>) offsets(%dma_start3A_48 : memref<128xi32, #tpu.memory_space<vmem>>) semaphore(%arg10 : memref<!tpu.dma_semaphore, #tpu.memory_space<semaphore_mem>>)
    %scan3A_52 = arith.constant 0 : i32
    %scan3A_53 = arith.constant 0 : i32
    %scan3A_54 = arith.constant 196 : i32
    %scan3A_55 = arith.addi %scan3A_53, %scan3A_54 : i32
    %scan3A_56 = arith.constant 1 : i32
    scf.for %scan3A_84 = %scan3A_53 to %scan3A_55 step %scan3A_56  : i32 {
      %jit3A = arith.constant 3 : i32
      %eq3A = arith.constant 0 : i32
      %eq3A_85 = arith.cmpi eq, %jit3A, %eq3A : i32
      %jit3A_86 = arith.constant 1 : i32
      %select_n3A = arith.select %eq3A_85, %jit3A_86, %jit3A : i32
      %rem3A = arith.remsi %scan3A_84, %select_n3A : i32
      %ne3A = arith.constant 0 : i32
      %ne3A_87 = arith.cmpi ne, %rem3A, %ne3A : i32
      %lt3A = arith.constant 0 : i32
      %lt3A_88 = arith.cmpi slt, %rem3A, %lt3A : i32
      %lt3A_89 = arith.constant 0 : i32
      %lt3A_90 = arith.cmpi slt, %select_n3A, %lt3A_89 : i32
      %ne3A_91 = arith.xori %lt3A_88, %lt3A_90 : i1
      %and3A = arith.andi %ne3A_91, %ne3A_87 : i1
      %add3A_92 = arith.addi %rem3A, %select_n3A : i32
      %select_n3A_93 = arith.select %and3A, %add3A_92, %rem3A : i32
      %dma_wait3A_94 = arith.constant 0 : i32
      %dma_wait3A_95 = arith.constant 0 : i32
      %dma_wait3A_96 = tpu.memref_slice %arg9[%select_n3A_93, %dma_wait3A_94, %dma_wait3A_95] : memref<3x128x128xf32, #tpu.memory_space<vmem>> -> memref<1x128x128xf32, #tpu.memory_space<vmem>>
      %dma_wait3A_97 = tpu.memref_squeeze %dma_wait3A_96 : memref<1x128x128xf32, #tpu.memory_space<vmem>> -> memref<128x128xf32, #tpu.memory_space<vmem>>
      %dma_wait3A_98 = arith.constant 0 : i32
      %dma_wait3A_99 = tpu.memref_slice %arg8[%dma_wait3A_98] : memref<25088xi32, #tpu.memory_space<vmem>> -> memref<128xi32, #tpu.memory_space<vmem>>
      %dma_wait3A_100 = arith.constant 0 : i32
      %dma_wait3A_101 = arith.constant 0 : i32
      %dma_wait3A_102 = tpu.memref_slice %arg3[%dma_wait3A_100, %dma_wait3A_101] : memref<50000x128xf32, #tpu.memory_space<hbm>> -> memref<50000x128xf32, #tpu.memory_space<hbm>>
      tpu.wait_indirect_dma semaphore(%arg10 : memref<!tpu.dma_semaphore, #tpu.memory_space<semaphore_mem>>) src(%dma_wait3A_102 : memref<50000x128xf32, #tpu.memory_space<hbm>>) dst(%dma_wait3A_97 : memref<128x128xf32, #tpu.memory_space<vmem>>)
      %jit3A_103 = arith.constant 3 : i32
      %eq3A_104 = arith.constant 0 : i32
      %eq3A_105 = arith.cmpi eq, %jit3A_103, %eq3A_104 : i32
      %jit3A_106 = arith.constant 1 : i32
      %select_n3A_107 = arith.select %eq3A_105, %jit3A_106, %jit3A_103 : i32
      %rem3A_108 = arith.remsi %scan3A_84, %select_n3A_107 : i32
      %ne3A_109 = arith.constant 0 : i32
      %ne3A_110 = arith.cmpi ne, %rem3A_108, %ne3A_109 : i32
      %lt3A_111 = arith.constant 0 : i32
      %lt3A_112 = arith.cmpi slt, %rem3A_108, %lt3A_111 : i32
      %lt3A_113 = arith.constant 0 : i32
      %lt3A_114 = arith.cmpi slt, %select_n3A_107, %lt3A_113 : i32
      %ne3A_115 = arith.xori %lt3A_112, %lt3A_114 : i1
      %and3A_116 = arith.andi %ne3A_115, %ne3A_110 : i1
      %add3A_117 = arith.addi %rem3A_108, %select_n3A_107 : i32
      %select_n3A_118 = arith.select %and3A_116, %add3A_117, %rem3A_108 : i32
      %mul3A_119 = arith.constant 128 : i32
      %mul3A_120 = arith.muli %scan3A_84, %mul3A_119 : i32
      %add3A_121 = arith.addi %mul3A_2, %mul3A_120 : i32
      %dma_start3A_122 = arith.constant 0 : i32
      %dma_start3A_123 = arith.constant 0 : i32
      %dma_start3A_124 = tpu.memref_slice %arg9[%select_n3A_118, %dma_start3A_122, %dma_start3A_123] : memref<3x128x128xf32, #tpu.memory_space<vmem>> -> memref<1x128x128xf32, #tpu.memory_space<vmem>>
      %dma_start3A_125 = tpu.memref_squeeze %dma_start3A_124 : memref<1x128x128xf32, #tpu.memory_space<vmem>> -> memref<128x128xf32, #tpu.memory_space<vmem>>
      %dma_start3A_126 = arith.constant 0 : i32
      %dma_start3A_127 = tpu.memref_slice %arg7[%add3A_121, %dma_start3A_126] : memref<802816x128xf32, #tpu.memory_space<hbm>> -> memref<128x128xf32, #tpu.memory_space<hbm>>
      %dma_start3A_128 = arith.constant 0 : i32
      %dma_start3A_129 = tpu.memref_slice %arg7[%add3A_121, %dma_start3A_128] : memref<802816x128xf32, #tpu.memory_space<hbm>> -> memref<128x128xf32, #tpu.memory_space<hbm>>
      %dma_start3A_130 = arith.constant 0 : i32
      %dma_start3A_131 = arith.constant 0 : i32
      %dma_start3A_132 = tpu.memref_slice %arg9[%select_n3A_118, %dma_start3A_130, %dma_start3A_131] : memref<3x128x128xf32, #tpu.memory_space<vmem>> -> memref<1x128x128xf32, #tpu.memory_space<vmem>>
      %dma_start3A_133 = tpu.memref_squeeze %dma_start3A_132 : memref<1x128x128xf32, #tpu.memory_space<vmem>> -> memref<128x128xf32, #tpu.memory_space<vmem>>
      tpu.enqueue_dma source(%dma_start3A_133 : memref<128x128xf32, #tpu.memory_space<vmem>>) target(%dma_start3A_129 : memref<128x128xf32, #tpu.memory_space<hbm>>) target_semaphore(%arg11 : memref<!tpu.dma_semaphore, #tpu.memory_space<semaphore_mem>>)
      %ge3A = arith.constant 2 : i32
      %ge3A_134 = arith.cmpi sge, %scan3A_84, %ge3A : i32
      %convert_element_type3A = arith.extui %ge3A_134 : i1 to i32
      %cond3A = arith.constant 0 : i32
      %cond3A_135 = arith.cmpi ne, %convert_element_type3A, %cond3A : i32
      scf.if %cond3A_135 {
        %sub3A = arith.constant 2 : i32
        %sub3A_143 = arith.subi %scan3A_84, %sub3A : i32
        %jit3A_144 = arith.constant 3 : i32
        %eq3A_145 = arith.constant 0 : i32
        %eq3A_146 = arith.cmpi eq, %jit3A_144, %eq3A_145 : i32
        %jit3A_147 = arith.constant 1 : i32
        %select_n3A_148 = arith.select %eq3A_146, %jit3A_147, %jit3A_144 : i32
        %rem3A_149 = arith.remsi %sub3A_143, %select_n3A_148 : i32
        %ne3A_150 = arith.constant 0 : i32
        %ne3A_151 = arith.cmpi ne, %rem3A_149, %ne3A_150 : i32
        %lt3A_152 = arith.constant 0 : i32
        %lt3A_153 = arith.cmpi slt, %rem3A_149, %lt3A_152 : i32
        %lt3A_154 = arith.constant 0 : i32
        %lt3A_155 = arith.cmpi slt, %select_n3A_148, %lt3A_154 : i32
        %ne3A_156 = arith.xori %lt3A_153, %lt3A_155 : i1
        %and3A_157 = arith.andi %ne3A_156, %ne3A_151 : i1
        %add3A_158 = arith.addi %rem3A_149, %select_n3A_148 : i32
        %select_n3A_159 = arith.select %and3A_157, %add3A_158, %rem3A_149 : i32
        %dma_wait3A_160 = arith.constant 0 : i32
        %dma_wait3A_161 = arith.constant 0 : i32
        %dma_wait3A_162 = tpu.memref_slice %arg9[%select_n3A_159, %dma_wait3A_160, %dma_wait3A_161] : memref<3x128x128xf32, #tpu.memory_space<vmem>> -> memref<1x128x128xf32, #tpu.memory_space<vmem>>
        %dma_wait3A_163 = tpu.memref_squeeze %dma_wait3A_162 : memref<1x128x128xf32, #tpu.memory_space<vmem>> -> memref<128x128xf32, #tpu.memory_space<vmem>>
        %dma_wait3A_164 = arith.constant 0 : i32
        %dma_wait3A_165 = tpu.memref_slice %arg7[%mul3A_2, %dma_wait3A_164] : memref<802816x128xf32, #tpu.memory_space<hbm>> -> memref<128x128xf32, #tpu.memory_space<hbm>>
        %dma_wait3A_166 = arith.constant 0 : i32
        %dma_wait3A_167 = tpu.memref_slice %arg7[%mul3A_2, %dma_wait3A_166] : memref<802816x128xf32, #tpu.memory_space<hbm>> -> memref<128x128xf32, #tpu.memory_space<hbm>>
        %dma_wait3A_168 = arith.constant 0 : i32
        %dma_wait3A_169 = arith.constant 0 : i32
        %dma_wait3A_170 = tpu.memref_slice %arg9[%select_n3A_159, %dma_wait3A_168, %dma_wait3A_169] : memref<3x128x128xf32, #tpu.memory_space<vmem>> -> memref<1x128x128xf32, #tpu.memory_space<vmem>>
        %dma_wait3A_171 = tpu.memref_squeeze %dma_wait3A_170 : memref<1x128x128xf32, #tpu.memory_space<vmem>> -> memref<128x128xf32, #tpu.memory_space<vmem>>
        tpu.wait_dma2 semaphore(%arg11 : memref<!tpu.dma_semaphore, #tpu.memory_space<semaphore_mem>>) src(%dma_wait3A_171 : memref<128x128xf32, #tpu.memory_space<vmem>>) dst(%dma_wait3A_167 : memref<128x128xf32, #tpu.memory_space<hbm>>)
      } else {
      }
      %add3A_136 = arith.constant 1 : i32
      %add3A_137 = arith.addi %scan3A_84, %add3A_136 : i32
      %lt3A_138 = arith.constant 196 : i32
      %lt3A_139 = arith.cmpi slt, %add3A_137, %lt3A_138 : i32
      %convert_element_type3A_140 = arith.extui %lt3A_139 : i1 to i32
      %cond3A_141 = arith.constant 0 : i32
      %cond3A_142 = arith.cmpi ne, %convert_element_type3A_140, %cond3A_141 : i32
      scf.if %cond3A_142 {
        %add3A_143 = arith.constant 1 : i32
        %add3A_144 = arith.addi %scan3A_84, %add3A_143 : i32
        %mul3A_145 = arith.constant 128 : i32
        %mul3A_146 = arith.muli %add3A_144, %mul3A_145 : i32
        %jit3A_147 = arith.constant 3 : i32
        %eq3A_148 = arith.constant 0 : i32
        %eq3A_149 = arith.cmpi eq, %jit3A_147, %eq3A_148 : i32
        %jit3A_150 = arith.constant 1 : i32
        %select_n3A_151 = arith.select %eq3A_149, %jit3A_150, %jit3A_147 : i32
        %rem3A_152 = arith.remsi %add3A_144, %select_n3A_151 : i32
        %ne3A_153 = arith.constant 0 : i32
        %ne3A_154 = arith.cmpi ne, %rem3A_152, %ne3A_153 : i32
        %lt3A_155 = arith.constant 0 : i32
        %lt3A_156 = arith.cmpi slt, %rem3A_152, %lt3A_155 : i32
        %lt3A_157 = arith.constant 0 : i32
        %lt3A_158 = arith.cmpi slt, %select_n3A_151, %lt3A_157 : i32
        %ne3A_159 = arith.xori %lt3A_156, %lt3A_158 : i1
        %and3A_160 = arith.andi %ne3A_159, %ne3A_154 : i1
        %add3A_161 = arith.addi %rem3A_152, %select_n3A_151 : i32
        %select_n3A_162 = arith.select %and3A_160, %add3A_161, %rem3A_152 : i32
        %dma_start3A_163 = arith.constant 0 : i32
        %dma_start3A_164 = arith.constant 0 : i32
        %dma_start3A_165 = tpu.memref_slice %arg9[%select_n3A_162, %dma_start3A_163, %dma_start3A_164] : memref<3x128x128xf32, #tpu.memory_space<vmem>> -> memref<1x128x128xf32, #tpu.memory_space<vmem>>
        %dma_start3A_166 = tpu.memref_squeeze %dma_start3A_165 : memref<1x128x128xf32, #tpu.memory_space<vmem>> -> memref<128x128xf32, #tpu.memory_space<vmem>>
        %dma_start3A_167 = tpu.memref_slice %arg8[%mul3A_146] : memref<25088xi32, #tpu.memory_space<vmem>> -> memref<128xi32, #tpu.memory_space<vmem>>
        %dma_start3A_168 = arith.constant 0 : i32
        %dma_start3A_169 = arith.constant 0 : i32
        %dma_start3A_170 = tpu.memref_slice %arg3[%dma_start3A_168, %dma_start3A_169] : memref<50000x128xf32, #tpu.memory_space<hbm>> -> memref<50000x128xf32, #tpu.memory_space<hbm>>
        tpu.enqueue_indirect_dma source(%dma_start3A_170 : memref<50000x128xf32, #tpu.memory_space<hbm>>) target(%dma_start3A_166 : memref<128x128xf32, #tpu.memory_space<vmem>>) offsets(%dma_start3A_167 : memref<128xi32, #tpu.memory_space<vmem>>) semaphore(%arg10 : memref<!tpu.dma_semaphore, #tpu.memory_space<semaphore_mem>>)
      } else {
      }
    }
    %scan3A_57 = arith.constant 196 : i32
    %dma_wait3A_58 = arith.constant 2 : i32
    %dma_wait3A_59 = arith.constant 0 : i32
    %dma_wait3A_60 = arith.constant 0 : i32
    %dma_wait3A_61 = tpu.memref_slice %arg9[%dma_wait3A_58, %dma_wait3A_59, %dma_wait3A_60] : memref<3x128x128xf32, #tpu.memory_space<vmem>> -> memref<1x128x128xf32, #tpu.memory_space<vmem>>
    %dma_wait3A_62 = tpu.memref_squeeze %dma_wait3A_61 : memref<1x128x128xf32, #tpu.memory_space<vmem>> -> memref<128x128xf32, #tpu.memory_space<vmem>>
    %dma_wait3A_63 = arith.constant 0 : i32
    %dma_wait3A_64 = tpu.memref_slice %arg7[%mul3A_2, %dma_wait3A_63] : memref<802816x128xf32, #tpu.memory_space<hbm>> -> memref<128x128xf32, #tpu.memory_space<hbm>>
    %dma_wait3A_65 = arith.constant 0 : i32
    %dma_wait3A_66 = tpu.memref_slice %arg7[%mul3A_2, %dma_wait3A_65] : memref<802816x128xf32, #tpu.memory_space<hbm>> -> memref<128x128xf32, #tpu.memory_space<hbm>>
    %dma_wait3A_67 = arith.constant 0 : i32
    %dma_wait3A_68 = arith.constant 0 : i32
    %dma_wait3A_69 = tpu.memref_slice %arg9[%dma_wait3A_58, %dma_wait3A_67, %dma_wait3A_68] : memref<3x128x128xf32, #tpu.memory_space<vmem>> -> memref<1x128x128xf32, #tpu.memory_space<vmem>>
    %dma_wait3A_70 = tpu.memref_squeeze %dma_wait3A_69 : memref<1x128x128xf32, #tpu.memory_space<vmem>> -> memref<128x128xf32, #tpu.memory_space<vmem>>
    tpu.wait_dma2 semaphore(%arg11 : memref<!tpu.dma_semaphore, #tpu.memory_space<semaphore_mem>>) src(%dma_wait3A_70 : memref<128x128xf32, #tpu.memory_space<vmem>>) dst(%dma_wait3A_66 : memref<128x128xf32, #tpu.memory_space<hbm>>)
    %dma_wait3A_71 = arith.constant 0 : i32
    %dma_wait3A_72 = arith.constant 0 : i32
    %dma_wait3A_73 = arith.constant 0 : i32
    %dma_wait3A_74 = tpu.memref_slice %arg9[%dma_wait3A_71, %dma_wait3A_72, %dma_wait3A_73] : memref<3x128x128xf32, #tpu.memory_space<vmem>> -> memref<1x128x128xf32, #tpu.memory_space<vmem>>
    %dma_wait3A_75 = tpu.memref_squeeze %dma_wait3A_74 : memref<1x128x128xf32, #tpu.memory_space<vmem>> -> memref<128x128xf32, #tpu.memory_space<vmem>>
    %dma_wait3A_76 = arith.constant 0 : i32
    %dma_wait3A_77 = tpu.memref_slice %arg7[%mul3A_2, %dma_wait3A_76] : memref<802816x128xf32, #tpu.memory_space<hbm>> -> memref<128x128xf32, #tpu.memory_space<hbm>>
    %dma_wait3A_78 = arith.constant 0 : i32
    %dma_wait3A_79 = tpu.memref_slice %arg7[%mul3A_2, %dma_wait3A_78] : memref<802816x128xf32, #tpu.memory_space<hbm>> -> memref<128x128xf32, #tpu.memory_space<hbm>>
    %dma_wait3A_80 = arith.constant 0 : i32
    %dma_wait3A_81 = arith.constant 0 : i32
    %dma_wait3A_82 = tpu.memref_slice %arg9[%dma_wait3A_71, %dma_wait3A_80, %dma_wait3A_81] : memref<3x128x128xf32, #tpu.memory_space<vmem>> -> memref<1x128x128xf32, #tpu.memory_space<vmem>>
    %dma_wait3A_83 = tpu.memref_squeeze %dma_wait3A_82 : memref<1x128x128xf32, #tpu.memory_space<vmem>> -> memref<128x128xf32, #tpu.memory_space<vmem>>
    tpu.wait_dma2 semaphore(%arg11 : memref<!tpu.dma_semaphore, #tpu.memory_space<semaphore_mem>>) src(%dma_wait3A_83 : memref<128x128xf32, #tpu.memory_space<vmem>>) dst(%dma_wait3A_79 : memref<128x128xf32, #tpu.memory_space<hbm>>)
    return
  }
}

#map = affine_map<(d0, d1) -> (0, 0)>
#map1 = affine_map<(d0, d1) -> (0)>
module attributes {stable_mosaic.version = 14 : i64} {
  func.func @k(%arg0: i32, %arg1: i32, %arg2: memref<802816x128xf32, #tpu.memory_space<hbm>>, %arg3: memref<3211264xi32, #tpu.memory_space<hbm>>, %arg4: memref<792x128xf32, #tpu.memory_space<hbm>>, %arg5: memref<50176x128xf32, #tpu.memory_space<hbm>>, %arg6: memref<2x64xi32, #tpu.memory_space<vmem>>, %arg7: memref<2x64x128xf32, #tpu.memory_space<vmem>>, %arg8: memref<12672x128xf32, #tpu.memory_space<vmem_shared>>, %arg9: memref<!tpu.dma_semaphore, #tpu.memory_space<semaphore_mem>>, %arg10: memref<!tpu.dma_semaphore, #tpu.memory_space<semaphore_mem>>) attributes {dimension_semantics = [#tpu.dimension_semantics<core_parallel>, #tpu.dimension_semantics<subcore_parallel>], iteration_bounds = array<i64: 2, 16>, scalar_prefetch = 0 : i64, scratch_operands = 5 : i64, tpu.core_type = #tpu.core_type<sc_vector_subcore>, window_params = [{transform_indices = #map}, {transform_indices = #map1}, {transform_indices = #map}, {transform_indices = #map}]} {
    %mul3A = arith.constant 2 : i32
    %mul3A_0 = arith.muli %mul3A, %arg0 : i32
    %add3A = arith.constant 0 : i32
    %add3A_1 = arith.addi %mul3A_0, %add3A : i32
    %mul3A_2 = arith.constant 792 : i32
    %mul3A_3 = arith.muli %arg1, %mul3A_2 : i32
    "tpu.region"() ({
      %run_scoped3A = tpu.sem_alloc : memref<!tpu.dma_semaphore, #tpu.memory_space<semaphore_mem>>
      %dma_start3A_120 = arith.constant 0 : i32
      %dma_start3A_121 = tpu.memref_slice %arg8[%mul3A_3, %dma_start3A_120] : memref<12672x128xf32, #tpu.memory_space<vmem_shared>> -> memref<792x128xf32, #tpu.memory_space<vmem_shared>>
      tpu.enqueue_dma source(%arg4 : memref<792x128xf32, #tpu.memory_space<hbm>>) target(%dma_start3A_121 : memref<792x128xf32, #tpu.memory_space<vmem_shared>>) target_semaphore(%run_scoped3A : memref<!tpu.dma_semaphore, #tpu.memory_space<semaphore_mem>>)
      %dma_wait3A_122 = arith.constant 0 : i32
      %dma_wait3A_123 = tpu.memref_slice %arg8[%mul3A_3, %dma_wait3A_122] : memref<12672x128xf32, #tpu.memory_space<vmem_shared>> -> memref<792x128xf32, #tpu.memory_space<vmem_shared>>
      tpu.wait_dma2 semaphore(%run_scoped3A : memref<!tpu.dma_semaphore, #tpu.memory_space<semaphore_mem>>) src(%arg4 : memref<792x128xf32, #tpu.memory_space<hbm>>) dst(%dma_wait3A_123 : memref<792x128xf32, #tpu.memory_space<vmem_shared>>)
      tpu.yield
    }) : () -> ()
    %barrier3A = arith.constant 0 : index
    tpu.barrier barrier_id(%barrier3A)
    %mul3A_4 = arith.constant 50176 : i32
    %mul3A_5 = arith.muli %arg1, %mul3A_4 : i32
    %add3A_6 = arith.constant 0 : i32
    %add3A_7 = arith.addi %mul3A_5, %add3A_6 : i32
    %mul3A_8 = arith.constant 802816 : i32
    %mul3A_9 = arith.muli %add3A_1, %mul3A_8 : i32
    %add3A_10 = arith.addi %mul3A_9, %add3A_7 : i32
    %dma_start3A = arith.constant 0 : i32
    %dma_start3A_11 = arith.constant 0 : i32
    %dma_start3A_12 = tpu.memref_slice %arg6[%dma_start3A, %dma_start3A_11] : memref<2x64xi32, #tpu.memory_space<vmem>> -> memref<1x64xi32, #tpu.memory_space<vmem>>
    %dma_start3A_13 = tpu.memref_squeeze %dma_start3A_12 : memref<1x64xi32, #tpu.memory_space<vmem>> -> memref<64xi32, #tpu.memory_space<vmem>>
    %dma_start3A_14 = tpu.memref_slice %arg3[%add3A_10] : memref<3211264xi32, #tpu.memory_space<hbm>> -> memref<64xi32, #tpu.memory_space<hbm>>
    %dma_start3A_15 = arith.constant 0 : i32
    %dma_start3A_16 = tpu.memref_slice %arg6[%dma_start3A, %dma_start3A_15] : memref<2x64xi32, #tpu.memory_space<vmem>> -> memref<1x64xi32, #tpu.memory_space<vmem>>
    %dma_start3A_17 = tpu.memref_squeeze %dma_start3A_16 : memref<1x64xi32, #tpu.memory_space<vmem>> -> memref<64xi32, #tpu.memory_space<vmem>>
    %dma_start3A_18 = tpu.memref_slice %arg3[%add3A_10] : memref<3211264xi32, #tpu.memory_space<hbm>> -> memref<64xi32, #tpu.memory_space<hbm>>
    tpu.enqueue_dma source(%dma_start3A_18 : memref<64xi32, #tpu.memory_space<hbm>>) target(%dma_start3A_17 : memref<64xi32, #tpu.memory_space<vmem>>) target_semaphore(%arg9 : memref<!tpu.dma_semaphore, #tpu.memory_space<semaphore_mem>>)
    %dma_start3A_19 = arith.constant 0 : i32
    %dma_start3A_20 = arith.constant 0 : i32
    %dma_start3A_21 = arith.constant 0 : i32
    %dma_start3A_22 = tpu.memref_slice %arg7[%dma_start3A_19, %dma_start3A_20, %dma_start3A_21] : memref<2x64x128xf32, #tpu.memory_space<vmem>> -> memref<1x64x128xf32, #tpu.memory_space<vmem>>
    %dma_start3A_23 = tpu.memref_squeeze %dma_start3A_22 : memref<1x64x128xf32, #tpu.memory_space<vmem>> -> memref<64x128xf32, #tpu.memory_space<vmem>>
    %dma_start3A_24 = arith.constant 0 : i32
    %dma_start3A_25 = tpu.memref_slice %arg2[%add3A_7, %dma_start3A_24] : memref<802816x128xf32, #tpu.memory_space<hbm>> -> memref<64x128xf32, #tpu.memory_space<hbm>>
    %dma_start3A_26 = arith.constant 0 : i32
    %dma_start3A_27 = arith.constant 0 : i32
    %dma_start3A_28 = tpu.memref_slice %arg7[%dma_start3A_19, %dma_start3A_26, %dma_start3A_27] : memref<2x64x128xf32, #tpu.memory_space<vmem>> -> memref<1x64x128xf32, #tpu.memory_space<vmem>>
    %dma_start3A_29 = tpu.memref_squeeze %dma_start3A_28 : memref<1x64x128xf32, #tpu.memory_space<vmem>> -> memref<64x128xf32, #tpu.memory_space<vmem>>
    %dma_start3A_30 = arith.constant 0 : i32
    %dma_start3A_31 = tpu.memref_slice %arg2[%add3A_7, %dma_start3A_30] : memref<802816x128xf32, #tpu.memory_space<hbm>> -> memref<64x128xf32, #tpu.memory_space<hbm>>
    tpu.enqueue_dma source(%dma_start3A_31 : memref<64x128xf32, #tpu.memory_space<hbm>>) target(%dma_start3A_29 : memref<64x128xf32, #tpu.memory_space<vmem>>) target_semaphore(%arg9 : memref<!tpu.dma_semaphore, #tpu.memory_space<semaphore_mem>>)
    %scan3A = arith.constant 0 : i32
    %scan3A_32 = arith.constant 0 : i32
    %scan3A_33 = arith.constant 784 : i32
    %scan3A_34 = arith.addi %scan3A_32, %scan3A_33 : i32
    %scan3A_35 = arith.constant 1 : i32
    scf.for %scan3A_120 = %scan3A_32 to %scan3A_34 step %scan3A_35  : i32 {
      %ge3A = arith.constant 1 : i32
      %ge3A_121 = arith.cmpi sge, %scan3A_120, %ge3A : i32
      %convert_element_type3A = arith.extui %ge3A_121 : i1 to i32
      %cond3A = arith.constant 0 : i32
      %cond3A_122 = arith.cmpi ne, %convert_element_type3A, %cond3A : i32
      scf.if %cond3A_122 {
        %sub3A = arith.constant 1 : i32
        %sub3A_221 = arith.subi %scan3A_120, %sub3A : i32
        %jit3A_222 = arith.constant 2 : i32
        %eq3A_223 = arith.constant 0 : i32
        %eq3A_224 = arith.cmpi eq, %jit3A_222, %eq3A_223 : i32
        %jit3A_225 = arith.constant 1 : i32
        %select_n3A_226 = arith.select %eq3A_224, %jit3A_225, %jit3A_222 : i32
        %rem3A_227 = arith.remsi %sub3A_221, %select_n3A_226 : i32
        %ne3A_228 = arith.constant 0 : i32
        %ne3A_229 = arith.cmpi ne, %rem3A_227, %ne3A_228 : i32
        %lt3A_230 = arith.constant 0 : i32
        %lt3A_231 = arith.cmpi slt, %rem3A_227, %lt3A_230 : i32
        %lt3A_232 = arith.constant 0 : i32
        %lt3A_233 = arith.cmpi slt, %select_n3A_226, %lt3A_232 : i32
        %ne3A_234 = arith.xori %lt3A_231, %lt3A_233 : i1
        %and3A_235 = arith.andi %ne3A_234, %ne3A_229 : i1
        %add3A_236 = arith.addi %rem3A_227, %select_n3A_226 : i32
        %select_n3A_237 = arith.select %and3A_235, %add3A_236, %rem3A_227 : i32
        %jit3A_238 = arith.constant 2 : i32
        %eq3A_239 = arith.constant 0 : i32
        %eq3A_240 = arith.cmpi eq, %jit3A_238, %eq3A_239 : i32
        %jit3A_241 = arith.constant 1 : i32
        %select_n3A_242 = arith.select %eq3A_240, %jit3A_241, %jit3A_238 : i32
        %rem3A_243 = arith.remsi %sub3A_221, %select_n3A_242 : i32
        %ne3A_244 = arith.constant 0 : i32
        %ne3A_245 = arith.cmpi ne, %rem3A_243, %ne3A_244 : i32
        %lt3A_246 = arith.constant 0 : i32
        %lt3A_247 = arith.cmpi slt, %rem3A_243, %lt3A_246 : i32
        %lt3A_248 = arith.constant 0 : i32
        %lt3A_249 = arith.cmpi slt, %select_n3A_242, %lt3A_248 : i32
        %ne3A_250 = arith.xori %lt3A_247, %lt3A_249 : i1
        %and3A_251 = arith.andi %ne3A_250, %ne3A_245 : i1
        %add3A_252 = arith.addi %rem3A_243, %select_n3A_242 : i32
        %select_n3A_253 = arith.select %and3A_251, %add3A_252, %rem3A_243 : i32
        %dma_wait3A_254 = arith.constant 0 : i32
        %dma_wait3A_255 = arith.constant 0 : i32
        %dma_wait3A_256 = tpu.memref_slice %arg7[%select_n3A_237, %dma_wait3A_254, %dma_wait3A_255] : memref<2x64x128xf32, #tpu.memory_space<vmem>> -> memref<1x64x128xf32, #tpu.memory_space<vmem>>
        %dma_wait3A_257 = tpu.memref_squeeze %dma_wait3A_256 : memref<1x64x128xf32, #tpu.memory_space<vmem>> -> memref<64x128xf32, #tpu.memory_space<vmem>>
        %dma_wait3A_258 = arith.constant 0 : i32
        %dma_wait3A_259 = tpu.memref_slice %arg6[%select_n3A_253, %dma_wait3A_258] : memref<2x64xi32, #tpu.memory_space<vmem>> -> memref<1x64xi32, #tpu.memory_space<vmem>>
        %dma_wait3A_260 = tpu.memref_squeeze %dma_wait3A_259 : memref<1x64xi32, #tpu.memory_space<vmem>> -> memref<64xi32, #tpu.memory_space<vmem>>
        %dma_wait3A_261 = arith.constant 0 : i32
        %dma_wait3A_262 = arith.constant 0 : i32
        %dma_wait3A_263 = tpu.memref_slice %arg8[%dma_wait3A_261, %dma_wait3A_262] : memref<12672x128xf32, #tpu.memory_space<vmem_shared>> -> memref<12672x128xf32, #tpu.memory_space<vmem_shared>>
        tpu.wait_indirect_dma semaphore(%arg10 : memref<!tpu.dma_semaphore, #tpu.memory_space<semaphore_mem>>) src(%dma_wait3A_257 : memref<64x128xf32, #tpu.memory_space<vmem>>) dst(%dma_wait3A_263 : memref<12672x128xf32, #tpu.memory_space<vmem_shared>>)
      } else {
      }
      %add3A_123 = arith.constant 1 : i32
      %add3A_124 = arith.addi %scan3A_120, %add3A_123 : i32
      %lt3A = arith.constant 784 : i32
      %lt3A_125 = arith.cmpi slt, %add3A_124, %lt3A : i32
      %convert_element_type3A_126 = arith.extui %lt3A_125 : i1 to i32
      %cond3A_127 = arith.constant 0 : i32
      %cond3A_128 = arith.cmpi ne, %convert_element_type3A_126, %cond3A_127 : i32
      scf.if %cond3A_128 {
        %add3A_221 = arith.constant 1 : i32
        %add3A_222 = arith.addi %scan3A_120, %add3A_221 : i32
        %mul3A_223 = arith.constant 50176 : i32
        %mul3A_224 = arith.muli %arg1, %mul3A_223 : i32
        %mul3A_225 = arith.constant 64 : i32
        %mul3A_226 = arith.muli %add3A_222, %mul3A_225 : i32
        %add3A_227 = arith.addi %mul3A_224, %mul3A_226 : i32
        %mul3A_228 = arith.constant 802816 : i32
        %mul3A_229 = arith.muli %add3A_1, %mul3A_228 : i32
        %add3A_230 = arith.addi %mul3A_229, %add3A_227 : i32
        %jit3A_231 = arith.constant 2 : i32
        %eq3A_232 = arith.constant 0 : i32
        %eq3A_233 = arith.cmpi eq, %jit3A_231, %eq3A_232 : i32
        %jit3A_234 = arith.constant 1 : i32
        %select_n3A_235 = arith.select %eq3A_233, %jit3A_234, %jit3A_231 : i32
        %rem3A_236 = arith.remsi %add3A_222, %select_n3A_235 : i32
        %ne3A_237 = arith.constant 0 : i32
        %ne3A_238 = arith.cmpi ne, %rem3A_236, %ne3A_237 : i32
        %lt3A_239 = arith.constant 0 : i32
        %lt3A_240 = arith.cmpi slt, %rem3A_236, %lt3A_239 : i32
        %lt3A_241 = arith.constant 0 : i32
        %lt3A_242 = arith.cmpi slt, %select_n3A_235, %lt3A_241 : i32
        %ne3A_243 = arith.xori %lt3A_240, %lt3A_242 : i1
        %and3A_244 = arith.andi %ne3A_243, %ne3A_238 : i1
        %add3A_245 = arith.addi %rem3A_236, %select_n3A_235 : i32
        %select_n3A_246 = arith.select %and3A_244, %add3A_245, %rem3A_236 : i32
        %dma_start3A_247 = arith.constant 0 : i32
        %dma_start3A_248 = tpu.memref_slice %arg6[%select_n3A_246, %dma_start3A_247] : memref<2x64xi32, #tpu.memory_space<vmem>> -> memref<1x64xi32, #tpu.memory_space<vmem>>
        %dma_start3A_249 = tpu.memref_squeeze %dma_start3A_248 : memref<1x64xi32, #tpu.memory_space<vmem>> -> memref<64xi32, #tpu.memory_space<vmem>>
        %dma_start3A_250 = tpu.memref_slice %arg3[%add3A_230] : memref<3211264xi32, #tpu.memory_space<hbm>> -> memref<64xi32, #tpu.memory_space<hbm>>
        %dma_start3A_251 = arith.constant 0 : i32
        %dma_start3A_252 = tpu.memref_slice %arg6[%select_n3A_246, %dma_start3A_251] : memref<2x64xi32, #tpu.memory_space<vmem>> -> memref<1x64xi32, #tpu.memory_space<vmem>>
        %dma_start3A_253 = tpu.memref_squeeze %dma_start3A_252 : memref<1x64xi32, #tpu.memory_space<vmem>> -> memref<64xi32, #tpu.memory_space<vmem>>
        %dma_start3A_254 = tpu.memref_slice %arg3[%add3A_230] : memref<3211264xi32, #tpu.memory_space<hbm>> -> memref<64xi32, #tpu.memory_space<hbm>>
        tpu.enqueue_dma source(%dma_start3A_254 : memref<64xi32, #tpu.memory_space<hbm>>) target(%dma_start3A_253 : memref<64xi32, #tpu.memory_space<vmem>>) target_semaphore(%arg9 : memref<!tpu.dma_semaphore, #tpu.memory_space<semaphore_mem>>)
        %jit3A_255 = arith.constant 2 : i32
        %eq3A_256 = arith.constant 0 : i32
        %eq3A_257 = arith.cmpi eq, %jit3A_255, %eq3A_256 : i32
        %jit3A_258 = arith.constant 1 : i32
        %select_n3A_259 = arith.select %eq3A_257, %jit3A_258, %jit3A_255 : i32
        %rem3A_260 = arith.remsi %add3A_222, %select_n3A_259 : i32
        %ne3A_261 = arith.constant 0 : i32
        %ne3A_262 = arith.cmpi ne, %rem3A_260, %ne3A_261 : i32
        %lt3A_263 = arith.constant 0 : i32
        %lt3A_264 = arith.cmpi slt, %rem3A_260, %lt3A_263 : i32
        %lt3A_265 = arith.constant 0 : i32
        %lt3A_266 = arith.cmpi slt, %select_n3A_259, %lt3A_265 : i32
        %ne3A_267 = arith.xori %lt3A_264, %lt3A_266 : i1
        %and3A_268 = arith.andi %ne3A_267, %ne3A_262 : i1
        %add3A_269 = arith.addi %rem3A_260, %select_n3A_259 : i32
        %select_n3A_270 = arith.select %and3A_268, %add3A_269, %rem3A_260 : i32
        %dma_start3A_271 = arith.constant 0 : i32
        %dma_start3A_272 = arith.constant 0 : i32
        %dma_start3A_273 = tpu.memref_slice %arg7[%select_n3A_270, %dma_start3A_271, %dma_start3A_272] : memref<2x64x128xf32, #tpu.memory_space<vmem>> -> memref<1x64x128xf32, #tpu.memory_space<vmem>>
        %dma_start3A_274 = tpu.memref_squeeze %dma_start3A_273 : memref<1x64x128xf32, #tpu.memory_space<vmem>> -> memref<64x128xf32, #tpu.memory_space<vmem>>
        %dma_start3A_275 = arith.constant 0 : i32
        %dma_start3A_276 = tpu.memref_slice %arg2[%add3A_227, %dma_start3A_275] : memref<802816x128xf32, #tpu.memory_space<hbm>> -> memref<64x128xf32, #tpu.memory_space<hbm>>
        %dma_start3A_277 = arith.constant 0 : i32
        %dma_start3A_278 = arith.constant 0 : i32
        %dma_start3A_279 = tpu.memref_slice %arg7[%select_n3A_270, %dma_start3A_277, %dma_start3A_278] : memref<2x64x128xf32, #tpu.memory_space<vmem>> -> memref<1x64x128xf32, #tpu.memory_space<vmem>>
        %dma_start3A_280 = tpu.memref_squeeze %dma_start3A_279 : memref<1x64x128xf32, #tpu.memory_space<vmem>> -> memref<64x128xf32, #tpu.memory_space<vmem>>
        %dma_start3A_281 = arith.constant 0 : i32
        %dma_start3A_282 = tpu.memref_slice %arg2[%add3A_227, %dma_start3A_281] : memref<802816x128xf32, #tpu.memory_space<hbm>> -> memref<64x128xf32, #tpu.memory_space<hbm>>
        tpu.enqueue_dma source(%dma_start3A_282 : memref<64x128xf32, #tpu.memory_space<hbm>>) target(%dma_start3A_280 : memref<64x128xf32, #tpu.memory_space<vmem>>) target_semaphore(%arg9 : memref<!tpu.dma_semaphore, #tpu.memory_space<semaphore_mem>>)
      } else {
      }
      %jit3A = arith.constant 2 : i32
      %eq3A = arith.constant 0 : i32
      %eq3A_129 = arith.cmpi eq, %jit3A, %eq3A : i32
      %jit3A_130 = arith.constant 1 : i32
      %select_n3A = arith.select %eq3A_129, %jit3A_130, %jit3A : i32
      %rem3A = arith.remsi %scan3A_120, %select_n3A : i32
      %ne3A = arith.constant 0 : i32
      %ne3A_131 = arith.cmpi ne, %rem3A, %ne3A : i32
      %lt3A_132 = arith.constant 0 : i32
      %lt3A_133 = arith.cmpi slt, %rem3A, %lt3A_132 : i32
      %lt3A_134 = arith.constant 0 : i32
      %lt3A_135 = arith.cmpi slt, %select_n3A, %lt3A_134 : i32
      %ne3A_136 = arith.xori %lt3A_133, %lt3A_135 : i1
      %and3A = arith.andi %ne3A_136, %ne3A_131 : i1
      %add3A_137 = arith.addi %rem3A, %select_n3A : i32
      %select_n3A_138 = arith.select %and3A, %add3A_137, %rem3A : i32
      %dma_wait3A_139 = arith.constant 0 : i32
      %dma_wait3A_140 = tpu.memref_slice %arg6[%select_n3A_138, %dma_wait3A_139] : memref<2x64xi32, #tpu.memory_space<vmem>> -> memref<1x64xi32, #tpu.memory_space<vmem>>
      %dma_wait3A_141 = tpu.memref_squeeze %dma_wait3A_140 : memref<1x64xi32, #tpu.memory_space<vmem>> -> memref<64xi32, #tpu.memory_space<vmem>>
      %dma_wait3A_142 = arith.constant 0 : i32
      %dma_wait3A_143 = tpu.memref_slice %arg3[%dma_wait3A_142] : memref<3211264xi32, #tpu.memory_space<hbm>> -> memref<64xi32, #tpu.memory_space<hbm>>
      %dma_wait3A_144 = arith.constant 0 : i32
      %dma_wait3A_145 = tpu.memref_slice %arg6[%select_n3A_138, %dma_wait3A_144] : memref<2x64xi32, #tpu.memory_space<vmem>> -> memref<1x64xi32, #tpu.memory_space<vmem>>
      %dma_wait3A_146 = tpu.memref_squeeze %dma_wait3A_145 : memref<1x64xi32, #tpu.memory_space<vmem>> -> memref<64xi32, #tpu.memory_space<vmem>>
      %dma_wait3A_147 = arith.constant 0 : i32
      %dma_wait3A_148 = tpu.memref_slice %arg3[%dma_wait3A_147] : memref<3211264xi32, #tpu.memory_space<hbm>> -> memref<64xi32, #tpu.memory_space<hbm>>
      tpu.wait_dma2 semaphore(%arg9 : memref<!tpu.dma_semaphore, #tpu.memory_space<semaphore_mem>>) src(%dma_wait3A_148 : memref<64xi32, #tpu.memory_space<hbm>>) dst(%dma_wait3A_146 : memref<64xi32, #tpu.memory_space<vmem>>)
      %jit3A_149 = arith.constant 2 : i32
      %eq3A_150 = arith.constant 0 : i32
      %eq3A_151 = arith.cmpi eq, %jit3A_149, %eq3A_150 : i32
      %jit3A_152 = arith.constant 1 : i32
      %select_n3A_153 = arith.select %eq3A_151, %jit3A_152, %jit3A_149 : i32
      %rem3A_154 = arith.remsi %scan3A_120, %select_n3A_153 : i32
      %ne3A_155 = arith.constant 0 : i32
      %ne3A_156 = arith.cmpi ne, %rem3A_154, %ne3A_155 : i32
      %lt3A_157 = arith.constant 0 : i32
      %lt3A_158 = arith.cmpi slt, %rem3A_154, %lt3A_157 : i32
      %lt3A_159 = arith.constant 0 : i32
      %lt3A_160 = arith.cmpi slt, %select_n3A_153, %lt3A_159 : i32
      %ne3A_161 = arith.xori %lt3A_158, %lt3A_160 : i1
      %and3A_162 = arith.andi %ne3A_161, %ne3A_156 : i1
      %add3A_163 = arith.addi %rem3A_154, %select_n3A_153 : i32
      %select_n3A_164 = arith.select %and3A_162, %add3A_163, %rem3A_154 : i32
      %dma_wait3A_165 = arith.constant 0 : i32
      %dma_wait3A_166 = arith.constant 0 : i32
      %dma_wait3A_167 = tpu.memref_slice %arg7[%select_n3A_164, %dma_wait3A_165, %dma_wait3A_166] : memref<2x64x128xf32, #tpu.memory_space<vmem>> -> memref<1x64x128xf32, #tpu.memory_space<vmem>>
      %dma_wait3A_168 = tpu.memref_squeeze %dma_wait3A_167 : memref<1x64x128xf32, #tpu.memory_space<vmem>> -> memref<64x128xf32, #tpu.memory_space<vmem>>
      %dma_wait3A_169 = arith.constant 0 : i32
      %dma_wait3A_170 = arith.constant 0 : i32
      %dma_wait3A_171 = tpu.memref_slice %arg2[%dma_wait3A_169, %dma_wait3A_170] : memref<802816x128xf32, #tpu.memory_space<hbm>> -> memref<64x128xf32, #tpu.memory_space<hbm>>
      %dma_wait3A_172 = arith.constant 0 : i32
      %dma_wait3A_173 = arith.constant 0 : i32
      %dma_wait3A_174 = tpu.memref_slice %arg7[%select_n3A_164, %dma_wait3A_172, %dma_wait3A_173] : memref<2x64x128xf32, #tpu.memory_space<vmem>> -> memref<1x64x128xf32, #tpu.memory_space<vmem>>
      %dma_wait3A_175 = tpu.memref_squeeze %dma_wait3A_174 : memref<1x64x128xf32, #tpu.memory_space<vmem>> -> memref<64x128xf32, #tpu.memory_space<vmem>>
      %dma_wait3A_176 = arith.constant 0 : i32
      %dma_wait3A_177 = arith.constant 0 : i32
      %dma_wait3A_178 = tpu.memref_slice %arg2[%dma_wait3A_176, %dma_wait3A_177] : memref<802816x128xf32, #tpu.memory_space<hbm>> -> memref<64x128xf32, #tpu.memory_space<hbm>>
      tpu.wait_dma2 semaphore(%arg9 : memref<!tpu.dma_semaphore, #tpu.memory_space<semaphore_mem>>) src(%dma_wait3A_178 : memref<64x128xf32, #tpu.memory_space<hbm>>) dst(%dma_wait3A_175 : memref<64x128xf32, #tpu.memory_space<vmem>>)
      %jit3A_179 = arith.constant 2 : i32
      %eq3A_180 = arith.constant 0 : i32
      %eq3A_181 = arith.cmpi eq, %jit3A_179, %eq3A_180 : i32
      %jit3A_182 = arith.constant 1 : i32
      %select_n3A_183 = arith.select %eq3A_181, %jit3A_182, %jit3A_179 : i32
      %rem3A_184 = arith.remsi %scan3A_120, %select_n3A_183 : i32
      %ne3A_185 = arith.constant 0 : i32
      %ne3A_186 = arith.cmpi ne, %rem3A_184, %ne3A_185 : i32
      %lt3A_187 = arith.constant 0 : i32
      %lt3A_188 = arith.cmpi slt, %rem3A_184, %lt3A_187 : i32
      %lt3A_189 = arith.constant 0 : i32
      %lt3A_190 = arith.cmpi slt, %select_n3A_183, %lt3A_189 : i32
      %ne3A_191 = arith.xori %lt3A_188, %lt3A_190 : i1
      %and3A_192 = arith.andi %ne3A_191, %ne3A_186 : i1
      %add3A_193 = arith.addi %rem3A_184, %select_n3A_183 : i32
      %select_n3A_194 = arith.select %and3A_192, %add3A_193, %rem3A_184 : i32
      %jit3A_195 = arith.constant 2 : i32
      %eq3A_196 = arith.constant 0 : i32
      %eq3A_197 = arith.cmpi eq, %jit3A_195, %eq3A_196 : i32
      %jit3A_198 = arith.constant 1 : i32
      %select_n3A_199 = arith.select %eq3A_197, %jit3A_198, %jit3A_195 : i32
      %rem3A_200 = arith.remsi %scan3A_120, %select_n3A_199 : i32
      %ne3A_201 = arith.constant 0 : i32
      %ne3A_202 = arith.cmpi ne, %rem3A_200, %ne3A_201 : i32
      %lt3A_203 = arith.constant 0 : i32
      %lt3A_204 = arith.cmpi slt, %rem3A_200, %lt3A_203 : i32
      %lt3A_205 = arith.constant 0 : i32
      %lt3A_206 = arith.cmpi slt, %select_n3A_199, %lt3A_205 : i32
      %ne3A_207 = arith.xori %lt3A_204, %lt3A_206 : i1
      %and3A_208 = arith.andi %ne3A_207, %ne3A_202 : i1
      %add3A_209 = arith.addi %rem3A_200, %select_n3A_199 : i32
      %select_n3A_210 = arith.select %and3A_208, %add3A_209, %rem3A_200 : i32
      %dma_start3A_211 = arith.constant 0 : i32
      %dma_start3A_212 = arith.constant 0 : i32
      %dma_start3A_213 = tpu.memref_slice %arg7[%select_n3A_194, %dma_start3A_211, %dma_start3A_212] : memref<2x64x128xf32, #tpu.memory_space<vmem>> -> memref<1x64x128xf32, #tpu.memory_space<vmem>>
      %dma_start3A_214 = tpu.memref_squeeze %dma_start3A_213 : memref<1x64x128xf32, #tpu.memory_space<vmem>> -> memref<64x128xf32, #tpu.memory_space<vmem>>
      %dma_start3A_215 = arith.constant 0 : i32
      %dma_start3A_216 = tpu.memref_slice %arg6[%select_n3A_210, %dma_start3A_215] : memref<2x64xi32, #tpu.memory_space<vmem>> -> memref<1x64xi32, #tpu.memory_space<vmem>>
      %dma_start3A_217 = tpu.memref_squeeze %dma_start3A_216 : memref<1x64xi32, #tpu.memory_space<vmem>> -> memref<64xi32, #tpu.memory_space<vmem>>
      %dma_start3A_218 = arith.constant 0 : i32
      %dma_start3A_219 = arith.constant 0 : i32
      %dma_start3A_220 = tpu.memref_slice %arg8[%dma_start3A_218, %dma_start3A_219] : memref<12672x128xf32, #tpu.memory_space<vmem_shared>> -> memref<12672x128xf32, #tpu.memory_space<vmem_shared>>
      tpu.enqueue_indirect_dma source(%dma_start3A_214 : memref<64x128xf32, #tpu.memory_space<vmem>>) target(%dma_start3A_220 : memref<12672x128xf32, #tpu.memory_space<vmem_shared>>) offsets(%dma_start3A_217 : memref<64xi32, #tpu.memory_space<vmem>>) semaphore(%arg10 : memref<!tpu.dma_semaphore, #tpu.memory_space<semaphore_mem>>) {add = true}
    }
    %scan3A_36 = arith.constant 784 : i32
    %dma_wait3A = arith.constant 1 : i32
    %dma_wait3A_37 = arith.constant 1 : i32
    %dma_wait3A_38 = arith.constant 0 : i32
    %dma_wait3A_39 = arith.constant 0 : i32
    %dma_wait3A_40 = tpu.memref_slice %arg7[%dma_wait3A, %dma_wait3A_38, %dma_wait3A_39] : memref<2x64x128xf32, #tpu.memory_space<vmem>> -> memref<1x64x128xf32, #tpu.memory_space<vmem>>
    %dma_wait3A_41 = tpu.memref_squeeze %dma_wait3A_40 : memref<1x64x128xf32, #tpu.memory_space<vmem>> -> memref<64x128xf32, #tpu.memory_space<vmem>>
    %dma_wait3A_42 = arith.constant 0 : i32
    %dma_wait3A_43 = tpu.memref_slice %arg6[%dma_wait3A_37, %dma_wait3A_42] : memref<2x64xi32, #tpu.memory_space<vmem>> -> memref<1x64xi32, #tpu.memory_space<vmem>>
    %dma_wait3A_44 = tpu.memref_squeeze %dma_wait3A_43 : memref<1x64xi32, #tpu.memory_space<vmem>> -> memref<64xi32, #tpu.memory_space<vmem>>
    %dma_wait3A_45 = arith.constant 0 : i32
    %dma_wait3A_46 = arith.constant 0 : i32
    %dma_wait3A_47 = tpu.memref_slice %arg8[%dma_wait3A_45, %dma_wait3A_46] : memref<12672x128xf32, #tpu.memory_space<vmem_shared>> -> memref<12672x128xf32, #tpu.memory_space<vmem_shared>>
    tpu.wait_indirect_dma semaphore(%arg10 : memref<!tpu.dma_semaphore, #tpu.memory_space<semaphore_mem>>) src(%dma_wait3A_41 : memref<64x128xf32, #tpu.memory_space<vmem>>) dst(%dma_wait3A_47 : memref<12672x128xf32, #tpu.memory_space<vmem_shared>>)
    %barrier3A_48 = arith.constant 0 : index
    tpu.barrier barrier_id(%barrier3A_48)
    %mul3A_49 = arith.constant 784 : i32
    %mul3A_50 = arith.muli %arg1, %mul3A_49 : i32
    %mul3A_51 = arith.constant 12544 : i32
    %mul3A_52 = arith.muli %add3A_1, %mul3A_51 : i32
    %mul3A_53 = arith.constant 784 : i32
    %mul3A_54 = arith.muli %arg1, %mul3A_53 : i32
    %add3A_55 = arith.addi %mul3A_52, %mul3A_54 : i32
    "tpu.region"() ({
      %run_scoped3A = tpu.sem_alloc : memref<!tpu.dma_semaphore, #tpu.memory_space<semaphore_mem>>
      %dma_start3A_120 = arith.constant 0 : i32
      %dma_start3A_121 = tpu.memref_slice %arg5[%add3A_55, %dma_start3A_120] : memref<50176x128xf32, #tpu.memory_space<hbm>> -> memref<784x128xf32, #tpu.memory_space<hbm>>
      %dma_start3A_122 = arith.constant 0 : i32
      %dma_start3A_123 = tpu.memref_slice %arg8[%mul3A_50, %dma_start3A_122] : memref<12672x128xf32, #tpu.memory_space<vmem_shared>> -> memref<784x128xf32, #tpu.memory_space<vmem_shared>>
      tpu.enqueue_dma source(%dma_start3A_123 : memref<784x128xf32, #tpu.memory_space<vmem_shared>>) target(%dma_start3A_121 : memref<784x128xf32, #tpu.memory_space<hbm>>) target_semaphore(%run_scoped3A : memref<!tpu.dma_semaphore, #tpu.memory_space<semaphore_mem>>)
      %dma_wait3A_124 = arith.constant 0 : i32
      %dma_wait3A_125 = tpu.memref_slice %arg5[%add3A_55, %dma_wait3A_124] : memref<50176x128xf32, #tpu.memory_space<hbm>> -> memref<784x128xf32, #tpu.memory_space<hbm>>
      %dma_wait3A_126 = arith.constant 0 : i32
      %dma_wait3A_127 = tpu.memref_slice %arg8[%mul3A_50, %dma_wait3A_126] : memref<12672x128xf32, #tpu.memory_space<vmem_shared>> -> memref<784x128xf32, #tpu.memory_space<vmem_shared>>
      tpu.wait_dma2 semaphore(%run_scoped3A : memref<!tpu.dma_semaphore, #tpu.memory_space<semaphore_mem>>) src(%dma_wait3A_127 : memref<784x128xf32, #tpu.memory_space<vmem_shared>>) dst(%dma_wait3A_125 : memref<784x128xf32, #tpu.memory_space<hbm>>)
      tpu.yield
    }) : () -> ()
    %barrier3A_56 = arith.constant 0 : index
    tpu.barrier barrier_id(%barrier3A_56)
    %mul3A_57 = arith.constant 2 : i32
    %mul3A_58 = arith.muli %mul3A_57, %arg0 : i32
    %add3A_59 = arith.constant 1 : i32
    %add3A_60 = arith.addi %mul3A_58, %add3A_59 : i32
    %mul3A_61 = arith.constant 792 : i32
    %mul3A_62 = arith.muli %arg1, %mul3A_61 : i32
    "tpu.region"() ({
      %run_scoped3A = tpu.sem_alloc : memref<!tpu.dma_semaphore, #tpu.memory_space<semaphore_mem>>
      %dma_start3A_120 = arith.constant 0 : i32
      %dma_start3A_121 = tpu.memref_slice %arg8[%mul3A_62, %dma_start3A_120] : memref<12672x128xf32, #tpu.memory_space<vmem_shared>> -> memref<792x128xf32, #tpu.memory_space<vmem_shared>>
      tpu.enqueue_dma source(%arg4 : memref<792x128xf32, #tpu.memory_space<hbm>>) target(%dma_start3A_121 : memref<792x128xf32, #tpu.memory_space<vmem_shared>>) target_semaphore(%run_scoped3A : memref<!tpu.dma_semaphore, #tpu.memory_space<semaphore_mem>>)
      %dma_wait3A_122 = arith.constant 0 : i32
      %dma_wait3A_123 = tpu.memref_slice %arg8[%mul3A_62, %dma_wait3A_122] : memref<12672x128xf32, #tpu.memory_space<vmem_shared>> -> memref<792x128xf32, #tpu.memory_space<vmem_shared>>
      tpu.wait_dma2 semaphore(%run_scoped3A : memref<!tpu.dma_semaphore, #tpu.memory_space<semaphore_mem>>) src(%arg4 : memref<792x128xf32, #tpu.memory_space<hbm>>) dst(%dma_wait3A_123 : memref<792x128xf32, #tpu.memory_space<vmem_shared>>)
      tpu.yield
    }) : () -> ()
    %barrier3A_63 = arith.constant 0 : index
    tpu.barrier barrier_id(%barrier3A_63)
    %mul3A_64 = arith.constant 50176 : i32
    %mul3A_65 = arith.muli %arg1, %mul3A_64 : i32
    %add3A_66 = arith.constant 0 : i32
    %add3A_67 = arith.addi %mul3A_65, %add3A_66 : i32
    %mul3A_68 = arith.constant 802816 : i32
    %mul3A_69 = arith.muli %add3A_60, %mul3A_68 : i32
    %add3A_70 = arith.addi %mul3A_69, %add3A_67 : i32
    %dma_start3A_71 = arith.constant 0 : i32
    %dma_start3A_72 = arith.constant 0 : i32
    %dma_start3A_73 = tpu.memref_slice %arg6[%dma_start3A_71, %dma_start3A_72] : memref<2x64xi32, #tpu.memory_space<vmem>> -> memref<1x64xi32, #tpu.memory_space<vmem>>
    %dma_start3A_74 = tpu.memref_squeeze %dma_start3A_73 : memref<1x64xi32, #tpu.memory_space<vmem>> -> memref<64xi32, #tpu.memory_space<vmem>>
    %dma_start3A_75 = tpu.memref_slice %arg3[%add3A_70] : memref<3211264xi32, #tpu.memory_space<hbm>> -> memref<64xi32, #tpu.memory_space<hbm>>
    %dma_start3A_76 = arith.constant 0 : i32
    %dma_start3A_77 = tpu.memref_slice %arg6[%dma_start3A_71, %dma_start3A_76] : memref<2x64xi32, #tpu.memory_space<vmem>> -> memref<1x64xi32, #tpu.memory_space<vmem>>
    %dma_start3A_78 = tpu.memref_squeeze %dma_start3A_77 : memref<1x64xi32, #tpu.memory_space<vmem>> -> memref<64xi32, #tpu.memory_space<vmem>>
    %dma_start3A_79 = tpu.memref_slice %arg3[%add3A_70] : memref<3211264xi32, #tpu.memory_space<hbm>> -> memref<64xi32, #tpu.memory_space<hbm>>
    tpu.enqueue_dma source(%dma_start3A_79 : memref<64xi32, #tpu.memory_space<hbm>>) target(%dma_start3A_78 : memref<64xi32, #tpu.memory_space<vmem>>) target_semaphore(%arg9 : memref<!tpu.dma_semaphore, #tpu.memory_space<semaphore_mem>>)
    %dma_start3A_80 = arith.constant 0 : i32
    %dma_start3A_81 = arith.constant 0 : i32
    %dma_start3A_82 = arith.constant 0 : i32
    %dma_start3A_83 = tpu.memref_slice %arg7[%dma_start3A_80, %dma_start3A_81, %dma_start3A_82] : memref<2x64x128xf32, #tpu.memory_space<vmem>> -> memref<1x64x128xf32, #tpu.memory_space<vmem>>
    %dma_start3A_84 = tpu.memref_squeeze %dma_start3A_83 : memref<1x64x128xf32, #tpu.memory_space<vmem>> -> memref<64x128xf32, #tpu.memory_space<vmem>>
    %dma_start3A_85 = arith.constant 0 : i32
    %dma_start3A_86 = tpu.memref_slice %arg2[%add3A_67, %dma_start3A_85] : memref<802816x128xf32, #tpu.memory_space<hbm>> -> memref<64x128xf32, #tpu.memory_space<hbm>>
    %dma_start3A_87 = arith.constant 0 : i32
    %dma_start3A_88 = arith.constant 0 : i32
    %dma_start3A_89 = tpu.memref_slice %arg7[%dma_start3A_80, %dma_start3A_87, %dma_start3A_88] : memref<2x64x128xf32, #tpu.memory_space<vmem>> -> memref<1x64x128xf32, #tpu.memory_space<vmem>>
    %dma_start3A_90 = tpu.memref_squeeze %dma_start3A_89 : memref<1x64x128xf32, #tpu.memory_space<vmem>> -> memref<64x128xf32, #tpu.memory_space<vmem>>
    %dma_start3A_91 = arith.constant 0 : i32
    %dma_start3A_92 = tpu.memref_slice %arg2[%add3A_67, %dma_start3A_91] : memref<802816x128xf32, #tpu.memory_space<hbm>> -> memref<64x128xf32, #tpu.memory_space<hbm>>
    tpu.enqueue_dma source(%dma_start3A_92 : memref<64x128xf32, #tpu.memory_space<hbm>>) target(%dma_start3A_90 : memref<64x128xf32, #tpu.memory_space<vmem>>) target_semaphore(%arg9 : memref<!tpu.dma_semaphore, #tpu.memory_space<semaphore_mem>>)
    %scan3A_93 = arith.constant 0 : i32
    %scan3A_94 = arith.constant 0 : i32
    %scan3A_95 = arith.constant 784 : i32
    %scan3A_96 = arith.addi %scan3A_94, %scan3A_95 : i32
    %scan3A_97 = arith.constant 1 : i32
    scf.for %scan3A_120 = %scan3A_94 to %scan3A_96 step %scan3A_97  : i32 {
      %ge3A = arith.constant 1 : i32
      %ge3A_121 = arith.cmpi sge, %scan3A_120, %ge3A : i32
      %convert_element_type3A = arith.extui %ge3A_121 : i1 to i32
      %cond3A = arith.constant 0 : i32
      %cond3A_122 = arith.cmpi ne, %convert_element_type3A, %cond3A : i32
      scf.if %cond3A_122 {
        %sub3A = arith.constant 1 : i32
        %sub3A_221 = arith.subi %scan3A_120, %sub3A : i32
        %jit3A_222 = arith.constant 2 : i32
        %eq3A_223 = arith.constant 0 : i32
        %eq3A_224 = arith.cmpi eq, %jit3A_222, %eq3A_223 : i32
        %jit3A_225 = arith.constant 1 : i32
        %select_n3A_226 = arith.select %eq3A_224, %jit3A_225, %jit3A_222 : i32
        %rem3A_227 = arith.remsi %sub3A_221, %select_n3A_226 : i32
        %ne3A_228 = arith.constant 0 : i32
        %ne3A_229 = arith.cmpi ne, %rem3A_227, %ne3A_228 : i32
        %lt3A_230 = arith.constant 0 : i32
        %lt3A_231 = arith.cmpi slt, %rem3A_227, %lt3A_230 : i32
        %lt3A_232 = arith.constant 0 : i32
        %lt3A_233 = arith.cmpi slt, %select_n3A_226, %lt3A_232 : i32
        %ne3A_234 = arith.xori %lt3A_231, %lt3A_233 : i1
        %and3A_235 = arith.andi %ne3A_234, %ne3A_229 : i1
        %add3A_236 = arith.addi %rem3A_227, %select_n3A_226 : i32
        %select_n3A_237 = arith.select %and3A_235, %add3A_236, %rem3A_227 : i32
        %jit3A_238 = arith.constant 2 : i32
        %eq3A_239 = arith.constant 0 : i32
        %eq3A_240 = arith.cmpi eq, %jit3A_238, %eq3A_239 : i32
        %jit3A_241 = arith.constant 1 : i32
        %select_n3A_242 = arith.select %eq3A_240, %jit3A_241, %jit3A_238 : i32
        %rem3A_243 = arith.remsi %sub3A_221, %select_n3A_242 : i32
        %ne3A_244 = arith.constant 0 : i32
        %ne3A_245 = arith.cmpi ne, %rem3A_243, %ne3A_244 : i32
        %lt3A_246 = arith.constant 0 : i32
        %lt3A_247 = arith.cmpi slt, %rem3A_243, %lt3A_246 : i32
        %lt3A_248 = arith.constant 0 : i32
        %lt3A_249 = arith.cmpi slt, %select_n3A_242, %lt3A_248 : i32
        %ne3A_250 = arith.xori %lt3A_247, %lt3A_249 : i1
        %and3A_251 = arith.andi %ne3A_250, %ne3A_245 : i1
        %add3A_252 = arith.addi %rem3A_243, %select_n3A_242 : i32
        %select_n3A_253 = arith.select %and3A_251, %add3A_252, %rem3A_243 : i32
        %dma_wait3A_254 = arith.constant 0 : i32
        %dma_wait3A_255 = arith.constant 0 : i32
        %dma_wait3A_256 = tpu.memref_slice %arg7[%select_n3A_237, %dma_wait3A_254, %dma_wait3A_255] : memref<2x64x128xf32, #tpu.memory_space<vmem>> -> memref<1x64x128xf32, #tpu.memory_space<vmem>>
        %dma_wait3A_257 = tpu.memref_squeeze %dma_wait3A_256 : memref<1x64x128xf32, #tpu.memory_space<vmem>> -> memref<64x128xf32, #tpu.memory_space<vmem>>
        %dma_wait3A_258 = arith.constant 0 : i32
        %dma_wait3A_259 = tpu.memref_slice %arg6[%select_n3A_253, %dma_wait3A_258] : memref<2x64xi32, #tpu.memory_space<vmem>> -> memref<1x64xi32, #tpu.memory_space<vmem>>
        %dma_wait3A_260 = tpu.memref_squeeze %dma_wait3A_259 : memref<1x64xi32, #tpu.memory_space<vmem>> -> memref<64xi32, #tpu.memory_space<vmem>>
        %dma_wait3A_261 = arith.constant 0 : i32
        %dma_wait3A_262 = arith.constant 0 : i32
        %dma_wait3A_263 = tpu.memref_slice %arg8[%dma_wait3A_261, %dma_wait3A_262] : memref<12672x128xf32, #tpu.memory_space<vmem_shared>> -> memref<12672x128xf32, #tpu.memory_space<vmem_shared>>
        tpu.wait_indirect_dma semaphore(%arg10 : memref<!tpu.dma_semaphore, #tpu.memory_space<semaphore_mem>>) src(%dma_wait3A_257 : memref<64x128xf32, #tpu.memory_space<vmem>>) dst(%dma_wait3A_263 : memref<12672x128xf32, #tpu.memory_space<vmem_shared>>)
      } else {
      }
      %add3A_123 = arith.constant 1 : i32
      %add3A_124 = arith.addi %scan3A_120, %add3A_123 : i32
      %lt3A = arith.constant 784 : i32
      %lt3A_125 = arith.cmpi slt, %add3A_124, %lt3A : i32
      %convert_element_type3A_126 = arith.extui %lt3A_125 : i1 to i32
      %cond3A_127 = arith.constant 0 : i32
      %cond3A_128 = arith.cmpi ne, %convert_element_type3A_126, %cond3A_127 : i32
      scf.if %cond3A_128 {
        %add3A_221 = arith.constant 1 : i32
        %add3A_222 = arith.addi %scan3A_120, %add3A_221 : i32
        %mul3A_223 = arith.constant 50176 : i32
        %mul3A_224 = arith.muli %arg1, %mul3A_223 : i32
        %mul3A_225 = arith.constant 64 : i32
        %mul3A_226 = arith.muli %add3A_222, %mul3A_225 : i32
        %add3A_227 = arith.addi %mul3A_224, %mul3A_226 : i32
        %mul3A_228 = arith.constant 802816 : i32
        %mul3A_229 = arith.muli %add3A_60, %mul3A_228 : i32
        %add3A_230 = arith.addi %mul3A_229, %add3A_227 : i32
        %jit3A_231 = arith.constant 2 : i32
        %eq3A_232 = arith.constant 0 : i32
        %eq3A_233 = arith.cmpi eq, %jit3A_231, %eq3A_232 : i32
        %jit3A_234 = arith.constant 1 : i32
        %select_n3A_235 = arith.select %eq3A_233, %jit3A_234, %jit3A_231 : i32
        %rem3A_236 = arith.remsi %add3A_222, %select_n3A_235 : i32
        %ne3A_237 = arith.constant 0 : i32
        %ne3A_238 = arith.cmpi ne, %rem3A_236, %ne3A_237 : i32
        %lt3A_239 = arith.constant 0 : i32
        %lt3A_240 = arith.cmpi slt, %rem3A_236, %lt3A_239 : i32
        %lt3A_241 = arith.constant 0 : i32
        %lt3A_242 = arith.cmpi slt, %select_n3A_235, %lt3A_241 : i32
        %ne3A_243 = arith.xori %lt3A_240, %lt3A_242 : i1
        %and3A_244 = arith.andi %ne3A_243, %ne3A_238 : i1
        %add3A_245 = arith.addi %rem3A_236, %select_n3A_235 : i32
        %select_n3A_246 = arith.select %and3A_244, %add3A_245, %rem3A_236 : i32
        %dma_start3A_247 = arith.constant 0 : i32
        %dma_start3A_248 = tpu.memref_slice %arg6[%select_n3A_246, %dma_start3A_247] : memref<2x64xi32, #tpu.memory_space<vmem>> -> memref<1x64xi32, #tpu.memory_space<vmem>>
        %dma_start3A_249 = tpu.memref_squeeze %dma_start3A_248 : memref<1x64xi32, #tpu.memory_space<vmem>> -> memref<64xi32, #tpu.memory_space<vmem>>
        %dma_start3A_250 = tpu.memref_slice %arg3[%add3A_230] : memref<3211264xi32, #tpu.memory_space<hbm>> -> memref<64xi32, #tpu.memory_space<hbm>>
        %dma_start3A_251 = arith.constant 0 : i32
        %dma_start3A_252 = tpu.memref_slice %arg6[%select_n3A_246, %dma_start3A_251] : memref<2x64xi32, #tpu.memory_space<vmem>> -> memref<1x64xi32, #tpu.memory_space<vmem>>
        %dma_start3A_253 = tpu.memref_squeeze %dma_start3A_252 : memref<1x64xi32, #tpu.memory_space<vmem>> -> memref<64xi32, #tpu.memory_space<vmem>>
        %dma_start3A_254 = tpu.memref_slice %arg3[%add3A_230] : memref<3211264xi32, #tpu.memory_space<hbm>> -> memref<64xi32, #tpu.memory_space<hbm>>
        tpu.enqueue_dma source(%dma_start3A_254 : memref<64xi32, #tpu.memory_space<hbm>>) target(%dma_start3A_253 : memref<64xi32, #tpu.memory_space<vmem>>) target_semaphore(%arg9 : memref<!tpu.dma_semaphore, #tpu.memory_space<semaphore_mem>>)
        %jit3A_255 = arith.constant 2 : i32
        %eq3A_256 = arith.constant 0 : i32
        %eq3A_257 = arith.cmpi eq, %jit3A_255, %eq3A_256 : i32
        %jit3A_258 = arith.constant 1 : i32
        %select_n3A_259 = arith.select %eq3A_257, %jit3A_258, %jit3A_255 : i32
        %rem3A_260 = arith.remsi %add3A_222, %select_n3A_259 : i32
        %ne3A_261 = arith.constant 0 : i32
        %ne3A_262 = arith.cmpi ne, %rem3A_260, %ne3A_261 : i32
        %lt3A_263 = arith.constant 0 : i32
        %lt3A_264 = arith.cmpi slt, %rem3A_260, %lt3A_263 : i32
        %lt3A_265 = arith.constant 0 : i32
        %lt3A_266 = arith.cmpi slt, %select_n3A_259, %lt3A_265 : i32
        %ne3A_267 = arith.xori %lt3A_264, %lt3A_266 : i1
        %and3A_268 = arith.andi %ne3A_267, %ne3A_262 : i1
        %add3A_269 = arith.addi %rem3A_260, %select_n3A_259 : i32
        %select_n3A_270 = arith.select %and3A_268, %add3A_269, %rem3A_260 : i32
        %dma_start3A_271 = arith.constant 0 : i32
        %dma_start3A_272 = arith.constant 0 : i32
        %dma_start3A_273 = tpu.memref_slice %arg7[%select_n3A_270, %dma_start3A_271, %dma_start3A_272] : memref<2x64x128xf32, #tpu.memory_space<vmem>> -> memref<1x64x128xf32, #tpu.memory_space<vmem>>
        %dma_start3A_274 = tpu.memref_squeeze %dma_start3A_273 : memref<1x64x128xf32, #tpu.memory_space<vmem>> -> memref<64x128xf32, #tpu.memory_space<vmem>>
        %dma_start3A_275 = arith.constant 0 : i32
        %dma_start3A_276 = tpu.memref_slice %arg2[%add3A_227, %dma_start3A_275] : memref<802816x128xf32, #tpu.memory_space<hbm>> -> memref<64x128xf32, #tpu.memory_space<hbm>>
        %dma_start3A_277 = arith.constant 0 : i32
        %dma_start3A_278 = arith.constant 0 : i32
        %dma_start3A_279 = tpu.memref_slice %arg7[%select_n3A_270, %dma_start3A_277, %dma_start3A_278] : memref<2x64x128xf32, #tpu.memory_space<vmem>> -> memref<1x64x128xf32, #tpu.memory_space<vmem>>
        %dma_start3A_280 = tpu.memref_squeeze %dma_start3A_279 : memref<1x64x128xf32, #tpu.memory_space<vmem>> -> memref<64x128xf32, #tpu.memory_space<vmem>>
        %dma_start3A_281 = arith.constant 0 : i32
        %dma_start3A_282 = tpu.memref_slice %arg2[%add3A_227, %dma_start3A_281] : memref<802816x128xf32, #tpu.memory_space<hbm>> -> memref<64x128xf32, #tpu.memory_space<hbm>>
        tpu.enqueue_dma source(%dma_start3A_282 : memref<64x128xf32, #tpu.memory_space<hbm>>) target(%dma_start3A_280 : memref<64x128xf32, #tpu.memory_space<vmem>>) target_semaphore(%arg9 : memref<!tpu.dma_semaphore, #tpu.memory_space<semaphore_mem>>)
      } else {
      }
      %jit3A = arith.constant 2 : i32
      %eq3A = arith.constant 0 : i32
      %eq3A_129 = arith.cmpi eq, %jit3A, %eq3A : i32
      %jit3A_130 = arith.constant 1 : i32
      %select_n3A = arith.select %eq3A_129, %jit3A_130, %jit3A : i32
      %rem3A = arith.remsi %scan3A_120, %select_n3A : i32
      %ne3A = arith.constant 0 : i32
      %ne3A_131 = arith.cmpi ne, %rem3A, %ne3A : i32
      %lt3A_132 = arith.constant 0 : i32
      %lt3A_133 = arith.cmpi slt, %rem3A, %lt3A_132 : i32
      %lt3A_134 = arith.constant 0 : i32
      %lt3A_135 = arith.cmpi slt, %select_n3A, %lt3A_134 : i32
      %ne3A_136 = arith.xori %lt3A_133, %lt3A_135 : i1
      %and3A = arith.andi %ne3A_136, %ne3A_131 : i1
      %add3A_137 = arith.addi %rem3A, %select_n3A : i32
      %select_n3A_138 = arith.select %and3A, %add3A_137, %rem3A : i32
      %dma_wait3A_139 = arith.constant 0 : i32
      %dma_wait3A_140 = tpu.memref_slice %arg6[%select_n3A_138, %dma_wait3A_139] : memref<2x64xi32, #tpu.memory_space<vmem>> -> memref<1x64xi32, #tpu.memory_space<vmem>>
      %dma_wait3A_141 = tpu.memref_squeeze %dma_wait3A_140 : memref<1x64xi32, #tpu.memory_space<vmem>> -> memref<64xi32, #tpu.memory_space<vmem>>
      %dma_wait3A_142 = arith.constant 0 : i32
      %dma_wait3A_143 = tpu.memref_slice %arg3[%dma_wait3A_142] : memref<3211264xi32, #tpu.memory_space<hbm>> -> memref<64xi32, #tpu.memory_space<hbm>>
      %dma_wait3A_144 = arith.constant 0 : i32
      %dma_wait3A_145 = tpu.memref_slice %arg6[%select_n3A_138, %dma_wait3A_144] : memref<2x64xi32, #tpu.memory_space<vmem>> -> memref<1x64xi32, #tpu.memory_space<vmem>>
      %dma_wait3A_146 = tpu.memref_squeeze %dma_wait3A_145 : memref<1x64xi32, #tpu.memory_space<vmem>> -> memref<64xi32, #tpu.memory_space<vmem>>
      %dma_wait3A_147 = arith.constant 0 : i32
      %dma_wait3A_148 = tpu.memref_slice %arg3[%dma_wait3A_147] : memref<3211264xi32, #tpu.memory_space<hbm>> -> memref<64xi32, #tpu.memory_space<hbm>>
      tpu.wait_dma2 semaphore(%arg9 : memref<!tpu.dma_semaphore, #tpu.memory_space<semaphore_mem>>) src(%dma_wait3A_148 : memref<64xi32, #tpu.memory_space<hbm>>) dst(%dma_wait3A_146 : memref<64xi32, #tpu.memory_space<vmem>>)
      %jit3A_149 = arith.constant 2 : i32
      %eq3A_150 = arith.constant 0 : i32
      %eq3A_151 = arith.cmpi eq, %jit3A_149, %eq3A_150 : i32
      %jit3A_152 = arith.constant 1 : i32
      %select_n3A_153 = arith.select %eq3A_151, %jit3A_152, %jit3A_149 : i32
      %rem3A_154 = arith.remsi %scan3A_120, %select_n3A_153 : i32
      %ne3A_155 = arith.constant 0 : i32
      %ne3A_156 = arith.cmpi ne, %rem3A_154, %ne3A_155 : i32
      %lt3A_157 = arith.constant 0 : i32
      %lt3A_158 = arith.cmpi slt, %rem3A_154, %lt3A_157 : i32
      %lt3A_159 = arith.constant 0 : i32
      %lt3A_160 = arith.cmpi slt, %select_n3A_153, %lt3A_159 : i32
      %ne3A_161 = arith.xori %lt3A_158, %lt3A_160 : i1
      %and3A_162 = arith.andi %ne3A_161, %ne3A_156 : i1
      %add3A_163 = arith.addi %rem3A_154, %select_n3A_153 : i32
      %select_n3A_164 = arith.select %and3A_162, %add3A_163, %rem3A_154 : i32
      %dma_wait3A_165 = arith.constant 0 : i32
      %dma_wait3A_166 = arith.constant 0 : i32
      %dma_wait3A_167 = tpu.memref_slice %arg7[%select_n3A_164, %dma_wait3A_165, %dma_wait3A_166] : memref<2x64x128xf32, #tpu.memory_space<vmem>> -> memref<1x64x128xf32, #tpu.memory_space<vmem>>
      %dma_wait3A_168 = tpu.memref_squeeze %dma_wait3A_167 : memref<1x64x128xf32, #tpu.memory_space<vmem>> -> memref<64x128xf32, #tpu.memory_space<vmem>>
      %dma_wait3A_169 = arith.constant 0 : i32
      %dma_wait3A_170 = arith.constant 0 : i32
      %dma_wait3A_171 = tpu.memref_slice %arg2[%dma_wait3A_169, %dma_wait3A_170] : memref<802816x128xf32, #tpu.memory_space<hbm>> -> memref<64x128xf32, #tpu.memory_space<hbm>>
      %dma_wait3A_172 = arith.constant 0 : i32
      %dma_wait3A_173 = arith.constant 0 : i32
      %dma_wait3A_174 = tpu.memref_slice %arg7[%select_n3A_164, %dma_wait3A_172, %dma_wait3A_173] : memref<2x64x128xf32, #tpu.memory_space<vmem>> -> memref<1x64x128xf32, #tpu.memory_space<vmem>>
      %dma_wait3A_175 = tpu.memref_squeeze %dma_wait3A_174 : memref<1x64x128xf32, #tpu.memory_space<vmem>> -> memref<64x128xf32, #tpu.memory_space<vmem>>
      %dma_wait3A_176 = arith.constant 0 : i32
      %dma_wait3A_177 = arith.constant 0 : i32
      %dma_wait3A_178 = tpu.memref_slice %arg2[%dma_wait3A_176, %dma_wait3A_177] : memref<802816x128xf32, #tpu.memory_space<hbm>> -> memref<64x128xf32, #tpu.memory_space<hbm>>
      tpu.wait_dma2 semaphore(%arg9 : memref<!tpu.dma_semaphore, #tpu.memory_space<semaphore_mem>>) src(%dma_wait3A_178 : memref<64x128xf32, #tpu.memory_space<hbm>>) dst(%dma_wait3A_175 : memref<64x128xf32, #tpu.memory_space<vmem>>)
      %jit3A_179 = arith.constant 2 : i32
      %eq3A_180 = arith.constant 0 : i32
      %eq3A_181 = arith.cmpi eq, %jit3A_179, %eq3A_180 : i32
      %jit3A_182 = arith.constant 1 : i32
      %select_n3A_183 = arith.select %eq3A_181, %jit3A_182, %jit3A_179 : i32
      %rem3A_184 = arith.remsi %scan3A_120, %select_n3A_183 : i32
      %ne3A_185 = arith.constant 0 : i32
      %ne3A_186 = arith.cmpi ne, %rem3A_184, %ne3A_185 : i32
      %lt3A_187 = arith.constant 0 : i32
      %lt3A_188 = arith.cmpi slt, %rem3A_184, %lt3A_187 : i32
      %lt3A_189 = arith.constant 0 : i32
      %lt3A_190 = arith.cmpi slt, %select_n3A_183, %lt3A_189 : i32
      %ne3A_191 = arith.xori %lt3A_188, %lt3A_190 : i1
      %and3A_192 = arith.andi %ne3A_191, %ne3A_186 : i1
      %add3A_193 = arith.addi %rem3A_184, %select_n3A_183 : i32
      %select_n3A_194 = arith.select %and3A_192, %add3A_193, %rem3A_184 : i32
      %jit3A_195 = arith.constant 2 : i32
      %eq3A_196 = arith.constant 0 : i32
      %eq3A_197 = arith.cmpi eq, %jit3A_195, %eq3A_196 : i32
      %jit3A_198 = arith.constant 1 : i32
      %select_n3A_199 = arith.select %eq3A_197, %jit3A_198, %jit3A_195 : i32
      %rem3A_200 = arith.remsi %scan3A_120, %select_n3A_199 : i32
      %ne3A_201 = arith.constant 0 : i32
      %ne3A_202 = arith.cmpi ne, %rem3A_200, %ne3A_201 : i32
      %lt3A_203 = arith.constant 0 : i32
      %lt3A_204 = arith.cmpi slt, %rem3A_200, %lt3A_203 : i32
      %lt3A_205 = arith.constant 0 : i32
      %lt3A_206 = arith.cmpi slt, %select_n3A_199, %lt3A_205 : i32
      %ne3A_207 = arith.xori %lt3A_204, %lt3A_206 : i1
      %and3A_208 = arith.andi %ne3A_207, %ne3A_202 : i1
      %add3A_209 = arith.addi %rem3A_200, %select_n3A_199 : i32
      %select_n3A_210 = arith.select %and3A_208, %add3A_209, %rem3A_200 : i32
      %dma_start3A_211 = arith.constant 0 : i32
      %dma_start3A_212 = arith.constant 0 : i32
      %dma_start3A_213 = tpu.memref_slice %arg7[%select_n3A_194, %dma_start3A_211, %dma_start3A_212] : memref<2x64x128xf32, #tpu.memory_space<vmem>> -> memref<1x64x128xf32, #tpu.memory_space<vmem>>
      %dma_start3A_214 = tpu.memref_squeeze %dma_start3A_213 : memref<1x64x128xf32, #tpu.memory_space<vmem>> -> memref<64x128xf32, #tpu.memory_space<vmem>>
      %dma_start3A_215 = arith.constant 0 : i32
      %dma_start3A_216 = tpu.memref_slice %arg6[%select_n3A_210, %dma_start3A_215] : memref<2x64xi32, #tpu.memory_space<vmem>> -> memref<1x64xi32, #tpu.memory_space<vmem>>
      %dma_start3A_217 = tpu.memref_squeeze %dma_start3A_216 : memref<1x64xi32, #tpu.memory_space<vmem>> -> memref<64xi32, #tpu.memory_space<vmem>>
      %dma_start3A_218 = arith.constant 0 : i32
      %dma_start3A_219 = arith.constant 0 : i32
      %dma_start3A_220 = tpu.memref_slice %arg8[%dma_start3A_218, %dma_start3A_219] : memref<12672x128xf32, #tpu.memory_space<vmem_shared>> -> memref<12672x128xf32, #tpu.memory_space<vmem_shared>>
      tpu.enqueue_indirect_dma source(%dma_start3A_214 : memref<64x128xf32, #tpu.memory_space<vmem>>) target(%dma_start3A_220 : memref<12672x128xf32, #tpu.memory_space<vmem_shared>>) offsets(%dma_start3A_217 : memref<64xi32, #tpu.memory_space<vmem>>) semaphore(%arg10 : memref<!tpu.dma_semaphore, #tpu.memory_space<semaphore_mem>>) {add = true}
    }
    %scan3A_98 = arith.constant 784 : i32
    %dma_wait3A_99 = arith.constant 1 : i32
    %dma_wait3A_100 = arith.constant 1 : i32
    %dma_wait3A_101 = arith.constant 0 : i32
    %dma_wait3A_102 = arith.constant 0 : i32
    %dma_wait3A_103 = tpu.memref_slice %arg7[%dma_wait3A_99, %dma_wait3A_101, %dma_wait3A_102] : memref<2x64x128xf32, #tpu.memory_space<vmem>> -> memref<1x64x128xf32, #tpu.memory_space<vmem>>
    %dma_wait3A_104 = tpu.memref_squeeze %dma_wait3A_103 : memref<1x64x128xf32, #tpu.memory_space<vmem>> -> memref<64x128xf32, #tpu.memory_space<vmem>>
    %dma_wait3A_105 = arith.constant 0 : i32
    %dma_wait3A_106 = tpu.memref_slice %arg6[%dma_wait3A_100, %dma_wait3A_105] : memref<2x64xi32, #tpu.memory_space<vmem>> -> memref<1x64xi32, #tpu.memory_space<vmem>>
    %dma_wait3A_107 = tpu.memref_squeeze %dma_wait3A_106 : memref<1x64xi32, #tpu.memory_space<vmem>> -> memref<64xi32, #tpu.memory_space<vmem>>
    %dma_wait3A_108 = arith.constant 0 : i32
    %dma_wait3A_109 = arith.constant 0 : i32
    %dma_wait3A_110 = tpu.memref_slice %arg8[%dma_wait3A_108, %dma_wait3A_109] : memref<12672x128xf32, #tpu.memory_space<vmem_shared>> -> memref<12672x128xf32, #tpu.memory_space<vmem_shared>>
    tpu.wait_indirect_dma semaphore(%arg10 : memref<!tpu.dma_semaphore, #tpu.memory_space<semaphore_mem>>) src(%dma_wait3A_104 : memref<64x128xf32, #tpu.memory_space<vmem>>) dst(%dma_wait3A_110 : memref<12672x128xf32, #tpu.memory_space<vmem_shared>>)
    %barrier3A_111 = arith.constant 0 : index
    tpu.barrier barrier_id(%barrier3A_111)
    %mul3A_112 = arith.constant 784 : i32
    %mul3A_113 = arith.muli %arg1, %mul3A_112 : i32
    %mul3A_114 = arith.constant 12544 : i32
    %mul3A_115 = arith.muli %add3A_60, %mul3A_114 : i32
    %mul3A_116 = arith.constant 784 : i32
    %mul3A_117 = arith.muli %arg1, %mul3A_116 : i32
    %add3A_118 = arith.addi %mul3A_115, %mul3A_117 : i32
    "tpu.region"() ({
      %run_scoped3A = tpu.sem_alloc : memref<!tpu.dma_semaphore, #tpu.memory_space<semaphore_mem>>
      %dma_start3A_120 = arith.constant 0 : i32
      %dma_start3A_121 = tpu.memref_slice %arg5[%add3A_118, %dma_start3A_120] : memref<50176x128xf32, #tpu.memory_space<hbm>> -> memref<784x128xf32, #tpu.memory_space<hbm>>
      %dma_start3A_122 = arith.constant 0 : i32
      %dma_start3A_123 = tpu.memref_slice %arg8[%mul3A_113, %dma_start3A_122] : memref<12672x128xf32, #tpu.memory_space<vmem_shared>> -> memref<784x128xf32, #tpu.memory_space<vmem_shared>>
      tpu.enqueue_dma source(%dma_start3A_123 : memref<784x128xf32, #tpu.memory_space<vmem_shared>>) target(%dma_start3A_121 : memref<784x128xf32, #tpu.memory_space<hbm>>) target_semaphore(%run_scoped3A : memref<!tpu.dma_semaphore, #tpu.memory_space<semaphore_mem>>)
      %dma_wait3A_124 = arith.constant 0 : i32
      %dma_wait3A_125 = tpu.memref_slice %arg5[%add3A_118, %dma_wait3A_124] : memref<50176x128xf32, #tpu.memory_space<hbm>> -> memref<784x128xf32, #tpu.memory_space<hbm>>
      %dma_wait3A_126 = arith.constant 0 : i32
      %dma_wait3A_127 = tpu.memref_slice %arg8[%mul3A_113, %dma_wait3A_126] : memref<12672x128xf32, #tpu.memory_space<vmem_shared>> -> memref<784x128xf32, #tpu.memory_space<vmem_shared>>
      tpu.wait_dma2 semaphore(%run_scoped3A : memref<!tpu.dma_semaphore, #tpu.memory_space<semaphore_mem>>) src(%dma_wait3A_127 : memref<784x128xf32, #tpu.memory_space<vmem_shared>>) dst(%dma_wait3A_125 : memref<784x128xf32, #tpu.memory_space<hbm>>)
      tpu.yield
    }) : () -> ()
    %barrier3A_119 = arith.constant 0 : index
    tpu.barrier barrier_id(%barrier3A_119)
    return
  }
}

#map = affine_map<(d0, d1) -> (0, 0)>
#map1 = affine_map<(d0, d1) -> (0)>
module attributes {stable_mosaic.version = 14 : i64} {
  func.func @k(%arg0: i32, %arg1: i32, %arg2: memref<50176x128xf32, #tpu.memory_space<hbm>>, %arg3: memref<50176xi32, #tpu.memory_space<hbm>>, %arg4: memref<792x128xf32, #tpu.memory_space<hbm>>, %arg5: memref<1024x128xf32, #tpu.memory_space<hbm>>, %arg6: memref<112xi32, #tpu.memory_space<vmem>>, %arg7: memref<112x128xf32, #tpu.memory_space<vmem>>, %arg8: memref<640x128xf32, #tpu.memory_space<vmem_shared>>) attributes {dimension_semantics = [#tpu.dimension_semantics<core_parallel>, #tpu.dimension_semantics<subcore_parallel>], iteration_bounds = array<i64: 2, 16>, scalar_prefetch = 0 : i64, scratch_operands = 3 : i64, tpu.core_type = #tpu.core_type<sc_vector_subcore>, window_params = [{transform_indices = #map}, {transform_indices = #map1}, {transform_indices = #map}, {transform_indices = #map}]} {
    %mul3A = arith.constant 2 : i32
    %mul3A_0 = arith.muli %arg1, %mul3A : i32
    %add3A = arith.addi %mul3A_0, %arg0 : i32
    %mul3A_1 = arith.constant 40 : i32
    %mul3A_2 = arith.muli %arg1, %mul3A_1 : i32
    "tpu.region"() ({
      %run_scoped3A = tpu.sem_alloc : memref<!tpu.dma_semaphore, #tpu.memory_space<semaphore_mem>>
      %dma_start3A = arith.constant 0 : i32
      %dma_start3A_16 = tpu.memref_slice %arg8[%mul3A_2, %dma_start3A] : memref<640x128xf32, #tpu.memory_space<vmem_shared>> -> memref<40x128xf32, #tpu.memory_space<vmem_shared>>
      %dma_start3A_17 = arith.constant 0 : i32
      %dma_start3A_18 = arith.constant 0 : i32
      %dma_start3A_19 = tpu.memref_slice %arg4[%dma_start3A_17, %dma_start3A_18] : memref<792x128xf32, #tpu.memory_space<hbm>> -> memref<40x128xf32, #tpu.memory_space<hbm>>
      tpu.enqueue_dma source(%dma_start3A_19 : memref<40x128xf32, #tpu.memory_space<hbm>>) target(%dma_start3A_16 : memref<40x128xf32, #tpu.memory_space<vmem_shared>>) target_semaphore(%run_scoped3A : memref<!tpu.dma_semaphore, #tpu.memory_space<semaphore_mem>>)
      %dma_wait3A = arith.constant 0 : i32
      %dma_wait3A_20 = tpu.memref_slice %arg8[%mul3A_2, %dma_wait3A] : memref<640x128xf32, #tpu.memory_space<vmem_shared>> -> memref<40x128xf32, #tpu.memory_space<vmem_shared>>
      %dma_wait3A_21 = arith.constant 0 : i32
      %dma_wait3A_22 = arith.constant 0 : i32
      %dma_wait3A_23 = tpu.memref_slice %arg4[%dma_wait3A_21, %dma_wait3A_22] : memref<792x128xf32, #tpu.memory_space<hbm>> -> memref<40x128xf32, #tpu.memory_space<hbm>>
      tpu.wait_dma2 semaphore(%run_scoped3A : memref<!tpu.dma_semaphore, #tpu.memory_space<semaphore_mem>>) src(%dma_wait3A_23 : memref<40x128xf32, #tpu.memory_space<hbm>>) dst(%dma_wait3A_20 : memref<40x128xf32, #tpu.memory_space<vmem_shared>>)
      tpu.yield
    }) : () -> ()
    %barrier3A = arith.constant 0 : index
    tpu.barrier barrier_id(%barrier3A)
    %scan3A = arith.constant 0 : i32
    %scan3A_3 = arith.constant 0 : i32
    %scan3A_4 = arith.constant 14 : i32
    %scan3A_5 = arith.addi %scan3A_3, %scan3A_4 : i32
    %scan3A_6 = arith.constant 1 : i32
    scf.for %scan3A_16 = %scan3A_3 to %scan3A_5 step %scan3A_6  : i32 {
      %mul3A_17 = arith.constant 1568 : i32
      %mul3A_18 = arith.muli %add3A, %mul3A_17 : i32
      %mul3A_19 = arith.constant 112 : i32
      %mul3A_20 = arith.muli %scan3A_16, %mul3A_19 : i32
      %add3A_21 = arith.addi %mul3A_18, %mul3A_20 : i32
      "tpu.region"() ({
        %run_scoped3A = tpu.sem_alloc : memref<!tpu.dma_semaphore, #tpu.memory_space<semaphore_mem>>
        %dma_start3A = tpu.memref_slice %arg3[%add3A_21] : memref<50176xi32, #tpu.memory_space<hbm>> -> memref<112xi32, #tpu.memory_space<hbm>>
        %dma_start3A_22 = tpu.memref_slice %arg3[%add3A_21] : memref<50176xi32, #tpu.memory_space<hbm>> -> memref<112xi32, #tpu.memory_space<hbm>>
        tpu.enqueue_dma source(%dma_start3A_22 : memref<112xi32, #tpu.memory_space<hbm>>) target(%arg6 : memref<112xi32, #tpu.memory_space<vmem>>) target_semaphore(%run_scoped3A : memref<!tpu.dma_semaphore, #tpu.memory_space<semaphore_mem>>)
        %dma_wait3A = tpu.memref_slice %arg3[%add3A_21] : memref<50176xi32, #tpu.memory_space<hbm>> -> memref<112xi32, #tpu.memory_space<hbm>>
        %dma_wait3A_23 = tpu.memref_slice %arg3[%add3A_21] : memref<50176xi32, #tpu.memory_space<hbm>> -> memref<112xi32, #tpu.memory_space<hbm>>
        tpu.wait_dma2 semaphore(%run_scoped3A : memref<!tpu.dma_semaphore, #tpu.memory_space<semaphore_mem>>) src(%dma_wait3A_23 : memref<112xi32, #tpu.memory_space<hbm>>) dst(%arg6 : memref<112xi32, #tpu.memory_space<vmem>>)
        tpu.yield
      }) : () -> ()
      "tpu.region"() ({
        %run_scoped3A = tpu.sem_alloc : memref<!tpu.dma_semaphore, #tpu.memory_space<semaphore_mem>>
        %dma_start3A = arith.constant 0 : i32
        %dma_start3A_22 = tpu.memref_slice %arg2[%add3A_21, %dma_start3A] : memref<50176x128xf32, #tpu.memory_space<hbm>> -> memref<112x128xf32, #tpu.memory_space<hbm>>
        %dma_start3A_23 = arith.constant 0 : i32
        %dma_start3A_24 = tpu.memref_slice %arg2[%add3A_21, %dma_start3A_23] : memref<50176x128xf32, #tpu.memory_space<hbm>> -> memref<112x128xf32, #tpu.memory_space<hbm>>
        tpu.enqueue_dma source(%dma_start3A_24 : memref<112x128xf32, #tpu.memory_space<hbm>>) target(%arg7 : memref<112x128xf32, #tpu.memory_space<vmem>>) target_semaphore(%run_scoped3A : memref<!tpu.dma_semaphore, #tpu.memory_space<semaphore_mem>>)
        %dma_wait3A = arith.constant 0 : i32
        %dma_wait3A_25 = tpu.memref_slice %arg2[%add3A_21, %dma_wait3A] : memref<50176x128xf32, #tpu.memory_space<hbm>> -> memref<112x128xf32, #tpu.memory_space<hbm>>
        %dma_wait3A_26 = arith.constant 0 : i32
        %dma_wait3A_27 = tpu.memref_slice %arg2[%add3A_21, %dma_wait3A_26] : memref<50176x128xf32, #tpu.memory_space<hbm>> -> memref<112x128xf32, #tpu.memory_space<hbm>>
        tpu.wait_dma2 semaphore(%run_scoped3A : memref<!tpu.dma_semaphore, #tpu.memory_space<semaphore_mem>>) src(%dma_wait3A_27 : memref<112x128xf32, #tpu.memory_space<hbm>>) dst(%arg7 : memref<112x128xf32, #tpu.memory_space<vmem>>)
        tpu.yield
      }) : () -> ()
      "tpu.region"() ({
        %run_scoped3A = tpu.sem_alloc : memref<!tpu.dma_semaphore, #tpu.memory_space<semaphore_mem>>
        %dma_start3A = arith.constant 0 : i32
        %dma_start3A_22 = arith.constant 0 : i32
        %dma_start3A_23 = tpu.memref_slice %arg8[%dma_start3A, %dma_start3A_22] : memref<640x128xf32, #tpu.memory_space<vmem_shared>> -> memref<640x128xf32, #tpu.memory_space<vmem_shared>>
        tpu.enqueue_indirect_dma source(%arg7 : memref<112x128xf32, #tpu.memory_space<vmem>>) target(%dma_start3A_23 : memref<640x128xf32, #tpu.memory_space<vmem_shared>>) offsets(%arg6 : memref<112xi32, #tpu.memory_space<vmem>>) semaphore(%run_scoped3A : memref<!tpu.dma_semaphore, #tpu.memory_space<semaphore_mem>>) {add = true}
        %dma_wait3A = arith.constant 0 : i32
        %dma_wait3A_24 = arith.constant 0 : i32
        %dma_wait3A_25 = tpu.memref_slice %arg8[%dma_wait3A, %dma_wait3A_24] : memref<640x128xf32, #tpu.memory_space<vmem_shared>> -> memref<640x128xf32, #tpu.memory_space<vmem_shared>>
        tpu.wait_indirect_dma semaphore(%run_scoped3A : memref<!tpu.dma_semaphore, #tpu.memory_space<semaphore_mem>>) src(%arg7 : memref<112x128xf32, #tpu.memory_space<vmem>>) dst(%dma_wait3A_25 : memref<640x128xf32, #tpu.memory_space<vmem_shared>>)
        tpu.yield
      }) : () -> ()
    }
    %scan3A_7 = arith.constant 14 : i32
    %barrier3A_8 = arith.constant 0 : index
    tpu.barrier barrier_id(%barrier3A_8)
    %mul3A_9 = arith.constant 32 : i32
    %mul3A_10 = arith.muli %arg1, %mul3A_9 : i32
    %mul3A_11 = arith.constant 512 : i32
    %mul3A_12 = arith.muli %arg0, %mul3A_11 : i32
    %mul3A_13 = arith.constant 32 : i32
    %mul3A_14 = arith.muli %arg1, %mul3A_13 : i32
    %add3A_15 = arith.addi %mul3A_12, %mul3A_14 : i32
    "tpu.region"() ({
      %run_scoped3A = tpu.sem_alloc : memref<!tpu.dma_semaphore, #tpu.memory_space<semaphore_mem>>
      %dma_start3A = arith.constant 0 : i32
      %dma_start3A_16 = tpu.memref_slice %arg5[%add3A_15, %dma_start3A] : memref<1024x128xf32, #tpu.memory_space<hbm>> -> memref<32x128xf32, #tpu.memory_space<hbm>>
      %dma_start3A_17 = arith.constant 0 : i32
      %dma_start3A_18 = tpu.memref_slice %arg8[%mul3A_10, %dma_start3A_17] : memref<640x128xf32, #tpu.memory_space<vmem_shared>> -> memref<32x128xf32, #tpu.memory_space<vmem_shared>>
      tpu.enqueue_dma source(%dma_start3A_18 : memref<32x128xf32, #tpu.memory_space<vmem_shared>>) target(%dma_start3A_16 : memref<32x128xf32, #tpu.memory_space<hbm>>) target_semaphore(%run_scoped3A : memref<!tpu.dma_semaphore, #tpu.memory_space<semaphore_mem>>)
      %dma_wait3A = arith.constant 0 : i32
      %dma_wait3A_19 = tpu.memref_slice %arg5[%add3A_15, %dma_wait3A] : memref<1024x128xf32, #tpu.memory_space<hbm>> -> memref<32x128xf32, #tpu.memory_space<hbm>>
      %dma_wait3A_20 = arith.constant 0 : i32
      %dma_wait3A_21 = tpu.memref_slice %arg8[%mul3A_10, %dma_wait3A_20] : memref<640x128xf32, #tpu.memory_space<vmem_shared>> -> memref<32x128xf32, #tpu.memory_space<vmem_shared>>
      tpu.wait_dma2 semaphore(%run_scoped3A : memref<!tpu.dma_semaphore, #tpu.memory_space<semaphore_mem>>) src(%dma_wait3A_21 : memref<32x128xf32, #tpu.memory_space<vmem_shared>>) dst(%dma_wait3A_19 : memref<32x128xf32, #tpu.memory_space<hbm>>)
      tpu.yield
    }) : () -> ()
    return
  }
}

module attributes {stable_mosaic.version = 14 : i64} {
  func.func @_stats_body(%arg0: i32, %arg1: memref<1000x20xf32, #tpu.memory_space<vmem>>, %arg2: memref<8x32xf32, #tpu.memory_space<vmem>>) attributes {dimension_semantics = [#tpu.dimension_semantics<arbitrary>], iteration_bounds = array<i64: 50>, scalar_prefetch = 0 : i64, scratch_operands = 0 : i64, tpu.core_type = #tpu.core_type<tc>, window_params = [{transform_indices = @transform_0, window_bounds = array<i64: 1000, 20>}, {pipeline_mode = #tpu.pipeline_mode<synchronous>, transform_indices = @transform_1, window_bounds = array<i64: 8, 32>}]} {
    %get3A = arith.constant 0 : index
    %get3A_0 = arith.constant 0 : index
    %get3A_1 = vector.load %arg1[%get3A, %get3A_0] : memref<1000x20xf32, #tpu.memory_space<vmem>>, vector<1000x20xf32>
    %reduce_sum3A = arith.constant dense<0.000000e+00> : vector<20xf32>
    %reduce_sum3A_2 = vector.multi_reduction <add>, %get3A_1, %reduce_sum3A [0] : vector<1000x20xf32> to vector<20xf32>
    %jit3A = arith.constant 0 : i32
    %convert_element_type3A = arith.sitofp %jit3A : i32 to f32
    %pad3A = vector.broadcast %convert_element_type3A : f32 to vector<12xf32>
    %pad3A_3 = tpu.concatenate %reduce_sum3A_2, %pad3A in 0 : vector<20xf32>, vector<12xf32> -> vector<32xf32>
    %broadcast_in_dim3A = vector.shape_cast %pad3A_3 : vector<32xf32> to vector<1x32xf32>
    %mul3A = arith.mulf %get3A_1, %get3A_1 : vector<1000x20xf32>
    %reduce_sum3A_4 = arith.constant dense<0.000000e+00> : vector<20xf32>
    %reduce_sum3A_5 = vector.multi_reduction <add>, %mul3A, %reduce_sum3A_4 [0] : vector<1000x20xf32> to vector<20xf32>
    %jit3A_6 = arith.constant 0 : i32
    %convert_element_type3A_7 = arith.sitofp %jit3A_6 : i32 to f32
    %pad3A_8 = vector.broadcast %convert_element_type3A_7 : f32 to vector<12xf32>
    %pad3A_9 = tpu.concatenate %reduce_sum3A_5, %pad3A_8 in 0 : vector<20xf32>, vector<12xf32> -> vector<32xf32>
    %broadcast_in_dim3A_10 = vector.shape_cast %pad3A_9 : vector<32xf32> to vector<1x32xf32>
    %broadcast_in_dim3A_11 = arith.constant 0.000000e+00 : f32
    %broadcast_in_dim3A_12 = vector.broadcast %broadcast_in_dim3A_11 : f32 to vector<6x32xf32>
    %concatenate3A = tpu.concatenate %broadcast_in_dim3A, %broadcast_in_dim3A_10, %broadcast_in_dim3A_12 in 0 : vector<1x32xf32>, vector<1x32xf32>, vector<6x32xf32> -> vector<8x32xf32>
    %eq3A = arith.constant 0 : i32
    %eq3A_13 = arith.cmpi eq, %arg0, %eq3A : i32
    %convert_element_type3A_14 = arith.extui %eq3A_13 : i1 to i32
    %cond3A = arith.constant 0 : i32
    %cond3A_15 = arith.cmpi ne, %convert_element_type3A_14, %cond3A : i32
    scf.if %cond3A_15 {
      %swap3A = arith.constant 0 : index
      %swap3A_20 = arith.constant 0 : index
      %swap3A_21 = vector.load %arg2[%swap3A, %swap3A_20] : memref<8x32xf32, #tpu.memory_space<vmem>>, vector<8x32xf32>
      tpu.vector_store %arg2[%swap3A, %swap3A_20], %concatenate3A {strides = array<i32>} : memref<8x32xf32, #tpu.memory_space<vmem>>, vector<8x32xf32>,
    } else {
    }
    %gt3A = arith.constant 0 : i32
    %gt3A_16 = arith.cmpi sgt, %arg0, %gt3A : i32
    %convert_element_type3A_17 = arith.extui %gt3A_16 : i1 to i32
    %cond3A_18 = arith.constant 0 : i32
    %cond3A_19 = arith.cmpi ne, %convert_element_type3A_17, %cond3A_18 : i32
    scf.if %cond3A_19 {
      %get3A_20 = arith.constant 0 : index
      %get3A_21 = arith.constant 0 : index
      %get3A_22 = vector.load %arg2[%get3A_20, %get3A_21] : memref<8x32xf32, #tpu.memory_space<vmem>>, vector<8x32xf32>
      %add3A = arith.addf %get3A_22, %concatenate3A : vector<8x32xf32>
      %swap3A = arith.constant 0 : index
      %swap3A_23 = arith.constant 0 : index
      %swap3A_24 = vector.load %arg2[%swap3A, %swap3A_23] : memref<8x32xf32, #tpu.memory_space<vmem>>, vector<8x32xf32>
      tpu.vector_store %arg2[%swap3A, %swap3A_23], %add3A {strides = array<i32>} : memref<8x32xf32, #tpu.memory_space<vmem>>, vector<8x32xf32>,
    } else {
    }
    return
  }
  func.func @transform_0(%arg0: i32) -> (i32, i32) {
    %c0_i32 = arith.constant 0 : i32
    %c0_i32_0 = arith.constant 0 : i32
    return %arg0, %c0_i32 : i32, i32
  }
  func.func @transform_1(%arg0: i32) -> (i32, i32) {
    %c0_i32 = arith.constant 0 : i32
    %c0_i32_0 = arith.constant 0 : i32
    %c0_i32_1 = arith.constant 0 : i32
    return %c0_i32, %c0_i32_0 : i32, i32
  }
}

module attributes {stable_mosaic.version = 14 : i64} {
  func.func @_prep_body(%arg0: i32, %arg1: memref<8x32xf32, #tpu.memory_space<vmem>>, %arg2: memref<1000x1xf32, #tpu.memory_space<vmem>>, %arg3: memref<1000x20xf32, #tpu.memory_space<vmem>>, %arg4: memref<1000x64xf32, #tpu.memory_space<vmem>>, %arg5: memref<1000x64xf32, #tpu.memory_space<vmem>>, %arg6: memref<1000x3xf32, #tpu.memory_space<vmem>>, %arg7: memref<64x32xf32, #tpu.memory_space<vmem>>, %arg8: memref<1x32xf32, #tpu.memory_space<vmem>>, %arg9: memref<20x8xf32, #tpu.memory_space<vmem>>, %arg10: memref<1x8xf32, #tpu.memory_space<vmem>>, %arg11: memref<64x16xf32, #tpu.memory_space<vmem>>, %arg12: memref<1x16xf32, #tpu.memory_space<vmem>>, %arg13: memref<1x20xf32, #tpu.memory_space<vmem>>, %arg14: memref<1x20xf32, #tpu.memory_space<vmem>>, %arg15: memref<8x64xf32, #tpu.memory_space<vmem>>, %arg16: memref<8x64xf32, #tpu.memory_space<vmem>>, %arg17: memref<1000x64xf32, #tpu.memory_space<vmem>>, %arg18: memref<1000x16xf32, #tpu.memory_space<vmem>>, %arg19: memref<1000x16xf32, #tpu.memory_space<vmem>>, %arg20: memref<1000x64xf32, #tpu.memory_space<vmem>>, %arg21: memref<1000x64xf32, #tpu.memory_space<vmem>>) attributes {dimension_semantics = [#tpu.dimension_semantics<parallel>], iteration_bounds = array<i64: 50>, scalar_prefetch = 0 : i64, scratch_operands = 0 : i64, tpu.core_type = #tpu.core_type<tc>, window_params = [{pipeline_mode = #tpu.pipeline_mode<synchronous>, transform_indices = @transform_0, window_bounds = array<i64: 8, 32>}, {transform_indices = @transform_1, window_bounds = array<i64: 1000, 1>}, {transform_indices = @transform_2, window_bounds = array<i64: 1000, 20>}, {transform_indices = @transform_3, window_bounds = array<i64: 1000, 64>}, {transform_indices = @transform_4, window_bounds = array<i64: 1000, 64>}, {transform_indices = @transform_5, window_bounds = array<i64: 1000, 3>}, {pipeline_mode = #tpu.pipeline_mode<synchronous>, transform_indices = @transform_6, window_bounds = array<i64: 64, 32>}, {pipeline_mode = #tpu.pipeline_mode<synchronous>, transform_indices = @transform_7, window_bounds = array<i64: 1, 32>}, {pipeline_mode = #tpu.pipeline_mode<synchronous>, transform_indices = @transform_8, window_bounds = array<i64: 20, 8>}, {pipeline_mode = #tpu.pipeline_mode<synchronous>, transform_indices = @transform_9, window_bounds = array<i64: 1, 8>}, {pipeline_mode = #tpu.pipeline_mode<synchronous>, transform_indices = @transform_10, window_bounds = array<i64: 64, 16>}, {pipeline_mode = #tpu.pipeline_mode<synchronous>, transform_indices = @transform_11, window_bounds = array<i64: 1, 16>}, {pipeline_mode = #tpu.pipeline_mode<synchronous>, transform_indices = @transform_12, window_bounds = array<i64: 1, 20>}, {pipeline_mode = #tpu.pipeline_mode<synchronous>, transform_indices = @transform_13, window_bounds = array<i64: 1, 20>}, {pipeline_mode = #tpu.pipeline_mode<synchronous>, transform_indices = @transform_14, window_bounds = array<i64: 8, 64>}, {pipeline_mode = #tpu.pipeline_mode<synchronous>, transform_indices = @transform_15, window_bounds = array<i64: 8, 64>}, {transform_indices = @transform_16, window_bounds = array<i64: 1000, 64>}, {transform_indices = @transform_17, window_bounds = array<i64: 1000, 16>}, {transform_indices = @transform_18, window_bounds = array<i64: 1000, 16>}, {transform_indices = @transform_19, window_bounds = array<i64: 1000, 64>}, {transform_indices = @transform_20, window_bounds = array<i64: 1000, 64>}]} {
    %get3A = arith.constant 0 : index
    %get3A_0 = arith.constant 0 : index
    %get3A_1 = vector.load %arg1[%get3A, %get3A_0] : memref<8x32xf32, #tpu.memory_space<vmem>>, vector<8x32xf32>
    %slice3A = vector.extract_strided_slice %get3A_1 {offsets = [0, 0], sizes = [1, 20], strides = [1, 1]} : vector<8x32xf32> to vector<1x20xf32>
    %mul3A = arith.constant 2.000000e-05 : f32
    %mul3A_2 = vector.broadcast %mul3A : f32 to vector<1x20xf32>
    %mul3A_3 = arith.mulf %slice3A, %mul3A_2 : vector<1x20xf32>
    %slice3A_4 = vector.extract_strided_slice %get3A_1 {offsets = [1, 0], sizes = [1, 20], strides = [1, 1]} : vector<8x32xf32> to vector<1x20xf32>
    %mul3A_5 = arith.constant 2.000000e-05 : f32
    %mul3A_6 = vector.broadcast %mul3A_5 : f32 to vector<1x20xf32>
    %mul3A_7 = arith.mulf %slice3A_4, %mul3A_6 : vector<1x20xf32>
    %mul3A_8 = arith.mulf %mul3A_3, %mul3A_3 : vector<1x20xf32>
    %sub3A = arith.subf %mul3A_7, %mul3A_8 : vector<1x20xf32>
    %add3A = arith.constant 9.99999974E-6 : f32
    %add3A_9 = vector.broadcast %add3A : f32 to vector<1x20xf32>
    %add3A_10 = arith.addf %sub3A, %add3A_9 : vector<1x20xf32>
    %rsqrt3A = math.rsqrt %add3A_10 : vector<1x20xf32>
    %get3A_11 = arith.constant 0 : index
    %get3A_12 = arith.constant 0 : index
    %get3A_13 = vector.load %arg3[%get3A_11, %get3A_12] : memref<1000x20xf32, #tpu.memory_space<vmem>>, vector<1000x20xf32>
    %sub3A_14 = vector.broadcast %mul3A_3 : vector<1x20xf32> to vector<1000x20xf32>
    %sub3A_15 = arith.subf %get3A_13, %sub3A_14 : vector<1000x20xf32>
    %mul3A_16 = vector.broadcast %rsqrt3A : vector<1x20xf32> to vector<1000x20xf32>
    %mul3A_17 = arith.mulf %sub3A_15, %mul3A_16 : vector<1000x20xf32>
    %get3A_18 = arith.constant 0 : index
    %get3A_19 = arith.constant 0 : index
    %get3A_20 = vector.load %arg13[%get3A_18, %get3A_19] : memref<1x20xf32, #tpu.memory_space<vmem>>, vector<1x20xf32>
    %mul3A_21 = vector.broadcast %get3A_20 : vector<1x20xf32> to vector<1000x20xf32>
    %mul3A_22 = arith.mulf %mul3A_17, %mul3A_21 : vector<1000x20xf32>
    %get3A_23 = arith.constant 0 : index
    %get3A_24 = arith.constant 0 : index
    %get3A_25 = vector.load %arg14[%get3A_23, %get3A_24] : memref<1x20xf32, #tpu.memory_space<vmem>>, vector<1x20xf32>
    %add3A_26 = vector.broadcast %get3A_25 : vector<1x20xf32> to vector<1000x20xf32>
    %add3A_27 = arith.addf %mul3A_22, %add3A_26 : vector<1000x20xf32>
    %iota3A = tpu.iota {dimensions = array<i32: 1>} : vector<1x4xi32>
    %convert_element_type3A = arith.sitofp %iota3A : vector<1x4xi32> to vector<1x4xf32>
    %mul3A_28 = arith.constant -2.30258512 : f32
    %mul3A_29 = vector.broadcast %mul3A_28 : f32 to vector<1x4xf32>
    %mul3A_30 = arith.mulf %mul3A_29, %convert_element_type3A : vector<1x4xf32>
    %exp3A = math.exp %mul3A_30 : vector<1x4xf32>
    %get3A_31 = arith.constant 0 : index
    %get3A_32 = arith.constant 0 : index
    %get3A_33 = vector.load %arg2[%get3A_31, %get3A_32] : memref<1000x1xf32, #tpu.memory_space<vmem>>, vector<1000x1xf32>
    %mul3A_34 = vector.broadcast %get3A_33 : vector<1000x1xf32> to vector<1000x4xf32>
    %mul3A_35 = vector.broadcast %exp3A : vector<1x4xf32> to vector<1000x4xf32>
    %mul3A_36 = arith.mulf %mul3A_34, %mul3A_35 : vector<1000x4xf32>
    %cos3A = math.cos %mul3A_36 : vector<1000x4xf32>
    %sin3A = math.sin %mul3A_36 : vector<1000x4xf32>
    %concatenate3A = tpu.concatenate %cos3A, %sin3A in 1 : vector<1000x4xf32>, vector<1000x4xf32> -> vector<1000x8xf32>
    %get3A_37 = arith.constant 0 : index
    %get3A_38 = arith.constant 0 : index
    %get3A_39 = vector.load %arg4[%get3A_37, %get3A_38] : memref<1000x64xf32, #tpu.memory_space<vmem>>, vector<1000x64xf32>
    %get3A_40 = arith.constant 0 : index
    %get3A_41 = arith.constant 0 : index
    %get3A_42 = vector.load %arg7[%get3A_40, %get3A_41] : memref<64x32xf32, #tpu.memory_space<vmem>>, vector<64x32xf32>
    %dot_general3A = arith.constant dense<0.000000e+00> : vector<1000x32xf32>
    %dot_general3A_43 = tpu.matmul %get3A_39, %get3A_42, %dot_general3A {dimension_numbers = #tpu.dot_dimension_numbers<[1], [0], [0], [1], [0, 0, 1, 1], [], []>, transpose_lhs_hint = false} : vector<1000x64xf32>, vector<64x32xf32>, vector<1000x32xf32> -> vector<1000x32xf32>
    %get3A_44 = arith.constant 0 : index
    %get3A_45 = arith.constant 0 : index
    %get3A_46 = vector.load %arg8[%get3A_44, %get3A_45] : memref<1x32xf32, #tpu.memory_space<vmem>>, vector<1x32xf32>
    %add3A_47 = vector.broadcast %get3A_46 : vector<1x32xf32> to vector<1000x32xf32>
    %add3A_48 = arith.addf %dot_general3A_43, %add3A_47 : vector<1000x32xf32>
    %get3A_49 = arith.constant 0 : index
    %get3A_50 = arith.constant 0 : index
    %get3A_51 = vector.load %arg9[%get3A_49, %get3A_50] : memref<20x8xf32, #tpu.memory_space<vmem>>, vector<20x8xf32>
    %dot_general3A_52 = arith.constant dense<0.000000e+00> : vector<1000x8xf32>
    %dot_general3A_53 = tpu.matmul %add3A_27, %get3A_51, %dot_general3A_52 {dimension_numbers = #tpu.dot_dimension_numbers<[1], [0], [0], [1], [0, 0, 1, 1], [], []>, transpose_lhs_hint = false} : vector<1000x20xf32>, vector<20x8xf32>, vector<1000x8xf32> -> vector<1000x8xf32>
    %get3A_54 = arith.constant 0 : index
    %get3A_55 = arith.constant 0 : index
    %get3A_56 = vector.load %arg10[%get3A_54, %get3A_55] : memref<1x8xf32, #tpu.memory_space<vmem>>, vector<1x8xf32>
    %add3A_57 = vector.broadcast %get3A_56 : vector<1x8xf32> to vector<1000x8xf32>
    %add3A_58 = arith.addf %dot_general3A_53, %add3A_57 : vector<1000x8xf32>
    %get3A_59 = arith.constant 0 : index
    %get3A_60 = arith.constant 0 : index
    %get3A_61 = vector.load %arg5[%get3A_59, %get3A_60] : memref<1000x64xf32, #tpu.memory_space<vmem>>, vector<1000x64xf32>
    %get3A_62 = arith.constant 0 : index
    %get3A_63 = arith.constant 0 : index
    %get3A_64 = vector.load %arg11[%get3A_62, %get3A_63] : memref<64x16xf32, #tpu.memory_space<vmem>>, vector<64x16xf32>
    %dot_general3A_65 = arith.constant dense<0.000000e+00> : vector<1000x16xf32>
    %dot_general3A_66 = tpu.matmul %get3A_61, %get3A_64, %dot_general3A_65 {dimension_numbers = #tpu.dot_dimension_numbers<[1], [0], [0], [1], [0, 0, 1, 1], [], []>, transpose_lhs_hint = false} : vector<1000x64xf32>, vector<64x16xf32>, vector<1000x16xf32> -> vector<1000x16xf32>
    %get3A_67 = arith.constant 0 : index
    %get3A_68 = arith.constant 0 : index
    %get3A_69 = vector.load %arg12[%get3A_67, %get3A_68] : memref<1x16xf32, #tpu.memory_space<vmem>>, vector<1x16xf32>
    %add3A_70 = vector.broadcast %get3A_69 : vector<1x16xf32> to vector<1000x16xf32>
    %add3A_71 = arith.addf %dot_general3A_66, %add3A_70 : vector<1000x16xf32>
    %concatenate3A_72 = tpu.concatenate %add3A_48, %add3A_58, %concatenate3A, %add3A_71 in 1 : vector<1000x32xf32>, vector<1000x8xf32>, vector<1000x8xf32>, vector<1000x16xf32> -> vector<1000x64xf32>
    %swap3A = arith.constant 0 : index
    %swap3A_73 = arith.constant 0 : index
    %swap3A_74 = vector.load %arg17[%swap3A, %swap3A_73] : memref<1000x64xf32, #tpu.memory_space<vmem>>, vector<1000x64xf32>
    tpu.vector_store %arg17[%swap3A, %swap3A_73], %concatenate3A_72 {strides = array<i32>} : memref<1000x64xf32, #tpu.memory_space<vmem>>, vector<1000x64xf32>,
    %get3A_75 = arith.constant 0 : index
    %get3A_76 = arith.constant 0 : index
    %get3A_77 = vector.load %arg6[%get3A_75, %get3A_76] : memref<1000x3xf32, #tpu.memory_space<vmem>>, vector<1000x3xf32>
    %mul3A_78 = arith.mulf %get3A_77, %get3A_77 : vector<1000x3xf32>
    %reduce_sum3A = arith.constant dense<0.000000e+00> : vector<1000xf32>
    %reduce_sum3A_79 = vector.multi_reduction <add>, %mul3A_78, %reduce_sum3A [1] : vector<1000x3xf32> to vector<1000xf32>
    %broadcast_in_dim3A = vector.shape_cast %reduce_sum3A_79 : vector<1000xf32> to vector<1000x1xf32>
    %broadcast_in_dim3A_80 = arith.constant 1.000000e+00 : f32
    %broadcast_in_dim3A_81 = vector.broadcast %broadcast_in_dim3A_80 : f32 to vector<1000x1xf32>
    %broadcast_in_dim3A_82 = arith.constant 0.000000e+00 : f32
    %broadcast_in_dim3A_83 = vector.broadcast %broadcast_in_dim3A_82 : f32 to vector<1000x11xf32>
    %concatenate3A_84 = tpu.concatenate %broadcast_in_dim3A, %broadcast_in_dim3A_81, %get3A_77, %broadcast_in_dim3A_83 in 1 : vector<1000x1xf32>, vector<1000x1xf32>, vector<1000x3xf32>, vector<1000x11xf32> -> vector<1000x16xf32>
    %swap3A_85 = arith.constant 0 : index
    %swap3A_86 = arith.constant 0 : index
    %swap3A_87 = vector.load %arg18[%swap3A_85, %swap3A_86] : memref<1000x16xf32, #tpu.memory_space<vmem>>, vector<1000x16xf32>
    tpu.vector_store %arg18[%swap3A_85, %swap3A_86], %concatenate3A_84 {strides = array<i32>} : memref<1000x16xf32, #tpu.memory_space<vmem>>, vector<1000x16xf32>,
    %mul3A_88 = arith.constant -2.000000e+00 : f32
    %mul3A_89 = vector.broadcast %mul3A_88 : f32 to vector<1000x3xf32>
    %mul3A_90 = arith.mulf %mul3A_89, %get3A_77 : vector<1000x3xf32>
    %concatenate3A_91 = tpu.concatenate %broadcast_in_dim3A_81, %broadcast_in_dim3A, %mul3A_90, %broadcast_in_dim3A_83 in 1 : vector<1000x1xf32>, vector<1000x1xf32>, vector<1000x3xf32>, vector<1000x11xf32> -> vector<1000x16xf32>
    %swap3A_92 = arith.constant 0 : index
    %swap3A_93 = arith.constant 0 : index
    %swap3A_94 = vector.load %arg19[%swap3A_92, %swap3A_93] : memref<1000x16xf32, #tpu.memory_space<vmem>>, vector<1000x16xf32>
    tpu.vector_store %arg19[%swap3A_92, %swap3A_93], %concatenate3A_91 {strides = array<i32>} : memref<1000x16xf32, #tpu.memory_space<vmem>>, vector<1000x16xf32>,
    %get3A_95 = arith.constant 0 : index
    %get3A_96 = arith.constant 0 : index
    %get3A_97 = vector.load %arg15[%get3A_95, %get3A_96] : memref<8x64xf32, #tpu.memory_space<vmem>>, vector<8x64xf32>
    %dot_general3A_98 = arith.constant dense<0.000000e+00> : vector<1000x64xf32>
    %dot_general3A_99 = tpu.matmul %concatenate3A, %get3A_97, %dot_general3A_98 {dimension_numbers = #tpu.dot_dimension_numbers<[1], [0], [0], [1], [0, 0, 1, 1], [], []>, transpose_lhs_hint = false} : vector<1000x8xf32>, vector<8x64xf32>, vector<1000x64xf32> -> vector<1000x64xf32>
    %swap3A_100 = arith.constant 0 : index
    %swap3A_101 = arith.constant 0 : index
    %swap3A_102 = vector.load %arg20[%swap3A_100, %swap3A_101] : memref<1000x64xf32, #tpu.memory_space<vmem>>, vector<1000x64xf32>
    tpu.vector_store %arg20[%swap3A_100, %swap3A_101], %dot_general3A_99 {strides = array<i32>} : memref<1000x64xf32, #tpu.memory_space<vmem>>, vector<1000x64xf32>,
    %get3A_103 = arith.constant 0 : index
    %get3A_104 = arith.constant 0 : index
    %get3A_105 = vector.load %arg16[%get3A_103, %get3A_104] : memref<8x64xf32, #tpu.memory_space<vmem>>, vector<8x64xf32>
    %dot_general3A_106 = arith.constant dense<0.000000e+00> : vector<1000x64xf32>
    %dot_general3A_107 = tpu.matmul %concatenate3A, %get3A_105, %dot_general3A_106 {dimension_numbers = #tpu.dot_dimension_numbers<[1], [0], [0], [1], [0, 0, 1, 1], [], []>, transpose_lhs_hint = false} : vector<1000x8xf32>, vector<8x64xf32>, vector<1000x64xf32> -> vector<1000x64xf32>
    %swap3A_108 = arith.constant 0 : index
    %swap3A_109 = arith.constant 0 : index
    %swap3A_110 = vector.load %arg21[%swap3A_108, %swap3A_109] : memref<1000x64xf32, #tpu.memory_space<vmem>>, vector<1000x64xf32>
    tpu.vector_store %arg21[%swap3A_108, %swap3A_109], %dot_general3A_107 {strides = array<i32>} : memref<1000x64xf32, #tpu.memory_space<vmem>>, vector<1000x64xf32>,
    return
  }
  func.func @transform_0(%arg0: i32) -> (i32, i32) {
    %c0_i32 = arith.constant 0 : i32
    %c0_i32_0 = arith.constant 0 : i32
    %c0_i32_1 = arith.constant 0 : i32
    return %c0_i32, %c0_i32_0 : i32, i32
  }
  func.func @transform_1(%arg0: i32) -> (i32, i32) {
    %c0_i32 = arith.constant 0 : i32
    %c0_i32_0 = arith.constant 0 : i32
    return %arg0, %c0_i32 : i32, i32
  }
  func.func @transform_2(%arg0: i32) -> (i32, i32) {
    %c0_i32 = arith.constant 0 : i32
    %c0_i32_0 = arith.constant 0 : i32
    return %arg0, %c0_i32 : i32, i32
  }
  func.func @transform_3(%arg0: i32) -> (i32, i32) {
    %c0_i32 = arith.constant 0 : i32
    %c0_i32_0 = arith.constant 0 : i32
    return %arg0, %c0_i32 : i32, i32
  }
  func.func @transform_4(%arg0: i32) -> (i32, i32) {
    %c0_i32 = arith.constant 0 : i32
    %c0_i32_0 = arith.constant 0 : i32
    return %arg0, %c0_i32 : i32, i32
  }
  func.func @transform_5(%arg0: i32) -> (i32, i32) {
    %c0_i32 = arith.constant 0 : i32
    %c0_i32_0 = arith.constant 0 : i32
    return %arg0, %c0_i32 : i32, i32
  }
  func.func @transform_6(%arg0: i32) -> (i32, i32) {
    %c0_i32 = arith.constant 0 : i32
    %c0_i32_0 = arith.constant 0 : i32
    %c0_i32_1 = arith.constant 0 : i32
    return %c0_i32, %c0_i32_0 : i32, i32
  }
  func.func @transform_7(%arg0: i32) -> (i32, i32) {
    %c0_i32 = arith.constant 0 : i32
    %c0_i32_0 = arith.constant 0 : i32
    %c0_i32_1 = arith.constant 0 : i32
    return %c0_i32, %c0_i32_0 : i32, i32
  }
  func.func @transform_8(%arg0: i32) -> (i32, i32) {
    %c0_i32 = arith.constant 0 : i32
    %c0_i32_0 = arith.constant 0 : i32
    %c0_i32_1 = arith.constant 0 : i32
    return %c0_i32, %c0_i32_0 : i32, i32
  }
  func.func @transform_9(%arg0: i32) -> (i32, i32) {
    %c0_i32 = arith.constant 0 : i32
    %c0_i32_0 = arith.constant 0 : i32
    %c0_i32_1 = arith.constant 0 : i32
    return %c0_i32, %c0_i32_0 : i32, i32
  }
  func.func @transform_10(%arg0: i32) -> (i32, i32) {
    %c0_i32 = arith.constant 0 : i32
    %c0_i32_0 = arith.constant 0 : i32
    %c0_i32_1 = arith.constant 0 : i32
    return %c0_i32, %c0_i32_0 : i32, i32
  }
  func.func @transform_11(%arg0: i32) -> (i32, i32) {
    %c0_i32 = arith.constant 0 : i32
    %c0_i32_0 = arith.constant 0 : i32
    %c0_i32_1 = arith.constant 0 : i32
    return %c0_i32, %c0_i32_0 : i32, i32
  }
  func.func @transform_12(%arg0: i32) -> (i32, i32) {
    %c0_i32 = arith.constant 0 : i32
    %c0_i32_0 = arith.constant 0 : i32
    %c0_i32_1 = arith.constant 0 : i32
    return %c0_i32, %c0_i32_0 : i32, i32
  }
  func.func @transform_13(%arg0: i32) -> (i32, i32) {
    %c0_i32 = arith.constant 0 : i32
    %c0_i32_0 = arith.constant 0 : i32
    %c0_i32_1 = arith.constant 0 : i32
    return %c0_i32, %c0_i32_0 : i32, i32
  }
  func.func @transform_14(%arg0: i32) -> (i32, i32) {
    %c0_i32 = arith.constant 0 : i32
    %c0_i32_0 = arith.constant 0 : i32
    %c0_i32_1 = arith.constant 0 : i32
    return %c0_i32, %c0_i32_0 : i32, i32
  }
  func.func @transform_15(%arg0: i32) -> (i32, i32) {
    %c0_i32 = arith.constant 0 : i32
    %c0_i32_0 = arith.constant 0 : i32
    %c0_i32_1 = arith.constant 0 : i32
    return %c0_i32, %c0_i32_0 : i32, i32
  }
  func.func @transform_16(%arg0: i32) -> (i32, i32) {
    %c0_i32 = arith.constant 0 : i32
    %c0_i32_0 = arith.constant 0 : i32
    return %arg0, %c0_i32 : i32, i32
  }
  func.func @transform_17(%arg0: i32) -> (i32, i32) {
    %c0_i32 = arith.constant 0 : i32
    %c0_i32_0 = arith.constant 0 : i32
    return %arg0, %c0_i32 : i32, i32
  }
  func.func @transform_18(%arg0: i32) -> (i32, i32) {
    %c0_i32 = arith.constant 0 : i32
    %c0_i32_0 = arith.constant 0 : i32
    return %arg0, %c0_i32 : i32, i32
  }
  func.func @transform_19(%arg0: i32) -> (i32, i32) {
    %c0_i32 = arith.constant 0 : i32
    %c0_i32_0 = arith.constant 0 : i32
    return %arg0, %c0_i32 : i32, i32
  }
  func.func @transform_20(%arg0: i32) -> (i32, i32) {
    %c0_i32 = arith.constant 0 : i32
    %c0_i32_0 = arith.constant 0 : i32
    return %arg0, %c0_i32 : i32, i32
  }
}

module attributes {stable_mosaic.version = 14 : i64} {
  func.func @_pq_body(%arg0: i32, %arg1: memref<1000x64xf32, #tpu.memory_space<vmem>>, %arg2: memref<1000x16xf32, #tpu.memory_space<vmem>>, %arg3: memref<1000x16xf32, #tpu.memory_space<vmem>>, %arg4: memref<64x64xf32, #tpu.memory_space<vmem>>, %arg5: memref<1x64xf32, #tpu.memory_space<vmem>>, %arg6: memref<64x64xf32, #tpu.memory_space<vmem>>, %arg7: memref<64x64xf32, #tpu.memory_space<vmem>>, %arg8: memref<1000x64xf32, #tpu.memory_space<vmem>>, %arg9: memref<1000x128xf32, #tpu.memory_space<vmem>>, %arg10: memref<1000x128xf32, #tpu.memory_space<vmem>>) attributes {dimension_semantics = [#tpu.dimension_semantics<parallel>], iteration_bounds = array<i64: 50>, scalar_prefetch = 0 : i64, scratch_operands = 0 : i64, tpu.core_type = #tpu.core_type<tc>, window_params = [{transform_indices = @transform_0, window_bounds = array<i64: 1000, 64>}, {transform_indices = @transform_1, window_bounds = array<i64: 1000, 16>}, {transform_indices = @transform_2, window_bounds = array<i64: 1000, 16>}, {pipeline_mode = #tpu.pipeline_mode<synchronous>, transform_indices = @transform_3, window_bounds = array<i64: 64, 64>}, {pipeline_mode = #tpu.pipeline_mode<synchronous>, transform_indices = @transform_4, window_bounds = array<i64: 1, 64>}, {pipeline_mode = #tpu.pipeline_mode<synchronous>, transform_indices = @transform_5, window_bounds = array<i64: 64, 64>}, {pipeline_mode = #tpu.pipeline_mode<synchronous>, transform_indices = @transform_6, window_bounds = array<i64: 64, 64>}, {transform_indices = @transform_7, window_bounds = array<i64: 1000, 64>}, {transform_indices = @transform_8, window_bounds = array<i64: 1000, 128>}, {transform_indices = @transform_9, window_bounds = array<i64: 1000, 128>}]} {
    %get3A = arith.constant 0 : index
    %get3A_0 = arith.constant 0 : index
    %get3A_1 = vector.load %arg1[%get3A, %get3A_0] : memref<1000x64xf32, #tpu.memory_space<vmem>>, vector<1000x64xf32>
    %get3A_2 = arith.constant 0 : index
    %get3A_3 = arith.constant 0 : index
    %get3A_4 = vector.load %arg4[%get3A_2, %get3A_3] : memref<64x64xf32, #tpu.memory_space<vmem>>, vector<64x64xf32>
    %dot_general3A = arith.constant dense<0.000000e+00> : vector<1000x64xf32>
    %dot_general3A_5 = tpu.matmul %get3A_1, %get3A_4, %dot_general3A {dimension_numbers = #tpu.dot_dimension_numbers<[1], [0], [0], [1], [0, 0, 1, 1], [], []>, transpose_lhs_hint = false} : vector<1000x64xf32>, vector<64x64xf32>, vector<1000x64xf32> -> vector<1000x64xf32>
    %get3A_6 = arith.constant 0 : index
    %get3A_7 = arith.constant 0 : index
    %get3A_8 = vector.load %arg5[%get3A_6, %get3A_7] : memref<1x64xf32, #tpu.memory_space<vmem>>, vector<1x64xf32>
    %add3A = vector.broadcast %get3A_8 : vector<1x64xf32> to vector<1000x64xf32>
    %add3A_9 = arith.addf %dot_general3A_5, %add3A : vector<1000x64xf32>
    %swap3A = arith.constant 0 : index
    %swap3A_10 = arith.constant 0 : index
    %swap3A_11 = vector.load %arg8[%swap3A, %swap3A_10] : memref<1000x64xf32, #tpu.memory_space<vmem>>, vector<1000x64xf32>
    tpu.vector_store %arg8[%swap3A, %swap3A_10], %add3A_9 {strides = array<i32>} : memref<1000x64xf32, #tpu.memory_space<vmem>>, vector<1000x64xf32>,
    %broadcast_in_dim3A = arith.constant 0.000000e+00 : f32
    %broadcast_in_dim3A_12 = vector.broadcast %broadcast_in_dim3A : f32 to vector<1000x48xf32>
    %get3A_13 = arith.constant 0 : index
    %get3A_14 = arith.constant 0 : index
    %get3A_15 = vector.load %arg6[%get3A_13, %get3A_14] : memref<64x64xf32, #tpu.memory_space<vmem>>, vector<64x64xf32>
    %dot_general3A_16 = arith.constant dense<0.000000e+00> : vector<1000x64xf32>
    %dot_general3A_17 = tpu.matmul %add3A_9, %get3A_15, %dot_general3A_16 {dimension_numbers = #tpu.dot_dimension_numbers<[1], [0], [0], [1], [0, 0, 1, 1], [], []>, transpose_lhs_hint = false} : vector<1000x64xf32>, vector<64x64xf32>, vector<1000x64xf32> -> vector<1000x64xf32>
    %get3A_18 = arith.constant 0 : index
    %get3A_19 = arith.constant 0 : index
    %get3A_20 = vector.load %arg2[%get3A_18, %get3A_19] : memref<1000x16xf32, #tpu.memory_space<vmem>>, vector<1000x16xf32>
    %concatenate3A = tpu.concatenate %dot_general3A_17, %get3A_20, %broadcast_in_dim3A_12 in 1 : vector<1000x64xf32>, vector<1000x16xf32>, vector<1000x48xf32> -> vector<1000x128xf32>
    %swap3A_21 = arith.constant 0 : index
    %swap3A_22 = arith.constant 0 : index
    %swap3A_23 = vector.load %arg9[%swap3A_21, %swap3A_22] : memref<1000x128xf32, #tpu.memory_space<vmem>>, vector<1000x128xf32>
    tpu.vector_store %arg9[%swap3A_21, %swap3A_22], %concatenate3A {strides = array<i32>} : memref<1000x128xf32, #tpu.memory_space<vmem>>, vector<1000x128xf32>,
    %get3A_24 = arith.constant 0 : index
    %get3A_25 = arith.constant 0 : index
    %get3A_26 = vector.load %arg7[%get3A_24, %get3A_25] : memref<64x64xf32, #tpu.memory_space<vmem>>, vector<64x64xf32>
    %dot_general3A_27 = arith.constant dense<0.000000e+00> : vector<1000x64xf32>
    %dot_general3A_28 = tpu.matmul %add3A_9, %get3A_26, %dot_general3A_27 {dimension_numbers = #tpu.dot_dimension_numbers<[1], [0], [0], [1], [0, 0, 1, 1], [], []>, transpose_lhs_hint = false} : vector<1000x64xf32>, vector<64x64xf32>, vector<1000x64xf32> -> vector<1000x64xf32>
    %get3A_29 = arith.constant 0 : index
    %get3A_30 = arith.constant 0 : index
    %get3A_31 = vector.load %arg3[%get3A_29, %get3A_30] : memref<1000x16xf32, #tpu.memory_space<vmem>>, vector<1000x16xf32>
    %concatenate3A_32 = tpu.concatenate %dot_general3A_28, %get3A_31, %broadcast_in_dim3A_12 in 1 : vector<1000x64xf32>, vector<1000x16xf32>, vector<1000x48xf32> -> vector<1000x128xf32>
    %swap3A_33 = arith.constant 0 : index
    %swap3A_34 = arith.constant 0 : index
    %swap3A_35 = vector.load %arg10[%swap3A_33, %swap3A_34] : memref<1000x128xf32, #tpu.memory_space<vmem>>, vector<1000x128xf32>
    tpu.vector_store %arg10[%swap3A_33, %swap3A_34], %concatenate3A_32 {strides = array<i32>} : memref<1000x128xf32, #tpu.memory_space<vmem>>, vector<1000x128xf32>,
    return
  }
  func.func @transform_0(%arg0: i32) -> (i32, i32) {
    %c0_i32 = arith.constant 0 : i32
    %c0_i32_0 = arith.constant 0 : i32
    return %arg0, %c0_i32 : i32, i32
  }
  func.func @transform_1(%arg0: i32) -> (i32, i32) {
    %c0_i32 = arith.constant 0 : i32
    %c0_i32_0 = arith.constant 0 : i32
    return %arg0, %c0_i32 : i32, i32
  }
  func.func @transform_2(%arg0: i32) -> (i32, i32) {
    %c0_i32 = arith.constant 0 : i32
    %c0_i32_0 = arith.constant 0 : i32
    return %arg0, %c0_i32 : i32, i32
  }
  func.func @transform_3(%arg0: i32) -> (i32, i32) {
    %c0_i32 = arith.constant 0 : i32
    %c0_i32_0 = arith.constant 0 : i32
    %c0_i32_1 = arith.constant 0 : i32
    return %c0_i32, %c0_i32_0 : i32, i32
  }
  func.func @transform_4(%arg0: i32) -> (i32, i32) {
    %c0_i32 = arith.constant 0 : i32
    %c0_i32_0 = arith.constant 0 : i32
    %c0_i32_1 = arith.constant 0 : i32
    return %c0_i32, %c0_i32_0 : i32, i32
  }
  func.func @transform_5(%arg0: i32) -> (i32, i32) {
    %c0_i32 = arith.constant 0 : i32
    %c0_i32_0 = arith.constant 0 : i32
    %c0_i32_1 = arith.constant 0 : i32
    return %c0_i32, %c0_i32_0 : i32, i32
  }
  func.func @transform_6(%arg0: i32) -> (i32, i32) {
    %c0_i32 = arith.constant 0 : i32
    %c0_i32_0 = arith.constant 0 : i32
    %c0_i32_1 = arith.constant 0 : i32
    return %c0_i32, %c0_i32_0 : i32, i32
  }
  func.func @transform_7(%arg0: i32) -> (i32, i32) {
    %c0_i32 = arith.constant 0 : i32
    %c0_i32_0 = arith.constant 0 : i32
    return %arg0, %c0_i32 : i32, i32
  }
  func.func @transform_8(%arg0: i32) -> (i32, i32) {
    %c0_i32 = arith.constant 0 : i32
    %c0_i32_0 = arith.constant 0 : i32
    return %arg0, %c0_i32 : i32, i32
  }
  func.func @transform_9(%arg0: i32) -> (i32, i32) {
    %c0_i32 = arith.constant 0 : i32
    %c0_i32_0 = arith.constant 0 : i32
    return %arg0, %c0_i32 : i32, i32
  }
}

module attributes {stable_mosaic.version = 14 : i64} {
  func.func @_edge_body(%arg0: i32, %arg1: memref<4096x128xf32, #tpu.memory_space<vmem>>, %arg2: memref<4096x128xf32, #tpu.memory_space<vmem>>, %arg3: memref<4096x4xf32, #tpu.memory_space<vmem>>, %arg4: memref<256x64xf32, #tpu.memory_space<vmem>>, %arg5: memref<32x128xi32, #tpu.memory_space<vmem>>, %arg6: memref<4x64xf32, #tpu.memory_space<vmem>>, %arg7: memref<1x64xf32, #tpu.memory_space<vmem>>, %arg8: memref<1x64xf32, #tpu.memory_space<vmem>>, %arg9: memref<64x64xf32, #tpu.memory_space<vmem>>, %arg10: memref<1x64xf32, #tpu.memory_space<vmem>>, %arg11: memref<4096x128xf32, #tpu.memory_space<vmem>>, %arg12: memref<32x128xi32, #tpu.memory_space<vmem>>, %arg13: memref<32x128xi32, #tpu.memory_space<vmem>>, %arg14: memref<32x128xi32, #tpu.memory_space<vmem>>, %arg15: memref<32x128xi32, #tpu.memory_space<vmem>>) attributes {dimension_semantics = [#tpu.dimension_semantics<parallel>], iteration_bounds = array<i64: 196>, scalar_prefetch = 0 : i64, scratch_operands = 0 : i64, tpu.core_type = #tpu.core_type<tc>, window_params = [{transform_indices = @transform_0, window_bounds = array<i64: 4096, 128>}, {transform_indices = @transform_1, window_bounds = array<i64: 4096, 128>}, {transform_indices = @transform_2, window_bounds = array<i64: 4096, 4>}, {transform_indices = @transform_3, window_bounds = array<i64: 256, 64>}, {transform_indices = @transform_4, window_bounds = array<i64: 32, 128>}, {pipeline_mode = #tpu.pipeline_mode<synchronous>, transform_indices = @transform_5, window_bounds = array<i64: 4, 64>}, {pipeline_mode = #tpu.pipeline_mode<synchronous>, transform_indices = @transform_6, window_bounds = array<i64: 1, 64>}, {pipeline_mode = #tpu.pipeline_mode<synchronous>, transform_indices = @transform_7, window_bounds = array<i64: 1, 64>}, {pipeline_mode = #tpu.pipeline_mode<synchronous>, transform_indices = @transform_8, window_bounds = array<i64: 64, 64>}, {pipeline_mode = #tpu.pipeline_mode<synchronous>, transform_indices = @transform_9, window_bounds = array<i64: 1, 64>}, {transform_indices = @transform_10, window_bounds = array<i64: 4096, 128>}, {transform_indices = @transform_11, window_bounds = array<i64: 32, 128>}, {transform_indices = @transform_12, window_bounds = array<i64: 32, 128>}, {transform_indices = @transform_13, window_bounds = array<i64: 32, 128>}, {transform_indices = @transform_14, window_bounds = array<i64: 32, 128>}]} {
    %get3A = arith.constant 0 : index
    %get3A_0 = arith.constant 0 : index
    %get3A_1 = vector.load %arg1[%get3A, %get3A_0] : memref<4096x128xf32, #tpu.memory_space<vmem>>, vector<4096x128xf32>
    %get3A_2 = arith.constant 0 : index
    %get3A_3 = arith.constant 0 : index
    %get3A_4 = vector.load %arg2[%get3A_2, %get3A_3] : memref<4096x128xf32, #tpu.memory_space<vmem>>, vector<4096x128xf32>
    %slice3A = vector.extract_strided_slice %get3A_1 {offsets = [0, 64], sizes = [4096, 16], strides = [1, 1]} : vector<4096x128xf32> to vector<4096x16xf32>
    %slice3A_5 = vector.extract_strided_slice %get3A_4 {offsets = [0, 64], sizes = [4096, 16], strides = [1, 1]} : vector<4096x128xf32> to vector<4096x16xf32>
    %mul3A = arith.mulf %slice3A, %slice3A_5 : vector<4096x16xf32>
    %reduce_sum3A = arith.constant dense<0.000000e+00> : vector<4096xf32>
    %reduce_sum3A_6 = vector.multi_reduction <add>, %mul3A, %reduce_sum3A [1] : vector<4096x16xf32> to vector<4096xf32>
    %broadcast_in_dim3A = vector.shape_cast %reduce_sum3A_6 : vector<4096xf32> to vector<4096x1xf32>
    %get3A_7 = arith.constant 0 : index
    %get3A_8 = arith.constant 0 : index
    %get3A_9 = vector.load %arg4[%get3A_7, %get3A_8] : memref<256x64xf32, #tpu.memory_space<vmem>>, vector<256x64xf32>
    %broadcast_in_dim3A_10 = vector.shape_cast %get3A_9 : vector<256x64xf32> to vector<256x1x64xf32>
    %broadcast_in_dim3A_11 = vector.shape_cast %broadcast_in_dim3A_10 : vector<256x1x64xf32> to vector<256x1x64xf32>
    %broadcast_in_dim3A_12 = vector.broadcast %broadcast_in_dim3A_11 : vector<256x1x64xf32> to vector<256x16x64xf32>
    %reshape3A = vector.shape_cast %broadcast_in_dim3A_12 : vector<256x16x64xf32> to vector<4096x64xf32>
    %slice3A_13 = vector.extract_strided_slice %get3A_1 {offsets = [0, 0], sizes = [4096, 64], strides = [1, 1]} : vector<4096x128xf32> to vector<4096x64xf32>
    %slice3A_14 = vector.extract_strided_slice %get3A_4 {offsets = [0, 0], sizes = [4096, 64], strides = [1, 1]} : vector<4096x128xf32> to vector<4096x64xf32>
    %add3A = arith.addf %slice3A_13, %slice3A_14 : vector<4096x64xf32>
    %get3A_15 = arith.constant 0 : index
    %get3A_16 = arith.constant 0 : index
    %get3A_17 = vector.load %arg8[%get3A_15, %get3A_16] : memref<1x64xf32, #tpu.memory_space<vmem>>, vector<1x64xf32>
    %mul3A_18 = vector.broadcast %broadcast_in_dim3A : vector<4096x1xf32> to vector<4096x64xf32>
    %mul3A_19 = vector.broadcast %get3A_17 : vector<1x64xf32> to vector<4096x64xf32>
    %mul3A_20 = arith.mulf %mul3A_18, %mul3A_19 : vector<4096x64xf32>
    %add3A_21 = arith.addf %add3A, %mul3A_20 : vector<4096x64xf32>
    %get3A_22 = arith.constant 0 : index
    %get3A_23 = arith.constant 0 : index
    %get3A_24 = vector.load %arg3[%get3A_22, %get3A_23] : memref<4096x4xf32, #tpu.memory_space<vmem>>, vector<4096x4xf32>
    %get3A_25 = arith.constant 0 : index
    %get3A_26 = arith.constant 0 : index
    %get3A_27 = vector.load %arg6[%get3A_25, %get3A_26] : memref<4x64xf32, #tpu.memory_space<vmem>>, vector<4x64xf32>
    %dot_general3A = arith.constant dense<0.000000e+00> : vector<4096x64xf32>
    %dot_general3A_28 = tpu.matmul %get3A_24, %get3A_27, %dot_general3A {dimension_numbers = #tpu.dot_dimension_numbers<[1], [0], [0], [1], [0, 0, 1, 1], [], []>, transpose_lhs_hint = false} : vector<4096x4xf32>, vector<4x64xf32>, vector<4096x64xf32> -> vector<4096x64xf32>
    %add3A_29 = arith.addf %add3A_21, %dot_general3A_28 : vector<4096x64xf32>
    %add3A_30 = arith.addf %add3A_29, %reshape3A : vector<4096x64xf32>
    %get3A_31 = arith.constant 0 : index
    %get3A_32 = arith.constant 0 : index
    %get3A_33 = vector.load %arg7[%get3A_31, %get3A_32] : memref<1x64xf32, #tpu.memory_space<vmem>>, vector<1x64xf32>
    %add3A_34 = vector.broadcast %get3A_33 : vector<1x64xf32> to vector<4096x64xf32>
    %add3A_35 = arith.addf %add3A_30, %add3A_34 : vector<4096x64xf32>
    %logistic3A = arith.negf %add3A_35 : vector<4096x64xf32>
    %logistic3A_36 = math.exp %logistic3A : vector<4096x64xf32>
    %logistic3A_37 = arith.constant 1.000000e+00 : f32
    %logistic3A_38 = vector.broadcast %logistic3A_37 : f32 to vector<4096x64xf32>
    %logistic3A_39 = arith.addf %logistic3A_38, %logistic3A_36 : vector<4096x64xf32>
    %logistic3A_40 = arith.divf %logistic3A_38, %logistic3A_39 : vector<4096x64xf32>
    %mul3A_41 = arith.mulf %add3A_35, %logistic3A_40 : vector<4096x64xf32>
    %get3A_42 = arith.constant 0 : index
    %get3A_43 = arith.constant 0 : index
    %get3A_44 = vector.load %arg9[%get3A_42, %get3A_43] : memref<64x64xf32, #tpu.memory_space<vmem>>, vector<64x64xf32>
    %dot_general3A_45 = arith.constant dense<0.000000e+00> : vector<4096x64xf32>
    %dot_general3A_46 = tpu.matmul %mul3A_41, %get3A_44, %dot_general3A_45 {dimension_numbers = #tpu.dot_dimension_numbers<[1], [0], [0], [1], [0, 0, 1, 1], [], []>, transpose_lhs_hint = false} : vector<4096x64xf32>, vector<64x64xf32>, vector<4096x64xf32> -> vector<4096x64xf32>
    %get3A_47 = arith.constant 0 : index
    %get3A_48 = arith.constant 0 : index
    %get3A_49 = vector.load %arg10[%get3A_47, %get3A_48] : memref<1x64xf32, #tpu.memory_space<vmem>>, vector<1x64xf32>
    %add3A_50 = vector.broadcast %get3A_49 : vector<1x64xf32> to vector<4096x64xf32>
    %add3A_51 = arith.addf %dot_general3A_46, %add3A_50 : vector<4096x64xf32>
    %logistic3A_52 = arith.negf %add3A_51 : vector<4096x64xf32>
    %logistic3A_53 = math.exp %logistic3A_52 : vector<4096x64xf32>
    %logistic3A_54 = arith.constant 1.000000e+00 : f32
    %logistic3A_55 = vector.broadcast %logistic3A_54 : f32 to vector<4096x64xf32>
    %logistic3A_56 = arith.addf %logistic3A_55, %logistic3A_53 : vector<4096x64xf32>
    %logistic3A_57 = arith.divf %logistic3A_55, %logistic3A_56 : vector<4096x64xf32>
    %mul3A_58 = arith.mulf %add3A_51, %logistic3A_57 : vector<4096x64xf32>
    %mul3A_59 = arith.constant 4096 : i32
    %mul3A_60 = arith.muli %arg0, %mul3A_59 : i32
    %iota3A = tpu.iota {dimensions = array<i32: 0>} : vector<4096x1xi32>
    %add3A_61 = vector.broadcast %mul3A_60 : i32 to vector<4096x1xi32>
    %add3A_62 = arith.addi %add3A_61, %iota3A : vector<4096x1xi32>
    %lt3A = arith.constant 800001 : i32
    %lt3A_63 = vector.broadcast %lt3A : i32 to vector<4096x1xi32>
    %lt3A_64 = arith.cmpi slt, %add3A_62, %lt3A_63 : vector<4096x1xi32>
    %jit3A = arith.constant 0.000000e+00 : f32
    %broadcast_in_dim3A_65 = vector.shape_cast %lt3A_64 : vector<4096x1xi1> to vector<4096x1xi1>
    %broadcast_in_dim3A_66 = vector.broadcast %broadcast_in_dim3A_65 : vector<4096x1xi1> to vector<4096x64xi1>
    %broadcast_in_dim3A_67 = vector.broadcast %jit3A : f32 to vector<4096x64xf32>
    %select_n3A = arith.select %broadcast_in_dim3A_66, %mul3A_58, %broadcast_in_dim3A_67 : vector<4096x64xi1>, vector<4096x64xf32>
    %broadcast_in_dim3A_68 = arith.constant 0.000000e+00 : f32
    %broadcast_in_dim3A_69 = vector.broadcast %broadcast_in_dim3A_68 : f32 to vector<4096x64xf32>
    %concatenate3A = tpu.concatenate %select_n3A, %broadcast_in_dim3A_69 in 1 : vector<4096x64xf32>, vector<4096x64xf32> -> vector<4096x128xf32>
    %swap3A = arith.constant 0 : index
    %swap3A_70 = arith.constant 0 : index
    %swap3A_71 = vector.load %arg11[%swap3A, %swap3A_70] : memref<4096x128xf32, #tpu.memory_space<vmem>>, vector<4096x128xf32>
    tpu.vector_store %arg11[%swap3A, %swap3A_70], %concatenate3A {strides = array<i32>} : memref<4096x128xf32, #tpu.memory_space<vmem>>, vector<4096x128xf32>,
    %get3A_72 = arith.constant 0 : index
    %get3A_73 = arith.constant 0 : index
    %get3A_74 = vector.load %arg5[%get3A_72, %get3A_73] : memref<32x128xi32, #tpu.memory_space<vmem>>, vector<32x128xi32>
    %iota3A_75 = tpu.iota {dimensions = array<i32: 1>} : vector<32x128xi32>
    %and3A = arith.constant 63 : i32
    %and3A_76 = vector.broadcast %and3A : i32 to vector<32x128xi32>
    %and3A_77 = arith.andi %iota3A_75, %and3A_76 : vector<32x128xi32>
    %add3A_78 = arith.constant 12544 : i32
    %add3A_79 = vector.broadcast %add3A_78 : i32 to vector<32x128xi32>
    %add3A_80 = arith.addi %add3A_79, %and3A_77 : vector<32x128xi32>
    %ge3A = arith.constant 0 : i32
    %ge3A_81 = vector.broadcast %ge3A : i32 to vector<32x128xi32>
    %ge3A_82 = arith.cmpi sge, %get3A_74, %ge3A_81 : vector<32x128xi32>
    %lt3A_83 = arith.constant 12544 : i32
    %lt3A_84 = vector.broadcast %lt3A_83 : i32 to vector<32x128xi32>
    %lt3A_85 = arith.cmpi slt, %get3A_74, %lt3A_84 : vector<32x128xi32>
    %and3A_86 = arith.andi %ge3A_82, %lt3A_85 : vector<32x128xi1>
    %sub3A = arith.constant 0 : i32
    %sub3A_87 = vector.broadcast %sub3A : i32 to vector<32x128xi32>
    %sub3A_88 = arith.subi %get3A_74, %sub3A_87 : vector<32x128xi32>
    %select_n3A_89 = arith.select %and3A_86, %sub3A_88, %add3A_80 : vector<32x128xi1>, vector<32x128xi32>
    %swap3A_90 = arith.constant 0 : index
    %swap3A_91 = arith.constant 0 : index
    %swap3A_92 = vector.load %arg12[%swap3A_90, %swap3A_91] : memref<32x128xi32, #tpu.memory_space<vmem>>, vector<32x128xi32>
    tpu.vector_store %arg12[%swap3A_90, %swap3A_91], %select_n3A_89 {strides = array<i32>} : memref<32x128xi32, #tpu.memory_space<vmem>>, vector<32x128xi32>,
    %ge3A_93 = arith.constant 12544 : i32
    %ge3A_94 = vector.broadcast %ge3A_93 : i32 to vector<32x128xi32>
    %ge3A_95 = arith.cmpi sge, %get3A_74, %ge3A_94 : vector<32x128xi32>
    %lt3A_96 = arith.constant 25088 : i32
    %lt3A_97 = vector.broadcast %lt3A_96 : i32 to vector<32x128xi32>
    %lt3A_98 = arith.cmpi slt, %get3A_74, %lt3A_97 : vector<32x128xi32>
    %and3A_99 = arith.andi %ge3A_95, %lt3A_98 : vector<32x128xi1>
    %sub3A_100 = arith.constant 12544 : i32
    %sub3A_101 = vector.broadcast %sub3A_100 : i32 to vector<32x128xi32>
    %sub3A_102 = arith.subi %get3A_74, %sub3A_101 : vector<32x128xi32>
    %select_n3A_103 = arith.select %and3A_99, %sub3A_102, %add3A_80 : vector<32x128xi1>, vector<32x128xi32>
    %swap3A_104 = arith.constant 0 : index
    %swap3A_105 = arith.constant 0 : index
    %swap3A_106 = vector.load %arg13[%swap3A_104, %swap3A_105] : memref<32x128xi32, #tpu.memory_space<vmem>>, vector<32x128xi32>
    tpu.vector_store %arg13[%swap3A_104, %swap3A_105], %select_n3A_103 {strides = array<i32>} : memref<32x128xi32, #tpu.memory_space<vmem>>, vector<32x128xi32>,
    %ge3A_107 = arith.constant 25088 : i32
    %ge3A_108 = vector.broadcast %ge3A_107 : i32 to vector<32x128xi32>
    %ge3A_109 = arith.cmpi sge, %get3A_74, %ge3A_108 : vector<32x128xi32>
    %lt3A_110 = arith.constant 37632 : i32
    %lt3A_111 = vector.broadcast %lt3A_110 : i32 to vector<32x128xi32>
    %lt3A_112 = arith.cmpi slt, %get3A_74, %lt3A_111 : vector<32x128xi32>
    %and3A_113 = arith.andi %ge3A_109, %lt3A_112 : vector<32x128xi1>
    %sub3A_114 = arith.constant 25088 : i32
    %sub3A_115 = vector.broadcast %sub3A_114 : i32 to vector<32x128xi32>
    %sub3A_116 = arith.subi %get3A_74, %sub3A_115 : vector<32x128xi32>
    %select_n3A_117 = arith.select %and3A_113, %sub3A_116, %add3A_80 : vector<32x128xi1>, vector<32x128xi32>
    %swap3A_118 = arith.constant 0 : index
    %swap3A_119 = arith.constant 0 : index
    %swap3A_120 = vector.load %arg14[%swap3A_118, %swap3A_119] : memref<32x128xi32, #tpu.memory_space<vmem>>, vector<32x128xi32>
    tpu.vector_store %arg14[%swap3A_118, %swap3A_119], %select_n3A_117 {strides = array<i32>} : memref<32x128xi32, #tpu.memory_space<vmem>>, vector<32x128xi32>,
    %ge3A_121 = arith.constant 37632 : i32
    %ge3A_122 = vector.broadcast %ge3A_121 : i32 to vector<32x128xi32>
    %ge3A_123 = arith.cmpi sge, %get3A_74, %ge3A_122 : vector<32x128xi32>
    %lt3A_124 = arith.constant 50176 : i32
    %lt3A_125 = vector.broadcast %lt3A_124 : i32 to vector<32x128xi32>
    %lt3A_126 = arith.cmpi slt, %get3A_74, %lt3A_125 : vector<32x128xi32>
    %and3A_127 = arith.andi %ge3A_123, %lt3A_126 : vector<32x128xi1>
    %sub3A_128 = arith.constant 37632 : i32
    %sub3A_129 = vector.broadcast %sub3A_128 : i32 to vector<32x128xi32>
    %sub3A_130 = arith.subi %get3A_74, %sub3A_129 : vector<32x128xi32>
    %select_n3A_131 = arith.select %and3A_127, %sub3A_130, %add3A_80 : vector<32x128xi1>, vector<32x128xi32>
    %swap3A_132 = arith.constant 0 : index
    %swap3A_133 = arith.constant 0 : index
    %swap3A_134 = vector.load %arg15[%swap3A_132, %swap3A_133] : memref<32x128xi32, #tpu.memory_space<vmem>>, vector<32x128xi32>
    tpu.vector_store %arg15[%swap3A_132, %swap3A_133], %select_n3A_131 {strides = array<i32>} : memref<32x128xi32, #tpu.memory_space<vmem>>, vector<32x128xi32>,
    return
  }
  func.func @transform_0(%arg0: i32) -> (i32, i32) {
    %c0_i32 = arith.constant 0 : i32
    %c0_i32_0 = arith.constant 0 : i32
    return %arg0, %c0_i32 : i32, i32
  }
  func.func @transform_1(%arg0: i32) -> (i32, i32) {
    %c0_i32 = arith.constant 0 : i32
    %c0_i32_0 = arith.constant 0 : i32
    return %arg0, %c0_i32 : i32, i32
  }
  func.func @transform_2(%arg0: i32) -> (i32, i32) {
    %c0_i32 = arith.constant 0 : i32
    %c0_i32_0 = arith.constant 0 : i32
    return %arg0, %c0_i32 : i32, i32
  }
  func.func @transform_3(%arg0: i32) -> (i32, i32) {
    %c0_i32 = arith.constant 0 : i32
    %c0_i32_0 = arith.constant 0 : i32
    return %arg0, %c0_i32 : i32, i32
  }
  func.func @transform_4(%arg0: i32) -> (i32, i32) {
    %c0_i32 = arith.constant 0 : i32
    %c0_i32_0 = arith.constant 0 : i32
    return %arg0, %c0_i32 : i32, i32
  }
  func.func @transform_5(%arg0: i32) -> (i32, i32) {
    %c0_i32 = arith.constant 0 : i32
    %c0_i32_0 = arith.constant 0 : i32
    %c0_i32_1 = arith.constant 0 : i32
    return %c0_i32, %c0_i32_0 : i32, i32
  }
  func.func @transform_6(%arg0: i32) -> (i32, i32) {
    %c0_i32 = arith.constant 0 : i32
    %c0_i32_0 = arith.constant 0 : i32
    %c0_i32_1 = arith.constant 0 : i32
    return %c0_i32, %c0_i32_0 : i32, i32
  }
  func.func @transform_7(%arg0: i32) -> (i32, i32) {
    %c0_i32 = arith.constant 0 : i32
    %c0_i32_0 = arith.constant 0 : i32
    %c0_i32_1 = arith.constant 0 : i32
    return %c0_i32, %c0_i32_0 : i32, i32
  }
  func.func @transform_8(%arg0: i32) -> (i32, i32) {
    %c0_i32 = arith.constant 0 : i32
    %c0_i32_0 = arith.constant 0 : i32
    %c0_i32_1 = arith.constant 0 : i32
    return %c0_i32, %c0_i32_0 : i32, i32
  }
  func.func @transform_9(%arg0: i32) -> (i32, i32) {
    %c0_i32 = arith.constant 0 : i32
    %c0_i32_0 = arith.constant 0 : i32
    %c0_i32_1 = arith.constant 0 : i32
    return %c0_i32, %c0_i32_0 : i32, i32
  }
  func.func @transform_10(%arg0: i32) -> (i32, i32) {
    %c0_i32 = arith.constant 0 : i32
    %c0_i32_0 = arith.constant 0 : i32
    return %arg0, %c0_i32 : i32, i32
  }
  func.func @transform_11(%arg0: i32) -> (i32, i32) {
    %c0_i32 = arith.constant 0 : i32
    %c0_i32_0 = arith.constant 0 : i32
    return %arg0, %c0_i32 : i32, i32
  }
  func.func @transform_12(%arg0: i32) -> (i32, i32) {
    %c0_i32 = arith.constant 0 : i32
    %c0_i32_0 = arith.constant 0 : i32
    return %arg0, %c0_i32 : i32, i32
  }
  func.func @transform_13(%arg0: i32) -> (i32, i32) {
    %c0_i32 = arith.constant 0 : i32
    %c0_i32_0 = arith.constant 0 : i32
    return %arg0, %c0_i32 : i32, i32
  }
  func.func @transform_14(%arg0: i32) -> (i32, i32) {
    %c0_i32 = arith.constant 0 : i32
    %c0_i32_0 = arith.constant 0 : i32
    return %arg0, %c0_i32 : i32, i32
  }
}

module attributes {stable_mosaic.version = 14 : i64} {
  func.func @_upd_body(%arg0: i32, %arg1: memref<1000x64xf32, #tpu.memory_space<vmem>>, %arg2: memref<1000x128xf32, #tpu.memory_space<vmem>>, %arg3: memref<64x64xf32, #tpu.memory_space<vmem>>, %arg4: memref<64x64xf32, #tpu.memory_space<vmem>>, %arg5: memref<1x64xf32, #tpu.memory_space<vmem>>, %arg6: memref<64x64xf32, #tpu.memory_space<vmem>>, %arg7: memref<1x64xf32, #tpu.memory_space<vmem>>, %arg8: memref<64x64xf32, #tpu.memory_space<vmem>>, %arg9: memref<1x64xf32, #tpu.memory_space<vmem>>, %arg10: memref<1000x64xf32, #tpu.memory_space<vmem>>) attributes {dimension_semantics = [#tpu.dimension_semantics<parallel>], iteration_bounds = array<i64: 50>, scalar_prefetch = 0 : i64, scratch_operands = 0 : i64, tpu.core_type = #tpu.core_type<tc>, window_params = [{transform_indices = @transform_0, window_bounds = array<i64: 1000, 64>}, {transform_indices = @transform_1, window_bounds = array<i64: 1000, 128>}, {pipeline_mode = #tpu.pipeline_mode<synchronous>, transform_indices = @transform_2, window_bounds = array<i64: 64, 64>}, {pipeline_mode = #tpu.pipeline_mode<synchronous>, transform_indices = @transform_3, window_bounds = array<i64: 64, 64>}, {pipeline_mode = #tpu.pipeline_mode<synchronous>, transform_indices = @transform_4, window_bounds = array<i64: 1, 64>}, {pipeline_mode = #tpu.pipeline_mode<synchronous>, transform_indices = @transform_5, window_bounds = array<i64: 64, 64>}, {pipeline_mode = #tpu.pipeline_mode<synchronous>, transform_indices = @transform_6, window_bounds = array<i64: 1, 64>}, {pipeline_mode = #tpu.pipeline_mode<synchronous>, transform_indices = @transform_7, window_bounds = array<i64: 64, 64>}, {pipeline_mode = #tpu.pipeline_mode<synchronous>, transform_indices = @transform_8, window_bounds = array<i64: 1, 64>}, {transform_indices = @transform_9, window_bounds = array<i64: 1000, 64>}]} {
    %get3A = arith.constant 0 : index
    %get3A_0 = arith.constant 0 : index
    %get3A_1 = vector.load %arg1[%get3A, %get3A_0] : memref<1000x64xf32, #tpu.memory_space<vmem>>, vector<1000x64xf32>
    %get3A_2 = arith.constant 0 : index
    %get3A_3 = arith.constant 0 : index
    %get3A_4 = vector.load %arg3[%get3A_2, %get3A_3] : memref<64x64xf32, #tpu.memory_space<vmem>>, vector<64x64xf32>
    %dot_general3A = arith.constant dense<0.000000e+00> : vector<1000x64xf32>
    %dot_general3A_5 = tpu.matmul %get3A_1, %get3A_4, %dot_general3A {dimension_numbers = #tpu.dot_dimension_numbers<[1], [0], [0], [1], [0, 0, 1, 1], [], []>, transpose_lhs_hint = false} : vector<1000x64xf32>, vector<64x64xf32>, vector<1000x64xf32> -> vector<1000x64xf32>
    %get3A_6 = arith.constant 0 : index
    %get3A_7 = arith.constant 0 : index
    %get3A_8 = vector.load %arg2[%get3A_6, %get3A_7] : memref<1000x128xf32, #tpu.memory_space<vmem>>, vector<1000x64xf32>
    %get3A_9 = arith.constant 0 : index
    %get3A_10 = arith.constant 0 : index
    %get3A_11 = vector.load %arg4[%get3A_9, %get3A_10] : memref<64x64xf32, #tpu.memory_space<vmem>>, vector<64x64xf32>
    %dot_general3A_12 = arith.constant dense<0.000000e+00> : vector<1000x64xf32>
    %dot_general3A_13 = tpu.matmul %get3A_8, %get3A_11, %dot_general3A_12 {dimension_numbers = #tpu.dot_dimension_numbers<[1], [0], [0], [1], [0, 0, 1, 1], [], []>, transpose_lhs_hint = false} : vector<1000x64xf32>, vector<64x64xf32>, vector<1000x64xf32> -> vector<1000x64xf32>
    %add3A = arith.addf %dot_general3A_5, %dot_general3A_13 : vector<1000x64xf32>
    %get3A_14 = arith.constant 0 : index
    %get3A_15 = arith.constant 0 : index
    %get3A_16 = vector.load %arg5[%get3A_14, %get3A_15] : memref<1x64xf32, #tpu.memory_space<vmem>>, vector<1x64xf32>
    %add3A_17 = vector.broadcast %get3A_16 : vector<1x64xf32> to vector<1000x64xf32>
    %add3A_18 = arith.addf %add3A, %add3A_17 : vector<1000x64xf32>
    %logistic3A = arith.negf %add3A_18 : vector<1000x64xf32>
    %logistic3A_19 = math.exp %logistic3A : vector<1000x64xf32>
    %logistic3A_20 = arith.constant 1.000000e+00 : f32
    %logistic3A_21 = vector.broadcast %logistic3A_20 : f32 to vector<1000x64xf32>
    %logistic3A_22 = arith.addf %logistic3A_21, %logistic3A_19 : vector<1000x64xf32>
    %logistic3A_23 = arith.divf %logistic3A_21, %logistic3A_22 : vector<1000x64xf32>
    %mul3A = arith.mulf %add3A_18, %logistic3A_23 : vector<1000x64xf32>
    %get3A_24 = arith.constant 0 : index
    %get3A_25 = arith.constant 0 : index
    %get3A_26 = vector.load %arg6[%get3A_24, %get3A_25] : memref<64x64xf32, #tpu.memory_space<vmem>>, vector<64x64xf32>
    %dot_general3A_27 = arith.constant dense<0.000000e+00> : vector<1000x64xf32>
    %dot_general3A_28 = tpu.matmul %mul3A, %get3A_26, %dot_general3A_27 {dimension_numbers = #tpu.dot_dimension_numbers<[1], [0], [0], [1], [0, 0, 1, 1], [], []>, transpose_lhs_hint = false} : vector<1000x64xf32>, vector<64x64xf32>, vector<1000x64xf32> -> vector<1000x64xf32>
    %add3A_29 = arith.addf %get3A_1, %dot_general3A_28 : vector<1000x64xf32>
    %get3A_30 = arith.constant 0 : index
    %get3A_31 = arith.constant 0 : index
    %get3A_32 = vector.load %arg7[%get3A_30, %get3A_31] : memref<1x64xf32, #tpu.memory_space<vmem>>, vector<1x64xf32>
    %add3A_33 = vector.broadcast %get3A_32 : vector<1x64xf32> to vector<1000x64xf32>
    %add3A_34 = arith.addf %add3A_29, %add3A_33 : vector<1000x64xf32>
    %get3A_35 = arith.constant 0 : index
    %get3A_36 = arith.constant 0 : index
    %get3A_37 = vector.load %arg8[%get3A_35, %get3A_36] : memref<64x64xf32, #tpu.memory_space<vmem>>, vector<64x64xf32>
    %dot_general3A_38 = arith.constant dense<0.000000e+00> : vector<1000x64xf32>
    %dot_general3A_39 = tpu.matmul %add3A_34, %get3A_37, %dot_general3A_38 {dimension_numbers = #tpu.dot_dimension_numbers<[1], [0], [0], [1], [0, 0, 1, 1], [], []>, transpose_lhs_hint = false} : vector<1000x64xf32>, vector<64x64xf32>, vector<1000x64xf32> -> vector<1000x64xf32>
    %get3A_40 = arith.constant 0 : index
    %get3A_41 = arith.constant 0 : index
    %get3A_42 = vector.load %arg9[%get3A_40, %get3A_41] : memref<1x64xf32, #tpu.memory_space<vmem>>, vector<1x64xf32>
    %add3A_43 = vector.broadcast %get3A_42 : vector<1x64xf32> to vector<1000x64xf32>
    %add3A_44 = arith.addf %dot_general3A_39, %add3A_43 : vector<1000x64xf32>
    %swap3A = arith.constant 0 : index
    %swap3A_45 = arith.constant 0 : index
    %swap3A_46 = vector.load %arg10[%swap3A, %swap3A_45] : memref<1000x64xf32, #tpu.memory_space<vmem>>, vector<1000x64xf32>
    tpu.vector_store %arg10[%swap3A, %swap3A_45], %add3A_44 {strides = array<i32>} : memref<1000x64xf32, #tpu.memory_space<vmem>>, vector<1000x64xf32>,
    return
  }
  func.func @transform_0(%arg0: i32) -> (i32, i32) {
    %c0_i32 = arith.constant 0 : i32
    %c0_i32_0 = arith.constant 0 : i32
    return %arg0, %c0_i32 : i32, i32
  }
  func.func @transform_1(%arg0: i32) -> (i32, i32) {
    %c0_i32 = arith.constant 0 : i32
    %c0_i32_0 = arith.constant 0 : i32
    return %arg0, %c0_i32 : i32, i32
  }
  func.func @transform_2(%arg0: i32) -> (i32, i32) {
    %c0_i32 = arith.constant 0 : i32
    %c0_i32_0 = arith.constant 0 : i32
    %c0_i32_1 = arith.constant 0 : i32
    return %c0_i32, %c0_i32_0 : i32, i32
  }
  func.func @transform_3(%arg0: i32) -> (i32, i32) {
    %c0_i32 = arith.constant 0 : i32
    %c0_i32_0 = arith.constant 0 : i32
    %c0_i32_1 = arith.constant 0 : i32
    return %c0_i32, %c0_i32_0 : i32, i32
  }
  func.func @transform_4(%arg0: i32) -> (i32, i32) {
    %c0_i32 = arith.constant 0 : i32
    %c0_i32_0 = arith.constant 0 : i32
    %c0_i32_1 = arith.constant 0 : i32
    return %c0_i32, %c0_i32_0 : i32, i32
  }
  func.func @transform_5(%arg0: i32) -> (i32, i32) {
    %c0_i32 = arith.constant 0 : i32
    %c0_i32_0 = arith.constant 0 : i32
    %c0_i32_1 = arith.constant 0 : i32
    return %c0_i32, %c0_i32_0 : i32, i32
  }
  func.func @transform_6(%arg0: i32) -> (i32, i32) {
    %c0_i32 = arith.constant 0 : i32
    %c0_i32_0 = arith.constant 0 : i32
    %c0_i32_1 = arith.constant 0 : i32
    return %c0_i32, %c0_i32_0 : i32, i32
  }
  func.func @transform_7(%arg0: i32) -> (i32, i32) {
    %c0_i32 = arith.constant 0 : i32
    %c0_i32_0 = arith.constant 0 : i32
    %c0_i32_1 = arith.constant 0 : i32
    return %c0_i32, %c0_i32_0 : i32, i32
  }
  func.func @transform_8(%arg0: i32) -> (i32, i32) {
    %c0_i32 = arith.constant 0 : i32
    %c0_i32_0 = arith.constant 0 : i32
    %c0_i32_1 = arith.constant 0 : i32
    return %c0_i32, %c0_i32_0 : i32, i32
  }
  func.func @transform_9(%arg0: i32) -> (i32, i32) {
    %c0_i32 = arith.constant 0 : i32
    %c0_i32_0 = arith.constant 0 : i32
    return %arg0, %c0_i32 : i32, i32
  }
}

module attributes {stable_mosaic.version = 14 : i64} {
  func.func @_head_body(%arg0: i32, %arg1: memref<1024x128xf32, #tpu.memory_space<vmem>>, %arg2: memref<64x32xf32, #tpu.memory_space<vmem>>, %arg3: memref<1x32xf32, #tpu.memory_space<vmem>>, %arg4: memref<32x16xf32, #tpu.memory_space<vmem>>, %arg5: memref<1x16xf32, #tpu.memory_space<vmem>>, %arg6: memref<16x1xf32, #tpu.memory_space<vmem>>, %arg7: memref<1x1xf32, #tpu.memory_space<vmem>>, %arg8: memref<512x1xf32, #tpu.memory_space<vmem>>) attributes {dimension_semantics = [#tpu.dimension_semantics<arbitrary>], iteration_bounds = array<i64: 1>, scalar_prefetch = 0 : i64, scratch_operands = 0 : i64, tpu.core_type = #tpu.core_type<tc>, window_params = [{pipeline_mode = #tpu.pipeline_mode<synchronous>, transform_indices = @transform_0, window_bounds = array<i64: 1024, 128>}, {pipeline_mode = #tpu.pipeline_mode<synchronous>, transform_indices = @transform_1, window_bounds = array<i64: 64, 32>}, {pipeline_mode = #tpu.pipeline_mode<synchronous>, transform_indices = @transform_2, window_bounds = array<i64: 1, 32>}, {pipeline_mode = #tpu.pipeline_mode<synchronous>, transform_indices = @transform_3, window_bounds = array<i64: 32, 16>}, {pipeline_mode = #tpu.pipeline_mode<synchronous>, transform_indices = @transform_4, window_bounds = array<i64: 1, 16>}, {pipeline_mode = #tpu.pipeline_mode<synchronous>, transform_indices = @transform_5, window_bounds = array<i64: 16, 1>}, {pipeline_mode = #tpu.pipeline_mode<synchronous>, transform_indices = @transform_6, window_bounds = array<i64: 1, 1>}, {pipeline_mode = #tpu.pipeline_mode<synchronous>, transform_indices = @transform_7, window_bounds = array<i64: 512, 1>}]} {
    %get3A = arith.constant 0 : index
    %get3A_0 = arith.constant 0 : index
    %get3A_1 = vector.load %arg1[%get3A, %get3A_0] : memref<1024x128xf32, #tpu.memory_space<vmem>>, vector<512x64xf32>
    %get3A_2 = arith.constant 512 : index
    %get3A_3 = arith.constant 0 : index
    %get3A_4 = vector.load %arg1[%get3A_2, %get3A_3] : memref<1024x128xf32, #tpu.memory_space<vmem>>, vector<512x64xf32>
    %add3A = arith.addf %get3A_1, %get3A_4 : vector<512x64xf32>
    %get3A_5 = arith.constant 0 : index
    %get3A_6 = arith.constant 0 : index
    %get3A_7 = vector.load %arg2[%get3A_5, %get3A_6] : memref<64x32xf32, #tpu.memory_space<vmem>>, vector<64x32xf32>
    %dot_general3A = arith.constant dense<0.000000e+00> : vector<512x32xf32>
    %dot_general3A_8 = tpu.matmul %add3A, %get3A_7, %dot_general3A {dimension_numbers = #tpu.dot_dimension_numbers<[1], [0], [0], [1], [0, 0, 1, 1], [], []>, transpose_lhs_hint = false} : vector<512x64xf32>, vector<64x32xf32>, vector<512x32xf32> -> vector<512x32xf32>
    %get3A_9 = arith.constant 0 : index
    %get3A_10 = arith.constant 0 : index
    %get3A_11 = vector.load %arg3[%get3A_9, %get3A_10] : memref<1x32xf32, #tpu.memory_space<vmem>>, vector<1x32xf32>
    %add3A_12 = vector.broadcast %get3A_11 : vector<1x32xf32> to vector<512x32xf32>
    %add3A_13 = arith.addf %dot_general3A_8, %add3A_12 : vector<512x32xf32>
    %max3A = arith.constant 0.000000e+00 : f32
    %max3A_14 = vector.broadcast %max3A : f32 to vector<512x32xf32>
    %max3A_15 = arith.maximumf %add3A_13, %max3A_14 : vector<512x32xf32>
    %get3A_16 = arith.constant 0 : index
    %get3A_17 = arith.constant 0 : index
    %get3A_18 = vector.load %arg4[%get3A_16, %get3A_17] : memref<32x16xf32, #tpu.memory_space<vmem>>, vector<32x16xf32>
    %dot_general3A_19 = arith.constant dense<0.000000e+00> : vector<512x16xf32>
    %dot_general3A_20 = tpu.matmul %max3A_15, %get3A_18, %dot_general3A_19 {dimension_numbers = #tpu.dot_dimension_numbers<[1], [0], [0], [1], [0, 0, 1, 1], [], []>, transpose_lhs_hint = false} : vector<512x32xf32>, vector<32x16xf32>, vector<512x16xf32> -> vector<512x16xf32>
    %get3A_21 = arith.constant 0 : index
    %get3A_22 = arith.constant 0 : index
    %get3A_23 = vector.load %arg5[%get3A_21, %get3A_22] : memref<1x16xf32, #tpu.memory_space<vmem>>, vector<1x16xf32>
    %add3A_24 = vector.broadcast %get3A_23 : vector<1x16xf32> to vector<512x16xf32>
    %add3A_25 = arith.addf %dot_general3A_20, %add3A_24 : vector<512x16xf32>
    %max3A_26 = arith.constant 0.000000e+00 : f32
    %max3A_27 = vector.broadcast %max3A_26 : f32 to vector<512x16xf32>
    %max3A_28 = arith.maximumf %add3A_25, %max3A_27 : vector<512x16xf32>
    %get3A_29 = arith.constant 0 : index
    %get3A_30 = arith.constant 0 : index
    %get3A_31 = vector.load %arg6[%get3A_29, %get3A_30] : memref<16x1xf32, #tpu.memory_space<vmem>>, vector<16x1xf32>
    %dot_general3A_32 = arith.constant dense<0.000000e+00> : vector<512x1xf32>
    %dot_general3A_33 = tpu.matmul %max3A_28, %get3A_31, %dot_general3A_32 {dimension_numbers = #tpu.dot_dimension_numbers<[1], [0], [0], [1], [0, 0, 1, 1], [], []>, transpose_lhs_hint = false} : vector<512x16xf32>, vector<16x1xf32>, vector<512x1xf32> -> vector<512x1xf32>
    %get3A_34 = arith.constant 0 : index
    %get3A_35 = arith.constant 0 : index
    %get3A_36 = vector.load %arg7[%get3A_34, %get3A_35] : memref<1x1xf32, #tpu.memory_space<vmem>>, vector<1x1xf32>
    %add3A_37 = vector.broadcast %get3A_36 : vector<1x1xf32> to vector<512x1xf32>
    %add3A_38 = arith.addf %dot_general3A_33, %add3A_37 : vector<512x1xf32>
    %swap3A = arith.constant 0 : index
    %swap3A_39 = arith.constant 0 : index
    %swap3A_40 = vector.load %arg8[%swap3A, %swap3A_39] : memref<512x1xf32, #tpu.memory_space<vmem>>, vector<512x1xf32>
    tpu.vector_store %arg8[%swap3A, %swap3A_39], %add3A_38 {strides = array<i32>} : memref<512x1xf32, #tpu.memory_space<vmem>>, vector<512x1xf32>,
    return
  }
  func.func @transform_0(%arg0: i32) -> (i32, i32) {
    %c0_i32 = arith.constant 0 : i32
    %c0_i32_0 = arith.constant 0 : i32
    %c0_i32_1 = arith.constant 0 : i32
    return %c0_i32, %c0_i32_0 : i32, i32
  }
  func.func @transform_1(%arg0: i32) -> (i32, i32) {
    %c0_i32 = arith.constant 0 : i32
    %c0_i32_0 = arith.constant 0 : i32
    %c0_i32_1 = arith.constant 0 : i32
    return %c0_i32, %c0_i32_0 : i32, i32
  }
  func.func @transform_2(%arg0: i32) -> (i32, i32) {
    %c0_i32 = arith.constant 0 : i32
    %c0_i32_0 = arith.constant 0 : i32
    %c0_i32_1 = arith.constant 0 : i32
    return %c0_i32, %c0_i32_0 : i32, i32
  }
  func.func @transform_3(%arg0: i32) -> (i32, i32) {
    %c0_i32 = arith.constant 0 : i32
    %c0_i32_0 = arith.constant 0 : i32
    %c0_i32_1 = arith.constant 0 : i32
    return %c0_i32, %c0_i32_0 : i32, i32
  }
  func.func @transform_4(%arg0: i32) -> (i32, i32) {
    %c0_i32 = arith.constant 0 : i32
    %c0_i32_0 = arith.constant 0 : i32
    %c0_i32_1 = arith.constant 0 : i32
    return %c0_i32, %c0_i32_0 : i32, i32
  }
  func.func @transform_5(%arg0: i32) -> (i32, i32) {
    %c0_i32 = arith.constant 0 : i32
    %c0_i32_0 = arith.constant 0 : i32
    %c0_i32_1 = arith.constant 0 : i32
    return %c0_i32, %c0_i32_0 : i32, i32
  }
  func.func @transform_6(%arg0: i32) -> (i32, i32) {
    %c0_i32 = arith.constant 0 : i32
    %c0_i32_0 = arith.constant 0 : i32
    %c0_i32_1 = arith.constant 0 : i32
    return %c0_i32, %c0_i32_0 : i32, i32
  }
  func.func @transform_7(%arg0: i32) -> (i32, i32) {
    %c0_i32 = arith.constant 0 : i32
    %c0_i32_0 = arith.constant 0 : i32
    %c0_i32_1 = arith.constant 0 : i32
    return %c0_i32, %c0_i32_0 : i32, i32
  }
}

</mosaic_0001>

<sc_bundles>
// kernel: kernel.16.cloned.1.call-start
scs
__scs_entry_jumppad:
0x0: {  	(pc) =	sbr.rel $0x88, $3  }
0x1: {  	(tag) =	ssettag $0x0;
	lr =	simm.s32 $0x1  }
0x2: {  	[smem:$0x3F71] =	sst lr;
	_ =	strace $0xD0000000  }
0x3: {  	_ = 	snop  }
0x4: {  	_ = 	snop  }
0x5: {  	_ = 	snop  }
0x6: {  	_ = 	snop  }
0x7: {  	_ = 	snop  }
__scs_overlays_trampoline_lowered:
0x8: {  	[smem:$0x3F80] =	sst s0  }
0x9: {  	[smem:$0x3F81] =	sst s1  }
0xa: {  	[smem:$0x3F82] =	sst s2  }
0xb: {  	[smem:$0x3F83] =	sst s3  }
0xc: {  	[smem:$0x3F84] =	sst s4  }
0xd: {  	[smem:$0x3F85] =	sst s5  }
0xe: {  	[smem:$0x3F86] =	sst s6  }
0xf: {  	[smem:$0x3F87] =	sst s7  }
0x10: {  	[smem:$0x3F88] =	sst s8  }
0x11: {  	[smem:$0x3F89] =	sst s9;
	s0 =	simm.s32 @!p0 $0x0  }
0x12: {  	s1 =	sld [smem:$0x3F6F];
	s0 =	simm.s32 @p0 $0x1  }
0x13: {  	[smem:$0x3F8A] =	sst s0;
	s0 =	simm.s32 @!p1 $0x0  }
0x14: {  	s2 =	sld [smem:$0x3F6E];
	s0 =	simm.s32 @p1 $0x1  }
0x15: {  	[smem:$0x3F8B] =	sst s0;
	s0 =	simm.s32 @!p2 $0x0  }
0x16: {  	s3 =	sld [smem:$0x3FDB];
	s0 =	simm.s32 @p2 $0x1  }
0x17: {  	s4 =	simm.s32 $0x1BF5;
	[smem:$0x3F8D] =	sst s0  }
0x18: {  	s0 =	sld [smem:$0x3F70];
	_ =	swait.ge [sflag:s4], $0x0  }
0x19: {  	s7 =	sld [smem:$0x3F71]  }
0x1a: {  	s8 =	sadd.s32 $0xFFFFE003, lr  }
0x1b: {  	s9 =	sadd.s32 $0xFFFFFEF7, lr;
	s5 =	simm.s32 $0xFFFFFFFF;
	p2 =	slt.u32 s8, $0xFFFFF086  }
0x1c: {  	p1 =	slt.u32 s9, $0xF7A;
	s5 =	simm.s32 @!p2 $0x0  }
0x1d: {  	s5 =	simm.s32 @p1 $0x1;
	p0 =	seq.s32 s7, s2  }
0x1e: {  	s7 =	smul.u32 @!p0 $0xF7A, s2;
	p2 =	seq.s32 @!p0 s5, $0x0  }
0x1f: {  	s9 =	smul.u32 $0xF7A, s1;
	s8 =	simm.s32 @!p0 $0x1BF5;
	p2 =	por !p2, p0  }
0x20: {  	[sflag:s8] =	ssyncset.s32 @!p0 $0xFFFFF086;
	s6 =	sadd.s32 @!p0 s3, s7;
	s7 =	simm.s32 @!p0 $0x108  }
0x21: {  	s3 =	sadd.s32 s3, s9;
	s6 =	sadd.s32 @!p0 $0x88, s6;
	s7 =	simm.s32 @p2 $0x1082  }
0x22: {  	[simem:s7], [sflag:s8] =	dma.local @!p0 [hbm:s6], $0xF7A  }
0x23: {  	s9 =	sor.u32 $0xD0000000, s2;
	s6 =	simm.s32 $0x108;
	_ =	swait.ge @!p0 [sflag:s8], $0x0  }
0x24: {  	s3 =	sadd.s32 $0x88, s3;
	s6 =	simm.s32 @!p1 $0x1082;
	[sflag:s4] =	ssyncset.s32 $0xFFFFF086  }
0x25: {  	[simem:s6], [sflag:s4] =	dma.local [hbm:s3], $0xF7A  }
0x26: {  	[smem:$0x3F71] =	sst s1;
	(tag) =	ssettag s2;
	_ =	strace s9  }
0x27: {  	s1 =	sld [smem:$0x3F81]  }
0x28: {  	s2 =	sld [smem:$0x3F82]  }
0x29: {  	s4 =	sld [smem:$0x3F84]  }
0x2a: {  	p0 =	seq.s32 s5, $0x0;
	s5 =	sld [smem:$0x3F85]  }
0x2b: {  	s6 =	sld [smem:$0x3F86]  }
0x2c: {  	s7 =	sld [smem:$0x3F87]  }
0x2d: {  	s3 =	simm.s32 $0x108;
	s8 =	sld [smem:$0x3F88]  }
0x2e: {  	s3 =	simm.s32 @!p0 $0x1082;
	s9 =	sld [smem:$0x3F89]  }
0x2f: {  	lr =	sadd.s32 s0, s3;
	s0 =	sld [smem:$0x3F80]  }
0x30: {  	s3 =	sld [smem:$0x3F83]  }
0x31: {  	[smem:$0x3F8C] =	sst s10  }
0x32: {  	s10 =	sld [smem:$0x3F8A];
	_ =	sdelay $0x3  }
0x33: {  	p0 =	seq.s32 s10, $0x1;
	s10 =	sld [smem:$0x3F8C];
	_ =	sdelay $0x3  }
0x34: {  	[smem:$0x3F8C] =	sst s10  }
0x35: {  	s10 =	sld [smem:$0x3F8B];
	_ =	sdelay $0x3  }
0x36: {  	p1 =	seq.s32 s10, $0x1;
	s10 =	sld [smem:$0x3F8C];
	_ =	sdelay $0x3  }
0x37: {  	[smem:$0x3F8C] =	sst s10  }
0x38: {  	s10 =	sld [smem:$0x3F8D]  }
0x39: {  	_ = 	snop;
	(pc) =	sbr.ind lr, $3  }
0x3a: {  	_ = 	snop  }
0x3b: {  	_ = 	snop  }
0x3c: {  	p2 =	seq.s32 s10, $0x1;
	s10 =	sld [smem:$0x3F8C]  }
0x3d: {  	_ =	shalt  }
0x3e: {  	_ =	shalt  }
0x3f: {  	_ =	shalt  }
0x40: {  	_ =	shalt  }
0x41: {  	_ =	shalt  }
0x42: {  	_ =	shalt  }
0x43: {  	_ =	shalt  }
0x44: {  	_ =	shalt  }
0x45: {  	_ =	shalt  }
0x46: {  	_ =	shalt  }
0x47: {  	_ =	shalt  }
0x48: {  	_ =	shalt  }
0x49: {  	_ =	shalt  }
0x4a: {  	_ =	shalt  }
0x4b: {  	_ =	shalt  }
0x4c: {  	_ =	shalt  }
0x4d: {  	_ =	shalt  }
0x4e: {  	_ =	shalt  }
0x4f: {  	_ =	shalt  }
0x50: {  	_ =	shalt  }
0x51: {  	_ =	shalt  }
0x52: {  	_ =	shalt  }
0x53: {  	_ =	shalt  }
0x54: {  	_ =	shalt  }
0x55: {  	_ =	shalt  }
0x56: {  	_ =	shalt  }
0x57: {  	_ =	shalt  }
0x58: {  	_ =	shalt  }
0x59: {  	_ =	shalt  }
0x5a: {  	_ =	shalt  }
0x5b: {  	_ =	shalt  }
0x5c: {  	_ =	shalt  }
0x5d: {  	_ =	shalt  }
0x5e: {  	_ =	shalt  }
0x5f: {  	_ =	shalt  }
0x60: {  	_ =	shalt  }
0x61: {  	_ =	shalt  }
0x62: {  	_ =	shalt  }
0x63: {  	_ =	shalt  }
0x64: {  	_ =	shalt  }
0x65: {  	_ =	shalt  }
0x66: {  	_ =	shalt  }
0x67: {  	_ =	shalt  }
0x68: {  	_ =	shalt  }
0x69: {  	_ =	shalt  }
0x6a: {  	_ =	shalt  }
0x6b: {  	_ =	shalt  }
0x6c: {  	_ =	shalt  }
0x6d: {  	_ =	shalt  }
0x6e: {  	_ =	shalt  }
0x6f: {  	_ =	shalt  }
0x70: {  	_ =	shalt  }
0x71: {  	_ =	shalt  }
0x72: {  	_ =	shalt  }
0x73: {  	_ =	shalt  }
0x74: {  	_ =	shalt  }
0x75: {  	_ =	shalt  }
0x76: {  	_ =	shalt  }
0x77: {  	_ =	shalt  }
0x78: {  	_ =	shalt  }
0x79: {  	_ =	shalt  }
0x7a: {  	_ =	shalt  }
0x7b: {  	_ =	shalt  }
0x7c: {  	_ =	shalt  }
0x7d: {  	_ =	shalt  }
0x7e: {  	_ =	shalt  }
0x7f: {  	_ =	shalt  }
0x80: {  	_ =	shalt  }
0x81: {  	_ =	shalt  }
0x82: {  	_ =	shalt  }
0x83: {  	_ =	shalt  }
0x84: {  	_ =	shalt  }
0x85: {  	_ =	shalt  }
0x86: {  	_ =	shalt  }
0x87: {  	_ =	shalt  }
.Lfunc_end0:
.L_simem_size_0:
called_computation_lowered:
.L_overlay_start_0:
0x88: {  	s2 =	sld [smem:$0x3FD9]  }
0x89: {  	s3 =	sld [smem:$0x3FFE];
	_ =	sdelay $0x1  }
0x8a: {  	s1 =	srdreg.scid  }
0x8b: {  	s0 =	sand.u32 $0x1, s1  }
0x8c: {  	s16 =	sshll.u32 s0, $0xA;
	s2 =	sadd.s32 s3, s2  }
0x8d: {  	s2 =	sadd.s32 s2, s16  }
0x8e: {  	[smem:$0x3F98] =	sst s2  }
0x8f: {  	_ = 	snop  }
0x90: {  	(tm) =	ssettm $0x1  }
0x91: {  	s17 =	sld [smem:$0x3FFB];
	_ =	sdelay $0x3  }
0x92: {  	_ =	strace s17  }
0x93: {  	s2 =	sld [smem:$0x3FFC];
	_ =	sdelay $0x3  }
0x94: {  	_ =	strace s2  }
0x95: {  	s2 =	sld [smem:$0x3FFD];
	_ =	sdelay $0x3  }
0x96: {  	_ =	strace s2  }
0x97: {  	_ =	strace $0x8FFFFFFF  }
0x98: {  	s18 =	sld [smem:$0x3FDB];
	_ =	sdelay $0x1  }
0x99: {  	s19 =	simm.s32 $_scs_section_size  }
0x9a: {  	s4 =	simm.s32 $_size__tile_overlayer_lowered;
	s5 =	simm.s32 $_tile_overlayer_lowered  }
0x9b: {  	s22 =	simm.s32 $0x1BFF;
	s21 =	sshll.u32 s5, $0x1;
	s2 =	sadd.s32 s19, s18  }
0x9c: {  	s6 =	simm.s32 $0x0;
	s20 =	sshll.u32 s4, $0x1;
	s4 =	sadd.s32 s21, s2  }
0x9d: {  	[timem:s6], [sflag:s22] =	dma.local [hbm:s4], s20  }
0x9e: {  	_ =	swait.ge [sflag:s22], s20  }
0x9f: {  	s3 =	ssub.s32 $0x0, s20;
	[sflag:s22] =	ssyncset.done $0x0  }
0xa0: {  	[sflag:s22] =	ssyncadd.s32 s3;
	_ =	sdelay $0x1  }
0xa1: {  	s23 =	simm.s32 $0x1B8B  }
0xa2: {  	_ =	swait.ge [sflag:s23], $0x1  }
0xa3: {  	[sflag:s23] =	ssyncset.done $0x0  }
0xa4: {  	s25 =	simm.s32 $0x1B8E;
	s24 =	sld [smem:$0x3FFE];
	[sflag:s23] =	ssyncadd.s32 $0xFFFFFFFF  }
0xa5: {  	s26 =	simm.s32 $execute0_lowered;
	[smem:$0x3FD2] =	sst s25  }
0xa6: {  	s4 =	sshll.u32 s26, $0x1;
	_ =	strace $0x80000046;
	[dreg:$0x1] =	wrdreg $0xFFFFFFFF  }
0xa7: {  	s28 =	simm.s32 $_size_execute0_lowered;
	s2 =	sadd.s32 s2, s4;
	[dreg:$0x0] =	wrdreg $0x0  }
0xa8: {  	s4 =	sshll.u32 s28, $0x1;
	[dreg:$0x2] =	wrdreg s2  }
0xa9: {  	[dreg:$0x3] =	wrdreg s4  }
0xaa: {  	[dreg:$0x4] =	wrdreg $0xC0  }
0xab: {  	_ =	task [dreg:s6], $0x5FFFF  }
0xac: {  	[dreg:$0x1] =	wrdreg $0xFFFFFFFF  }
0xad: {  	[dreg:$0x0] =	wrdreg $0x60  }
0xae: {  	[dreg:$0x2] =	wrdreg s24  }
0xaf: {  	[dreg:$0x3] =	wrdreg $0x9  }
0xb0: {  	_ =	task.clear_ibuf [dreg:s6], $0x4FFFF;
	_ =	strace $0x90000046  }
0xb1: {  	s29 =	simm.s32 $0x9;
	_ =	strace $0x80000048  }
0xb2: {  	_ =	swait.ge [sflag:s29], $0x1  }
0xb3: {  	[sflag:s29] =	ssyncadd.s32 $0xFFFFFFFF  }
0xb4: {  	_ =	strace $0x90000048  }
0xb5: {  	_ =	sfence  }
0xb6: {  	s30 =	sld [smem:$0x0];
	_ =	sdelay $0x2  }
0xb7: {  	s31 =	sshll.u32 s1, $0xD;
	s1 =	sshrl.u32 s1, $0x2  }
0xb8: {  	s3 =	sand.u32 $0x4000, s31;
	s1 =	sadd.s32 s1, s30  }
0xb9: {  	s0 =	sor.u32 s3, s0;
	s1 =	sshll.u32 s1, $0x11  }
0xba: {  	s0 =	sor.u32 s1, s0  }
0xbb: {  	s0 =	sadd.s32 $0x8F2B, s0  }
0xbc: {  	[sflag:s0] =	ssyncadd.remote.s32 $0x1  }
0xbd: {  	_ =	sfence.sel $0xFFFF  }
0xbe: {  	[dreg:$0x0] =	wrdreg $0xFFFFFFFF;
	(pc) =	sbr.abs _section_cstart, $3  }
0xbf: {  	[dreg:$0x1] =	wrdreg $0xFFFFFFFF  }
0xc0: {  	_ =	task.clear_ibuf [dreg:s6], $0x2FFFF;
	_ =	strace $0x9FFFFFFF  }
0xc1: {  	(tm) =	ssettm $0x7FFFFFFF  }
tec
execute0_lowered:
.L_overlay_start_1:
0x0: {  	(tag) =	ssettag $0x1  }
0x1: {  	s1 =	srdreg.scid;
	s0 =	stileid.u32  }
0x2: {  	s6 =	rddreg [dreg:$0x0];
	s2 =	simm.s32 $0x0;
	s13 =	simm.s32 $0x1  }
0x3: {  	s14 =	simm.s32 $0x2;
	s15 =	simm.s32 $0x80;
	s16 =	simm.s32 $0x0  }
0x4: {  	s7 =	sand.u32 $0x1, s1;
	s3 =	sshll.u32 s0, $0x1;
	s1 =	rddreg [dreg:$0x1]  }
0x5: {  	[smem:$0x7FF] =	sst s2;
	s4 =	sadd.s32 $0xD0400, s6;
	s10 =	smul.u32 $0x620000, s0  }
0x6: {  	s3 =	sor.u32 s7, s3;
	s9 =	ssub.s32 $0x2, s7;
	s12 =	smul.u32 $0x310000, s7  }
.Ltmp0:
0x7: {  	_ =	strace $0x80000047;
	s11 =	sshrl.u32 s9, $0x1;
	(pc) =	sbr.rel .LBB2_1-.Ltmp0, $4  }
0x8: {  	s5 =	smul.u32 $0xC40, s3;
	s3 =	sadd.s32 $0xCE00, s6;
	s9 =	ssub.s32 s9, s11  }
0x9: {  	s10 =	sadd.s32 s12, s10;
	s11 =	simm.s32 $0x3;
	s12 =	simm.s32 $0x6200  }
0xa: {  	s8 =	sadd.s32 s5, s6;
	s5 =	sadd.s32 $0x7F8200, s6;
	s6 =	sadd.s32 $0x1438200, s6  }
0xb: {  	s9 =	smax.u32 s9, $0x1;
	s7 =	sadd.s32 $0x3DDC00, s8;
	s8 =	sadd.s32 $0x40EC00, s8  }
.LBB2_7:
0xc: {  	s16 =	sadd.s32 $0x1, s16  }
0xd: {  	_ =	swait.ge [sflag:s14], $0x4000;
	p0 =	sne.s32 s16, s9  }
.Ltmp1:
0xe: {  	[sflag:s14] =	ssyncset.done $0x0;
	(pc) =	sbr.rel @!p0 .LBB2_8-.Ltmp1, $4  }
0xf: {  	[sflag:s14] =	ssyncadd.s32 $0xFFFFC000  }
0x10: {  	_ =	swait.ge [sflag:s14], $0x4000  }
0x11: {  	[sflag:s14] =	ssyncset.done $0x0  }
0x12: {  	[sflag:s14] =	ssyncadd.s32 $0xFFFFC000  }
.LBB2_1:
0x13: {  	[tilespmem:s2], [sflag:$0x3] =	stream.linear.gather [hbm4b:s7+s2], $0x6200, $0x38;
	[tilespmem:$0x12200] =	vst v63  }
0x14: {  	_ =	swait.ge [sflag:s11], $0x6200  }
0x15: {  	s17 =	simm.s32 $0x80;
	[sflag:s11] =	ssyncset.done $0x0  }
0x16: {  	s18 =	smov.u32 s10;
	s19 =	simm.s32 $0x1;
	[sflag:s11] =	ssyncadd.s32 $0xFFFF9E00  }
0x17: {  	[tilespmem:s12], [sflag:$0x1] =	stream.indirect.gather [hbm4b:s3+s15], $0x80, s2, s15, $0xb8;
	[tilespmem:$0x12200] =	vst v63  }
.LBB2_2:
0x18: {  	s20 =	sadd.s32 $0xFFFFFFFF, s19  }
0x19: {  	s21 =	smul.u32 $0xAB, s20;
	_ =	sdelay $0x1  }
0x1a: {  	s21 =	sshrl.u32 s21, $0x9  }
0x1b: {  	s21 =	sand.u32 $0x7F, s21  }
0x1c: {  	s21 =	smul.u32 $0x3, s21  }
0x1d: {  	_ =	swait.ge [sflag:s13], $0x4000;
	s22 =	sshrl.u32 s18, $0x3  }
0x1e: {  	[sflag:s13] =	ssyncset.done $0x0;
	p0 =	slt.u32 s20, $0x2;
	s21 =	ssub.s32 s20, s21  }
0x1f: {  	s22 =	sadd.s32 s5, s22;
	p1 =	seq.s32 @!p0 s19, $0xC4;
	s21 =	sand.u32 $0xFF, s21  }
0x20: {  	[sflag:s13] =	ssyncadd.s32 $0xFFFFC000;
	p1 =	por p0, !p1;
	s21 =	sshll.u32 s21, $0xE  }
.Ltmp2:
0x21: {  	s20 =	simm.s32 @!p0 $0x2;
	s21 =	sadd.s32 $0x6200, s21;
	(pc) =	sbr.rel @!p1 .LBB2_4-.Ltmp2, $4  }
0x22: {  	[hbm4b:s22+s2] =	stream.linear.scatter [tilespmem:s21], [sflag:$0x2], $0x4000, $0x38;
	[tilespmem:$0x12200] =	vst v63  }
0x23: {  	_ =	swait.ge @!p0 [sflag:s20], $0x4000  }
0x24: {  	[sflag:s20] =	ssyncset.done @!p0 $0x0  }
0x25: {  	[sflag:s20] =	ssyncadd.s32 @!p0 $0xFFFFC000  }
0x26: {  	s20 =	smul.u32 $0xAB, s19;
	_ =	sdelay $0x1  }
0x27: {  	s20 =	sshrl.u32 s20, $0x9  }
0x28: {  	s20 =	sand.u32 $0x7F, s20  }
0x29: {  	s20 =	smul.u32 $0x3, s20;
	_ =	sdelay $0x1  }
0x2a: {  	s20 =	ssub.s32 s19, s20  }
.Ltmp3:
0x2b: {  	s20 =	sand.u32 $0xFF, s20;
	(pc) =	sbr.rel .LBB2_2-.Ltmp3, $4  }
0x2c: {  	s20 =	sshll.u32 s20, $0xE  }
0x2d: {  	s20 =	sadd.s32 $0x6200, s20  }
0x2e: {  	[tilespmem:s20], [sflag:$0x1] =	stream.indirect.gather [hbm4b:s3+s15], $0x80, s17, s15, $0xb8;
	[tilespmem:$0x12200] =	vst v63  }
0x2f: {  	s18 =	sadd.s32 $0x4000, s18;
	s19 =	sadd.s32 $0x1, s19;
	s17 =	sadd.s32 $0x80, s17  }
.LBB2_4:
0x30: {  	_ =	swait.ge [sflag:s14], $0x4000  }
0x31: {  	[sflag:s14] =	ssyncset.done $0x0  }
0x32: {  	[sflag:s14] =	ssyncadd.s32 $0xFFFFC000  }
0x33: {  	_ =	swait.ge [sflag:s14], $0x4000  }
0x34: {  	[sflag:s14] =	ssyncset.done $0x0  }
0x35: {  	[sflag:s14] =	ssyncadd.s32 $0xFFFFC000  }
0x36: {  	[tilespmem:s2], [sflag:$0x3] =	stream.linear.gather [hbm4b:s8+s2], $0x6200, $0x38;
	[tilespmem:$0x12200] =	vst v63  }
0x37: {  	_ =	swait.ge [sflag:s11], $0x6200  }
0x38: {  	s17 =	simm.s32 $0x80;
	[sflag:s11] =	ssyncset.done $0x0  }
0x39: {  	s18 =	simm.s32 $0x1;
	s19 =	smov.u32 s10;
	[sflag:s11] =	ssyncadd.s32 $0xFFFF9E00  }
0x3a: {  	[tilespmem:s12], [sflag:$0x1] =	stream.indirect.gather [hbm4b:s4+s17], $0x80, s2, s17, $0xb8;
	[tilespmem:$0x12200] =	vst v63  }
.LBB2_5:
0x3b: {  	s20 =	sadd.s32 $0xFFFFFFFF, s18  }
0x3c: {  	s21 =	smul.u32 $0xAB, s20;
	_ =	sdelay $0x1  }
0x3d: {  	s21 =	sshrl.u32 s21, $0x9  }
0x3e: {  	s21 =	sand.u32 $0x7F, s21  }
0x3f: {  	s21 =	smul.u32 $0x3, s21  }
0x40: {  	_ =	swait.ge [sflag:s13], $0x4000;
	s22 =	sshrl.u32 s19, $0x3  }
0x41: {  	[sflag:s13] =	ssyncset.done $0x0;
	p0 =	slt.u32 s20, $0x2;
	s21 =	ssub.s32 s20, s21  }
0x42: {  	s22 =	sadd.s32 s6, s22;
	p1 =	seq.s32 @!p0 s18, $0xC4;
	s21 =	sand.u32 $0xFF, s21  }
0x43: {  	[sflag:s13] =	ssyncadd.s32 $0xFFFFC000;
	p1 =	por p0, !p1;
	s21 =	sshll.u32 s21, $0xE  }
.Ltmp4:
0x44: {  	s20 =	simm.s32 @!p0 $0x2;
	s21 =	sadd.s32 $0x6200, s21;
	(pc) =	sbr.rel @!p1 .LBB2_7-.Ltmp4, $4  }
0x45: {  	[hbm4b:s22+s2] =	stream.linear.scatter [tilespmem:s21], [sflag:$0x2], $0x4000, $0x38;
	[tilespmem:$0x12200] =	vst v63  }
0x46: {  	_ =	swait.ge @!p0 [sflag:s20], $0x4000  }
0x47: {  	[sflag:s20] =	ssyncset.done @!p0 $0x0  }
0x48: {  	[sflag:s20] =	ssyncadd.s32 @!p0 $0xFFFFC000  }
0x49: {  	s20 =	smul.u32 $0xAB, s18;
	_ =	sdelay $0x1  }
0x4a: {  	s20 =	sshrl.u32 s20, $0x9  }
0x4b: {  	s20 =	sand.u32 $0x7F, s20  }
0x4c: {  	s20 =	smul.u32 $0x3, s20;
	_ =	sdelay $0x1  }
0x4d: {  	s20 =	ssub.s32 s18, s20  }
.Ltmp5:
0x4e: {  	s20 =	sand.u32 $0xFF, s20;
	(pc) =	sbr.rel .LBB2_5-.Ltmp5, $4  }
0x4f: {  	s20 =	sshll.u32 s20, $0xE  }
0x50: {  	s20 =	sadd.s32 $0x6200, s20  }
0x51: {  	[tilespmem:s20], [sflag:$0x1] =	stream.indirect.gather [hbm4b:s4+s15], $0x80, s17, s15, $0xb8;
	[tilespmem:$0x12200] =	vst v63  }
0x52: {  	s19 =	sadd.s32 $0x4000, s19;
	s18 =	sadd.s32 $0x1, s18;
	s17 =	sadd.s32 $0x80, s17  }
.LBB2_8:
0x53: {  	_ =	sfence.sel $0x180000  }
0x54: {  	[bflag:$0x0] =	sbarrier.arrive $0xFFFF  }
0x55: {  	p0 =	sne.s32 s0, $0x0;
	_ =	strace $0x90000047  }
0x56: {  	s0 =	sadd.s32 @!p0 $0x100000, s1;
	[bflag:$0x2] =	sbarrier.arrive $0xFFFF  }
0x57: {  	[sflag:s0] =	ssyncadd.tile.s32 @!p0 $0x1;
	_ =	shalt  }
.Lfunc_end2:
_tile_overlayer_lowered:
.L_overlay_start_2:
0x58: {  	(tag) =	ssettag $0x2  }
0x59: {  	s0 =	rddreg [dreg:$0x0];
	s2 =	stileid.u32  }
0x5a: {  	s1 =	rddreg [dreg:$0x1];
	p0 =	sne.s32 s2, $0x0  }
0x5b: {  	s3 =	rddreg [dreg:$0x2];
	[bflag:$0x3] =	sbarrier.arrive $0xFFFF;
	s2 =	simm.s32 @!p0 $0x1C03  }
0x5c: {  	[timem:s3], [sflag:s2] =	dma.local @!p0 [hbm:s0], s1  }
0x5d: {  	s0 =	simm.s32 @!p0 $0x3  }
0x5e: {  	_ =	swait.ge @!p0 [sflag:s0], s1  }
0x5f: {  	s1 =	ssub.s32 @!p0 $0x0, s1;
	[sflag:s0] =	ssyncset.done @!p0 $0x0  }
0x60: {  	[sflag:s0] =	ssyncadd.s32 @!p0 s1  }
0x61: {  	[bflag:$0x3] =	sbarrier.arrive $0xFFFF  }
0x62: {  	_ =	shalt  }

// kernel: kernel.19.cloned.1.call-start
scs
__scs_entry_jumppad:
0x0: {  	(pc) =	sbr.rel $0x88, $3  }
0x1: {  	(tag) =	ssettag $0x0;
	lr =	simm.s32 $0x1  }
0x2: {  	[smem:$0x3F71] =	sst lr;
	_ =	strace $0xD0000000  }
0x3: {  	_ = 	snop  }
0x4: {  	_ = 	snop  }
0x5: {  	_ = 	snop  }
0x6: {  	_ = 	snop  }
0x7: {  	_ = 	snop  }
__scs_overlays_trampoline_lowered:
0x8: {  	[smem:$0x3F80] =	sst s0  }
0x9: {  	[smem:$0x3F81] =	sst s1  }
0xa: {  	[smem:$0x3F82] =	sst s2  }
0xb: {  	[smem:$0x3F83] =	sst s3  }
0xc: {  	[smem:$0x3F84] =	sst s4  }
0xd: {  	[smem:$0x3F85] =	sst s5  }
0xe: {  	[smem:$0x3F86] =	sst s6  }
0xf: {  	[smem:$0x3F87] =	sst s7  }
0x10: {  	[smem:$0x3F88] =	sst s8  }
0x11: {  	[smem:$0x3F89] =	sst s9;
	s0 =	simm.s32 @!p0 $0x0  }
0x12: {  	s1 =	sld [smem:$0x3F6F];
	s0 =	simm.s32 @p0 $0x1  }
0x13: {  	[smem:$0x3F8A] =	sst s0;
	s0 =	simm.s32 @!p1 $0x0  }
0x14: {  	s2 =	sld [smem:$0x3F6E];
	s0 =	simm.s32 @p1 $0x1  }
0x15: {  	[smem:$0x3F8B] =	sst s0;
	s0 =	simm.s32 @!p2 $0x0  }
0x16: {  	s3 =	sld [smem:$0x3FDB];
	s0 =	simm.s32 @p2 $0x1  }
0x17: {  	s4 =	simm.s32 $0x1BF5;
	[smem:$0x3F8D] =	sst s0  }
0x18: {  	s0 =	sld [smem:$0x3F70];
	_ =	swait.ge [sflag:s4], $0x0  }
0x19: {  	s7 =	sld [smem:$0x3F71]  }
0x1a: {  	s8 =	sadd.s32 $0xFFFFE003, lr  }
0x1b: {  	s9 =	sadd.s32 $0xFFFFFEF7, lr;
	s5 =	simm.s32 $0xFFFFFFFF;
	p2 =	slt.u32 s8, $0xFFFFF086  }
0x1c: {  	p1 =	slt.u32 s9, $0xF7A;
	s5 =	simm.s32 @!p2 $0x0  }
0x1d: {  	s5 =	simm.s32 @p1 $0x1;
	p0 =	seq.s32 s7, s2  }
0x1e: {  	s7 =	smul.u32 @!p0 $0xF7A, s2;
	p2 =	seq.s32 @!p0 s5, $0x0  }
0x1f: {  	s9 =	smul.u32 $0xF7A, s1;
	s8 =	simm.s32 @!p0 $0x1BF5;
	p2 =	por !p2, p0  }
0x20: {  	[sflag:s8] =	ssyncset.s32 @!p0 $0xFFFFF086;
	s6 =	sadd.s32 @!p0 s3, s7;
	s7 =	simm.s32 @!p0 $0x108  }
0x21: {  	s3 =	sadd.s32 s3, s9;
	s6 =	sadd.s32 @!p0 $0x88, s6;
	s7 =	simm.s32 @p2 $0x1082  }
0x22: {  	[simem:s7], [sflag:s8] =	dma.local @!p0 [hbm:s6], $0xF7A  }
0x23: {  	s9 =	sor.u32 $0xD0000000, s2;
	s6 =	simm.s32 $0x108;
	_ =	swait.ge @!p0 [sflag:s8], $0x0  }
0x24: {  	s3 =	sadd.s32 $0x88, s3;
	s6 =	simm.s32 @!p1 $0x1082;
	[sflag:s4] =	ssyncset.s32 $0xFFFFF086  }
0x25: {  	[simem:s6], [sflag:s4] =	dma.local [hbm:s3], $0xF7A  }
0x26: {  	[smem:$0x3F71] =	sst s1;
	(tag) =	ssettag s2;
	_ =	strace s9  }
0x27: {  	s1 =	sld [smem:$0x3F81]  }
0x28: {  	s2 =	sld [smem:$0x3F82]  }
0x29: {  	s4 =	sld [smem:$0x3F84]  }
0x2a: {  	p0 =	seq.s32 s5, $0x0;
	s5 =	sld [smem:$0x3F85]  }
0x2b: {  	s6 =	sld [smem:$0x3F86]  }
0x2c: {  	s7 =	sld [smem:$0x3F87]  }
0x2d: {  	s3 =	simm.s32 $0x108;
	s8 =	sld [smem:$0x3F88]  }
0x2e: {  	s3 =	simm.s32 @!p0 $0x1082;
	s9 =	sld [smem:$0x3F89]  }
0x2f: {  	lr =	sadd.s32 s0, s3;
	s0 =	sld [smem:$0x3F80]  }
0x30: {  	s3 =	sld [smem:$0x3F83]  }
0x31: {  	[smem:$0x3F8C] =	sst s10  }
0x32: {  	s10 =	sld [smem:$0x3F8A];
	_ =	sdelay $0x3  }
0x33: {  	p0 =	seq.s32 s10, $0x1;
	s10 =	sld [smem:$0x3F8C];
	_ =	sdelay $0x3  }
0x34: {  	[smem:$0x3F8C] =	sst s10  }
0x35: {  	s10 =	sld [smem:$0x3F8B];
	_ =	sdelay $0x3  }
0x36: {  	p1 =	seq.s32 s10, $0x1;
	s10 =	sld [smem:$0x3F8C];
	_ =	sdelay $0x3  }
0x37: {  	[smem:$0x3F8C] =	sst s10  }
0x38: {  	s10 =	sld [smem:$0x3F8D]  }
0x39: {  	_ = 	snop;
	(pc) =	sbr.ind lr, $3  }
0x3a: {  	_ = 	snop  }
0x3b: {  	_ = 	snop  }
0x3c: {  	p2 =	seq.s32 s10, $0x1;
	s10 =	sld [smem:$0x3F8C]  }
0x3d: {  	_ =	shalt  }
0x3e: {  	_ =	shalt  }
0x3f: {  	_ =	shalt  }
0x40: {  	_ =	shalt  }
0x41: {  	_ =	shalt  }
0x42: {  	_ =	shalt  }
0x43: {  	_ =	shalt  }
0x44: {  	_ =	shalt  }
0x45: {  	_ =	shalt  }
0x46: {  	_ =	shalt  }
0x47: {  	_ =	shalt  }
0x48: {  	_ =	shalt  }
0x49: {  	_ =	shalt  }
0x4a: {  	_ =	shalt  }
0x4b: {  	_ =	shalt  }
0x4c: {  	_ =	shalt  }
0x4d: {  	_ =	shalt  }
0x4e: {  	_ =	shalt  }
0x4f: {  	_ =	shalt  }
0x50: {  	_ =	shalt  }
0x51: {  	_ =	shalt  }
0x52: {  	_ =	shalt  }
0x53: {  	_ =	shalt  }
0x54: {  	_ =	shalt  }
0x55: {  	_ =	shalt  }
0x56: {  	_ =	shalt  }
0x57: {  	_ =	shalt  }
0x58: {  	_ =	shalt  }
0x59: {  	_ =	shalt  }
0x5a: {  	_ =	shalt  }
0x5b: {  	_ =	shalt  }
0x5c: {  	_ =	shalt  }
0x5d: {  	_ =	shalt  }
0x5e: {  	_ =	shalt  }
0x5f: {  	_ =	shalt  }
0x60: {  	_ =	shalt  }
0x61: {  	_ =	shalt  }
0x62: {  	_ =	shalt  }
0x63: {  	_ =	shalt  }
0x64: {  	_ =	shalt  }
0x65: {  	_ =	shalt  }
0x66: {  	_ =	shalt  }
0x67: {  	_ =	shalt  }
0x68: {  	_ =	shalt  }
0x69: {  	_ =	shalt  }
0x6a: {  	_ =	shalt  }
0x6b: {  	_ =	shalt  }
0x6c: {  	_ =	shalt  }
0x6d: {  	_ =	shalt  }
0x6e: {  	_ =	shalt  }
0x6f: {  	_ =	shalt  }
0x70: {  	_ =	shalt  }
0x71: {  	_ =	shalt  }
0x72: {  	_ =	shalt  }
0x73: {  	_ =	shalt  }
0x74: {  	_ =	shalt  }
0x75: {  	_ =	shalt  }
0x76: {  	_ =	shalt  }
0x77: {  	_ =	shalt  }
0x78: {  	_ =	shalt  }
0x79: {  	_ =	shalt  }
0x7a: {  	_ =	shalt  }
0x7b: {  	_ =	shalt  }
0x7c: {  	_ =	shalt  }
0x7d: {  	_ =	shalt  }
0x7e: {  	_ =	shalt  }
0x7f: {  	_ =	shalt  }
0x80: {  	_ =	shalt  }
0x81: {  	_ =	shalt  }
0x82: {  	_ =	shalt  }
0x83: {  	_ =	shalt  }
0x84: {  	_ =	shalt  }
0x85: {  	_ =	shalt  }
0x86: {  	_ =	shalt  }
0x87: {  	_ =	shalt  }
.Lfunc_end0:
.L_simem_size_0:
called_computation.1_lowered:
.L_overlay_start_0:
0x88: {  	s2 =	sld [smem:$0x3FD9]  }
0x89: {  	s3 =	sld [smem:$0x3FFE];
	_ =	sdelay $0x1  }
0x8a: {  	s1 =	srdreg.scid  }
0x8b: {  	s0 =	sand.u32 $0x1, s1  }
0x8c: {  	s16 =	sshll.u32 s0, $0xA;
	s2 =	sadd.s32 s3, s2  }
0x8d: {  	s2 =	sadd.s32 s2, s16  }
0x8e: {  	[smem:$0x3F98] =	sst s2  }
0x8f: {  	_ = 	snop  }
0x90: {  	(tm) =	ssettm $0x1  }
0x91: {  	s17 =	sld [smem:$0x3FFB];
	_ =	sdelay $0x3  }
0x92: {  	_ =	strace s17  }
0x93: {  	s2 =	sld [smem:$0x3FFC];
	_ =	sdelay $0x3  }
0x94: {  	_ =	strace s2  }
0x95: {  	s2 =	sld [smem:$0x3FFD];
	_ =	sdelay $0x3  }
0x96: {  	_ =	strace s2  }
0x97: {  	_ =	strace $0x8FFFFFFF  }
0x98: {  	s18 =	sld [smem:$0x3FDB];
	_ =	sdelay $0x1  }
0x99: {  	s19 =	simm.s32 $_scs_section_size  }
0x9a: {  	s4 =	simm.s32 $_size__tile_overlayer_lowered;
	s5 =	simm.s32 $_tile_overlayer_lowered  }
0x9b: {  	s22 =	simm.s32 $0x1BFF;
	s21 =	sshll.u32 s5, $0x1;
	s2 =	sadd.s32 s19, s18  }
0x9c: {  	s6 =	simm.s32 $0x0;
	s20 =	sshll.u32 s4, $0x1;
	s4 =	sadd.s32 s21, s2  }
0x9d: {  	[timem:s6], [sflag:s22] =	dma.local [hbm:s4], s20  }
0x9e: {  	_ =	swait.ge [sflag:s22], s20  }
0x9f: {  	s3 =	ssub.s32 $0x0, s20;
	[sflag:s22] =	ssyncset.done $0x0  }
0xa0: {  	[sflag:s22] =	ssyncadd.s32 s3;
	_ =	sdelay $0x1  }
0xa1: {  	s23 =	simm.s32 $0x1B8B  }
0xa2: {  	_ =	swait.ge [sflag:s23], $0x1  }
0xa3: {  	[sflag:s23] =	ssyncset.done $0x0  }
0xa4: {  	s25 =	simm.s32 $0x1B8E;
	s24 =	sld [smem:$0x3FFE];
	[sflag:s23] =	ssyncadd.s32 $0xFFFFFFFF  }
0xa5: {  	s26 =	simm.s32 $execute0_lowered;
	[smem:$0x3FD2] =	sst s25  }
0xa6: {  	s4 =	sshll.u32 s26, $0x1;
	_ =	strace $0x80000049;
	[dreg:$0x1] =	wrdreg $0xFFFFFFFF  }
0xa7: {  	s28 =	simm.s32 $_size_execute0_lowered;
	s2 =	sadd.s32 s2, s4;
	[dreg:$0x0] =	wrdreg $0x0  }
0xa8: {  	s4 =	sshll.u32 s28, $0x1;
	[dreg:$0x2] =	wrdreg s2  }
0xa9: {  	[dreg:$0x3] =	wrdreg s4  }
0xaa: {  	[dreg:$0x4] =	wrdreg $0xC0  }
0xab: {  	_ =	task [dreg:s6], $0x5FFFF  }
0xac: {  	[dreg:$0x1] =	wrdreg $0xFFFFFFFF  }
0xad: {  	[dreg:$0x0] =	wrdreg $0x60  }
0xae: {  	[dreg:$0x2] =	wrdreg s24  }
0xaf: {  	[dreg:$0x3] =	wrdreg $0x41000  }
0xb0: {  	[dreg:$0x4] =	wrdreg $0x9  }
0xb1: {  	_ =	task.clear_ibuf [dreg:s6], $0x5FFFF;
	_ =	strace $0x90000049  }
0xb2: {  	s29 =	simm.s32 $0x9;
	_ =	strace $0x8000004B  }
0xb3: {  	_ =	swait.ge [sflag:s29], $0x1  }
0xb4: {  	[sflag:s29] =	ssyncadd.s32 $0xFFFFFFFF  }
0xb5: {  	_ =	strace $0x9000004B  }
0xb6: {  	_ =	sfence  }
0xb7: {  	s30 =	sld [smem:$0x0];
	_ =	sdelay $0x2  }
0xb8: {  	s31 =	sshll.u32 s1, $0xD;
	s1 =	sshrl.u32 s1, $0x2  }
0xb9: {  	s3 =	sand.u32 $0x4000, s31;
	s1 =	sadd.s32 s1, s30  }
0xba: {  	s0 =	sor.u32 s3, s0;
	s1 =	sshll.u32 s1, $0x11  }
0xbb: {  	s0 =	sor.u32 s1, s0  }
0xbc: {  	s0 =	sadd.s32 $0x8F2B, s0  }
0xbd: {  	[sflag:s0] =	ssyncadd.remote.s32 $0x1  }
0xbe: {  	_ =	sfence.sel $0xFFFF  }
0xbf: {  	[dreg:$0x0] =	wrdreg $0xFFFFFFFF;
	(pc) =	sbr.abs _section_cstart, $3  }
0xc0: {  	[dreg:$0x1] =	wrdreg $0xFFFFFFFF  }
0xc1: {  	_ =	task.clear_ibuf [dreg:s6], $0x2FFFF;
	_ =	strace $0x9FFFFFFF  }
0xc2: {  	(tm) =	ssettm $0x7FFFFFFF  }
0xc3: {  	_ =	shalt  }
tec
execute0_lowered:
.L_overlay_start_1:
0x0: {  	(tag) =	ssettag $0x1  }
0x1: {  	s8 =	rddreg [dreg:$0x0]  }
0x2: {  	s1 =	rddreg [dreg:$0x1]  }
0x3: {  	s3 =	simm.s32 $0x0;
	s2 =	stileid.u32;
	s7 =	srdreg.scid  }
0x4: {  	s22 =	simm.s32 $0x40;
	s23 =	simm.s32 $0x2;
	s9 =	smul.u32 $0x63000, s2  }
0x5: {  	s4 =	sadd.s32 $0x38ED400, s8;
	s10 =	sand.u32 $0x1, s7;
	s7 =	smul.u32 $0xC400, s2  }
0x6: {  	s24 =	simm.s32 $0x0;
	s5 =	sadd.s32 $0x428200, s8;
	s13 =	smul.u32 $0xC4000, s2  }
0x7: {  	[smem:$0x7FF] =	sst s3;
	s6 =	sadd.s32 $0x48A200, s8;
	s14 =	smul.u32 $0x310, s2  }
0x8: {  	s16 =	sadd.s32 $0x48D400, s8;
	s25 =	sshll.u32 s2, $0x6;
	s15 =	smul.u32 $0x62000, s2  }
0x9: {  	_ =	strace $0x8000004A;
	s11 =	ssub.s32 $0x2, s10;
	s8 =	smul.u32 $0x188000, s10  }
0xa: {  	s19 =	smul.u32 $0x6200, s10;
	s20 =	sshllo.u32 s10, $0x1;
	s12 =	sshrl.u32 s11, $0x1  }
0xb: {  	s9 =	sshrl.u32 s9, $0x2;
	s28 =	sshrl.u32 s15, $0x2;
	s29 =	smul.u32 $0x3100, s20  }
0xc: {  	s17 =	ssub.s32 s11, s12;
	s18 =	sadd.s32 s9, s1;
	s26 =	sadd.s32 s7, s8  }
0xd: {  	s9 =	sor.u32 $0x1C03, s25;
	s12 =	sadd.s32 s4, s13;
	s11 =	sshrl.u32 s26, $0x3  }
0xe: {  	s19 =	sadd.s32 s14, s19;
	s10 =	sadd.s32 s5, s11;
	s11 =	smul.u32 $0xC4000, s20  }
.Ltmp0:
0xf: {  	s13 =	sadd.s32 s28, s1;
	s19 =	sshll.u32 s19, $0x4;
	(pc) =	sbr.rel .LBB2_1-.Ltmp0, $4  }
0x10: {  	s21 =	sadd.s32 s14, s29;
	s17 =	smax.u32 s17, $0x1;
	s18 =	sshrl.u32 s18, $0x3  }
0x11: {  	s14 =	sadd.s32 s16, s19;
	s31 =	sshll.u32 s21, $0x4;
	s30 =	sadd.s32 s7, s11  }
0x12: {  	s19 =	simm.s32 $0x3;
	s21 =	simm.s32 $0x1;
	s20 =	sshrl.u32 s30, $0x3  }
0x13: {  	s16 =	sadd.s32 s16, s31;
	s15 =	sadd.s32 s5, s20;
	s20 =	simm.s32 $0x100  }
.LBB2_9:
0x14: {  	_ =	swait.ge [sflag:s23], $0x2000  }
0x15: {  	[sflag:s23] =	ssyncset.done $0x0  }
0x16: {  	s24 =	sadd.s32 $0x1, s24;
	[sflag:s23] =	ssyncadd.s32 $0xFFFFE000  }
0x17: {  	p0 =	sne.s32 s24, s17;
	[bflag:$0x0] =	sbarrier.arrive $0xFFFF  }
0x18: {  	[hbm:s16], [sflag:s9] =	dma.local [spmem:s25], $0x3100  }
.Ltmp1:
0x19: {  	_ =	swait.ge [sflag:s19], $0x3100;
	(pc) =	sbr.rel @!p0 .LBB2_10-.Ltmp1, $3  }
0x1a: {  	[sflag:s19] =	ssyncset.done $0x0  }
0x1b: {  	[sflag:s19] =	ssyncadd.s32 $0xFFFFCF00  }
0x1c: {  	[bflag:$0x0] =	sbarrier.arrive $0xFFFF;
	_ =	sdelay $0x1  }
.LBB2_1:
0x1d: {  	[spmem:s18], [sflag:s9] =	dma.local [hbm:s6], $0x3180  }
0x1e: {  	_ =	swait.ge [sflag:s19], $0x3180  }
0x1f: {  	[sflag:s19] =	ssyncset.done $0x0  }
.Ltmp2:
0x20: {  	[sflag:s19] =	ssyncadd.s32 $0xFFFFCE80;
	(pc) =	sbr.rel .LBB2_2-.Ltmp2, $4  }
0x21: {  	[bflag:$0x0] =	sbarrier.arrive $0xFFFF  }
0x22: {  	[tilespmem:s3], [sflag:$0x1] =	stream.linear.gather [hbm4b:s10+s3], $0x40, $0x38;
	[tilespmem:$0x1CD00] =	vst v63  }
0x23: {  	s25 =	simm.s32 $0x0  }
0x24: {  	[tilespmem:s20], [sflag:$0x1] =	stream.linear.gather [hbm4b:s12+s3], $0x2000, $0x38;
	[tilespmem:$0x1CD00] =	vst v63  }
.LBB2_4:
0x25: {  	_ =	swait.ge [sflag:s21], $0x40  }
0x26: {  	[sflag:s21] =	ssyncset.done $0x0  }
0x27: {  	p0 =	slt.u32 s26, $0x310;
	[sflag:s21] =	ssyncadd.s32 $0xFFFFFFC0  }
.Ltmp3:
0x28: {  	s25 =	sand.u32 $0x1, s25;
	_ =	swait.ge [sflag:s21], $0x2000;
	(pc) =	sbr.rel @!p0 .LBB2_5-.Ltmp3, $4  }
0x29: {  	s28 =	sshll.u32 s25, $0xD;
	[sflag:s21] =	ssyncset.done $0x0  }
0x2a: {  	s25 =	sshll.u32 s25, $0x7;
	s28 =	sor.u32 $0x100, s28;
	[sflag:s21] =	ssyncadd.s32 $0xFFFFE000  }
0x2b: {  	[spmem:s1] =	stream.indirect.scatter.add.f32 [tilespmem:s28], [sflag:$0x2], $0x80, s25, s22, $0xb8;
	[tilespmem:$0x1CD00] =	vst v63  }
0x2c: {  	s25 =	smov.u32 s26  }
.LBB2_2:
0x2d: {  	p0 =	seq.s32 s25, $0x0  }
0x2e: {  	p1 =	seq.s32 @!p0 s25, $0x30F  }
0x2f: {  	p1 =	por p0, !p1  }
.Ltmp4:
0x30: {  	_ = 	snop;
	(pc) =	sbr.rel @!p1 .LBB2_4-.Ltmp4, $4  }
0x31: {  	s26 =	simm.s32 @!p0 $0x2  }
0x32: {  	_ =	swait.ge @!p0 [sflag:s26], $0x2000  }
0x33: {  	[sflag:s26] =	ssyncset.done @!p0 $0x0  }
0x34: {  	[sflag:s26] =	ssyncadd.s32 @!p0 $0xFFFFE000;
	s26 =	simm.s32 @!p0 $0x310  }
0x35: {  	s26 =	sadd.s32 @!p0 $0x1, s25  }
0x36: {  	s26 =	simm.s32 @p0 $0x1  }
0x37: {  	s28 =	sshll.u32 s26, $0x6  }
0x38: {  	s28 =	sadd.s32 s7, s28  }
0x39: {  	s29 =	sadd.s32 s8, s28  }
0x3a: {  	s30 =	sand.u32 $0x1, s26;
	s29 =	sshrl.u32 s29, $0x3  }
.Ltmp5:
0x3b: {  	s31 =	sshll.u32 s30, $0x7;
	s29 =	sadd.s32 s5, s29;
	(pc) =	sbr.rel .LBB2_4-.Ltmp5, $4  }
0x3c: {  	[tilespmem:s31], [sflag:$0x1] =	stream.linear.gather [hbm4b:s29+s3], $0x40, $0x38;
	[tilespmem:$0x1CD00] =	vst v63  }
0x3d: {  	s28 =	sshll.u32 s28, $0x4;
	s31 =	sshll.u32 s30, $0xD  }
0x3e: {  	s28 =	sadd.s32 s4, s28;
	s29 =	sor.u32 $0x100, s31  }
0x3f: {  	[tilespmem:s29], [sflag:$0x1] =	stream.linear.gather [hbm4b:s28+s3], $0x2000, $0x38;
	[tilespmem:$0x1CD00] =	vst v63  }
.LBB2_5:
0x40: {  	_ =	swait.ge [sflag:s23], $0x2000  }
0x41: {  	[sflag:s23] =	ssyncset.done $0x0  }
0x42: {  	[sflag:s23] =	ssyncadd.s32 $0xFFFFE000  }
0x43: {  	s25 =	sshrl.u32 s13, $0x3;
	[bflag:$0x0] =	sbarrier.arrive $0xFFFF  }
0x44: {  	[hbm:s14], [sflag:s9] =	dma.local [spmem:s25], $0x3100  }
0x45: {  	_ =	swait.ge [sflag:s19], $0x3100  }
0x46: {  	[sflag:s19] =	ssyncset.done $0x0  }
0x47: {  	[sflag:s19] =	ssyncadd.s32 $0xFFFFCF00  }
0x48: {  	[bflag:$0x0] =	sbarrier.arrive $0xFFFF  }
0x49: {  	[spmem:s18], [sflag:s9] =	dma.local [hbm:s6], $0x3180  }
0x4a: {  	_ =	swait.ge [sflag:s19], $0x3180  }
0x4b: {  	[sflag:s19] =	ssyncset.done $0x0  }
.Ltmp6:
0x4c: {  	[sflag:s19] =	ssyncadd.s32 $0xFFFFCE80;
	(pc) =	sbr.rel .LBB2_6-.Ltmp6, $4  }
0x4d: {  	s26 =	simm.s32 $0x0;
	[bflag:$0x0] =	sbarrier.arrive $0xFFFF  }
0x4e: {  	[tilespmem:s26], [sflag:$0x1] =	stream.linear.gather [hbm4b:s15+s26], $0x40, $0x38;
	[tilespmem:$0x1CD00] =	vst v63  }
0x4f: {  	_ = 	snop  }
0x50: {  	[tilespmem:s20], [sflag:$0x1] =	stream.linear.gather [hbm4b:s12+s26], $0x2000, $0x38;
	[tilespmem:$0x1CD00] =	vst v63  }
.LBB2_8:
0x51: {  	_ =	swait.ge [sflag:s21], $0x40  }
0x52: {  	[sflag:s21] =	ssyncset.done $0x0  }
0x53: {  	p0 =	slt.u32 s28, $0x310;
	[sflag:s21] =	ssyncadd.s32 $0xFFFFFFC0  }
.Ltmp7:
0x54: {  	s0 =	sand.u32 $0x1, s26;
	_ =	swait.ge [sflag:s21], $0x2000;
	(pc) =	sbr.rel @!p0 .LBB2_9-.Ltmp7, $4  }
0x55: {  	s26 =	sshll.u32 s0, $0xD;
	[sflag:s21] =	ssyncset.done $0x0  }
0x56: {  	s0 =	sshll.u32 s0, $0x7;
	s26 =	sor.u32 $0x100, s26;
	[sflag:s21] =	ssyncadd.s32 $0xFFFFE000  }
0x57: {  	[spmem:s1] =	stream.indirect.scatter.add.f32 [tilespmem:s26], [sflag:$0x2], $0x80, s0, s22, $0xb8;
	[tilespmem:$0x1CD00] =	vst v63  }
0x58: {  	s26 =	smov.u32 s28  }
.LBB2_6:
0x59: {  	p0 =	seq.s32 s26, $0x0  }
0x5a: {  	p1 =	seq.s32 @!p0 s26, $0x30F  }
0x5b: {  	p1 =	por p0, !p1  }
.Ltmp8:
0x5c: {  	_ = 	snop;
	(pc) =	sbr.rel @!p1 .LBB2_8-.Ltmp8, $4  }
0x5d: {  	s28 =	simm.s32 @!p0 $0x2  }
0x5e: {  	_ =	swait.ge @!p0 [sflag:s28], $0x2000  }
0x5f: {  	[sflag:s28] =	ssyncset.done @!p0 $0x0  }
0x60: {  	[sflag:s28] =	ssyncadd.s32 @!p0 $0xFFFFE000;
	s28 =	simm.s32 @!p0 $0x310  }
0x61: {  	s28 =	sadd.s32 @!p0 $0x1, s26  }
0x62: {  	s28 =	simm.s32 @p0 $0x1  }
0x63: {  	s29 =	sshll.u32 s28, $0x6  }
0x64: {  	s29 =	sadd.s32 s7, s29  }
0x65: {  	s31 =	sand.u32 $0x1, s28;
	s30 =	sadd.s32 s11, s29  }
.Ltmp9:
0x66: {  	s0 =	sshll.u32 s31, $0x7;
	s30 =	sshrl.u32 s30, $0x3;
	(pc) =	sbr.rel .LBB2_8-.Ltmp9, $4  }
0x67: {  	s31 =	sshll.u32 s31, $0xD;
	s29 =	sshll.u32 s29, $0x4;
	s30 =	sadd.s32 s5, s30  }
0x68: {  	[tilespmem:s0], [sflag:$0x1] =	stream.linear.gather [hbm4b:s30+s3], $0x40, $0x38;
	[tilespmem:$0x1CD00] =	vst v63  }
0x69: {  	s29 =	sadd.s32 s4, s29;
	s0 =	sor.u32 $0x100, s31  }
0x6a: {  	[tilespmem:s0], [sflag:$0x1] =	stream.linear.gather [hbm4b:s29+s3], $0x2000, $0x38;
	[tilespmem:$0x1CD00] =	vst v63  }
.LBB2_10:
0x6b: {  	_ =	sfence.sel $0x180000  }
0x6c: {  	[bflag:$0x0] =	sbarrier.arrive $0xFFFF  }
0x6d: {  	_ =	strace $0x9000004A  }
0x6e: {  	[bflag:$0x2] =	sbarrier.arrive $0xFFFF  }
0x6f: {  	p0 =	sne.s32 s2, $0x0;
	s0 =	rddreg [dreg:$0x2]  }
0x70: {  	s0 =	sadd.s32 @!p0 $0x100000, s0  }
0x71: {  	[sflag:s0] =	ssyncadd.tile.s32 @!p0 $0x1;
	_ =	shalt  }
.Lfunc_end2:
_tile_overlayer_lowered:
.L_overlay_start_2:
0x72: {  	(tag) =	ssettag $0x2  }
0x73: {  	s0 =	rddreg [dreg:$0x0];
	s2 =	stileid.u32  }
0x74: {  	s1 =	rddreg [dreg:$0x1];
	p0 =	sne.s32 s2, $0x0  }
0x75: {  	s3 =	rddreg [dreg:$0x2];
	[bflag:$0x3] =	sbarrier.arrive $0xFFFF;
	s2 =	simm.s32 @!p0 $0x1C03  }
0x76: {  	[timem:s3], [sflag:s2] =	dma.local @!p0 [hbm:s0], s1  }
0x77: {  	s0 =	simm.s32 @!p0 $0x3  }
0x78: {  	_ =	swait.ge @!p0 [sflag:s0], s1  }
0x79: {  	s1 =	ssub.s32 @!p0 $0x0, s1;
	[sflag:s0] =	ssyncset.done @!p0 $0x0  }
0x7a: {  	[sflag:s0] =	ssyncadd.s32 @!p0 s1  }
0x7b: {  	[bflag:$0x3] =	sbarrier.arrive $0xFFFF  }
0x7c: {  	_ =	shalt  }

// kernel: kernel.22.cloned.1.call-start
scs
__scs_entry_jumppad:
0x0: {  	(pc) =	sbr.rel $0x88, $3  }
0x1: {  	(tag) =	ssettag $0x0;
	lr =	simm.s32 $0x1  }
0x2: {  	[smem:$0x3F71] =	sst lr;
	_ =	strace $0xD0000000  }
0x3: {  	_ = 	snop  }
0x4: {  	_ = 	snop  }
0x5: {  	_ = 	snop  }
0x6: {  	_ = 	snop  }
0x7: {  	_ = 	snop  }
__scs_overlays_trampoline_lowered:
0x8: {  	[smem:$0x3F80] =	sst s0  }
0x9: {  	[smem:$0x3F81] =	sst s1  }
0xa: {  	[smem:$0x3F82] =	sst s2  }
0xb: {  	[smem:$0x3F83] =	sst s3  }
0xc: {  	[smem:$0x3F84] =	sst s4  }
0xd: {  	[smem:$0x3F85] =	sst s5  }
0xe: {  	[smem:$0x3F86] =	sst s6  }
0xf: {  	[smem:$0x3F87] =	sst s7  }
0x10: {  	[smem:$0x3F88] =	sst s8  }
0x11: {  	[smem:$0x3F89] =	sst s9;
	s0 =	simm.s32 @!p0 $0x0  }
0x12: {  	s1 =	sld [smem:$0x3F6F];
	s0 =	simm.s32 @p0 $0x1  }
0x13: {  	[smem:$0x3F8A] =	sst s0;
	s0 =	simm.s32 @!p1 $0x0  }
0x14: {  	s2 =	sld [smem:$0x3F6E];
	s0 =	simm.s32 @p1 $0x1  }
0x15: {  	[smem:$0x3F8B] =	sst s0;
	s0 =	simm.s32 @!p2 $0x0  }
0x16: {  	s3 =	sld [smem:$0x3FDB];
	s0 =	simm.s32 @p2 $0x1  }
0x17: {  	s4 =	simm.s32 $0x1BF5;
	[smem:$0x3F8D] =	sst s0  }
0x18: {  	s0 =	sld [smem:$0x3F70];
	_ =	swait.ge [sflag:s4], $0x0  }
0x19: {  	s7 =	sld [smem:$0x3F71]  }
0x1a: {  	s8 =	sadd.s32 $0xFFFFE003, lr  }
0x1b: {  	s9 =	sadd.s32 $0xFFFFFEF7, lr;
	s5 =	simm.s32 $0xFFFFFFFF;
	p2 =	slt.u32 s8, $0xFFFFF086  }
0x1c: {  	p1 =	slt.u32 s9, $0xF7A;
	s5 =	simm.s32 @!p2 $0x0  }
0x1d: {  	s5 =	simm.s32 @p1 $0x1;
	p0 =	seq.s32 s7, s2  }
0x1e: {  	s7 =	smul.u32 @!p0 $0xF7A, s2;
	p2 =	seq.s32 @!p0 s5, $0x0  }
0x1f: {  	s9 =	smul.u32 $0xF7A, s1;
	s8 =	simm.s32 @!p0 $0x1BF5;
	p2 =	por !p2, p0  }
0x20: {  	[sflag:s8] =	ssyncset.s32 @!p0 $0xFFFFF086;
	s6 =	sadd.s32 @!p0 s3, s7;
	s7 =	simm.s32 @!p0 $0x108  }
0x21: {  	s3 =	sadd.s32 s3, s9;
	s6 =	sadd.s32 @!p0 $0x88, s6;
	s7 =	simm.s32 @p2 $0x1082  }
0x22: {  	[simem:s7], [sflag:s8] =	dma.local @!p0 [hbm:s6], $0xF7A  }
0x23: {  	s9 =	sor.u32 $0xD0000000, s2;
	s6 =	simm.s32 $0x108;
	_ =	swait.ge @!p0 [sflag:s8], $0x0  }
0x24: {  	s3 =	sadd.s32 $0x88, s3;
	s6 =	simm.s32 @!p1 $0x1082;
	[sflag:s4] =	ssyncset.s32 $0xFFFFF086  }
0x25: {  	[simem:s6], [sflag:s4] =	dma.local [hbm:s3], $0xF7A  }
0x26: {  	[smem:$0x3F71] =	sst s1;
	(tag) =	ssettag s2;
	_ =	strace s9  }
0x27: {  	s1 =	sld [smem:$0x3F81]  }
0x28: {  	s2 =	sld [smem:$0x3F82]  }
0x29: {  	s4 =	sld [smem:$0x3F84]  }
0x2a: {  	p0 =	seq.s32 s5, $0x0;
	s5 =	sld [smem:$0x3F85]  }
0x2b: {  	s6 =	sld [smem:$0x3F86]  }
0x2c: {  	s7 =	sld [smem:$0x3F87]  }
0x2d: {  	s3 =	simm.s32 $0x108;
	s8 =	sld [smem:$0x3F88]  }
0x2e: {  	s3 =	simm.s32 @!p0 $0x1082;
	s9 =	sld [smem:$0x3F89]  }
0x2f: {  	lr =	sadd.s32 s0, s3;
	s0 =	sld [smem:$0x3F80]  }
0x30: {  	s3 =	sld [smem:$0x3F83]  }
0x31: {  	[smem:$0x3F8C] =	sst s10  }
0x32: {  	s10 =	sld [smem:$0x3F8A];
	_ =	sdelay $0x3  }
0x33: {  	p0 =	seq.s32 s10, $0x1;
	s10 =	sld [smem:$0x3F8C];
	_ =	sdelay $0x3  }
0x34: {  	[smem:$0x3F8C] =	sst s10  }
0x35: {  	s10 =	sld [smem:$0x3F8B];
	_ =	sdelay $0x3  }
0x36: {  	p1 =	seq.s32 s10, $0x1;
	s10 =	sld [smem:$0x3F8C];
	_ =	sdelay $0x3  }
0x37: {  	[smem:$0x3F8C] =	sst s10  }
0x38: {  	s10 =	sld [smem:$0x3F8D]  }
0x39: {  	_ = 	snop;
	(pc) =	sbr.ind lr, $3  }
0x3a: {  	_ = 	snop  }
0x3b: {  	_ = 	snop  }
0x3c: {  	p2 =	seq.s32 s10, $0x1;
	s10 =	sld [smem:$0x3F8C]  }
0x3d: {  	_ =	shalt  }
0x3e: {  	_ =	shalt  }
0x3f: {  	_ =	shalt  }
0x40: {  	_ =	shalt  }
0x41: {  	_ =	shalt  }
0x42: {  	_ =	shalt  }
0x43: {  	_ =	shalt  }
0x44: {  	_ =	shalt  }
0x45: {  	_ =	shalt  }
0x46: {  	_ =	shalt  }
0x47: {  	_ =	shalt  }
0x48: {  	_ =	shalt  }
0x49: {  	_ =	shalt  }
0x4a: {  	_ =	shalt  }
0x4b: {  	_ =	shalt  }
0x4c: {  	_ =	shalt  }
0x4d: {  	_ =	shalt  }
0x4e: {  	_ =	shalt  }
0x4f: {  	_ =	shalt  }
0x50: {  	_ =	shalt  }
0x51: {  	_ =	shalt  }
0x52: {  	_ =	shalt  }
0x53: {  	_ =	shalt  }
0x54: {  	_ =	shalt  }
0x55: {  	_ =	shalt  }
0x56: {  	_ =	shalt  }
0x57: {  	_ =	shalt  }
0x58: {  	_ =	shalt  }
0x59: {  	_ =	shalt  }
0x5a: {  	_ =	shalt  }
0x5b: {  	_ =	shalt  }
0x5c: {  	_ =	shalt  }
0x5d: {  	_ =	shalt  }
0x5e: {  	_ =	shalt  }
0x5f: {  	_ =	shalt  }
0x60: {  	_ =	shalt  }
0x61: {  	_ =	shalt  }
0x62: {  	_ =	shalt  }
0x63: {  	_ =	shalt  }
0x64: {  	_ =	shalt  }
0x65: {  	_ =	shalt  }
0x66: {  	_ =	shalt  }
0x67: {  	_ =	shalt  }
0x68: {  	_ =	shalt  }
0x69: {  	_ =	shalt  }
0x6a: {  	_ =	shalt  }
0x6b: {  	_ =	shalt  }
0x6c: {  	_ =	shalt  }
0x6d: {  	_ =	shalt  }
0x6e: {  	_ =	shalt  }
0x6f: {  	_ =	shalt  }
0x70: {  	_ =	shalt  }
0x71: {  	_ =	shalt  }
0x72: {  	_ =	shalt  }
0x73: {  	_ =	shalt  }
0x74: {  	_ =	shalt  }
0x75: {  	_ =	shalt  }
0x76: {  	_ =	shalt  }
0x77: {  	_ =	shalt  }
0x78: {  	_ =	shalt  }
0x79: {  	_ =	shalt  }
0x7a: {  	_ =	shalt  }
0x7b: {  	_ =	shalt  }
0x7c: {  	_ =	shalt  }
0x7d: {  	_ =	shalt  }
0x7e: {  	_ =	shalt  }
0x7f: {  	_ =	shalt  }
0x80: {  	_ =	shalt  }
0x81: {  	_ =	shalt  }
0x82: {  	_ =	shalt  }
0x83: {  	_ =	shalt  }
0x84: {  	_ =	shalt  }
0x85: {  	_ =	shalt  }
0x86: {  	_ =	shalt  }
0x87: {  	_ =	shalt  }
.Lfunc_end0:
.L_simem_size_0:
called_computation.2_lowered:
.L_overlay_start_0:
0x88: {  	s2 =	sld [smem:$0x3FD9]  }
0x89: {  	s3 =	sld [smem:$0x3FFE];
	_ =	sdelay $0x1  }
0x8a: {  	s1 =	srdreg.scid  }
0x8b: {  	s0 =	sand.u32 $0x1, s1  }
0x8c: {  	s16 =	sshll.u32 s0, $0xA;
	s2 =	sadd.s32 s3, s2  }
0x8d: {  	s2 =	sadd.s32 s2, s16  }
0x8e: {  	[smem:$0x3F98] =	sst s2  }
0x8f: {  	_ = 	snop  }
0x90: {  	(tm) =	ssettm $0x1  }
0x91: {  	s17 =	sld [smem:$0x3FFB];
	_ =	sdelay $0x3  }
0x92: {  	_ =	strace s17  }
0x93: {  	s2 =	sld [smem:$0x3FFC];
	_ =	sdelay $0x3  }
0x94: {  	_ =	strace s2  }
0x95: {  	s2 =	sld [smem:$0x3FFD];
	_ =	sdelay $0x3  }
0x96: {  	_ =	strace s2  }
0x97: {  	_ =	strace $0x8FFFFFFF  }
0x98: {  	s18 =	sld [smem:$0x3FDB];
	_ =	sdelay $0x1  }
0x99: {  	s19 =	simm.s32 $_scs_section_size  }
0x9a: {  	s4 =	simm.s32 $_size__tile_overlayer_lowered;
	s5 =	simm.s32 $_tile_overlayer_lowered  }
0x9b: {  	s22 =	simm.s32 $0x1BFF;
	s21 =	sshll.u32 s5, $0x1;
	s2 =	sadd.s32 s19, s18  }
0x9c: {  	s6 =	simm.s32 $0x0;
	s20 =	sshll.u32 s4, $0x1;
	s4 =	sadd.s32 s21, s2  }
0x9d: {  	[timem:s6], [sflag:s22] =	dma.local [hbm:s4], s20  }
0x9e: {  	_ =	swait.ge [sflag:s22], s20  }
0x9f: {  	s3 =	ssub.s32 $0x0, s20;
	[sflag:s22] =	ssyncset.done $0x0  }
0xa0: {  	[sflag:s22] =	ssyncadd.s32 s3;
	_ =	sdelay $0x1  }
0xa1: {  	s23 =	simm.s32 $0x1B8B  }
0xa2: {  	_ =	swait.ge [sflag:s23], $0x1  }
0xa3: {  	[sflag:s23] =	ssyncset.done $0x0  }
0xa4: {  	s25 =	simm.s32 $0x1B8E;
	s24 =	sld [smem:$0x3FFE];
	[sflag:s23] =	ssyncadd.s32 $0xFFFFFFFF  }
0xa5: {  	s26 =	simm.s32 $execute0_lowered;
	[smem:$0x3FD2] =	sst s25  }
0xa6: {  	s4 =	sshll.u32 s26, $0x1;
	_ =	strace $0x8000004C;
	[dreg:$0x1] =	wrdreg $0xFFFFFFFF  }
0xa7: {  	s28 =	simm.s32 $_size_execute0_lowered;
	s2 =	sadd.s32 s2, s4;
	[dreg:$0x0] =	wrdreg $0x0  }
0xa8: {  	s4 =	sshll.u32 s28, $0x1;
	[dreg:$0x2] =	wrdreg s2  }
0xa9: {  	[dreg:$0x3] =	wrdreg s4  }
0xaa: {  	[dreg:$0x4] =	wrdreg $0xC0  }
0xab: {  	_ =	task [dreg:s6], $0x5FFFF  }
0xac: {  	[dreg:$0x1] =	wrdreg $0xFFFFFFFF  }
0xad: {  	[dreg:$0x0] =	wrdreg $0x60  }
0xae: {  	[dreg:$0x2] =	wrdreg s24  }
0xaf: {  	[dreg:$0x3] =	wrdreg $0x9  }
0xb0: {  	_ =	task.clear_ibuf [dreg:s6], $0x4FFFF;
	_ =	strace $0x9000004C  }
0xb1: {  	s29 =	simm.s32 $0x9;
	_ =	strace $0x8000004E  }
0xb2: {  	_ =	swait.ge [sflag:s29], $0x1  }
0xb3: {  	[sflag:s29] =	ssyncadd.s32 $0xFFFFFFFF  }
0xb4: {  	_ =	strace $0x9000004E  }
0xb5: {  	_ =	sfence  }
0xb6: {  	s30 =	sld [smem:$0x0];
	_ =	sdelay $0x2  }
0xb7: {  	s31 =	sshll.u32 s1, $0xD;
	s1 =	sshrl.u32 s1, $0x2  }
0xb8: {  	s3 =	sand.u32 $0x4000, s31;
	s1 =	sadd.s32 s1, s30  }
0xb9: {  	s0 =	sor.u32 s3, s0;
	s1 =	sshll.u32 s1, $0x11  }
0xba: {  	s0 =	sor.u32 s1, s0  }
0xbb: {  	s0 =	sadd.s32 $0x8F2B, s0  }
0xbc: {  	[sflag:s0] =	ssyncadd.remote.s32 $0x1  }
0xbd: {  	_ =	sfence.sel $0xFFFF  }
0xbe: {  	[dreg:$0x0] =	wrdreg $0xFFFFFFFF;
	(pc) =	sbr.abs _section_cstart, $3  }
0xbf: {  	[dreg:$0x1] =	wrdreg $0xFFFFFFFF  }
0xc0: {  	_ =	task.clear_ibuf [dreg:s6], $0x2FFFF;
	_ =	strace $0x9FFFFFFF  }
0xc1: {  	(tm) =	ssettm $0x7FFFFFFF  }
tec
execute0_lowered:
.L_overlay_start_1:
0x0: {  	(tag) =	ssettag $0x1  }
0x1: {  	s6 =	rddreg [dreg:$0x0]  }
0x2: {  	s0 =	rddreg [dreg:$0x1]  }
0x3: {  	s3 =	srdreg.scid;
	s1 =	stileid.u32;
	s2 =	simm.s32 $0x0  }
0x4: {  	s13 =	simm.s32 $0x1;
	s14 =	simm.s32 $0x2;
	s15 =	simm.s32 $0x80  }
0x5: {  	s16 =	simm.s32 $0x0;
	s7 =	sand.u32 $0x1, s3;
	s31 =	sshll.u32 s1, $0x1  }
0x6: {  	[smem:$0x7FF] =	sst s2;
	s4 =	sadd.s32 $0xD0400, s6;
	s10 =	smul.u32 $0x620000, s1  }
0x7: {  	s3 =	sor.u32 s7, s31;
	s9 =	ssub.s32 $0x2, s7;
	s12 =	smul.u32 $0x310000, s7  }
.Ltmp0:
0x8: {  	_ =	strace $0x8000004D;
	s11 =	sshrl.u32 s9, $0x1;
	(pc) =	sbr.rel .LBB2_1-.Ltmp0, $4  }
0x9: {  	s5 =	smul.u32 $0xC40, s3;
	s3 =	sadd.s32 $0x48D400, s6;
	s9 =	ssub.s32 s9, s11  }
0xa: {  	s10 =	sadd.s32 s12, s10;
	s11 =	simm.s32 $0x3;
	s12 =	simm.s32 $0x6200  }
0xb: {  	s8 =	sadd.s32 s5, s6;
	s5 =	sadd.s32 $0x7F8200, s6;
	s6 =	sadd.s32 $0x1438200, s6  }
0xc: {  	s9 =	smax.u32 s9, $0x1;
	s7 =	sadd.s32 $0x3DDC00, s8;
	s8 =	sadd.s32 $0x40EC00, s8  }
.LBB2_7:
0xd: {  	s16 =	sadd.s32 $0x1, s16  }
0xe: {  	_ =	swait.ge [sflag:s14], $0x4000;
	p0 =	sne.s32 s16, s9  }
.Ltmp1:
0xf: {  	[sflag:s14] =	ssyncset.done $0x0;
	(pc) =	sbr.rel @!p0 .LBB2_8-.Ltmp1, $4  }
0x10: {  	[sflag:s14] =	ssyncadd.s32 $0xFFFFC000  }
0x11: {  	_ =	swait.ge [sflag:s14], $0x4000  }
0x12: {  	[sflag:s14] =	ssyncset.done $0x0  }
0x13: {  	[sflag:s14] =	ssyncadd.s32 $0xFFFFC000  }
.LBB2_1:
0x14: {  	[tilespmem:s2], [sflag:$0x3] =	stream.linear.gather [hbm4b:s7+s2], $0x6200, $0x38;
	[tilespmem:$0x12200] =	vst v63  }
0x15: {  	_ =	swait.ge [sflag:s11], $0x6200  }
0x16: {  	s17 =	simm.s32 $0x80;
	[sflag:s11] =	ssyncset.done $0x0  }
0x17: {  	s18 =	smov.u32 s10;
	s19 =	simm.s32 $0x1;
	[sflag:s11] =	ssyncadd.s32 $0xFFFF9E00  }
0x18: {  	[tilespmem:s12], [sflag:$0x1] =	stream.indirect.gather [hbm4b:s3+s15], $0x80, s2, s15, $0xb8;
	[tilespmem:$0x12200] =	vst v63  }
.LBB2_2:
0x19: {  	s20 =	sadd.s32 $0xFFFFFFFF, s19  }
0x1a: {  	s21 =	smul.u32 $0xAB, s20;
	_ =	sdelay $0x1  }
0x1b: {  	s21 =	sshrl.u32 s21, $0x9  }
0x1c: {  	s21 =	sand.u32 $0x7F, s21  }
0x1d: {  	s21 =	smul.u32 $0x3, s21  }
0x1e: {  	_ =	swait.ge [sflag:s13], $0x4000;
	s22 =	sshrl.u32 s18, $0x3  }
0x1f: {  	[sflag:s13] =	ssyncset.done $0x0;
	p0 =	slt.u32 s20, $0x2;
	s21 =	ssub.s32 s20, s21  }
0x20: {  	s22 =	sadd.s32 s5, s22;
	p1 =	seq.s32 @!p0 s19, $0xC4;
	s21 =	sand.u32 $0xFF, s21  }
0x21: {  	[sflag:s13] =	ssyncadd.s32 $0xFFFFC000;
	p1 =	por p0, !p1;
	s21 =	sshll.u32 s21, $0xE  }
.Ltmp2:
0x22: {  	s20 =	simm.s32 @!p0 $0x2;
	s21 =	sadd.s32 $0x6200, s21;
	(pc) =	sbr.rel @!p1 .LBB2_4-.Ltmp2, $4  }
0x23: {  	[hbm4b:s22+s2] =	stream.linear.scatter [tilespmem:s21], [sflag:$0x2], $0x4000, $0x38;
	[tilespmem:$0x12200] =	vst v63  }
0x24: {  	_ =	swait.ge @!p0 [sflag:s20], $0x4000  }
0x25: {  	[sflag:s20] =	ssyncset.done @!p0 $0x0  }
0x26: {  	[sflag:s20] =	ssyncadd.s32 @!p0 $0xFFFFC000  }
0x27: {  	s20 =	smul.u32 $0xAB, s19;
	_ =	sdelay $0x1  }
0x28: {  	s20 =	sshrl.u32 s20, $0x9  }
0x29: {  	s20 =	sand.u32 $0x7F, s20  }
0x2a: {  	s20 =	smul.u32 $0x3, s20;
	_ =	sdelay $0x1  }
0x2b: {  	s20 =	ssub.s32 s19, s20  }
.Ltmp3:
0x2c: {  	s20 =	sand.u32 $0xFF, s20;
	(pc) =	sbr.rel .LBB2_2-.Ltmp3, $4  }
0x2d: {  	s20 =	sshll.u32 s20, $0xE  }
0x2e: {  	s20 =	sadd.s32 $0x6200, s20  }
0x2f: {  	[tilespmem:s20], [sflag:$0x1] =	stream.indirect.gather [hbm4b:s3+s15], $0x80, s17, s15, $0xb8;
	[tilespmem:$0x12200] =	vst v63  }
0x30: {  	s18 =	sadd.s32 $0x4000, s18;
	s19 =	sadd.s32 $0x1, s19;
	s17 =	sadd.s32 $0x80, s17  }
.LBB2_4:
0x31: {  	_ =	swait.ge [sflag:s14], $0x4000  }
0x32: {  	[sflag:s14] =	ssyncset.done $0x0  }
0x33: {  	[sflag:s14] =	ssyncadd.s32 $0xFFFFC000  }
0x34: {  	_ =	swait.ge [sflag:s14], $0x4000  }
0x35: {  	[sflag:s14] =	ssyncset.done $0x0  }
0x36: {  	[sflag:s14] =	ssyncadd.s32 $0xFFFFC000  }
0x37: {  	[tilespmem:s2], [sflag:$0x3] =	stream.linear.gather [hbm4b:s8+s2], $0x6200, $0x38;
	[tilespmem:$0x12200] =	vst v63  }
0x38: {  	_ =	swait.ge [sflag:s11], $0x6200  }
0x39: {  	s17 =	simm.s32 $0x80;
	[sflag:s11] =	ssyncset.done $0x0  }
0x3a: {  	s18 =	simm.s32 $0x1;
	s19 =	smov.u32 s10;
	[sflag:s11] =	ssyncadd.s32 $0xFFFF9E00  }
0x3b: {  	[tilespmem:s12], [sflag:$0x1] =	stream.indirect.gather [hbm4b:s4+s17], $0x80, s2, s17, $0xb8;
	[tilespmem:$0x12200] =	vst v63  }
.LBB2_5:
0x3c: {  	s20 =	sadd.s32 $0xFFFFFFFF, s18  }
0x3d: {  	s21 =	smul.u32 $0xAB, s20;
	_ =	sdelay $0x1  }
0x3e: {  	s21 =	sshrl.u32 s21, $0x9  }
0x3f: {  	s21 =	sand.u32 $0x7F, s21  }
0x40: {  	s21 =	smul.u32 $0x3, s21  }
0x41: {  	_ =	swait.ge [sflag:s13], $0x4000;
	s22 =	sshrl.u32 s19, $0x3  }
0x42: {  	[sflag:s13] =	ssyncset.done $0x0;
	p0 =	slt.u32 s20, $0x2;
	s21 =	ssub.s32 s20, s21  }
0x43: {  	s22 =	sadd.s32 s6, s22;
	p1 =	seq.s32 @!p0 s18, $0xC4;
	s21 =	sand.u32 $0xFF, s21  }
0x44: {  	[sflag:s13] =	ssyncadd.s32 $0xFFFFC000;
	p1 =	por p0, !p1;
	s21 =	sshll.u32 s21, $0xE  }
.Ltmp4:
0x45: {  	s20 =	simm.s32 @!p0 $0x2;
	s21 =	sadd.s32 $0x6200, s21;
	(pc) =	sbr.rel @!p1 .LBB2_7-.Ltmp4, $4  }
0x46: {  	[hbm4b:s22+s2] =	stream.linear.scatter [tilespmem:s21], [sflag:$0x2], $0x4000, $0x38;
	[tilespmem:$0x12200] =	vst v63  }
0x47: {  	_ =	swait.ge @!p0 [sflag:s20], $0x4000  }
0x48: {  	[sflag:s20] =	ssyncset.done @!p0 $0x0  }
0x49: {  	[sflag:s20] =	ssyncadd.s32 @!p0 $0xFFFFC000  }
0x4a: {  	s20 =	smul.u32 $0xAB, s18;
	_ =	sdelay $0x1  }
0x4b: {  	s20 =	sshrl.u32 s20, $0x9  }
0x4c: {  	s20 =	sand.u32 $0x7F, s20  }
0x4d: {  	s20 =	smul.u32 $0x3, s20;
	_ =	sdelay $0x1  }
0x4e: {  	s20 =	ssub.s32 s18, s20  }
.Ltmp5:
0x4f: {  	s20 =	sand.u32 $0xFF, s20;
	(pc) =	sbr.rel .LBB2_5-.Ltmp5, $4  }
0x50: {  	s20 =	sshll.u32 s20, $0xE  }
0x51: {  	s20 =	sadd.s32 $0x6200, s20  }
0x52: {  	[tilespmem:s20], [sflag:$0x1] =	stream.indirect.gather [hbm4b:s4+s15], $0x80, s17, s15, $0xb8;
	[tilespmem:$0x12200] =	vst v63  }
0x53: {  	s19 =	sadd.s32 $0x4000, s19;
	s18 =	sadd.s32 $0x1, s18;
	s17 =	sadd.s32 $0x80, s17  }
.LBB2_8:
0x54: {  	_ =	sfence.sel $0x180000  }
0x55: {  	[bflag:$0x0] =	sbarrier.arrive $0xFFFF  }
0x56: {  	p0 =	sne.s32 s1, $0x0;
	_ =	strace $0x9000004D  }
0x57: {  	s0 =	sadd.s32 @!p0 $0x100000, s0;
	[bflag:$0x2] =	sbarrier.arrive $0xFFFF  }
0x58: {  	[sflag:s0] =	ssyncadd.tile.s32 @!p0 $0x1;
	_ =	shalt  }
.Lfunc_end2:
_tile_overlayer_lowered:
.L_overlay_start_2:
0x59: {  	(tag) =	ssettag $0x2  }
0x5a: {  	s0 =	rddreg [dreg:$0x0];
	s2 =	stileid.u32  }
0x5b: {  	s1 =	rddreg [dreg:$0x1];
	p0 =	sne.s32 s2, $0x0  }
0x5c: {  	s3 =	rddreg [dreg:$0x2];
	[bflag:$0x3] =	sbarrier.arrive $0xFFFF;
	s2 =	simm.s32 @!p0 $0x1C03  }
0x5d: {  	[timem:s3], [sflag:s2] =	dma.local @!p0 [hbm:s0], s1  }
0x5e: {  	s0 =	simm.s32 @!p0 $0x3  }
0x5f: {  	_ =	swait.ge @!p0 [sflag:s0], s1  }
0x60: {  	s1 =	ssub.s32 @!p0 $0x0, s1;
	[sflag:s0] =	ssyncset.done @!p0 $0x0  }
0x61: {  	[sflag:s0] =	ssyncadd.s32 @!p0 s1  }
0x62: {  	[bflag:$0x3] =	sbarrier.arrive $0xFFFF  }
0x63: {  	_ =	shalt  }

// kernel: kernel.25.cloned.1.call-start
scs
__scs_entry_jumppad:
0x0: {  	(pc) =	sbr.rel $0x88, $3  }
0x1: {  	(tag) =	ssettag $0x0;
	lr =	simm.s32 $0x1  }
0x2: {  	[smem:$0x3F71] =	sst lr;
	_ =	strace $0xD0000000  }
0x3: {  	_ = 	snop  }
0x4: {  	_ = 	snop  }
0x5: {  	_ = 	snop  }
0x6: {  	_ = 	snop  }
0x7: {  	_ = 	snop  }
__scs_overlays_trampoline_lowered:
0x8: {  	[smem:$0x3F80] =	sst s0  }
0x9: {  	[smem:$0x3F81] =	sst s1  }
0xa: {  	[smem:$0x3F82] =	sst s2  }
0xb: {  	[smem:$0x3F83] =	sst s3  }
0xc: {  	[smem:$0x3F84] =	sst s4  }
0xd: {  	[smem:$0x3F85] =	sst s5  }
0xe: {  	[smem:$0x3F86] =	sst s6  }
0xf: {  	[smem:$0x3F87] =	sst s7  }
0x10: {  	[smem:$0x3F88] =	sst s8  }
0x11: {  	[smem:$0x3F89] =	sst s9;
	s0 =	simm.s32 @!p0 $0x0  }
0x12: {  	s1 =	sld [smem:$0x3F6F];
	s0 =	simm.s32 @p0 $0x1  }
0x13: {  	[smem:$0x3F8A] =	sst s0;
	s0 =	simm.s32 @!p1 $0x0  }
0x14: {  	s2 =	sld [smem:$0x3F6E];
	s0 =	simm.s32 @p1 $0x1  }
0x15: {  	[smem:$0x3F8B] =	sst s0;
	s0 =	simm.s32 @!p2 $0x0  }
0x16: {  	s3 =	sld [smem:$0x3FDB];
	s0 =	simm.s32 @p2 $0x1  }
0x17: {  	s4 =	simm.s32 $0x1BF5;
	[smem:$0x3F8D] =	sst s0  }
0x18: {  	s0 =	sld [smem:$0x3F70];
	_ =	swait.ge [sflag:s4], $0x0  }
0x19: {  	s7 =	sld [smem:$0x3F71]  }
0x1a: {  	s8 =	sadd.s32 $0xFFFFE003, lr  }
0x1b: {  	s9 =	sadd.s32 $0xFFFFFEF7, lr;
	s5 =	simm.s32 $0xFFFFFFFF;
	p2 =	slt.u32 s8, $0xFFFFF086  }
0x1c: {  	p1 =	slt.u32 s9, $0xF7A;
	s5 =	simm.s32 @!p2 $0x0  }
0x1d: {  	s5 =	simm.s32 @p1 $0x1;
	p0 =	seq.s32 s7, s2  }
0x1e: {  	s7 =	smul.u32 @!p0 $0xF7A, s2;
	p2 =	seq.s32 @!p0 s5, $0x0  }
0x1f: {  	s9 =	smul.u32 $0xF7A, s1;
	s8 =	simm.s32 @!p0 $0x1BF5;
	p2 =	por !p2, p0  }
0x20: {  	[sflag:s8] =	ssyncset.s32 @!p0 $0xFFFFF086;
	s6 =	sadd.s32 @!p0 s3, s7;
	s7 =	simm.s32 @!p0 $0x108  }
0x21: {  	s3 =	sadd.s32 s3, s9;
	s6 =	sadd.s32 @!p0 $0x88, s6;
	s7 =	simm.s32 @p2 $0x1082  }
0x22: {  	[simem:s7], [sflag:s8] =	dma.local @!p0 [hbm:s6], $0xF7A  }
0x23: {  	s9 =	sor.u32 $0xD0000000, s2;
	s6 =	simm.s32 $0x108;
	_ =	swait.ge @!p0 [sflag:s8], $0x0  }
0x24: {  	s3 =	sadd.s32 $0x88, s3;
	s6 =	simm.s32 @!p1 $0x1082;
	[sflag:s4] =	ssyncset.s32 $0xFFFFF086  }
0x25: {  	[simem:s6], [sflag:s4] =	dma.local [hbm:s3], $0xF7A  }
0x26: {  	[smem:$0x3F71] =	sst s1;
	(tag) =	ssettag s2;
	_ =	strace s9  }
0x27: {  	s1 =	sld [smem:$0x3F81]  }
0x28: {  	s2 =	sld [smem:$0x3F82]  }
0x29: {  	s4 =	sld [smem:$0x3F84]  }
0x2a: {  	p0 =	seq.s32 s5, $0x0;
	s5 =	sld [smem:$0x3F85]  }
0x2b: {  	s6 =	sld [smem:$0x3F86]  }
0x2c: {  	s7 =	sld [smem:$0x3F87]  }
0x2d: {  	s3 =	simm.s32 $0x108;
	s8 =	sld [smem:$0x3F88]  }
0x2e: {  	s3 =	simm.s32 @!p0 $0x1082;
	s9 =	sld [smem:$0x3F89]  }
0x2f: {  	lr =	sadd.s32 s0, s3;
	s0 =	sld [smem:$0x3F80]  }
0x30: {  	s3 =	sld [smem:$0x3F83]  }
0x31: {  	[smem:$0x3F8C] =	sst s10  }
0x32: {  	s10 =	sld [smem:$0x3F8A];
	_ =	sdelay $0x3  }
0x33: {  	p0 =	seq.s32 s10, $0x1;
	s10 =	sld [smem:$0x3F8C];
	_ =	sdelay $0x3  }
0x34: {  	[smem:$0x3F8C] =	sst s10  }
0x35: {  	s10 =	sld [smem:$0x3F8B];
	_ =	sdelay $0x3  }
0x36: {  	p1 =	seq.s32 s10, $0x1;
	s10 =	sld [smem:$0x3F8C];
	_ =	sdelay $0x3  }
0x37: {  	[smem:$0x3F8C] =	sst s10  }
0x38: {  	s10 =	sld [smem:$0x3F8D]  }
0x39: {  	_ = 	snop;
	(pc) =	sbr.ind lr, $3  }
0x3a: {  	_ = 	snop  }
0x3b: {  	_ = 	snop  }
0x3c: {  	p2 =	seq.s32 s10, $0x1;
	s10 =	sld [smem:$0x3F8C]  }
0x3d: {  	_ =	shalt  }
0x3e: {  	_ =	shalt  }
0x3f: {  	_ =	shalt  }
0x40: {  	_ =	shalt  }
0x41: {  	_ =	shalt  }
0x42: {  	_ =	shalt  }
0x43: {  	_ =	shalt  }
0x44: {  	_ =	shalt  }
0x45: {  	_ =	shalt  }
0x46: {  	_ =	shalt  }
0x47: {  	_ =	shalt  }
0x48: {  	_ =	shalt  }
0x49: {  	_ =	shalt  }
0x4a: {  	_ =	shalt  }
0x4b: {  	_ =	shalt  }
0x4c: {  	_ =	shalt  }
0x4d: {  	_ =	shalt  }
0x4e: {  	_ =	shalt  }
0x4f: {  	_ =	shalt  }
0x50: {  	_ =	shalt  }
0x51: {  	_ =	shalt  }
0x52: {  	_ =	shalt  }
0x53: {  	_ =	shalt  }
0x54: {  	_ =	shalt  }
0x55: {  	_ =	shalt  }
0x56: {  	_ =	shalt  }
0x57: {  	_ =	shalt  }
0x58: {  	_ =	shalt  }
0x59: {  	_ =	shalt  }
0x5a: {  	_ =	shalt  }
0x5b: {  	_ =	shalt  }
0x5c: {  	_ =	shalt  }
0x5d: {  	_ =	shalt  }
0x5e: {  	_ =	shalt  }
0x5f: {  	_ =	shalt  }
0x60: {  	_ =	shalt  }
0x61: {  	_ =	shalt  }
0x62: {  	_ =	shalt  }
0x63: {  	_ =	shalt  }
0x64: {  	_ =	shalt  }
0x65: {  	_ =	shalt  }
0x66: {  	_ =	shalt  }
0x67: {  	_ =	shalt  }
0x68: {  	_ =	shalt  }
0x69: {  	_ =	shalt  }
0x6a: {  	_ =	shalt  }
0x6b: {  	_ =	shalt  }
0x6c: {  	_ =	shalt  }
0x6d: {  	_ =	shalt  }
0x6e: {  	_ =	shalt  }
0x6f: {  	_ =	shalt  }
0x70: {  	_ =	shalt  }
0x71: {  	_ =	shalt  }
0x72: {  	_ =	shalt  }
0x73: {  	_ =	shalt  }
0x74: {  	_ =	shalt  }
0x75: {  	_ =	shalt  }
0x76: {  	_ =	shalt  }
0x77: {  	_ =	shalt  }
0x78: {  	_ =	shalt  }
0x79: {  	_ =	shalt  }
0x7a: {  	_ =	shalt  }
0x7b: {  	_ =	shalt  }
0x7c: {  	_ =	shalt  }
0x7d: {  	_ =	shalt  }
0x7e: {  	_ =	shalt  }
0x7f: {  	_ =	shalt  }
0x80: {  	_ =	shalt  }
0x81: {  	_ =	shalt  }
0x82: {  	_ =	shalt  }
0x83: {  	_ =	shalt  }
0x84: {  	_ =	shalt  }
0x85: {  	_ =	shalt  }
0x86: {  	_ =	shalt  }
0x87: {  	_ =	shalt  }
.Lfunc_end0:
.L_simem_size_0:
called_computation.3_lowered:
.L_overlay_start_0:
0x88: {  	s2 =	sld [smem:$0x3FD9]  }
0x89: {  	s3 =	sld [smem:$0x3FFE];
	_ =	sdelay $0x1  }
0x8a: {  	s1 =	srdreg.scid  }
0x8b: {  	s0 =	sand.u32 $0x1, s1  }
0x8c: {  	s16 =	sshll.u32 s0, $0xA;
	s2 =	sadd.s32 s3, s2  }
0x8d: {  	s2 =	sadd.s32 s2, s16  }
0x8e: {  	[smem:$0x3F98] =	sst s2  }
0x8f: {  	_ = 	snop  }
0x90: {  	(tm) =	ssettm $0x1  }
0x91: {  	s17 =	sld [smem:$0x3FFB];
	_ =	sdelay $0x3  }
0x92: {  	_ =	strace s17  }
0x93: {  	s2 =	sld [smem:$0x3FFC];
	_ =	sdelay $0x3  }
0x94: {  	_ =	strace s2  }
0x95: {  	s2 =	sld [smem:$0x3FFD];
	_ =	sdelay $0x3  }
0x96: {  	_ =	strace s2  }
0x97: {  	_ =	strace $0x8FFFFFFF  }
0x98: {  	s18 =	sld [smem:$0x3FDB];
	_ =	sdelay $0x1  }
0x99: {  	s19 =	simm.s32 $_scs_section_size  }
0x9a: {  	s4 =	simm.s32 $_size__tile_overlayer_lowered;
	s5 =	simm.s32 $_tile_overlayer_lowered  }
0x9b: {  	s22 =	simm.s32 $0x1BFF;
	s21 =	sshll.u32 s5, $0x1;
	s2 =	sadd.s32 s19, s18  }
0x9c: {  	s6 =	simm.s32 $0x0;
	s20 =	sshll.u32 s4, $0x1;
	s4 =	sadd.s32 s21, s2  }
0x9d: {  	[timem:s6], [sflag:s22] =	dma.local [hbm:s4], s20  }
0x9e: {  	_ =	swait.ge [sflag:s22], s20  }
0x9f: {  	s3 =	ssub.s32 $0x0, s20;
	[sflag:s22] =	ssyncset.done $0x0  }
0xa0: {  	[sflag:s22] =	ssyncadd.s32 s3;
	_ =	sdelay $0x1  }
0xa1: {  	s23 =	simm.s32 $0x1B8B  }
0xa2: {  	_ =	swait.ge [sflag:s23], $0x1  }
0xa3: {  	[sflag:s23] =	ssyncset.done $0x0  }
0xa4: {  	s25 =	simm.s32 $0x1B8E;
	s24 =	sld [smem:$0x3FFE];
	[sflag:s23] =	ssyncadd.s32 $0xFFFFFFFF  }
0xa5: {  	s26 =	simm.s32 $execute0_lowered;
	[smem:$0x3FD2] =	sst s25  }
0xa6: {  	s4 =	sshll.u32 s26, $0x1;
	_ =	strace $0x8000004F;
	[dreg:$0x1] =	wrdreg $0xFFFFFFFF  }
0xa7: {  	s28 =	simm.s32 $_size_execute0_lowered;
	s2 =	sadd.s32 s2, s4;
	[dreg:$0x0] =	wrdreg $0x0  }
0xa8: {  	s4 =	sshll.u32 s28, $0x1;
	[dreg:$0x2] =	wrdreg s2  }
0xa9: {  	[dreg:$0x3] =	wrdreg s4  }
0xaa: {  	[dreg:$0x4] =	wrdreg $0xC0  }
0xab: {  	_ =	task [dreg:s6], $0x5FFFF  }
0xac: {  	[dreg:$0x1] =	wrdreg $0xFFFFFFFF  }
0xad: {  	[dreg:$0x0] =	wrdreg $0x60  }
0xae: {  	[dreg:$0x2] =	wrdreg s24  }
0xaf: {  	[dreg:$0x3] =	wrdreg $0x41000  }
0xb0: {  	[dreg:$0x4] =	wrdreg $0x9  }
0xb1: {  	_ =	task.clear_ibuf [dreg:s6], $0x5FFFF;
	_ =	strace $0x9000004F  }
0xb2: {  	s29 =	simm.s32 $0x9;
	_ =	strace $0x80000051  }
0xb3: {  	_ =	swait.ge [sflag:s29], $0x1  }
0xb4: {  	[sflag:s29] =	ssyncadd.s32 $0xFFFFFFFF  }
0xb5: {  	_ =	strace $0x90000051  }
0xb6: {  	_ =	sfence  }
0xb7: {  	s30 =	sld [smem:$0x0];
	_ =	sdelay $0x2  }
0xb8: {  	s31 =	sshll.u32 s1, $0xD;
	s1 =	sshrl.u32 s1, $0x2  }
0xb9: {  	s3 =	sand.u32 $0x4000, s31;
	s1 =	sadd.s32 s1, s30  }
0xba: {  	s0 =	sor.u32 s3, s0;
	s1 =	sshll.u32 s1, $0x11  }
0xbb: {  	s0 =	sor.u32 s1, s0  }
0xbc: {  	s0 =	sadd.s32 $0x8F2B, s0  }
0xbd: {  	[sflag:s0] =	ssyncadd.remote.s32 $0x1  }
0xbe: {  	_ =	sfence.sel $0xFFFF  }
0xbf: {  	[dreg:$0x0] =	wrdreg $0xFFFFFFFF;
	(pc) =	sbr.abs _section_cstart, $3  }
0xc0: {  	[dreg:$0x1] =	wrdreg $0xFFFFFFFF  }
0xc1: {  	_ =	task.clear_ibuf [dreg:s6], $0x2FFFF;
	_ =	strace $0x9FFFFFFF  }
0xc2: {  	(tm) =	ssettm $0x7FFFFFFF  }
0xc3: {  	_ =	shalt  }
tec
execute0_lowered:
.L_overlay_start_1:
0x0: {  	(tag) =	ssettag $0x1  }
0x1: {  	s8 =	rddreg [dreg:$0x0]  }
0x2: {  	s1 =	rddreg [dreg:$0x1]  }
0x3: {  	s3 =	simm.s32 $0x0;
	s2 =	stileid.u32;
	s7 =	srdreg.scid  }
0x4: {  	s22 =	simm.s32 $0x40;
	s23 =	simm.s32 $0x2;
	s9 =	smul.u32 $0x63000, s2  }
0x5: {  	s24 =	simm.s32 $0x0;
	s10 =	sand.u32 $0x1, s7;
	s7 =	smul.u32 $0xC400, s2  }
0x6: {  	[smem:$0x7FF] =	sst s3;
	s4 =	sadd.s32 $0x38ED400, s8;
	s13 =	smul.u32 $0xC4000, s2  }
0x7: {  	s5 =	sadd.s32 $0xCE00, s8;
	s6 =	sadd.s32 $0x48A200, s8;
	s14 =	smul.u32 $0x310, s2  }
0x8: {  	s16 =	sadd.s32 $0x6EE00, s8;
	s25 =	sshll.u32 s2, $0x6;
	s15 =	smul.u32 $0x62000, s2  }
0x9: {  	_ =	strace $0x80000050;
	s11 =	ssub.s32 $0x2, s10;
	s8 =	smul.u32 $0x188000, s10  }
0xa: {  	s19 =	smul.u32 $0x6200, s10;
	s20 =	sshllo.u32 s10, $0x1;
	s12 =	sshrl.u32 s11, $0x1  }
0xb: {  	s9 =	sshrl.u32 s9, $0x2;
	s28 =	sshrl.u32 s15, $0x2;
	s29 =	smul.u32 $0x3100, s20  }
0xc: {  	s17 =	ssub.s32 s11, s12;
	s18 =	sadd.s32 s9, s1;
	s26 =	sadd.s32 s7, s8  }
0xd: {  	s9 =	sor.u32 $0x1C03, s25;
	s12 =	sadd.s32 s4, s13;
	s11 =	sshrl.u32 s26, $0x3  }
0xe: {  	s19 =	sadd.s32 s14, s19;
	s10 =	sadd.s32 s5, s11;
	s11 =	smul.u32 $0xC4000, s20  }
.Ltmp0:
0xf: {  	s13 =	sadd.s32 s28, s1;
	s19 =	sshll.u32 s19, $0x4;
	(pc) =	sbr.rel .LBB2_1-.Ltmp0, $4  }
0x10: {  	s21 =	sadd.s32 s14, s29;
	s17 =	smax.u32 s17, $0x1;
	s18 =	sshrl.u32 s18, $0x3  }
0x11: {  	s14 =	sadd.s32 s16, s19;
	s31 =	sshll.u32 s21, $0x4;
	s30 =	sadd.s32 s7, s11  }
0x12: {  	s19 =	simm.s32 $0x3;
	s21 =	simm.s32 $0x1;
	s20 =	sshrl.u32 s30, $0x3  }
0x13: {  	s16 =	sadd.s32 s16, s31;
	s15 =	sadd.s32 s5, s20;
	s20 =	simm.s32 $0x100  }
.LBB2_9:
0x14: {  	_ =	swait.ge [sflag:s23], $0x2000  }
0x15: {  	[sflag:s23] =	ssyncset.done $0x0  }
0x16: {  	s24 =	sadd.s32 $0x1, s24;
	[sflag:s23] =	ssyncadd.s32 $0xFFFFE000  }
0x17: {  	p0 =	sne.s32 s24, s17;
	[bflag:$0x0] =	sbarrier.arrive $0xFFFF  }
0x18: {  	[hbm:s16], [sflag:s9] =	dma.local [spmem:s25], $0x3100  }
.Ltmp1:
0x19: {  	_ =	swait.ge [sflag:s19], $0x3100;
	(pc) =	sbr.rel @!p0 .LBB2_10-.Ltmp1, $3  }
0x1a: {  	[sflag:s19] =	ssyncset.done $0x0  }
0x1b: {  	[sflag:s19] =	ssyncadd.s32 $0xFFFFCF00  }
0x1c: {  	[bflag:$0x0] =	sbarrier.arrive $0xFFFF;
	_ =	sdelay $0x1  }
.LBB2_1:
0x1d: {  	[spmem:s18], [sflag:s9] =	dma.local [hbm:s6], $0x3180  }
0x1e: {  	_ =	swait.ge [sflag:s19], $0x3180  }
0x1f: {  	[sflag:s19] =	ssyncset.done $0x0  }
.Ltmp2:
0x20: {  	[sflag:s19] =	ssyncadd.s32 $0xFFFFCE80;
	(pc) =	sbr.rel .LBB2_2-.Ltmp2, $4  }
0x21: {  	[bflag:$0x0] =	sbarrier.arrive $0xFFFF  }
0x22: {  	[tilespmem:s3], [sflag:$0x1] =	stream.linear.gather [hbm4b:s10+s3], $0x40, $0x38;
	[tilespmem:$0x1CD00] =	vst v63  }
0x23: {  	s25 =	simm.s32 $0x0  }
0x24: {  	[tilespmem:s20], [sflag:$0x1] =	stream.linear.gather [hbm4b:s12+s3], $0x2000, $0x38;
	[tilespmem:$0x1CD00] =	vst v63  }
.LBB2_4:
0x25: {  	_ =	swait.ge [sflag:s21], $0x40  }
0x26: {  	[sflag:s21] =	ssyncset.done $0x0  }
0x27: {  	p0 =	slt.u32 s26, $0x310;
	[sflag:s21] =	ssyncadd.s32 $0xFFFFFFC0  }
.Ltmp3:
0x28: {  	s25 =	sand.u32 $0x1, s25;
	_ =	swait.ge [sflag:s21], $0x2000;
	(pc) =	sbr.rel @!p0 .LBB2_5-.Ltmp3, $4  }
0x29: {  	s28 =	sshll.u32 s25, $0xD;
	[sflag:s21] =	ssyncset.done $0x0  }
0x2a: {  	s25 =	sshll.u32 s25, $0x7;
	s28 =	sor.u32 $0x100, s28;
	[sflag:s21] =	ssyncadd.s32 $0xFFFFE000  }
0x2b: {  	[spmem:s1] =	stream.indirect.scatter.add.f32 [tilespmem:s28], [sflag:$0x2], $0x80, s25, s22, $0xb8;
	[tilespmem:$0x1CD00] =	vst v63  }
0x2c: {  	s25 =	smov.u32 s26  }
.LBB2_2:
0x2d: {  	p0 =	seq.s32 s25, $0x0  }
0x2e: {  	p1 =	seq.s32 @!p0 s25, $0x30F  }
0x2f: {  	p1 =	por p0, !p1  }
.Ltmp4:
0x30: {  	_ = 	snop;
	(pc) =	sbr.rel @!p1 .LBB2_4-.Ltmp4, $4  }
0x31: {  	s26 =	simm.s32 @!p0 $0x2  }
0x32: {  	_ =	swait.ge @!p0 [sflag:s26], $0x2000  }
0x33: {  	[sflag:s26] =	ssyncset.done @!p0 $0x0  }
0x34: {  	[sflag:s26] =	ssyncadd.s32 @!p0 $0xFFFFE000;
	s26 =	simm.s32 @!p0 $0x310  }
0x35: {  	s26 =	sadd.s32 @!p0 $0x1, s25  }
0x36: {  	s26 =	simm.s32 @p0 $0x1  }
0x37: {  	s28 =	sshll.u32 s26, $0x6  }
0x38: {  	s28 =	sadd.s32 s7, s28  }
0x39: {  	s29 =	sadd.s32 s8, s28  }
0x3a: {  	s30 =	sand.u32 $0x1, s26;
	s29 =	sshrl.u32 s29, $0x3  }
.Ltmp5:
0x3b: {  	s31 =	sshll.u32 s30, $0x7;
	s29 =	sadd.s32 s5, s29;
	(pc) =	sbr.rel .LBB2_4-.Ltmp5, $4  }
0x3c: {  	[tilespmem:s31], [sflag:$0x1] =	stream.linear.gather [hbm4b:s29+s3], $0x40, $0x38;
	[tilespmem:$0x1CD00] =	vst v63  }
0x3d: {  	s28 =	sshll.u32 s28, $0x4;
	s31 =	sshll.u32 s30, $0xD  }
0x3e: {  	s28 =	sadd.s32 s4, s28;
	s29 =	sor.u32 $0x100, s31  }
0x3f: {  	[tilespmem:s29], [sflag:$0x1] =	stream.linear.gather [hbm4b:s28+s3], $0x2000, $0x38;
	[tilespmem:$0x1CD00] =	vst v63  }
.LBB2_5:
0x40: {  	_ =	swait.ge [sflag:s23], $0x2000  }
0x41: {  	[sflag:s23] =	ssyncset.done $0x0  }
0x42: {  	[sflag:s23] =	ssyncadd.s32 $0xFFFFE000  }
0x43: {  	s25 =	sshrl.u32 s13, $0x3;
	[bflag:$0x0] =	sbarrier.arrive $0xFFFF  }
0x44: {  	[hbm:s14], [sflag:s9] =	dma.local [spmem:s25], $0x3100  }
0x45: {  	_ =	swait.ge [sflag:s19], $0x3100  }
0x46: {  	[sflag:s19] =	ssyncset.done $0x0  }
0x47: {  	[sflag:s19] =	ssyncadd.s32 $0xFFFFCF00  }
0x48: {  	[bflag:$0x0] =	sbarrier.arrive $0xFFFF  }
0x49: {  	[spmem:s18], [sflag:s9] =	dma.local [hbm:s6], $0x3180  }
0x4a: {  	_ =	swait.ge [sflag:s19], $0x3180  }
0x4b: {  	[sflag:s19] =	ssyncset.done $0x0  }
.Ltmp6:
0x4c: {  	[sflag:s19] =	ssyncadd.s32 $0xFFFFCE80;
	(pc) =	sbr.rel .LBB2_6-.Ltmp6, $4  }
0x4d: {  	s26 =	simm.s32 $0x0;
	[bflag:$0x0] =	sbarrier.arrive $0xFFFF  }
0x4e: {  	[tilespmem:s26], [sflag:$0x1] =	stream.linear.gather [hbm4b:s15+s26], $0x40, $0x38;
	[tilespmem:$0x1CD00] =	vst v63  }
0x4f: {  	_ = 	snop  }
0x50: {  	[tilespmem:s20], [sflag:$0x1] =	stream.linear.gather [hbm4b:s12+s26], $0x2000, $0x38;
	[tilespmem:$0x1CD00] =	vst v63  }
.LBB2_8:
0x51: {  	_ =	swait.ge [sflag:s21], $0x40  }
0x52: {  	[sflag:s21] =	ssyncset.done $0x0  }
0x53: {  	p0 =	slt.u32 s28, $0x310;
	[sflag:s21] =	ssyncadd.s32 $0xFFFFFFC0  }
.Ltmp7:
0x54: {  	s0 =	sand.u32 $0x1, s26;
	_ =	swait.ge [sflag:s21], $0x2000;
	(pc) =	sbr.rel @!p0 .LBB2_9-.Ltmp7, $4  }
0x55: {  	s26 =	sshll.u32 s0, $0xD;
	[sflag:s21] =	ssyncset.done $0x0  }
0x56: {  	s0 =	sshll.u32 s0, $0x7;
	s26 =	sor.u32 $0x100, s26;
	[sflag:s21] =	ssyncadd.s32 $0xFFFFE000  }
0x57: {  	[spmem:s1] =	stream.indirect.scatter.add.f32 [tilespmem:s26], [sflag:$0x2], $0x80, s0, s22, $0xb8;
	[tilespmem:$0x1CD00] =	vst v63  }
0x58: {  	s26 =	smov.u32 s28  }
.LBB2_6:
0x59: {  	p0 =	seq.s32 s26, $0x0  }
0x5a: {  	p1 =	seq.s32 @!p0 s26, $0x30F  }
0x5b: {  	p1 =	por p0, !p1  }
.Ltmp8:
0x5c: {  	_ = 	snop;
	(pc) =	sbr.rel @!p1 .LBB2_8-.Ltmp8, $4  }
0x5d: {  	s28 =	simm.s32 @!p0 $0x2  }
0x5e: {  	_ =	swait.ge @!p0 [sflag:s28], $0x2000  }
0x5f: {  	[sflag:s28] =	ssyncset.done @!p0 $0x0  }
0x60: {  	[sflag:s28] =	ssyncadd.s32 @!p0 $0xFFFFE000;
	s28 =	simm.s32 @!p0 $0x310  }
0x61: {  	s28 =	sadd.s32 @!p0 $0x1, s26  }
0x62: {  	s28 =	simm.s32 @p0 $0x1  }
0x63: {  	s29 =	sshll.u32 s28, $0x6  }
0x64: {  	s29 =	sadd.s32 s7, s29  }
0x65: {  	s31 =	sand.u32 $0x1, s28;
	s30 =	sadd.s32 s11, s29  }
.Ltmp9:
0x66: {  	s0 =	sshll.u32 s31, $0x7;
	s30 =	sshrl.u32 s30, $0x3;
	(pc) =	sbr.rel .LBB2_8-.Ltmp9, $4  }
0x67: {  	s31 =	sshll.u32 s31, $0xD;
	s29 =	sshll.u32 s29, $0x4;
	s30 =	sadd.s32 s5, s30  }
0x68: {  	[tilespmem:s0], [sflag:$0x1] =	stream.linear.gather [hbm4b:s30+s3], $0x40, $0x38;
	[tilespmem:$0x1CD00] =	vst v63  }
0x69: {  	s29 =	sadd.s32 s4, s29;
	s0 =	sor.u32 $0x100, s31  }
0x6a: {  	[tilespmem:s0], [sflag:$0x1] =	stream.linear.gather [hbm4b:s29+s3], $0x2000, $0x38;
	[tilespmem:$0x1CD00] =	vst v63  }
.LBB2_10:
0x6b: {  	_ =	sfence.sel $0x180000  }
0x6c: {  	[bflag:$0x0] =	sbarrier.arrive $0xFFFF  }
0x6d: {  	_ =	strace $0x90000050  }
0x6e: {  	[bflag:$0x2] =	sbarrier.arrive $0xFFFF  }
0x6f: {  	p0 =	sne.s32 s2, $0x0;
	s0 =	rddreg [dreg:$0x2]  }
0x70: {  	s0 =	sadd.s32 @!p0 $0x100000, s0  }
0x71: {  	[sflag:s0] =	ssyncadd.tile.s32 @!p0 $0x1;
	_ =	shalt  }
.Lfunc_end2:
_tile_overlayer_lowered:
.L_overlay_start_2:
0x72: {  	(tag) =	ssettag $0x2  }
0x73: {  	s0 =	rddreg [dreg:$0x0];
	s2 =	stileid.u32  }
0x74: {  	s1 =	rddreg [dreg:$0x1];
	p0 =	sne.s32 s2, $0x0  }
0x75: {  	s3 =	rddreg [dreg:$0x2];
	[bflag:$0x3] =	sbarrier.arrive $0xFFFF;
	s2 =	simm.s32 @!p0 $0x1C03  }
0x76: {  	[timem:s3], [sflag:s2] =	dma.local @!p0 [hbm:s0], s1  }
0x77: {  	s0 =	simm.s32 @!p0 $0x3  }
0x78: {  	_ =	swait.ge @!p0 [sflag:s0], s1  }
0x79: {  	s1 =	ssub.s32 @!p0 $0x0, s1;
	[sflag:s0] =	ssyncset.done @!p0 $0x0  }
0x7a: {  	[sflag:s0] =	ssyncadd.s32 @!p0 s1  }
0x7b: {  	[bflag:$0x3] =	sbarrier.arrive $0xFFFF  }
0x7c: {  	_ =	shalt  }

// kernel: kernel.28.cloned.1.call-start
scs
__scs_entry_jumppad:
0x0: {  	(pc) =	sbr.rel $0x88, $3  }
0x1: {  	(tag) =	ssettag $0x0;
	lr =	simm.s32 $0x1  }
0x2: {  	[smem:$0x3F71] =	sst lr;
	_ =	strace $0xD0000000  }
0x3: {  	_ = 	snop  }
0x4: {  	_ = 	snop  }
0x5: {  	_ = 	snop  }
0x6: {  	_ = 	snop  }
0x7: {  	_ = 	snop  }
__scs_overlays_trampoline_lowered:
0x8: {  	[smem:$0x3F80] =	sst s0  }
0x9: {  	[smem:$0x3F81] =	sst s1  }
0xa: {  	[smem:$0x3F82] =	sst s2  }
0xb: {  	[smem:$0x3F83] =	sst s3  }
0xc: {  	[smem:$0x3F84] =	sst s4  }
0xd: {  	[smem:$0x3F85] =	sst s5  }
0xe: {  	[smem:$0x3F86] =	sst s6  }
0xf: {  	[smem:$0x3F87] =	sst s7  }
0x10: {  	[smem:$0x3F88] =	sst s8  }
0x11: {  	[smem:$0x3F89] =	sst s9;
	s0 =	simm.s32 @!p0 $0x0  }
0x12: {  	s1 =	sld [smem:$0x3F6F];
	s0 =	simm.s32 @p0 $0x1  }
0x13: {  	[smem:$0x3F8A] =	sst s0;
	s0 =	simm.s32 @!p1 $0x0  }
0x14: {  	s2 =	sld [smem:$0x3F6E];
	s0 =	simm.s32 @p1 $0x1  }
0x15: {  	[smem:$0x3F8B] =	sst s0;
	s0 =	simm.s32 @!p2 $0x0  }
0x16: {  	s3 =	sld [smem:$0x3FDB];
	s0 =	simm.s32 @p2 $0x1  }
0x17: {  	s4 =	simm.s32 $0x1BF5;
	[smem:$0x3F8D] =	sst s0  }
0x18: {  	s0 =	sld [smem:$0x3F70];
	_ =	swait.ge [sflag:s4], $0x0  }
0x19: {  	s7 =	sld [smem:$0x3F71]  }
0x1a: {  	s8 =	sadd.s32 $0xFFFFE003, lr  }
0x1b: {  	s9 =	sadd.s32 $0xFFFFFEF7, lr;
	s5 =	simm.s32 $0xFFFFFFFF;
	p2 =	slt.u32 s8, $0xFFFFF086  }
0x1c: {  	p1 =	slt.u32 s9, $0xF7A;
	s5 =	simm.s32 @!p2 $0x0  }
0x1d: {  	s5 =	simm.s32 @p1 $0x1;
	p0 =	seq.s32 s7, s2  }
0x1e: {  	s7 =	smul.u32 @!p0 $0xF7A, s2;
	p2 =	seq.s32 @!p0 s5, $0x0  }
0x1f: {  	s9 =	smul.u32 $0xF7A, s1;
	s8 =	simm.s32 @!p0 $0x1BF5;
	p2 =	por !p2, p0  }
0x20: {  	[sflag:s8] =	ssyncset.s32 @!p0 $0xFFFFF086;
	s6 =	sadd.s32 @!p0 s3, s7;
	s7 =	simm.s32 @!p0 $0x108  }
0x21: {  	s3 =	sadd.s32 s3, s9;
	s6 =	sadd.s32 @!p0 $0x88, s6;
	s7 =	simm.s32 @p2 $0x1082  }
0x22: {  	[simem:s7], [sflag:s8] =	dma.local @!p0 [hbm:s6], $0xF7A  }
0x23: {  	s9 =	sor.u32 $0xD0000000, s2;
	s6 =	simm.s32 $0x108;
	_ =	swait.ge @!p0 [sflag:s8], $0x0  }
0x24: {  	s3 =	sadd.s32 $0x88, s3;
	s6 =	simm.s32 @!p1 $0x1082;
	[sflag:s4] =	ssyncset.s32 $0xFFFFF086  }
0x25: {  	[simem:s6], [sflag:s4] =	dma.local [hbm:s3], $0xF7A  }
0x26: {  	[smem:$0x3F71] =	sst s1;
	(tag) =	ssettag s2;
	_ =	strace s9  }
0x27: {  	s1 =	sld [smem:$0x3F81]  }
0x28: {  	s2 =	sld [smem:$0x3F82]  }
0x29: {  	s4 =	sld [smem:$0x3F84]  }
0x2a: {  	p0 =	seq.s32 s5, $0x0;
	s5 =	sld [smem:$0x3F85]  }
0x2b: {  	s6 =	sld [smem:$0x3F86]  }
0x2c: {  	s7 =	sld [smem:$0x3F87]  }
0x2d: {  	s3 =	simm.s32 $0x108;
	s8 =	sld [smem:$0x3F88]  }
0x2e: {  	s3 =	simm.s32 @!p0 $0x1082;
	s9 =	sld [smem:$0x3F89]  }
0x2f: {  	lr =	sadd.s32 s0, s3;
	s0 =	sld [smem:$0x3F80]  }
0x30: {  	s3 =	sld [smem:$0x3F83]  }
0x31: {  	[smem:$0x3F8C] =	sst s10  }
0x32: {  	s10 =	sld [smem:$0x3F8A];
	_ =	sdelay $0x3  }
0x33: {  	p0 =	seq.s32 s10, $0x1;
	s10 =	sld [smem:$0x3F8C];
	_ =	sdelay $0x3  }
0x34: {  	[smem:$0x3F8C] =	sst s10  }
0x35: {  	s10 =	sld [smem:$0x3F8B];
	_ =	sdelay $0x3  }
0x36: {  	p1 =	seq.s32 s10, $0x1;
	s10 =	sld [smem:$0x3F8C];
	_ =	sdelay $0x3  }
0x37: {  	[smem:$0x3F8C] =	sst s10  }
0x38: {  	s10 =	sld [smem:$0x3F8D]  }
0x39: {  	_ = 	snop;
	(pc) =	sbr.ind lr, $3  }
0x3a: {  	_ = 	snop  }
0x3b: {  	_ = 	snop  }
0x3c: {  	p2 =	seq.s32 s10, $0x1;
	s10 =	sld [smem:$0x3F8C]  }
0x3d: {  	_ =	shalt  }
0x3e: {  	_ =	shalt  }
0x3f: {  	_ =	shalt  }
0x40: {  	_ =	shalt  }
0x41: {  	_ =	shalt  }
0x42: {  	_ =	shalt  }
0x43: {  	_ =	shalt  }
0x44: {  	_ =	shalt  }
0x45: {  	_ =	shalt  }
0x46: {  	_ =	shalt  }
0x47: {  	_ =	shalt  }
0x48: {  	_ =	shalt  }
0x49: {  	_ =	shalt  }
0x4a: {  	_ =	shalt  }
0x4b: {  	_ =	shalt  }
0x4c: {  	_ =	shalt  }
0x4d: {  	_ =	shalt  }
0x4e: {  	_ =	shalt  }
0x4f: {  	_ =	shalt  }
0x50: {  	_ =	shalt  }
0x51: {  	_ =	shalt  }
0x52: {  	_ =	shalt  }
0x53: {  	_ =	shalt  }
0x54: {  	_ =	shalt  }
0x55: {  	_ =	shalt  }
0x56: {  	_ =	shalt  }
0x57: {  	_ =	shalt  }
0x58: {  	_ =	shalt  }
0x59: {  	_ =	shalt  }
0x5a: {  	_ =	shalt  }
0x5b: {  	_ =	shalt  }
0x5c: {  	_ =	shalt  }
0x5d: {  	_ =	shalt  }
0x5e: {  	_ =	shalt  }
0x5f: {  	_ =	shalt  }
0x60: {  	_ =	shalt  }
0x61: {  	_ =	shalt  }
0x62: {  	_ =	shalt  }
0x63: {  	_ =	shalt  }
0x64: {  	_ =	shalt  }
0x65: {  	_ =	shalt  }
0x66: {  	_ =	shalt  }
0x67: {  	_ =	shalt  }
0x68: {  	_ =	shalt  }
0x69: {  	_ =	shalt  }
0x6a: {  	_ =	shalt  }
0x6b: {  	_ =	shalt  }
0x6c: {  	_ =	shalt  }
0x6d: {  	_ =	shalt  }
0x6e: {  	_ =	shalt  }
0x6f: {  	_ =	shalt  }
0x70: {  	_ =	shalt  }
0x71: {  	_ =	shalt  }
0x72: {  	_ =	shalt  }
0x73: {  	_ =	shalt  }
0x74: {  	_ =	shalt  }
0x75: {  	_ =	shalt  }
0x76: {  	_ =	shalt  }
0x77: {  	_ =	shalt  }
0x78: {  	_ =	shalt  }
0x79: {  	_ =	shalt  }
0x7a: {  	_ =	shalt  }
0x7b: {  	_ =	shalt  }
0x7c: {  	_ =	shalt  }
0x7d: {  	_ =	shalt  }
0x7e: {  	_ =	shalt  }
0x7f: {  	_ =	shalt  }
0x80: {  	_ =	shalt  }
0x81: {  	_ =	shalt  }
0x82: {  	_ =	shalt  }
0x83: {  	_ =	shalt  }
0x84: {  	_ =	shalt  }
0x85: {  	_ =	shalt  }
0x86: {  	_ =	shalt  }
0x87: {  	_ =	shalt  }
.Lfunc_end0:
.L_simem_size_0:
called_computation.4_lowered:
.L_overlay_start_0:
0x88: {  	s2 =	sld [smem:$0x3FD9]  }
0x89: {  	s3 =	sld [smem:$0x3FFE];
	_ =	sdelay $0x1  }
0x8a: {  	s1 =	srdreg.scid  }
0x8b: {  	s0 =	sand.u32 $0x1, s1  }
0x8c: {  	s16 =	sshll.u32 s0, $0xA;
	s2 =	sadd.s32 s3, s2  }
0x8d: {  	s2 =	sadd.s32 s2, s16  }
0x8e: {  	[smem:$0x3F98] =	sst s2  }
0x8f: {  	_ = 	snop  }
0x90: {  	(tm) =	ssettm $0x1  }
0x91: {  	s17 =	sld [smem:$0x3FFB];
	_ =	sdelay $0x3  }
0x92: {  	_ =	strace s17  }
0x93: {  	s2 =	sld [smem:$0x3FFC];
	_ =	sdelay $0x3  }
0x94: {  	_ =	strace s2  }
0x95: {  	s2 =	sld [smem:$0x3FFD];
	_ =	sdelay $0x3  }
0x96: {  	_ =	strace s2  }
0x97: {  	_ =	strace $0x8FFFFFFF  }
0x98: {  	s18 =	sld [smem:$0x3FDB];
	_ =	sdelay $0x1  }
0x99: {  	s19 =	simm.s32 $_scs_section_size  }
0x9a: {  	s4 =	simm.s32 $_size__tile_overlayer_lowered;
	s5 =	simm.s32 $_tile_overlayer_lowered  }
0x9b: {  	s22 =	simm.s32 $0x1BFF;
	s21 =	sshll.u32 s5, $0x1;
	s2 =	sadd.s32 s19, s18  }
0x9c: {  	s6 =	simm.s32 $0x0;
	s20 =	sshll.u32 s4, $0x1;
	s4 =	sadd.s32 s21, s2  }
0x9d: {  	[timem:s6], [sflag:s22] =	dma.local [hbm:s4], s20  }
0x9e: {  	_ =	swait.ge [sflag:s22], s20  }
0x9f: {  	s3 =	ssub.s32 $0x0, s20;
	[sflag:s22] =	ssyncset.done $0x0  }
0xa0: {  	[sflag:s22] =	ssyncadd.s32 s3;
	_ =	sdelay $0x1  }
0xa1: {  	s23 =	simm.s32 $0x1B8B  }
0xa2: {  	_ =	swait.ge [sflag:s23], $0x1  }
0xa3: {  	[sflag:s23] =	ssyncset.done $0x0  }
0xa4: {  	s25 =	simm.s32 $0x1B8E;
	s24 =	sld [smem:$0x3FFE];
	[sflag:s23] =	ssyncadd.s32 $0xFFFFFFFF  }
0xa5: {  	s26 =	simm.s32 $execute0_lowered;
	[smem:$0x3FD2] =	sst s25  }
0xa6: {  	s4 =	sshll.u32 s26, $0x1;
	_ =	strace $0x80000052;
	[dreg:$0x1] =	wrdreg $0xFFFFFFFF  }
0xa7: {  	s28 =	simm.s32 $_size_execute0_lowered;
	s2 =	sadd.s32 s2, s4;
	[dreg:$0x0] =	wrdreg $0x0  }
0xa8: {  	s4 =	sshll.u32 s28, $0x1;
	[dreg:$0x2] =	wrdreg s2  }
0xa9: {  	[dreg:$0x3] =	wrdreg s4  }
0xaa: {  	[dreg:$0x4] =	wrdreg $0xC0  }
0xab: {  	_ =	task [dreg:s6], $0x5FFFF  }
0xac: {  	[dreg:$0x1] =	wrdreg $0xFFFFFFFF  }
0xad: {  	[dreg:$0x0] =	wrdreg $0x60  }
0xae: {  	[dreg:$0x2] =	wrdreg s24  }
0xaf: {  	[dreg:$0x3] =	wrdreg $0x38800  }
0xb0: {  	[dreg:$0x4] =	wrdreg $0x9  }
0xb1: {  	_ =	task.clear_ibuf [dreg:s6], $0x5FFFF;
	_ =	strace $0x90000052  }
0xb2: {  	s29 =	simm.s32 $0x9;
	_ =	strace $0x80000054  }
0xb3: {  	_ =	swait.ge [sflag:s29], $0x1  }
0xb4: {  	[sflag:s29] =	ssyncadd.s32 $0xFFFFFFFF  }
0xb5: {  	_ =	strace $0x90000054  }
0xb6: {  	_ =	sfence  }
0xb7: {  	s30 =	sld [smem:$0x0];
	_ =	sdelay $0x2  }
0xb8: {  	s31 =	sshll.u32 s1, $0xD;
	s1 =	sshrl.u32 s1, $0x2  }
0xb9: {  	s3 =	sand.u32 $0x4000, s31;
	s1 =	sadd.s32 s1, s30  }
0xba: {  	s0 =	sor.u32 s3, s0;
	s1 =	sshll.u32 s1, $0x11  }
0xbb: {  	s0 =	sor.u32 s1, s0  }
0xbc: {  	s0 =	sadd.s32 $0x8F2B, s0  }
0xbd: {  	[sflag:s0] =	ssyncadd.remote.s32 $0x1  }
0xbe: {  	_ =	sfence.sel $0xFFFF  }
0xbf: {  	[dreg:$0x0] =	wrdreg $0xFFFFFFFF;
	(pc) =	sbr.abs _section_cstart, $3  }
0xc0: {  	[dreg:$0x1] =	wrdreg $0xFFFFFFFF  }
0xc1: {  	_ =	task.clear_ibuf [dreg:s6], $0x2FFFF;
	_ =	strace $0x9FFFFFFF  }
0xc2: {  	(tm) =	ssettm $0x7FFFFFFF  }
0xc3: {  	_ =	shalt  }
tec
execute0_lowered:
.L_overlay_start_1:
0x0: {  	(tag) =	ssettag $0x1  }
0x1: {  	s5 =	rddreg [dreg:$0x0];
	s0 =	stileid.u32  }
0x2: {  	s1 =	srdreg.scid;
	s2 =	rddreg [dreg:$0x1]  }
0x3: {  	s3 =	simm.s32 $0x0;
	s15 =	simm.s32 $0x0;
	s4 =	smul.u32 $0xC40, s0  }
0x4: {  	s6 =	sand.u32 $0x1, s1;
	s1 =	rddreg [dreg:$0x2];
	s8 =	smul.u32 $0xC400, s0  }
0x5: {  	[smem:$0x7FF] =	sst s3;
	s25 =	smul.u32 $0x5000, s0;
	s11 =	sshll.u32 s0, $0x9  }
0x6: {  	s28 =	sshll.u32 s0, $0x6;
	s30 =	sshll.u32 s0, $0xC;
	s7 =	smul.u32 $0x620, s6  }
0x7: {  	_ =	strace $0x80000053;
	s10 =	ssub.s32 $0x2, s6;
	s11 =	sadd.s32 s11, s5  }
0x8: {  	s29 =	sshll.u32 s6, $0xD;
	s13 =	smul.u32 $0x6200, s6;
	s14 =	sadd.s32 s30, s2  }
0x9: {  	s24 =	sadd.s32 s8, s5;
	s12 =	sshrl.u32 s10, $0x1;
	s8 =	sshrl.u32 s25, $0x2  }
0xa: {  	s14 =	sshrl.u32 s14, $0x3;
	s4 =	sadd.s32 s7, s4;
	s10 =	ssub.s32 s10, s12  }
0xb: {  	s26 =	sadd.s32 s8, s2;
	s8 =	sadd.s32 s29, s11;
	s31 =	sadd.s32 s13, s24  }
0xc: {  	s11 =	simm.s32 $0x1;
	s12 =	simm.s32 $0x80;
	s13 =	simm.s32 $0x70  }
0xd: {  	s4 =	sshrl.u32 s4, $0x3;
	s6 =	sadd.s32 $0xCE00, s8;
	s7 =	smax.u32 s10, $0x1  }
0xe: {  	s8 =	sadd.s32 $0x134800, s31;
	s9 =	sadd.s32 s4, s5;
	s4 =	sadd.s32 $0x48A200, s5  }
0xf: {  	s10 =	sshrl.u32 s26, $0x3;
	s5 =	sor.u32 $0x1C01, s28;
	s9 =	sadd.s32 $0x132E00, s9  }
.LBB2_1:
0x10: {  	[spmem:s10], [sflag:s5] =	dma.local [hbm:s4], $0x280  }
0x11: {  	_ =	swait.ge [sflag:s11], $0x280  }
0x12: {  	[sflag:s11] =	ssyncset.done $0x0  }
0x13: {  	[sflag:s11] =	ssyncadd.s32 $0xFFFFFD80  }
0x14: {  	s16 =	sadd.s32 $0x0, s9;
	[bflag:$0x0] =	sbarrier.arrive $0xFFFF  }
0x15: {  	[tilespmem:s3], [sflag:$0x1] =	stream.linear.gather [hbm4b:s16+s3], $0x70, $0x38;
	[tilespmem:$0x4C80] =	vst v63  }
0x16: {  	_ =	swait.ge [sflag:s11], $0x70  }
0x17: {  	[sflag:s11] =	ssyncset.done $0x0  }
0x18: {  	[sflag:s11] =	ssyncadd.s32 $0xFFFFFF90  }
0x19: {  	[tilespmem:s12], [sflag:$0x1] =	stream.linear.gather [hbm4b:s8+s3], $0x3800, $0x38;
	[tilespmem:$0x4C80] =	vst v63  }
0x1a: {  	_ =	swait.ge [sflag:s11], $0x3800  }
0x1b: {  	[sflag:s11] =	ssyncset.done $0x0  }
0x1c: {  	[sflag:s11] =	ssyncadd.s32 $0xFFFFC800  }
0x1d: {  	[spmem:s2] =	stream.indirect.scatter.add.f32 [tilespmem:s12], [sflag:$0x1], $0x80, s3, s13, $0xb8;
	[tilespmem:$0x4C80] =	vst v63  }
0x1e: {  	s17 =	simm.s32 $0xE;
	_ =	swait.ge [sflag:s11], $0x3800  }
0x1f: {  	s18 =	simm.s32 $0x1C;
	s16 =	sadd.s32 $0x700, s8;
	[sflag:s11] =	ssyncset.done $0x0  }
.LBB2_2:
0x20: {  	s19 =	sadd.s32 s17, s9  }
0x21: {  	[sflag:s11] =	ssyncadd.s32 $0xFFFFC800;
	s17 =	smov.u32 s18;
	s20 =	sadd.s32 $0xE, s18  }
0x22: {  	[tilespmem:s3], [sflag:$0x1] =	stream.linear.gather [hbm4b:s19+s3], $0x70, $0x38;
	[tilespmem:$0x4C80] =	vst v63  }
0x23: {  	p0 =	sne.s32 s18, $0xB6;
	_ =	swait.ge [sflag:s11], $0x70  }
0x24: {  	[sflag:s11] =	ssyncset.done $0x0  }
0x25: {  	[sflag:s11] =	ssyncadd.s32 $0xFFFFFF90  }
0x26: {  	[tilespmem:s12], [sflag:$0x1] =	stream.linear.gather [hbm4b:s16+s3], $0x3800, $0x38;
	[tilespmem:$0x4C80] =	vst v63  }
0x27: {  	_ =	swait.ge [sflag:s11], $0x3800  }
.Ltmp0:
0x28: {  	[sflag:s11] =	ssyncset.done $0x0;
	(pc) =	sbr.rel @p0 .LBB2_2-.Ltmp0, $4  }
0x29: {  	[sflag:s11] =	ssyncadd.s32 $0xFFFFC800  }
0x2a: {  	[spmem:s2] =	stream.indirect.scatter.add.f32 [tilespmem:s12], [sflag:$0x1], $0x80, s3, s13, $0xb8;
	[tilespmem:$0x4C80] =	vst v63  }
0x2b: {  	_ =	swait.ge [sflag:s11], $0x3800  }
0x2c: {  	s18 =	smov.u32 s20;
	s16 =	sadd.s32 $0x700, s16;
	[sflag:s11] =	ssyncset.done $0x0  }
0x2d: {  	s17 =	sadd.s32 s17, s9;
	[sflag:s11] =	ssyncadd.s32 $0xFFFFC800  }
0x2e: {  	[tilespmem:s3], [sflag:$0x1] =	stream.linear.gather [hbm4b:s17+s3], $0x70, $0x38;
	[tilespmem:$0x4C80] =	vst v63  }
0x2f: {  	_ =	swait.ge [sflag:s11], $0x70  }
0x30: {  	[sflag:s11] =	ssyncset.done $0x0  }
0x31: {  	[sflag:s11] =	ssyncadd.s32 $0xFFFFFF90  }
0x32: {  	[tilespmem:s12], [sflag:$0x1] =	stream.linear.gather [hbm4b:s16+s3], $0x3800, $0x38;
	[tilespmem:$0x4C80] =	vst v63  }
0x33: {  	_ =	swait.ge [sflag:s11], $0x3800  }
0x34: {  	[sflag:s11] =	ssyncset.done $0x0  }
0x35: {  	[sflag:s11] =	ssyncadd.s32 $0xFFFFC800  }
0x36: {  	[spmem:s2] =	stream.indirect.scatter.add.f32 [tilespmem:s12], [sflag:$0x1], $0x80, s3, s13, $0xb8;
	[tilespmem:$0x4C80] =	vst v63  }
0x37: {  	_ =	swait.ge [sflag:s11], $0x3800  }
0x38: {  	s15 =	sadd.s32 $0x1, s15;
	[sflag:s11] =	ssyncset.done $0x0  }
0x39: {  	p0 =	sne.s32 s15, s7;
	[sflag:s11] =	ssyncadd.s32 $0xFFFFC800  }
.Ltmp1:
0x3a: {  	[bflag:$0x0] =	sbarrier.arrive $0xFFFF;
	(pc) =	sbr.rel @p0 .LBB2_1-.Ltmp1, $4  }
0x3b: {  	[hbm:s6], [sflag:s5] =	dma.local [spmem:s14], $0x200  }
0x3c: {  	_ =	swait.ge [sflag:s11], $0x200  }
0x3d: {  	[sflag:s11] =	ssyncset.done $0x0  }
0x3e: {  	[sflag:s11] =	ssyncadd.s32 $0xFFFFFE00  }
0x3f: {  	_ =	sfence.sel $0x180000  }
0x40: {  	[bflag:$0x0] =	sbarrier.arrive $0xFFFF  }
0x41: {  	p0 =	sne.s32 s0, $0x0;
	_ =	strace $0x90000053  }
0x42: {  	s0 =	sadd.s32 @!p0 $0x100000, s1;
	[bflag:$0x2] =	sbarrier.arrive $0xFFFF  }
0x43: {  	[sflag:s0] =	ssyncadd.tile.s32 @!p0 $0x1;
	_ =	shalt  }
.Lfunc_end2:
_tile_overlayer_lowered:
.L_overlay_start_2:
0x44: {  	(tag) =	ssettag $0x2  }
0x45: {  	s0 =	rddreg [dreg:$0x0];
	s2 =	stileid.u32  }
0x46: {  	s1 =	rddreg [dreg:$0x1];
	p0 =	sne.s32 s2, $0x0  }
0x47: {  	s3 =	rddreg [dreg:$0x2];
	[bflag:$0x3] =	sbarrier.arrive $0xFFFF;
	s2 =	simm.s32 @!p0 $0x1C01  }
0x48: {  	[timem:s3], [sflag:s2] =	dma.local @!p0 [hbm:s0], s1  }
0x49: {  	s0 =	simm.s32 @!p0 $0x1  }
0x4a: {  	_ =	swait.ge @!p0 [sflag:s0], s1  }
0x4b: {  	s1 =	ssub.s32 @!p0 $0x0, s1;
	[sflag:s0] =	ssyncset.done @!p0 $0x0  }
0x4c: {  	[sflag:s0] =	ssyncadd.s32 @!p0 s1  }
0x4d: {  	[bflag:$0x3] =	sbarrier.arrive $0xFFFF  }
0x4e: {  	_ =	shalt  }

</sc_bundles>
